<compile_context>
chip_gen: v7x
topology: tpu7x:2x2x1
jax: 0.10.2.dev20260603
libtpu: 0.0.44.dev20260713+nightly
codegen_flags: <defaults>
</compile_context>

<pallas_src>
import functools

import jax
import jax.numpy as jnp
from jax import lax
from jax.experimental import pallas as pl
from jax.experimental.pallas import tpu as pltpu
from jax.experimental.pallas import tpu_sc as plsc

_N = 10000
_E = 320000
_F = 128
_DIM = 32
_C = 10
_G = 64

_NC = 2
_NS = 16
_NW = _NC * _NS
_EW = _E // _NW
_CH = 80
_CPW = _EW // _CH
_NP = 10240
_RPT = _NP // _NS
_YR = _N * _DIM // 128
_PR = _NC * _NP * _DIM // 128


_K = 5
_GRP = _CPW // _K


def _sc_segsum_body(y_hbm, src_hbm, dst_hbm, out_hbm,
                    src_v, dst_v, rows_a, rows_b, bounce_v, acc_s,
                    sem_ag, sem_bg, sem_as, sem_bs):
    c = lax.axis_index("c")
    s = lax.axis_index("s")
    wid = c * _NS + s

    pltpu.sync_copy(src_hbm.at[wid], src_v)
    pltpu.sync_copy(dst_hbm.at[wid], dst_v)

    def _fire(g, rows, semg):
        for b in range(_K):
            pltpu.async_copy(y_hbm.at[src_v.at[g * _K + b]], rows.at[b],
                             semg)

    def _consume(g, rows, semg, sems):
        cps = []
        for b in range(_K):
            pltpu.make_async_copy(y_hbm.at[src_v.at[g * _K + b]],
                                  rows.at[b], semg).wait()
            cps.append(pltpu.async_copy(rows.at[b],
                                        acc_s.at[dst_v.at[g * _K + b]],
                                        sems, add=True))
        for cp in cps:
            cp.wait()

    _fire(0, rows_a, sem_ag)

    def _zrow(i, carry):
        bounce_v[i, pl.ds(0, 16)] = jnp.zeros((16,), jnp.float32)
        bounce_v[i, pl.ds(16, 16)] = jnp.zeros((16,), jnp.float32)
        return carry
    lax.fori_loop(0, _RPT, _zrow, 0)
    pltpu.sync_copy(bounce_v, acc_s.at[pl.ds(s * _RPT, _RPT)])
    plsc.subcore_barrier()

    def _pair(j, carry):
        g0 = 2 * j
        _fire(g0 + 1, rows_b, sem_bg)
        _consume(g0, rows_a, sem_ag, sem_as)
        _fire(g0 + 2, rows_a, sem_ag)
        _consume(g0 + 1, rows_b, sem_bg, sem_bs)
        return carry
    lax.fori_loop(0, (_GRP - 1) // 2, _pair, 0)
    _consume(_GRP - 1, rows_a, sem_ag, sem_as)
    plsc.subcore_barrier()

    pltpu.sync_copy(acc_s.at[pl.ds(s * _RPT, _RPT)], bounce_v)
    pltpu.sync_copy(bounce_v, out_hbm.at[c, pl.ds(s * _RPT, _RPT)])


_sc_segsum = functools.partial(
    pl.kernel,
    out_type=jax.ShapeDtypeStruct((_NC, _NP, _DIM), jnp.float32),
    mesh=plsc.VectorSubcoreMesh(core_axis_name="c", subcore_axis_name="s"),
    compiler_params=pltpu.CompilerParams(use_tc_tiling_on_sc=False),
    scratch_types=[
        pltpu.VMEM((_CPW, _CH), jnp.int32),
        pltpu.VMEM((_CPW, _CH), jnp.int32),
        pltpu.VMEM((_K, _CH, _DIM), jnp.float32),
        pltpu.VMEM((_K, _CH, _DIM), jnp.float32),
        pltpu.VMEM((_RPT, _DIM), jnp.float32),
        pltpu.VMEM_SHARED((_NP, _DIM), jnp.float32),
        pltpu.SemaphoreType.DMA,
        pltpu.SemaphoreType.DMA,
        pltpu.SemaphoreType.DMA,
        pltpu.SemaphoreType.DMA,
    ],
)(_sc_segsum_body)


def _tc1_body(x_ref, w_ref, o_ref):
    o_ref[...] = jnp.dot(x_ref[...], w_ref[...],
                         preferred_element_type=jnp.float32)


def _bn_flat(h, g4, be4):
    def _fold(v):
        v32 = (v[:, :_DIM] + v[:, _DIM:2 * _DIM] + v[:, 2 * _DIM:3 * _DIM]
               + v[:, 3 * _DIM:]) * 0.25
        return jnp.concatenate([v32, v32, v32, v32], axis=1)
    mu = _fold(jnp.mean(h, axis=0, keepdims=True))
    d = h - mu
    var = _fold(jnp.mean(d * d, axis=0, keepdims=True))
    return d * lax.rsqrt(var + 1e-5) * g4 + be4


_P0 = _NP * _DIM // 128


def _tc2_body(y_ref, p_ref, b1a_ref, w1b_ref, b1b_ref, g1_ref, be1_ref,
              w2a_ref, o_ref):
    p = p_ref[...]
    t = jax.nn.relu(y_ref[...] + p[:_YR] + p[_P0:_P0 + _YR] + b1a_ref[...])
    h = jnp.dot(t, w1b_ref[...], preferred_element_type=jnp.float32)
    h = jax.nn.relu(h + b1b_ref[...])
    h = _bn_flat(h, g1_ref[...], be1_ref[...])
    o_ref[...] = jnp.dot(h, w2a_ref[...], preferred_element_type=jnp.float32)


def _tc3_body(m_ref, p_ref, b2a_ref, w2b_ref, b2b_ref, g2_ref, be2_ref,
              wf1_ref, bf1_ref, wf2_ref, bf2_ref, bat_ref, wl_ref, bl_ref,
              o_ref):
    p = p_ref[...]
    t = jax.nn.relu(m_ref[...] + p[:_YR] + p[_P0:_P0 + _YR] + b2a_ref[...])
    h = jnp.dot(t, w2b_ref[...], preferred_element_type=jnp.float32)
    h = jax.nn.relu(h + b2b_ref[...])
    h = _bn_flat(h, g2_ref[...], be2_ref[...])
    h3 = jax.nn.relu(jnp.dot(h, wf1_ref[...],
                             preferred_element_type=jnp.float32) + bf1_ref[...])
    h3 = jnp.dot(h3, wf2_ref[...],
                 preferred_element_type=jnp.float32) + bf2_ref[...]
    b4 = bat_ref[...]
    sums = jnp.zeros((_G, _DIM), jnp.float32)
    counts = jnp.zeros((_G, 1), jnp.float32)
    for j in range(4):
        ohj = (b4[j:j + 1] == lax.broadcasted_iota(jnp.int32, (_G, _YR), 0))
        ohj = ohj.astype(jnp.float32)
        sums = sums + jnp.dot(ohj, h3[:, _DIM * j:_DIM * (j + 1)],
                              preferred_element_type=jnp.float32)
        counts = counts + jnp.sum(ohj, axis=1, keepdims=True)
    pooled = sums / jnp.maximum(counts, 1.0)
    o_ref[...] = jnp.dot(pooled, wl_ref[...],
                         preferred_element_type=jnp.float32) + bl_ref[...]


def kernel(x, edge_index, batch, W1a, b1a, W1b, b1b, g1, be1, W2a, b2a,
           W2b, b2b, g2, be2, Wf1, bf1, Wf2, bf2, Wl, bl):
    src = edge_index[0].reshape(_NW, _CPW, _CH)
    dst = edge_index[1].reshape(_NW, _CPW, _CH)
    eye4 = jnp.eye(4, dtype=jnp.float32)

    def _t4(v):
        return jnp.tile(v, 4).reshape(1, 4 * _DIM)

    y1 = pl.pallas_call(
        _tc1_body,
        out_shape=jax.ShapeDtypeStruct((_YR, 128), jnp.float32),
    )(x.reshape(_YR, 4 * _F), jnp.kron(eye4, W1a))

    parts1 = _sc_segsum(y1.reshape(_N, _DIM), src, dst)

    m2 = pl.pallas_call(
        _tc2_body,
        out_shape=jax.ShapeDtypeStruct((_YR, 128), jnp.float32),
    )(y1, parts1.reshape(_PR, 128), _t4(b1a), jnp.kron(eye4, W1b),
      _t4(b1b), _t4(g1), _t4(be1), jnp.kron(eye4, W2a))

    parts2 = _sc_segsum(m2.reshape(_N, _DIM), src, dst)

    out = pl.pallas_call(
        _tc3_body,
        out_shape=jax.ShapeDtypeStruct((_G, _C), jnp.float32),
    )(m2, parts2.reshape(_PR, 128), _t4(b2a), jnp.kron(eye4, W2b),
      _t4(b2b), _t4(g2), _t4(be2), jnp.kron(eye4, Wf1),
      _t4(bf1), jnp.kron(eye4, Wf2), _t4(bf2),
      batch.reshape(_YR, 4).transpose(1, 0), Wl, bl.reshape(1, _C))
    return out

# --- scband reference (transcript-rebuilt; emitter-appended) ---
"""Pipeline reference for scband-ginconv-net-62491774157297 (READ-ONLY COPY).

The authoritative reference and input builder live on the scoring server;
editing this copy changes nothing except your own understanding.
"""

import jax, jax.numpy as jnp
import numpy as np

N = 10000
E = 320000
F = 128
DIM = 32
C = 10
G = 64


def _bn(x, gamma, beta, eps=1e-5):
    m = jnp.mean(x, axis=0)
    v = jnp.var(x, axis=0)
    return (x - m) / jnp.sqrt(v + eps) * gamma + beta


def setup_inputs(seed: int = 0) -> dict:
    key = jax.random.key(seed)
    ks = jax.random.split(key, 32)
    inp = {}
    inp['x'] = jax.random.normal(ks[0], (N, F), dtype=jnp.float32)
    inp['edge_index'] = jax.random.randint(ks[1], (2, E), 0, N, dtype=jnp.int32)
    inp['batch'] = jnp.sort(jax.random.randint(ks[2], (N,), 0, G, dtype=jnp.int32))
    s = 0.1
    inp['W1a'] = jax.random.normal(ks[3], (F, DIM), dtype=jnp.float32) * s
    inp['b1a'] = jnp.zeros((DIM,), dtype=jnp.float32)
    inp['W1b'] = jax.random.normal(ks[4], (DIM, DIM), dtype=jnp.float32) * s
    inp['b1b'] = jnp.zeros((DIM,), dtype=jnp.float32)
    inp['g1'] = jnp.ones((DIM,), dtype=jnp.float32)
    inp['be1'] = jnp.zeros((DIM,), dtype=jnp.float32)
    inp['W2a'] = jax.random.normal(ks[5], (DIM, DIM), dtype=jnp.float32) * s
    inp['b2a'] = jnp.zeros((DIM,), dtype=jnp.float32)
    inp['W2b'] = jax.random.normal(ks[6], (DIM, DIM), dtype=jnp.float32) * s
    inp['b2b'] = jnp.zeros((DIM,), dtype=jnp.float32)
    inp['g2'] = jnp.ones((DIM,), dtype=jnp.float32)
    inp['be2'] = jnp.zeros((DIM,), dtype=jnp.float32)
    inp['Wf1'] = jax.random.normal(ks[7], (DIM, DIM), dtype=jnp.float32) * s
    inp['bf1'] = jnp.zeros((DIM,), dtype=jnp.float32)
    inp['Wf2'] = jax.random.normal(ks[8], (DIM, DIM), dtype=jnp.float32) * s
    inp['bf2'] = jnp.zeros((DIM,), dtype=jnp.float32)
    inp['Wl'] = jax.random.normal(ks[9], (DIM, C), dtype=jnp.float32) * s
    inp['bl'] = jnp.zeros((C,), dtype=jnp.float32)
    return inp


def reference(x, edge_index, batch, W1a, b1a, W1b, b1b, g1, be1, W2a, b2a, W2b, b2b, g2, be2, Wf1, bf1, Wf2, bf2, Wl, bl):
    src = edge_index[0]
    dst = edge_index[1]
    # GINConv 1 (eps=0): nn1((1+eps)*x + sum_{j->i} x_j)
    agg = jax.ops.segment_sum(x[src], dst, num_segments=N)
    h = (x + agg) @ W1a + b1a
    h = jax.nn.relu(h) @ W1b + b1b
    h = jax.nn.relu(h)
    h = _bn(h, g1, be1)
    # GINConv 2
    agg2 = jax.ops.segment_sum(h[src], dst, num_segments=N)
    h2 = (h + agg2) @ W2a + b2a
    h2 = jax.nn.relu(h2) @ W2b + b2b
    h2 = jax.nn.relu(h2)
    h2 = _bn(h2, g2, be2)
    # MLP head (dropout is identity in eval)
    h3 = jax.nn.relu(h2 @ Wf1 + bf1)
    h3 = h3 @ Wf2 + bf2
    # global mean pool over graphs
    sums = jax.ops.segment_sum(h3, batch, num_segments=G)
    counts = jax.ops.segment_sum(jnp.ones((N, 1), dtype=jnp.float32), batch, num_segments=G)
    pooled = sums / jnp.maximum(counts, 1.0)
    return pooled @ Wl + bl

if __name__ == "__main__":
    import jax
    _d = setup_inputs()
    print(jax.jit(kernel)(*tuple(_d.values())))

</pallas_src>

<mosaic_0001>
#map = affine_map<(d0, d1) -> (0, 0)>
#map1 = affine_map<(d0, d1) -> (0, 0, 0)>
module attributes {stable_mosaic.version = 14 : i64} {
  func.func @_sc_segsum_body(%arg0: i32, %arg1: i32, %arg2: memref<10000x32xf32, #tpu.memory_space<hbm>>, %arg3: memref<32x125x80xi32, #tpu.memory_space<hbm>>, %arg4: memref<32x125x80xi32, #tpu.memory_space<hbm>>, %arg5: memref<2x10240x32xf32, #tpu.memory_space<hbm>>, %arg6: memref<125x80xi32, #tpu.memory_space<vmem>>, %arg7: memref<125x80xi32, #tpu.memory_space<vmem>>, %arg8: memref<5x80x32xf32, #tpu.memory_space<vmem>>, %arg9: memref<5x80x32xf32, #tpu.memory_space<vmem>>, %arg10: memref<640x32xf32, #tpu.memory_space<vmem>>, %arg11: memref<10240x32xf32, #tpu.memory_space<vmem_shared>>, %arg12: memref<!tpu.dma_semaphore, #tpu.memory_space<semaphore_mem>>, %arg13: memref<!tpu.dma_semaphore, #tpu.memory_space<semaphore_mem>>, %arg14: memref<!tpu.dma_semaphore, #tpu.memory_space<semaphore_mem>>, %arg15: memref<!tpu.dma_semaphore, #tpu.memory_space<semaphore_mem>>) attributes {dimension_semantics = [#tpu.dimension_semantics<core_parallel>, #tpu.dimension_semantics<subcore_parallel>], iteration_bounds = array<i64: 2, 16>, scalar_prefetch = 0 : i64, scratch_operands = 10 : i64, tpu.core_type = #tpu.core_type<sc_vector_subcore>, window_params = [{transform_indices = #map}, {transform_indices = #map1}, {transform_indices = #map1}, {transform_indices = #map1}]} {
    %mul3A = arith.constant 16 : i32
    %mul3A_0 = arith.muli %arg0, %mul3A : i32
    %add3A = arith.addi %mul3A_0, %arg1 : i32
    "tpu.region"() ({
      %run_scoped3A = tpu.sem_alloc : memref<!tpu.dma_semaphore, #tpu.memory_space<semaphore_mem>>
      %dma_start3A_257 = arith.constant 0 : i32
      %dma_start3A_258 = arith.constant 0 : i32
      %dma_start3A_259 = tpu.memref_slice %arg3[%add3A, %dma_start3A_257, %dma_start3A_258] : memref<32x125x80xi32, #tpu.memory_space<hbm>> -> memref<1x125x80xi32, #tpu.memory_space<hbm>>
      %dma_start3A_260 = tpu.memref_squeeze %dma_start3A_259 : memref<1x125x80xi32, #tpu.memory_space<hbm>> -> memref<125x80xi32, #tpu.memory_space<hbm>>
      %dma_start3A_261 = arith.constant 0 : i32
      %dma_start3A_262 = arith.constant 0 : i32
      %dma_start3A_263 = tpu.memref_slice %arg3[%add3A, %dma_start3A_261, %dma_start3A_262] : memref<32x125x80xi32, #tpu.memory_space<hbm>> -> memref<1x125x80xi32, #tpu.memory_space<hbm>>
      %dma_start3A_264 = tpu.memref_squeeze %dma_start3A_263 : memref<1x125x80xi32, #tpu.memory_space<hbm>> -> memref<125x80xi32, #tpu.memory_space<hbm>>
      tpu.enqueue_dma source(%dma_start3A_264 : memref<125x80xi32, #tpu.memory_space<hbm>>) target(%arg6 : memref<125x80xi32, #tpu.memory_space<vmem>>) target_semaphore(%run_scoped3A : memref<!tpu.dma_semaphore, #tpu.memory_space<semaphore_mem>>)
      %dma_wait3A_265 = arith.constant 0 : i32
      %dma_wait3A_266 = arith.constant 0 : i32
      %dma_wait3A_267 = tpu.memref_slice %arg3[%add3A, %dma_wait3A_265, %dma_wait3A_266] : memref<32x125x80xi32, #tpu.memory_space<hbm>> -> memref<1x125x80xi32, #tpu.memory_space<hbm>>
      %dma_wait3A_268 = tpu.memref_squeeze %dma_wait3A_267 : memref<1x125x80xi32, #tpu.memory_space<hbm>> -> memref<125x80xi32, #tpu.memory_space<hbm>>
      %dma_wait3A_269 = arith.constant 0 : i32
      %dma_wait3A_270 = arith.constant 0 : i32
      %dma_wait3A_271 = tpu.memref_slice %arg3[%add3A, %dma_wait3A_269, %dma_wait3A_270] : memref<32x125x80xi32, #tpu.memory_space<hbm>> -> memref<1x125x80xi32, #tpu.memory_space<hbm>>
      %dma_wait3A_272 = tpu.memref_squeeze %dma_wait3A_271 : memref<1x125x80xi32, #tpu.memory_space<hbm>> -> memref<125x80xi32, #tpu.memory_space<hbm>>
      tpu.wait_dma2 semaphore(%run_scoped3A : memref<!tpu.dma_semaphore, #tpu.memory_space<semaphore_mem>>) src(%dma_wait3A_272 : memref<125x80xi32, #tpu.memory_space<hbm>>) dst(%arg6 : memref<125x80xi32, #tpu.memory_space<vmem>>)
      tpu.yield
    }) : () -> ()
    "tpu.region"() ({
      %run_scoped3A = tpu.sem_alloc : memref<!tpu.dma_semaphore, #tpu.memory_space<semaphore_mem>>
      %dma_start3A_257 = arith.constant 0 : i32
      %dma_start3A_258 = arith.constant 0 : i32
      %dma_start3A_259 = tpu.memref_slice %arg4[%add3A, %dma_start3A_257, %dma_start3A_258] : memref<32x125x80xi32, #tpu.memory_space<hbm>> -> memref<1x125x80xi32, #tpu.memory_space<hbm>>
      %dma_start3A_260 = tpu.memref_squeeze %dma_start3A_259 : memref<1x125x80xi32, #tpu.memory_space<hbm>> -> memref<125x80xi32, #tpu.memory_space<hbm>>
      %dma_start3A_261 = arith.constant 0 : i32
      %dma_start3A_262 = arith.constant 0 : i32
      %dma_start3A_263 = tpu.memref_slice %arg4[%add3A, %dma_start3A_261, %dma_start3A_262] : memref<32x125x80xi32, #tpu.memory_space<hbm>> -> memref<1x125x80xi32, #tpu.memory_space<hbm>>
      %dma_start3A_264 = tpu.memref_squeeze %dma_start3A_263 : memref<1x125x80xi32, #tpu.memory_space<hbm>> -> memref<125x80xi32, #tpu.memory_space<hbm>>
      tpu.enqueue_dma source(%dma_start3A_264 : memref<125x80xi32, #tpu.memory_space<hbm>>) target(%arg7 : memref<125x80xi32, #tpu.memory_space<vmem>>) target_semaphore(%run_scoped3A : memref<!tpu.dma_semaphore, #tpu.memory_space<semaphore_mem>>)
      %dma_wait3A_265 = arith.constant 0 : i32
      %dma_wait3A_266 = arith.constant 0 : i32
      %dma_wait3A_267 = tpu.memref_slice %arg4[%add3A, %dma_wait3A_265, %dma_wait3A_266] : memref<32x125x80xi32, #tpu.memory_space<hbm>> -> memref<1x125x80xi32, #tpu.memory_space<hbm>>
      %dma_wait3A_268 = tpu.memref_squeeze %dma_wait3A_267 : memref<1x125x80xi32, #tpu.memory_space<hbm>> -> memref<125x80xi32, #tpu.memory_space<hbm>>
      %dma_wait3A_269 = arith.constant 0 : i32
      %dma_wait3A_270 = arith.constant 0 : i32
      %dma_wait3A_271 = tpu.memref_slice %arg4[%add3A, %dma_wait3A_269, %dma_wait3A_270] : memref<32x125x80xi32, #tpu.memory_space<hbm>> -> memref<1x125x80xi32, #tpu.memory_space<hbm>>
      %dma_wait3A_272 = tpu.memref_squeeze %dma_wait3A_271 : memref<1x125x80xi32, #tpu.memory_space<hbm>> -> memref<125x80xi32, #tpu.memory_space<hbm>>
      tpu.wait_dma2 semaphore(%run_scoped3A : memref<!tpu.dma_semaphore, #tpu.memory_space<semaphore_mem>>) src(%dma_wait3A_272 : memref<125x80xi32, #tpu.memory_space<hbm>>) dst(%arg7 : memref<125x80xi32, #tpu.memory_space<vmem>>)
      tpu.yield
    }) : () -> ()
    %dma_start3A = arith.constant 0 : i32
    %dma_start3A_1 = arith.constant 0 : i32
    %dma_start3A_2 = arith.constant 0 : i32
    %dma_start3A_3 = arith.constant 0 : i32
    %dma_start3A_4 = tpu.memref_slice %arg8[%dma_start3A_1, %dma_start3A_2, %dma_start3A_3] : memref<5x80x32xf32, #tpu.memory_space<vmem>> -> memref<1x80x32xf32, #tpu.memory_space<vmem>>
    %dma_start3A_5 = tpu.memref_squeeze %dma_start3A_4 : memref<1x80x32xf32, #tpu.memory_space<vmem>> -> memref<80x32xf32, #tpu.memory_space<vmem>>
    %dma_start3A_6 = arith.constant 0 : i32
    %dma_start3A_7 = tpu.memref_slice %arg6[%dma_start3A, %dma_start3A_6] : memref<125x80xi32, #tpu.memory_space<vmem>> -> memref<1x80xi32, #tpu.memory_space<vmem>>
    %dma_start3A_8 = tpu.memref_squeeze %dma_start3A_7 : memref<1x80xi32, #tpu.memory_space<vmem>> -> memref<80xi32, #tpu.memory_space<vmem>>
    %dma_start3A_9 = arith.constant 0 : i32
    %dma_start3A_10 = arith.constant 0 : i32
    %dma_start3A_11 = tpu.memref_slice %arg2[%dma_start3A_9, %dma_start3A_10] : memref<10000x32xf32, #tpu.memory_space<hbm>> -> memref<10000x32xf32, #tpu.memory_space<hbm>>
    tpu.enqueue_indirect_dma source(%dma_start3A_11 : memref<10000x32xf32, #tpu.memory_space<hbm>>) target(%dma_start3A_5 : memref<80x32xf32, #tpu.memory_space<vmem>>) offsets(%dma_start3A_8 : memref<80xi32, #tpu.memory_space<vmem>>) semaphore(%arg12 : memref<!tpu.dma_semaphore, #tpu.memory_space<semaphore_mem>>)
    %dma_start3A_12 = arith.constant 1 : i32
    %dma_start3A_13 = arith.constant 1 : i32
    %dma_start3A_14 = arith.constant 0 : i32
    %dma_start3A_15 = arith.constant 0 : i32
    %dma_start3A_16 = tpu.memref_slice %arg8[%dma_start3A_13, %dma_start3A_14, %dma_start3A_15] : memref<5x80x32xf32, #tpu.memory_space<vmem>> -> memref<1x80x32xf32, #tpu.memory_space<vmem>>
    %dma_start3A_17 = tpu.memref_squeeze %dma_start3A_16 : memref<1x80x32xf32, #tpu.memory_space<vmem>> -> memref<80x32xf32, #tpu.memory_space<vmem>>
    %dma_start3A_18 = arith.constant 0 : i32
    %dma_start3A_19 = tpu.memref_slice %arg6[%dma_start3A_12, %dma_start3A_18] : memref<125x80xi32, #tpu.memory_space<vmem>> -> memref<1x80xi32, #tpu.memory_space<vmem>>
    %dma_start3A_20 = tpu.memref_squeeze %dma_start3A_19 : memref<1x80xi32, #tpu.memory_space<vmem>> -> memref<80xi32, #tpu.memory_space<vmem>>
    %dma_start3A_21 = arith.constant 0 : i32
    %dma_start3A_22 = arith.constant 0 : i32
    %dma_start3A_23 = tpu.memref_slice %arg2[%dma_start3A_21, %dma_start3A_22] : memref<10000x32xf32, #tpu.memory_space<hbm>> -> memref<10000x32xf32, #tpu.memory_space<hbm>>
    tpu.enqueue_indirect_dma source(%dma_start3A_23 : memref<10000x32xf32, #tpu.memory_space<hbm>>) target(%dma_start3A_17 : memref<80x32xf32, #tpu.memory_space<vmem>>) offsets(%dma_start3A_20 : memref<80xi32, #tpu.memory_space<vmem>>) semaphore(%arg12 : memref<!tpu.dma_semaphore, #tpu.memory_space<semaphore_mem>>)
    %dma_start3A_24 = arith.constant 2 : i32
    %dma_start3A_25 = arith.constant 2 : i32
    %dma_start3A_26 = arith.constant 0 : i32
    %dma_start3A_27 = arith.constant 0 : i32
    %dma_start3A_28 = tpu.memref_slice %arg8[%dma_start3A_25, %dma_start3A_26, %dma_start3A_27] : memref<5x80x32xf32, #tpu.memory_space<vmem>> -> memref<1x80x32xf32, #tpu.memory_space<vmem>>
    %dma_start3A_29 = tpu.memref_squeeze %dma_start3A_28 : memref<1x80x32xf32, #tpu.memory_space<vmem>> -> memref<80x32xf32, #tpu.memory_space<vmem>>
    %dma_start3A_30 = arith.constant 0 : i32
    %dma_start3A_31 = tpu.memref_slice %arg6[%dma_start3A_24, %dma_start3A_30] : memref<125x80xi32, #tpu.memory_space<vmem>> -> memref<1x80xi32, #tpu.memory_space<vmem>>
    %dma_start3A_32 = tpu.memref_squeeze %dma_start3A_31 : memref<1x80xi32, #tpu.memory_space<vmem>> -> memref<80xi32, #tpu.memory_space<vmem>>
    %dma_start3A_33 = arith.constant 0 : i32
    %dma_start3A_34 = arith.constant 0 : i32
    %dma_start3A_35 = tpu.memref_slice %arg2[%dma_start3A_33, %dma_start3A_34] : memref<10000x32xf32, #tpu.memory_space<hbm>> -> memref<10000x32xf32, #tpu.memory_space<hbm>>
    tpu.enqueue_indirect_dma source(%dma_start3A_35 : memref<10000x32xf32, #tpu.memory_space<hbm>>) target(%dma_start3A_29 : memref<80x32xf32, #tpu.memory_space<vmem>>) offsets(%dma_start3A_32 : memref<80xi32, #tpu.memory_space<vmem>>) semaphore(%arg12 : memref<!tpu.dma_semaphore, #tpu.memory_space<semaphore_mem>>)
    %dma_start3A_36 = arith.constant 3 : i32
    %dma_start3A_37 = arith.constant 3 : i32
    %dma_start3A_38 = arith.constant 0 : i32
    %dma_start3A_39 = arith.constant 0 : i32
    %dma_start3A_40 = tpu.memref_slice %arg8[%dma_start3A_37, %dma_start3A_38, %dma_start3A_39] : memref<5x80x32xf32, #tpu.memory_space<vmem>> -> memref<1x80x32xf32, #tpu.memory_space<vmem>>
    %dma_start3A_41 = tpu.memref_squeeze %dma_start3A_40 : memref<1x80x32xf32, #tpu.memory_space<vmem>> -> memref<80x32xf32, #tpu.memory_space<vmem>>
    %dma_start3A_42 = arith.constant 0 : i32
    %dma_start3A_43 = tpu.memref_slice %arg6[%dma_start3A_36, %dma_start3A_42] : memref<125x80xi32, #tpu.memory_space<vmem>> -> memref<1x80xi32, #tpu.memory_space<vmem>>
    %dma_start3A_44 = tpu.memref_squeeze %dma_start3A_43 : memref<1x80xi32, #tpu.memory_space<vmem>> -> memref<80xi32, #tpu.memory_space<vmem>>
    %dma_start3A_45 = arith.constant 0 : i32
    %dma_start3A_46 = arith.constant 0 : i32
    %dma_start3A_47 = tpu.memref_slice %arg2[%dma_start3A_45, %dma_start3A_46] : memref<10000x32xf32, #tpu.memory_space<hbm>> -> memref<10000x32xf32, #tpu.memory_space<hbm>>
    tpu.enqueue_indirect_dma source(%dma_start3A_47 : memref<10000x32xf32, #tpu.memory_space<hbm>>) target(%dma_start3A_41 : memref<80x32xf32, #tpu.memory_space<vmem>>) offsets(%dma_start3A_44 : memref<80xi32, #tpu.memory_space<vmem>>) semaphore(%arg12 : memref<!tpu.dma_semaphore, #tpu.memory_space<semaphore_mem>>)
    %dma_start3A_48 = arith.constant 4 : i32
    %dma_start3A_49 = arith.constant 4 : i32
    %dma_start3A_50 = arith.constant 0 : i32
    %dma_start3A_51 = arith.constant 0 : i32
    %dma_start3A_52 = tpu.memref_slice %arg8[%dma_start3A_49, %dma_start3A_50, %dma_start3A_51] : memref<5x80x32xf32, #tpu.memory_space<vmem>> -> memref<1x80x32xf32, #tpu.memory_space<vmem>>
    %dma_start3A_53 = tpu.memref_squeeze %dma_start3A_52 : memref<1x80x32xf32, #tpu.memory_space<vmem>> -> memref<80x32xf32, #tpu.memory_space<vmem>>
    %dma_start3A_54 = arith.constant 0 : i32
    %dma_start3A_55 = tpu.memref_slice %arg6[%dma_start3A_48, %dma_start3A_54] : memref<125x80xi32, #tpu.memory_space<vmem>> -> memref<1x80xi32, #tpu.memory_space<vmem>>
    %dma_start3A_56 = tpu.memref_squeeze %dma_start3A_55 : memref<1x80xi32, #tpu.memory_space<vmem>> -> memref<80xi32, #tpu.memory_space<vmem>>
    %dma_start3A_57 = arith.constant 0 : i32
    %dma_start3A_58 = arith.constant 0 : i32
    %dma_start3A_59 = tpu.memref_slice %arg2[%dma_start3A_57, %dma_start3A_58] : memref<10000x32xf32, #tpu.memory_space<hbm>> -> memref<10000x32xf32, #tpu.memory_space<hbm>>
    tpu.enqueue_indirect_dma source(%dma_start3A_59 : memref<10000x32xf32, #tpu.memory_space<hbm>>) target(%dma_start3A_53 : memref<80x32xf32, #tpu.memory_space<vmem>>) offsets(%dma_start3A_56 : memref<80xi32, #tpu.memory_space<vmem>>) semaphore(%arg12 : memref<!tpu.dma_semaphore, #tpu.memory_space<semaphore_mem>>)
    %scan3A = arith.constant 0 : i32
    %scan3A_60 = arith.constant 0 : i32
    %scan3A_61 = arith.constant 640 : i32
    %scan3A_62 = arith.addi %scan3A_60, %scan3A_61 : i32
    %scan3A_63 = arith.constant 1 : i32
    scf.for %scan3A_257 = %scan3A_60 to %scan3A_62 step %scan3A_63  : i32 {
      %broadcast_in_dim3A = arith.constant 0.000000e+00 : f32
      %broadcast_in_dim3A_258 = vector.broadcast %broadcast_in_dim3A : f32 to vector<16xf32>
      %swap3A = arith.index_cast %scan3A_257 : i32 to index
      %swap3A_259 = arith.constant 0 : index
      %swap3A_260 = tpu.vector_load %arg10[%swap3A, %swap3A_259] {strides = array<i32>} : memref<640x32xf32, #tpu.memory_space<vmem>>, vector<1x16xf32>,
      %swap3A_261 = vector.shape_cast %swap3A_260 : vector<1x16xf32> to vector<16xf32>
      %swap3A_262 = vector.shape_cast %broadcast_in_dim3A_258 : vector<16xf32> to vector<1x16xf32>
      tpu.vector_store %arg10[%swap3A, %swap3A_259], %swap3A_262 {strides = array<i32>} : memref<640x32xf32, #tpu.memory_space<vmem>>, vector<1x16xf32>,
      %broadcast_in_dim3A_263 = arith.constant 0.000000e+00 : f32
      %broadcast_in_dim3A_264 = vector.broadcast %broadcast_in_dim3A_263 : f32 to vector<16xf32>
      %swap3A_265 = arith.index_cast %scan3A_257 : i32 to index
      %swap3A_266 = arith.constant 16 : index
      %swap3A_267 = tpu.vector_load %arg10[%swap3A_265, %swap3A_266] {strides = array<i32>} : memref<640x32xf32, #tpu.memory_space<vmem>>, vector<1x16xf32>,
      %swap3A_268 = vector.shape_cast %swap3A_267 : vector<1x16xf32> to vector<16xf32>
      %swap3A_269 = vector.shape_cast %broadcast_in_dim3A_264 : vector<16xf32> to vector<1x16xf32>
      tpu.vector_store %arg10[%swap3A_265, %swap3A_266], %swap3A_269 {strides = array<i32>} : memref<640x32xf32, #tpu.memory_space<vmem>>, vector<1x16xf32>,
    }
    %scan3A_64 = arith.constant 640 : i32
    %mul3A_65 = arith.constant 640 : i32
    %mul3A_66 = arith.muli %arg1, %mul3A_65 : i32
    "tpu.region"() ({
      %run_scoped3A = tpu.sem_alloc : memref<!tpu.dma_semaphore, #tpu.memory_space<semaphore_mem>>
      %dma_start3A_257 = arith.constant 0 : i32
      %dma_start3A_258 = tpu.memref_slice %arg11[%mul3A_66, %dma_start3A_257] : memref<10240x32xf32, #tpu.memory_space<vmem_shared>> -> memref<640x32xf32, #tpu.memory_space<vmem_shared>>
      %dma_start3A_259 = arith.constant 0 : i32
      %dma_start3A_260 = tpu.memref_slice %arg11[%mul3A_66, %dma_start3A_259] : memref<10240x32xf32, #tpu.memory_space<vmem_shared>> -> memref<640x32xf32, #tpu.memory_space<vmem_shared>>
      tpu.enqueue_dma source(%arg10 : memref<640x32xf32, #tpu.memory_space<vmem>>) target(%dma_start3A_260 : memref<640x32xf32, #tpu.memory_space<vmem_shared>>) target_semaphore(%run_scoped3A : memref<!tpu.dma_semaphore, #tpu.memory_space<semaphore_mem>>)
      %dma_wait3A_261 = arith.constant 0 : i32
      %dma_wait3A_262 = tpu.memref_slice %arg11[%mul3A_66, %dma_wait3A_261] : memref<10240x32xf32, #tpu.memory_space<vmem_shared>> -> memref<640x32xf32, #tpu.memory_space<vmem_shared>>
      %dma_wait3A_263 = arith.constant 0 : i32
      %dma_wait3A_264 = tpu.memref_slice %arg11[%mul3A_66, %dma_wait3A_263] : memref<10240x32xf32, #tpu.memory_space<vmem_shared>> -> memref<640x32xf32, #tpu.memory_space<vmem_shared>>
      tpu.wait_dma2 semaphore(%run_scoped3A : memref<!tpu.dma_semaphore, #tpu.memory_space<semaphore_mem>>) src(%arg10 : memref<640x32xf32, #tpu.memory_space<vmem>>) dst(%dma_wait3A_264 : memref<640x32xf32, #tpu.memory_space<vmem_shared>>)
      tpu.yield
    }) : () -> ()
    %barrier3A = arith.constant 0 : index
    tpu.barrier barrier_id(%barrier3A)
    %scan3A_67 = arith.constant 0 : i32
    %scan3A_68 = arith.constant 0 : i32
    %scan3A_69 = arith.constant 12 : i32
    %scan3A_70 = arith.addi %scan3A_68, %scan3A_69 : i32
    %scan3A_71 = arith.constant 1 : i32
    scf.for %scan3A_257 = %scan3A_68 to %scan3A_70 step %scan3A_71  : i32 {
      %mul3A_258 = arith.constant 2 : i32
      %mul3A_259 = arith.muli %mul3A_258, %scan3A_257 : i32
      %add3A_260 = arith.constant 1 : i32
      %add3A_261 = arith.addi %mul3A_259, %add3A_260 : i32
      %mul3A_262 = arith.constant 5 : i32
      %mul3A_263 = arith.muli %add3A_261, %mul3A_262 : i32
      %add3A_264 = arith.constant 0 : i32
      %add3A_265 = arith.addi %mul3A_263, %add3A_264 : i32
      %dma_start3A_266 = arith.constant 0 : i32
      %dma_start3A_267 = arith.constant 0 : i32
      %dma_start3A_268 = arith.constant 0 : i32
      %dma_start3A_269 = tpu.memref_slice %arg9[%dma_start3A_266, %dma_start3A_267, %dma_start3A_268] : memref<5x80x32xf32, #tpu.memory_space<vmem>> -> memref<1x80x32xf32, #tpu.memory_space<vmem>>
      %dma_start3A_270 = tpu.memref_squeeze %dma_start3A_269 : memref<1x80x32xf32, #tpu.memory_space<vmem>> -> memref<80x32xf32, #tpu.memory_space<vmem>>
      %dma_start3A_271 = arith.constant 0 : i32
      %dma_start3A_272 = tpu.memref_slice %arg6[%add3A_265, %dma_start3A_271] : memref<125x80xi32, #tpu.memory_space<vmem>> -> memref<1x80xi32, #tpu.memory_space<vmem>>
      %dma_start3A_273 = tpu.memref_squeeze %dma_start3A_272 : memref<1x80xi32, #tpu.memory_space<vmem>> -> memref<80xi32, #tpu.memory_space<vmem>>
      %dma_start3A_274 = arith.constant 0 : i32
      %dma_start3A_275 = arith.constant 0 : i32
      %dma_start3A_276 = tpu.memref_slice %arg2[%dma_start3A_274, %dma_start3A_275] : memref<10000x32xf32, #tpu.memory_space<hbm>> -> memref<10000x32xf32, #tpu.memory_space<hbm>>
      tpu.enqueue_indirect_dma source(%dma_start3A_276 : memref<10000x32xf32, #tpu.memory_space<hbm>>) target(%dma_start3A_270 : memref<80x32xf32, #tpu.memory_space<vmem>>) offsets(%dma_start3A_273 : memref<80xi32, #tpu.memory_space<vmem>>) semaphore(%arg13 : memref<!tpu.dma_semaphore, #tpu.memory_space<semaphore_mem>>)
      %mul3A_277 = arith.constant 5 : i32
      %mul3A_278 = arith.muli %add3A_261, %mul3A_277 : i32
      %add3A_279 = arith.constant 1 : i32
      %add3A_280 = arith.addi %mul3A_278, %add3A_279 : i32
      %dma_start3A_281 = arith.constant 1 : i32
      %dma_start3A_282 = arith.constant 0 : i32
      %dma_start3A_283 = arith.constant 0 : i32
      %dma_start3A_284 = tpu.memref_slice %arg9[%dma_start3A_281, %dma_start3A_282, %dma_start3A_283] : memref<5x80x32xf32, #tpu.memory_space<vmem>> -> memref<1x80x32xf32, #tpu.memory_space<vmem>>
      %dma_start3A_285 = tpu.memref_squeeze %dma_start3A_284 : memref<1x80x32xf32, #tpu.memory_space<vmem>> -> memref<80x32xf32, #tpu.memory_space<vmem>>
      %dma_start3A_286 = arith.constant 0 : i32
      %dma_start3A_287 = tpu.memref_slice %arg6[%add3A_280, %dma_start3A_286] : memref<125x80xi32, #tpu.memory_space<vmem>> -> memref<1x80xi32, #tpu.memory_space<vmem>>
      %dma_start3A_288 = tpu.memref_squeeze %dma_start3A_287 : memref<1x80xi32, #tpu.memory_space<vmem>> -> memref<80xi32, #tpu.memory_space<vmem>>
      %dma_start3A_289 = arith.constant 0 : i32
      %dma_start3A_290 = arith.constant 0 : i32
      %dma_start3A_291 = tpu.memref_slice %arg2[%dma_start3A_289, %dma_start3A_290] : memref<10000x32xf32, #tpu.memory_space<hbm>> -> memref<10000x32xf32, #tpu.memory_space<hbm>>
      tpu.enqueue_indirect_dma source(%dma_start3A_291 : memref<10000x32xf32, #tpu.memory_space<hbm>>) target(%dma_start3A_285 : memref<80x32xf32, #tpu.memory_space<vmem>>) offsets(%dma_start3A_288 : memref<80xi32, #tpu.memory_space<vmem>>) semaphore(%arg13 : memref<!tpu.dma_semaphore, #tpu.memory_space<semaphore_mem>>)
      %mul3A_292 = arith.constant 5 : i32
      %mul3A_293 = arith.muli %add3A_261, %mul3A_292 : i32
      %add3A_294 = arith.constant 2 : i32
      %add3A_295 = arith.addi %mul3A_293, %add3A_294 : i32
      %dma_start3A_296 = arith.constant 2 : i32
      %dma_start3A_297 = arith.constant 0 : i32
      %dma_start3A_298 = arith.constant 0 : i32
      %dma_start3A_299 = tpu.memref_slice %arg9[%dma_start3A_296, %dma_start3A_297, %dma_start3A_298] : memref<5x80x32xf32, #tpu.memory_space<vmem>> -> memref<1x80x32xf32, #tpu.memory_space<vmem>>
      %dma_start3A_300 = tpu.memref_squeeze %dma_start3A_299 : memref<1x80x32xf32, #tpu.memory_space<vmem>> -> memref<80x32xf32, #tpu.memory_space<vmem>>
      %dma_start3A_301 = arith.constant 0 : i32
      %dma_start3A_302 = tpu.memref_slice %arg6[%add3A_295, %dma_start3A_301] : memref<125x80xi32, #tpu.memory_space<vmem>> -> memref<1x80xi32, #tpu.memory_space<vmem>>
      %dma_start3A_303 = tpu.memref_squeeze %dma_start3A_302 : memref<1x80xi32, #tpu.memory_space<vmem>> -> memref<80xi32, #tpu.memory_space<vmem>>
      %dma_start3A_304 = arith.constant 0 : i32
      %dma_start3A_305 = arith.constant 0 : i32
      %dma_start3A_306 = tpu.memref_slice %arg2[%dma_start3A_304, %dma_start3A_305] : memref<10000x32xf32, #tpu.memory_space<hbm>> -> memref<10000x32xf32, #tpu.memory_space<hbm>>
      tpu.enqueue_indirect_dma source(%dma_start3A_306 : memref<10000x32xf32, #tpu.memory_space<hbm>>) target(%dma_start3A_300 : memref<80x32xf32, #tpu.memory_space<vmem>>) offsets(%dma_start3A_303 : memref<80xi32, #tpu.memory_space<vmem>>) semaphore(%arg13 : memref<!tpu.dma_semaphore, #tpu.memory_space<semaphore_mem>>)
      %mul3A_307 = arith.constant 5 : i32
      %mul3A_308 = arith.muli %add3A_261, %mul3A_307 : i32
      %add3A_309 = arith.constant 3 : i32
      %add3A_310 = arith.addi %mul3A_308, %add3A_309 : i32
      %dma_start3A_311 = arith.constant 3 : i32
      %dma_start3A_312 = arith.constant 0 : i32
      %dma_start3A_313 = arith.constant 0 : i32
      %dma_start3A_314 = tpu.memref_slice %arg9[%dma_start3A_311, %dma_start3A_312, %dma_start3A_313] : memref<5x80x32xf32, #tpu.memory_space<vmem>> -> memref<1x80x32xf32, #tpu.memory_space<vmem>>
      %dma_start3A_315 = tpu.memref_squeeze %dma_start3A_314 : memref<1x80x32xf32, #tpu.memory_space<vmem>> -> memref<80x32xf32, #tpu.memory_space<vmem>>
      %dma_start3A_316 = arith.constant 0 : i32
      %dma_start3A_317 = tpu.memref_slice %arg6[%add3A_310, %dma_start3A_316] : memref<125x80xi32, #tpu.memory_space<vmem>> -> memref<1x80xi32, #tpu.memory_space<vmem>>
      %dma_start3A_318 = tpu.memref_squeeze %dma_start3A_317 : memref<1x80xi32, #tpu.memory_space<vmem>> -> memref<80xi32, #tpu.memory_space<vmem>>
      %dma_start3A_319 = arith.constant 0 : i32
      %dma_start3A_320 = arith.constant 0 : i32
      %dma_start3A_321 = tpu.memref_slice %arg2[%dma_start3A_319, %dma_start3A_320] : memref<10000x32xf32, #tpu.memory_space<hbm>> -> memref<10000x32xf32, #tpu.memory_space<hbm>>
      tpu.enqueue_indirect_dma source(%dma_start3A_321 : memref<10000x32xf32, #tpu.memory_space<hbm>>) target(%dma_start3A_315 : memref<80x32xf32, #tpu.memory_space<vmem>>) offsets(%dma_start3A_318 : memref<80xi32, #tpu.memory_space<vmem>>) semaphore(%arg13 : memref<!tpu.dma_semaphore, #tpu.memory_space<semaphore_mem>>)
      %mul3A_322 = arith.constant 5 : i32
      %mul3A_323 = arith.muli %add3A_261, %mul3A_322 : i32
      %add3A_324 = arith.constant 4 : i32
      %add3A_325 = arith.addi %mul3A_323, %add3A_324 : i32
      %dma_start3A_326 = arith.constant 4 : i32
      %dma_start3A_327 = arith.constant 0 : i32
      %dma_start3A_328 = arith.constant 0 : i32
      %dma_start3A_329 = tpu.memref_slice %arg9[%dma_start3A_326, %dma_start3A_327, %dma_start3A_328] : memref<5x80x32xf32, #tpu.memory_space<vmem>> -> memref<1x80x32xf32, #tpu.memory_space<vmem>>
      %dma_start3A_330 = tpu.memref_squeeze %dma_start3A_329 : memref<1x80x32xf32, #tpu.memory_space<vmem>> -> memref<80x32xf32, #tpu.memory_space<vmem>>
      %dma_start3A_331 = arith.constant 0 : i32
      %dma_start3A_332 = tpu.memref_slice %arg6[%add3A_325, %dma_start3A_331] : memref<125x80xi32, #tpu.memory_space<vmem>> -> memref<1x80xi32, #tpu.memory_space<vmem>>
      %dma_start3A_333 = tpu.memref_squeeze %dma_start3A_332 : memref<1x80xi32, #tpu.memory_space<vmem>> -> memref<80xi32, #tpu.memory_space<vmem>>
      %dma_start3A_334 = arith.constant 0 : i32
      %dma_start3A_335 = arith.constant 0 : i32
      %dma_start3A_336 = tpu.memref_slice %arg2[%dma_start3A_334, %dma_start3A_335] : memref<10000x32xf32, #tpu.memory_space<hbm>> -> memref<10000x32xf32, #tpu.memory_space<hbm>>
      tpu.enqueue_indirect_dma source(%dma_start3A_336 : memref<10000x32xf32, #tpu.memory_space<hbm>>) target(%dma_start3A_330 : memref<80x32xf32, #tpu.memory_space<vmem>>) offsets(%dma_start3A_333 : memref<80xi32, #tpu.memory_space<vmem>>) semaphore(%arg13 : memref<!tpu.dma_semaphore, #tpu.memory_space<semaphore_mem>>)
      %mul3A_337 = arith.constant 5 : i32
      %mul3A_338 = arith.muli %mul3A_259, %mul3A_337 : i32
      %add3A_339 = arith.constant 0 : i32
      %add3A_340 = arith.addi %mul3A_338, %add3A_339 : i32
      %dma_wait3A_341 = arith.constant 0 : i32
      %dma_wait3A_342 = arith.constant 0 : i32
      %dma_wait3A_343 = arith.constant 0 : i32
      %dma_wait3A_344 = tpu.memref_slice %arg8[%dma_wait3A_341, %dma_wait3A_342, %dma_wait3A_343] : memref<5x80x32xf32, #tpu.memory_space<vmem>> -> memref<1x80x32xf32, #tpu.memory_space<vmem>>
      %dma_wait3A_345 = tpu.memref_squeeze %dma_wait3A_344 : memref<1x80x32xf32, #tpu.memory_space<vmem>> -> memref<80x32xf32, #tpu.memory_space<vmem>>
      %dma_wait3A_346 = arith.constant 0 : i32
      %dma_wait3A_347 = tpu.memref_slice %arg6[%add3A_340, %dma_wait3A_346] : memref<125x80xi32, #tpu.memory_space<vmem>> -> memref<1x80xi32, #tpu.memory_space<vmem>>
      %dma_wait3A_348 = tpu.memref_squeeze %dma_wait3A_347 : memref<1x80xi32, #tpu.memory_space<vmem>> -> memref<80xi32, #tpu.memory_space<vmem>>
      %dma_wait3A_349 = arith.constant 0 : i32
      %dma_wait3A_350 = arith.constant 0 : i32
      %dma_wait3A_351 = tpu.memref_slice %arg2[%dma_wait3A_349, %dma_wait3A_350] : memref<10000x32xf32, #tpu.memory_space<hbm>> -> memref<10000x32xf32, #tpu.memory_space<hbm>>
      tpu.wait_indirect_dma semaphore(%arg12 : memref<!tpu.dma_semaphore, #tpu.memory_space<semaphore_mem>>) src(%dma_wait3A_351 : memref<10000x32xf32, #tpu.memory_space<hbm>>) dst(%dma_wait3A_345 : memref<80x32xf32, #tpu.memory_space<vmem>>)
      %mul3A_352 = arith.constant 5 : i32
      %mul3A_353 = arith.muli %mul3A_259, %mul3A_352 : i32
      %add3A_354 = arith.constant 0 : i32
      %add3A_355 = arith.addi %mul3A_353, %add3A_354 : i32
      %dma_start3A_356 = arith.constant 0 : i32
      %dma_start3A_357 = arith.constant 0 : i32
      %dma_start3A_358 = arith.constant 0 : i32
      %dma_start3A_359 = tpu.memref_slice %arg8[%dma_start3A_356, %dma_start3A_357, %dma_start3A_358] : memref<5x80x32xf32, #tpu.memory_space<vmem>> -> memref<1x80x32xf32, #tpu.memory_space<vmem>>
      %dma_start3A_360 = tpu.memref_squeeze %dma_start3A_359 : memref<1x80x32xf32, #tpu.memory_space<vmem>> -> memref<80x32xf32, #tpu.memory_space<vmem>>
      %dma_start3A_361 = arith.constant 0 : i32
      %dma_start3A_362 = tpu.memref_slice %arg7[%add3A_355, %dma_start3A_361] : memref<125x80xi32, #tpu.memory_space<vmem>> -> memref<1x80xi32, #tpu.memory_space<vmem>>
      %dma_start3A_363 = tpu.memref_squeeze %dma_start3A_362 : memref<1x80xi32, #tpu.memory_space<vmem>> -> memref<80xi32, #tpu.memory_space<vmem>>
      %dma_start3A_364 = arith.constant 0 : i32
      %dma_start3A_365 = arith.constant 0 : i32
      %dma_start3A_366 = tpu.memref_slice %arg11[%dma_start3A_364, %dma_start3A_365] : memref<10240x32xf32, #tpu.memory_space<vmem_shared>> -> memref<10240x32xf32, #tpu.memory_space<vmem_shared>>
      tpu.enqueue_indirect_dma source(%dma_start3A_360 : memref<80x32xf32, #tpu.memory_space<vmem>>) target(%dma_start3A_366 : memref<10240x32xf32, #tpu.memory_space<vmem_shared>>) offsets(%dma_start3A_363 : memref<80xi32, #tpu.memory_space<vmem>>) semaphore(%arg14 : memref<!tpu.dma_semaphore, #tpu.memory_space<semaphore_mem>>) {add = true}
      %mul3A_367 = arith.constant 5 : i32
      %mul3A_368 = arith.muli %mul3A_259, %mul3A_367 : i32
      %add3A_369 = arith.constant 1 : i32
      %add3A_370 = arith.addi %mul3A_368, %add3A_369 : i32
      %dma_wait3A_371 = arith.constant 1 : i32
      %dma_wait3A_372 = arith.constant 0 : i32
      %dma_wait3A_373 = arith.constant 0 : i32
      %dma_wait3A_374 = tpu.memref_slice %arg8[%dma_wait3A_371, %dma_wait3A_372, %dma_wait3A_373] : memref<5x80x32xf32, #tpu.memory_space<vmem>> -> memref<1x80x32xf32, #tpu.memory_space<vmem>>
      %dma_wait3A_375 = tpu.memref_squeeze %dma_wait3A_374 : memref<1x80x32xf32, #tpu.memory_space<vmem>> -> memref<80x32xf32, #tpu.memory_space<vmem>>
      %dma_wait3A_376 = arith.constant 0 : i32
      %dma_wait3A_377 = tpu.memref_slice %arg6[%add3A_370, %dma_wait3A_376] : memref<125x80xi32, #tpu.memory_space<vmem>> -> memref<1x80xi32, #tpu.memory_space<vmem>>
      %dma_wait3A_378 = tpu.memref_squeeze %dma_wait3A_377 : memref<1x80xi32, #tpu.memory_space<vmem>> -> memref<80xi32, #tpu.memory_space<vmem>>
      %dma_wait3A_379 = arith.constant 0 : i32
      %dma_wait3A_380 = arith.constant 0 : i32
      %dma_wait3A_381 = tpu.memref_slice %arg2[%dma_wait3A_379, %dma_wait3A_380] : memref<10000x32xf32, #tpu.memory_space<hbm>> -> memref<10000x32xf32, #tpu.memory_space<hbm>>
      tpu.wait_indirect_dma semaphore(%arg12 : memref<!tpu.dma_semaphore, #tpu.memory_space<semaphore_mem>>) src(%dma_wait3A_381 : memref<10000x32xf32, #tpu.memory_space<hbm>>) dst(%dma_wait3A_375 : memref<80x32xf32, #tpu.memory_space<vmem>>)
      %mul3A_382 = arith.constant 5 : i32
      %mul3A_383 = arith.muli %mul3A_259, %mul3A_382 : i32
      %add3A_384 = arith.constant 1 : i32
      %add3A_385 = arith.addi %mul3A_383, %add3A_384 : i32
      %dma_start3A_386 = arith.constant 1 : i32
      %dma_start3A_387 = arith.constant 0 : i32
      %dma_start3A_388 = arith.constant 0 : i32
      %dma_start3A_389 = tpu.memref_slice %arg8[%dma_start3A_386, %dma_start3A_387, %dma_start3A_388] : memref<5x80x32xf32, #tpu.memory_space<vmem>> -> memref<1x80x32xf32, #tpu.memory_space<vmem>>
      %dma_start3A_390 = tpu.memref_squeeze %dma_start3A_389 : memref<1x80x32xf32, #tpu.memory_space<vmem>> -> memref<80x32xf32, #tpu.memory_space<vmem>>
      %dma_start3A_391 = arith.constant 0 : i32
      %dma_start3A_392 = tpu.memref_slice %arg7[%add3A_385, %dma_start3A_391] : memref<125x80xi32, #tpu.memory_space<vmem>> -> memref<1x80xi32, #tpu.memory_space<vmem>>
      %dma_start3A_393 = tpu.memref_squeeze %dma_start3A_392 : memref<1x80xi32, #tpu.memory_space<vmem>> -> memref<80xi32, #tpu.memory_space<vmem>>
      %dma_start3A_394 = arith.constant 0 : i32
      %dma_start3A_395 = arith.constant 0 : i32
      %dma_start3A_396 = tpu.memref_slice %arg11[%dma_start3A_394, %dma_start3A_395] : memref<10240x32xf32, #tpu.memory_space<vmem_shared>> -> memref<10240x32xf32, #tpu.memory_space<vmem_shared>>
      tpu.enqueue_indirect_dma source(%dma_start3A_390 : memref<80x32xf32, #tpu.memory_space<vmem>>) target(%dma_start3A_396 : memref<10240x32xf32, #tpu.memory_space<vmem_shared>>) offsets(%dma_start3A_393 : memref<80xi32, #tpu.memory_space<vmem>>) semaphore(%arg14 : memref<!tpu.dma_semaphore, #tpu.memory_space<semaphore_mem>>) {add = true}
      %mul3A_397 = arith.constant 5 : i32
      %mul3A_398 = arith.muli %mul3A_259, %mul3A_397 : i32
      %add3A_399 = arith.constant 2 : i32
      %add3A_400 = arith.addi %mul3A_398, %add3A_399 : i32
      %dma_wait3A_401 = arith.constant 2 : i32
      %dma_wait3A_402 = arith.constant 0 : i32
      %dma_wait3A_403 = arith.constant 0 : i32
      %dma_wait3A_404 = tpu.memref_slice %arg8[%dma_wait3A_401, %dma_wait3A_402, %dma_wait3A_403] : memref<5x80x32xf32, #tpu.memory_space<vmem>> -> memref<1x80x32xf32, #tpu.memory_space<vmem>>
      %dma_wait3A_405 = tpu.memref_squeeze %dma_wait3A_404 : memref<1x80x32xf32, #tpu.memory_space<vmem>> -> memref<80x32xf32, #tpu.memory_space<vmem>>
      %dma_wait3A_406 = arith.constant 0 : i32
      %dma_wait3A_407 = tpu.memref_slice %arg6[%add3A_400, %dma_wait3A_406] : memref<125x80xi32, #tpu.memory_space<vmem>> -> memref<1x80xi32, #tpu.memory_space<vmem>>
      %dma_wait3A_408 = tpu.memref_squeeze %dma_wait3A_407 : memref<1x80xi32, #tpu.memory_space<vmem>> -> memref<80xi32, #tpu.memory_space<vmem>>
      %dma_wait3A_409 = arith.constant 0 : i32
      %dma_wait3A_410 = arith.constant 0 : i32
      %dma_wait3A_411 = tpu.memref_slice %arg2[%dma_wait3A_409, %dma_wait3A_410] : memref<10000x32xf32, #tpu.memory_space<hbm>> -> memref<10000x32xf32, #tpu.memory_space<hbm>>
      tpu.wait_indirect_dma semaphore(%arg12 : memref<!tpu.dma_semaphore, #tpu.memory_space<semaphore_mem>>) src(%dma_wait3A_411 : memref<10000x32xf32, #tpu.memory_space<hbm>>) dst(%dma_wait3A_405 : memref<80x32xf32, #tpu.memory_space<vmem>>)
      %mul3A_412 = arith.constant 5 : i32
      %mul3A_413 = arith.muli %mul3A_259, %mul3A_412 : i32
      %add3A_414 = arith.constant 2 : i32
      %add3A_415 = arith.addi %mul3A_413, %add3A_414 : i32
      %dma_start3A_416 = arith.constant 2 : i32
      %dma_start3A_417 = arith.constant 0 : i32
      %dma_start3A_418 = arith.constant 0 : i32
      %dma_start3A_419 = tpu.memref_slice %arg8[%dma_start3A_416, %dma_start3A_417, %dma_start3A_418] : memref<5x80x32xf32, #tpu.memory_space<vmem>> -> memref<1x80x32xf32, #tpu.memory_space<vmem>>
      %dma_start3A_420 = tpu.memref_squeeze %dma_start3A_419 : memref<1x80x32xf32, #tpu.memory_space<vmem>> -> memref<80x32xf32, #tpu.memory_space<vmem>>
      %dma_start3A_421 = arith.constant 0 : i32
      %dma_start3A_422 = tpu.memref_slice %arg7[%add3A_415, %dma_start3A_421] : memref<125x80xi32, #tpu.memory_space<vmem>> -> memref<1x80xi32, #tpu.memory_space<vmem>>
      %dma_start3A_423 = tpu.memref_squeeze %dma_start3A_422 : memref<1x80xi32, #tpu.memory_space<vmem>> -> memref<80xi32, #tpu.memory_space<vmem>>
      %dma_start3A_424 = arith.constant 0 : i32
      %dma_start3A_425 = arith.constant 0 : i32
      %dma_start3A_426 = tpu.memref_slice %arg11[%dma_start3A_424, %dma_start3A_425] : memref<10240x32xf32, #tpu.memory_space<vmem_shared>> -> memref<10240x32xf32, #tpu.memory_space<vmem_shared>>
      tpu.enqueue_indirect_dma source(%dma_start3A_420 : memref<80x32xf32, #tpu.memory_space<vmem>>) target(%dma_start3A_426 : memref<10240x32xf32, #tpu.memory_space<vmem_shared>>) offsets(%dma_start3A_423 : memref<80xi32, #tpu.memory_space<vmem>>) semaphore(%arg14 : memref<!tpu.dma_semaphore, #tpu.memory_space<semaphore_mem>>) {add = true}
      %mul3A_427 = arith.constant 5 : i32
      %mul3A_428 = arith.muli %mul3A_259, %mul3A_427 : i32
      %add3A_429 = arith.constant 3 : i32
      %add3A_430 = arith.addi %mul3A_428, %add3A_429 : i32
      %dma_wait3A_431 = arith.constant 3 : i32
      %dma_wait3A_432 = arith.constant 0 : i32
      %dma_wait3A_433 = arith.constant 0 : i32
      %dma_wait3A_434 = tpu.memref_slice %arg8[%dma_wait3A_431, %dma_wait3A_432, %dma_wait3A_433] : memref<5x80x32xf32, #tpu.memory_space<vmem>> -> memref<1x80x32xf32, #tpu.memory_space<vmem>>
      %dma_wait3A_435 = tpu.memref_squeeze %dma_wait3A_434 : memref<1x80x32xf32, #tpu.memory_space<vmem>> -> memref<80x32xf32, #tpu.memory_space<vmem>>
      %dma_wait3A_436 = arith.constant 0 : i32
      %dma_wait3A_437 = tpu.memref_slice %arg6[%add3A_430, %dma_wait3A_436] : memref<125x80xi32, #tpu.memory_space<vmem>> -> memref<1x80xi32, #tpu.memory_space<vmem>>
      %dma_wait3A_438 = tpu.memref_squeeze %dma_wait3A_437 : memref<1x80xi32, #tpu.memory_space<vmem>> -> memref<80xi32, #tpu.memory_space<vmem>>
      %dma_wait3A_439 = arith.constant 0 : i32
      %dma_wait3A_440 = arith.constant 0 : i32
      %dma_wait3A_441 = tpu.memref_slice %arg2[%dma_wait3A_439, %dma_wait3A_440] : memref<10000x32xf32, #tpu.memory_space<hbm>> -> memref<10000x32xf32, #tpu.memory_space<hbm>>
      tpu.wait_indirect_dma semaphore(%arg12 : memref<!tpu.dma_semaphore, #tpu.memory_space<semaphore_mem>>) src(%dma_wait3A_441 : memref<10000x32xf32, #tpu.memory_space<hbm>>) dst(%dma_wait3A_435 : memref<80x32xf32, #tpu.memory_space<vmem>>)
      %mul3A_442 = arith.constant 5 : i32
      %mul3A_443 = arith.muli %mul3A_259, %mul3A_442 : i32
      %add3A_444 = arith.constant 3 : i32
      %add3A_445 = arith.addi %mul3A_443, %add3A_444 : i32
      %dma_start3A_446 = arith.constant 3 : i32
      %dma_start3A_447 = arith.constant 0 : i32
      %dma_start3A_448 = arith.constant 0 : i32
      %dma_start3A_449 = tpu.memref_slice %arg8[%dma_start3A_446, %dma_start3A_447, %dma_start3A_448] : memref<5x80x32xf32, #tpu.memory_space<vmem>> -> memref<1x80x32xf32, #tpu.memory_space<vmem>>
      %dma_start3A_450 = tpu.memref_squeeze %dma_start3A_449 : memref<1x80x32xf32, #tpu.memory_space<vmem>> -> memref<80x32xf32, #tpu.memory_space<vmem>>
      %dma_start3A_451 = arith.constant 0 : i32
      %dma_start3A_452 = tpu.memref_slice %arg7[%add3A_445, %dma_start3A_451] : memref<125x80xi32, #tpu.memory_space<vmem>> -> memref<1x80xi32, #tpu.memory_space<vmem>>
      %dma_start3A_453 = tpu.memref_squeeze %dma_start3A_452 : memref<1x80xi32, #tpu.memory_space<vmem>> -> memref<80xi32, #tpu.memory_space<vmem>>
      %dma_start3A_454 = arith.constant 0 : i32
      %dma_start3A_455 = arith.constant 0 : i32
      %dma_start3A_456 = tpu.memref_slice %arg11[%dma_start3A_454, %dma_start3A_455] : memref<10240x32xf32, #tpu.memory_space<vmem_shared>> -> memref<10240x32xf32, #tpu.memory_space<vmem_shared>>
      tpu.enqueue_indirect_dma source(%dma_start3A_450 : memref<80x32xf32, #tpu.memory_space<vmem>>) target(%dma_start3A_456 : memref<10240x32xf32, #tpu.memory_space<vmem_shared>>) offsets(%dma_start3A_453 : memref<80xi32, #tpu.memory_space<vmem>>) semaphore(%arg14 : memref<!tpu.dma_semaphore, #tpu.memory_space<semaphore_mem>>) {add = true}
      %mul3A_457 = arith.constant 5 : i32
      %mul3A_458 = arith.muli %mul3A_259, %mul3A_457 : i32
      %add3A_459 = arith.constant 4 : i32
      %add3A_460 = arith.addi %mul3A_458, %add3A_459 : i32
      %dma_wait3A_461 = arith.constant 4 : i32
      %dma_wait3A_462 = arith.constant 0 : i32
      %dma_wait3A_463 = arith.constant 0 : i32
      %dma_wait3A_464 = tpu.memref_slice %arg8[%dma_wait3A_461, %dma_wait3A_462, %dma_wait3A_463] : memref<5x80x32xf32, #tpu.memory_space<vmem>> -> memref<1x80x32xf32, #tpu.memory_space<vmem>>
      %dma_wait3A_465 = tpu.memref_squeeze %dma_wait3A_464 : memref<1x80x32xf32, #tpu.memory_space<vmem>> -> memref<80x32xf32, #tpu.memory_space<vmem>>
      %dma_wait3A_466 = arith.constant 0 : i32
      %dma_wait3A_467 = tpu.memref_slice %arg6[%add3A_460, %dma_wait3A_466] : memref<125x80xi32, #tpu.memory_space<vmem>> -> memref<1x80xi32, #tpu.memory_space<vmem>>
      %dma_wait3A_468 = tpu.memref_squeeze %dma_wait3A_467 : memref<1x80xi32, #tpu.memory_space<vmem>> -> memref<80xi32, #tpu.memory_space<vmem>>
      %dma_wait3A_469 = arith.constant 0 : i32
      %dma_wait3A_470 = arith.constant 0 : i32
      %dma_wait3A_471 = tpu.memref_slice %arg2[%dma_wait3A_469, %dma_wait3A_470] : memref<10000x32xf32, #tpu.memory_space<hbm>> -> memref<10000x32xf32, #tpu.memory_space<hbm>>
      tpu.wait_indirect_dma semaphore(%arg12 : memref<!tpu.dma_semaphore, #tpu.memory_space<semaphore_mem>>) src(%dma_wait3A_471 : memref<10000x32xf32, #tpu.memory_space<hbm>>) dst(%dma_wait3A_465 : memref<80x32xf32, #tpu.memory_space<vmem>>)
      %mul3A_472 = arith.constant 5 : i32
      %mul3A_473 = arith.muli %mul3A_259, %mul3A_472 : i32
      %add3A_474 = arith.constant 4 : i32
      %add3A_475 = arith.addi %mul3A_473, %add3A_474 : i32
      %dma_start3A_476 = arith.constant 4 : i32
      %dma_start3A_477 = arith.constant 0 : i32
      %dma_start3A_478 = arith.constant 0 : i32
      %dma_start3A_479 = tpu.memref_slice %arg8[%dma_start3A_476, %dma_start3A_477, %dma_start3A_478] : memref<5x80x32xf32, #tpu.memory_space<vmem>> -> memref<1x80x32xf32, #tpu.memory_space<vmem>>
      %dma_start3A_480 = tpu.memref_squeeze %dma_start3A_479 : memref<1x80x32xf32, #tpu.memory_space<vmem>> -> memref<80x32xf32, #tpu.memory_space<vmem>>
      %dma_start3A_481 = arith.constant 0 : i32
      %dma_start3A_482 = tpu.memref_slice %arg7[%add3A_475, %dma_start3A_481] : memref<125x80xi32, #tpu.memory_space<vmem>> -> memref<1x80xi32, #tpu.memory_space<vmem>>
      %dma_start3A_483 = tpu.memref_squeeze %dma_start3A_482 : memref<1x80xi32, #tpu.memory_space<vmem>> -> memref<80xi32, #tpu.memory_space<vmem>>
      %dma_start3A_484 = arith.constant 0 : i32
      %dma_start3A_485 = arith.constant 0 : i32
      %dma_start3A_486 = tpu.memref_slice %arg11[%dma_start3A_484, %dma_start3A_485] : memref<10240x32xf32, #tpu.memory_space<vmem_shared>> -> memref<10240x32xf32, #tpu.memory_space<vmem_shared>>
      tpu.enqueue_indirect_dma source(%dma_start3A_480 : memref<80x32xf32, #tpu.memory_space<vmem>>) target(%dma_start3A_486 : memref<10240x32xf32, #tpu.memory_space<vmem_shared>>) offsets(%dma_start3A_483 : memref<80xi32, #tpu.memory_space<vmem>>) semaphore(%arg14 : memref<!tpu.dma_semaphore, #tpu.memory_space<semaphore_mem>>) {add = true}
      %dma_wait3A_487 = arith.constant 0 : i32
      %dma_wait3A_488 = arith.constant 0 : i32
      %dma_wait3A_489 = arith.constant 0 : i32
      %dma_wait3A_490 = tpu.memref_slice %arg8[%dma_wait3A_487, %dma_wait3A_488, %dma_wait3A_489] : memref<5x80x32xf32, #tpu.memory_space<vmem>> -> memref<1x80x32xf32, #tpu.memory_space<vmem>>
      %dma_wait3A_491 = tpu.memref_squeeze %dma_wait3A_490 : memref<1x80x32xf32, #tpu.memory_space<vmem>> -> memref<80x32xf32, #tpu.memory_space<vmem>>
      %dma_wait3A_492 = arith.constant 0 : i32
      %dma_wait3A_493 = tpu.memref_slice %arg7[%add3A_355, %dma_wait3A_492] : memref<125x80xi32, #tpu.memory_space<vmem>> -> memref<1x80xi32, #tpu.memory_space<vmem>>
      %dma_wait3A_494 = tpu.memref_squeeze %dma_wait3A_493 : memref<1x80xi32, #tpu.memory_space<vmem>> -> memref<80xi32, #tpu.memory_space<vmem>>
      %dma_wait3A_495 = arith.constant 0 : i32
      %dma_wait3A_496 = arith.constant 0 : i32
      %dma_wait3A_497 = tpu.memref_slice %arg11[%dma_wait3A_495, %dma_wait3A_496] : memref<10240x32xf32, #tpu.memory_space<vmem_shared>> -> memref<10240x32xf32, #tpu.memory_space<vmem_shared>>
      tpu.wait_indirect_dma semaphore(%arg14 : memref<!tpu.dma_semaphore, #tpu.memory_space<semaphore_mem>>) src(%dma_wait3A_491 : memref<80x32xf32, #tpu.memory_space<vmem>>) dst(%dma_wait3A_497 : memref<10240x32xf32, #tpu.memory_space<vmem_shared>>)
      %dma_wait3A_498 = arith.constant 1 : i32
      %dma_wait3A_499 = arith.constant 0 : i32
      %dma_wait3A_500 = arith.constant 0 : i32
      %dma_wait3A_501 = tpu.memref_slice %arg8[%dma_wait3A_498, %dma_wait3A_499, %dma_wait3A_500] : memref<5x80x32xf32, #tpu.memory_space<vmem>> -> memref<1x80x32xf32, #tpu.memory_space<vmem>>
      %dma_wait3A_502 = tpu.memref_squeeze %dma_wait3A_501 : memref<1x80x32xf32, #tpu.memory_space<vmem>> -> memref<80x32xf32, #tpu.memory_space<vmem>>
      %dma_wait3A_503 = arith.constant 0 : i32
      %dma_wait3A_504 = tpu.memref_slice %arg7[%add3A_385, %dma_wait3A_503] : memref<125x80xi32, #tpu.memory_space<vmem>> -> memref<1x80xi32, #tpu.memory_space<vmem>>
      %dma_wait3A_505 = tpu.memref_squeeze %dma_wait3A_504 : memref<1x80xi32, #tpu.memory_space<vmem>> -> memref<80xi32, #tpu.memory_space<vmem>>
      %dma_wait3A_506 = arith.constant 0 : i32
      %dma_wait3A_507 = arith.constant 0 : i32
      %dma_wait3A_508 = tpu.memref_slice %arg11[%dma_wait3A_506, %dma_wait3A_507] : memref<10240x32xf32, #tpu.memory_space<vmem_shared>> -> memref<10240x32xf32, #tpu.memory_space<vmem_shared>>
      tpu.wait_indirect_dma semaphore(%arg14 : memref<!tpu.dma_semaphore, #tpu.memory_space<semaphore_mem>>) src(%dma_wait3A_502 : memref<80x32xf32, #tpu.memory_space<vmem>>) dst(%dma_wait3A_508 : memref<10240x32xf32, #tpu.memory_space<vmem_shared>>)
      %dma_wait3A_509 = arith.constant 2 : i32
      %dma_wait3A_510 = arith.constant 0 : i32
      %dma_wait3A_511 = arith.constant 0 : i32
      %dma_wait3A_512 = tpu.memref_slice %arg8[%dma_wait3A_509, %dma_wait3A_510, %dma_wait3A_511] : memref<5x80x32xf32, #tpu.memory_space<vmem>> -> memref<1x80x32xf32, #tpu.memory_space<vmem>>
      %dma_wait3A_513 = tpu.memref_squeeze %dma_wait3A_512 : memref<1x80x32xf32, #tpu.memory_space<vmem>> -> memref<80x32xf32, #tpu.memory_space<vmem>>
      %dma_wait3A_514 = arith.constant 0 : i32
      %dma_wait3A_515 = tpu.memref_slice %arg7[%add3A_415, %dma_wait3A_514] : memref<125x80xi32, #tpu.memory_space<vmem>> -> memref<1x80xi32, #tpu.memory_space<vmem>>
      %dma_wait3A_516 = tpu.memref_squeeze %dma_wait3A_515 : memref<1x80xi32, #tpu.memory_space<vmem>> -> memref<80xi32, #tpu.memory_space<vmem>>
      %dma_wait3A_517 = arith.constant 0 : i32
      %dma_wait3A_518 = arith.constant 0 : i32
      %dma_wait3A_519 = tpu.memref_slice %arg11[%dma_wait3A_517, %dma_wait3A_518] : memref<10240x32xf32, #tpu.memory_space<vmem_shared>> -> memref<10240x32xf32, #tpu.memory_space<vmem_shared>>
      tpu.wait_indirect_dma semaphore(%arg14 : memref<!tpu.dma_semaphore, #tpu.memory_space<semaphore_mem>>) src(%dma_wait3A_513 : memref<80x32xf32, #tpu.memory_space<vmem>>) dst(%dma_wait3A_519 : memref<10240x32xf32, #tpu.memory_space<vmem_shared>>)
      %dma_wait3A_520 = arith.constant 3 : i32
      %dma_wait3A_521 = arith.constant 0 : i32
      %dma_wait3A_522 = arith.constant 0 : i32
      %dma_wait3A_523 = tpu.memref_slice %arg8[%dma_wait3A_520, %dma_wait3A_521, %dma_wait3A_522] : memref<5x80x32xf32, #tpu.memory_space<vmem>> -> memref<1x80x32xf32, #tpu.memory_space<vmem>>
      %dma_wait3A_524 = tpu.memref_squeeze %dma_wait3A_523 : memref<1x80x32xf32, #tpu.memory_space<vmem>> -> memref<80x32xf32, #tpu.memory_space<vmem>>
      %dma_wait3A_525 = arith.constant 0 : i32
      %dma_wait3A_526 = tpu.memref_slice %arg7[%add3A_445, %dma_wait3A_525] : memref<125x80xi32, #tpu.memory_space<vmem>> -> memref<1x80xi32, #tpu.memory_space<vmem>>
      %dma_wait3A_527 = tpu.memref_squeeze %dma_wait3A_526 : memref<1x80xi32, #tpu.memory_space<vmem>> -> memref<80xi32, #tpu.memory_space<vmem>>
      %dma_wait3A_528 = arith.constant 0 : i32
      %dma_wait3A_529 = arith.constant 0 : i32
      %dma_wait3A_530 = tpu.memref_slice %arg11[%dma_wait3A_528, %dma_wait3A_529] : memref<10240x32xf32, #tpu.memory_space<vmem_shared>> -> memref<10240x32xf32, #tpu.memory_space<vmem_shared>>
      tpu.wait_indirect_dma semaphore(%arg14 : memref<!tpu.dma_semaphore, #tpu.memory_space<semaphore_mem>>) src(%dma_wait3A_524 : memref<80x32xf32, #tpu.memory_space<vmem>>) dst(%dma_wait3A_530 : memref<10240x32xf32, #tpu.memory_space<vmem_shared>>)
      %dma_wait3A_531 = arith.constant 4 : i32
      %dma_wait3A_532 = arith.constant 0 : i32
      %dma_wait3A_533 = arith.constant 0 : i32
      %dma_wait3A_534 = tpu.memref_slice %arg8[%dma_wait3A_531, %dma_wait3A_532, %dma_wait3A_533] : memref<5x80x32xf32, #tpu.memory_space<vmem>> -> memref<1x80x32xf32, #tpu.memory_space<vmem>>
      %dma_wait3A_535 = tpu.memref_squeeze %dma_wait3A_534 : memref<1x80x32xf32, #tpu.memory_space<vmem>> -> memref<80x32xf32, #tpu.memory_space<vmem>>
      %dma_wait3A_536 = arith.constant 0 : i32
      %dma_wait3A_537 = tpu.memref_slice %arg7[%add3A_475, %dma_wait3A_536] : memref<125x80xi32, #tpu.memory_space<vmem>> -> memref<1x80xi32, #tpu.memory_space<vmem>>
      %dma_wait3A_538 = tpu.memref_squeeze %dma_wait3A_537 : memref<1x80xi32, #tpu.memory_space<vmem>> -> memref<80xi32, #tpu.memory_space<vmem>>
      %dma_wait3A_539 = arith.constant 0 : i32
      %dma_wait3A_540 = arith.constant 0 : i32
      %dma_wait3A_541 = tpu.memref_slice %arg11[%dma_wait3A_539, %dma_wait3A_540] : memref<10240x32xf32, #tpu.memory_space<vmem_shared>> -> memref<10240x32xf32, #tpu.memory_space<vmem_shared>>
      tpu.wait_indirect_dma semaphore(%arg14 : memref<!tpu.dma_semaphore, #tpu.memory_space<semaphore_mem>>) src(%dma_wait3A_535 : memref<80x32xf32, #tpu.memory_space<vmem>>) dst(%dma_wait3A_541 : memref<10240x32xf32, #tpu.memory_space<vmem_shared>>)
      %add3A_542 = arith.constant 2 : i32
      %add3A_543 = arith.addi %mul3A_259, %add3A_542 : i32
      %mul3A_544 = arith.constant 5 : i32
      %mul3A_545 = arith.muli %add3A_543, %mul3A_544 : i32
      %add3A_546 = arith.constant 0 : i32
      %add3A_547 = arith.addi %mul3A_545, %add3A_546 : i32
      %dma_start3A_548 = arith.constant 0 : i32
      %dma_start3A_549 = arith.constant 0 : i32
      %dma_start3A_550 = arith.constant 0 : i32
      %dma_start3A_551 = tpu.memref_slice %arg8[%dma_start3A_548, %dma_start3A_549, %dma_start3A_550] : memref<5x80x32xf32, #tpu.memory_space<vmem>> -> memref<1x80x32xf32, #tpu.memory_space<vmem>>
      %dma_start3A_552 = tpu.memref_squeeze %dma_start3A_551 : memref<1x80x32xf32, #tpu.memory_space<vmem>> -> memref<80x32xf32, #tpu.memory_space<vmem>>
      %dma_start3A_553 = arith.constant 0 : i32
      %dma_start3A_554 = tpu.memref_slice %arg6[%add3A_547, %dma_start3A_553] : memref<125x80xi32, #tpu.memory_space<vmem>> -> memref<1x80xi32, #tpu.memory_space<vmem>>
      %dma_start3A_555 = tpu.memref_squeeze %dma_start3A_554 : memref<1x80xi32, #tpu.memory_space<vmem>> -> memref<80xi32, #tpu.memory_space<vmem>>
      %dma_start3A_556 = arith.constant 0 : i32
      %dma_start3A_557 = arith.constant 0 : i32
      %dma_start3A_558 = tpu.memref_slice %arg2[%dma_start3A_556, %dma_start3A_557] : memref<10000x32xf32, #tpu.memory_space<hbm>> -> memref<10000x32xf32, #tpu.memory_space<hbm>>
      tpu.enqueue_indirect_dma source(%dma_start3A_558 : memref<10000x32xf32, #tpu.memory_space<hbm>>) target(%dma_start3A_552 : memref<80x32xf32, #tpu.memory_space<vmem>>) offsets(%dma_start3A_555 : memref<80xi32, #tpu.memory_space<vmem>>) semaphore(%arg12 : memref<!tpu.dma_semaphore, #tpu.memory_space<semaphore_mem>>)
      %mul3A_559 = arith.constant 5 : i32
      %mul3A_560 = arith.muli %add3A_543, %mul3A_559 : i32
      %add3A_561 = arith.constant 1 : i32
      %add3A_562 = arith.addi %mul3A_560, %add3A_561 : i32
      %dma_start3A_563 = arith.constant 1 : i32
      %dma_start3A_564 = arith.constant 0 : i32
      %dma_start3A_565 = arith.constant 0 : i32
      %dma_start3A_566 = tpu.memref_slice %arg8[%dma_start3A_563, %dma_start3A_564, %dma_start3A_565] : memref<5x80x32xf32, #tpu.memory_space<vmem>> -> memref<1x80x32xf32, #tpu.memory_space<vmem>>
      %dma_start3A_567 = tpu.memref_squeeze %dma_start3A_566 : memref<1x80x32xf32, #tpu.memory_space<vmem>> -> memref<80x32xf32, #tpu.memory_space<vmem>>
      %dma_start3A_568 = arith.constant 0 : i32
      %dma_start3A_569 = tpu.memref_slice %arg6[%add3A_562, %dma_start3A_568] : memref<125x80xi32, #tpu.memory_space<vmem>> -> memref<1x80xi32, #tpu.memory_space<vmem>>
      %dma_start3A_570 = tpu.memref_squeeze %dma_start3A_569 : memref<1x80xi32, #tpu.memory_space<vmem>> -> memref<80xi32, #tpu.memory_space<vmem>>
      %dma_start3A_571 = arith.constant 0 : i32
      %dma_start3A_572 = arith.constant 0 : i32
      %dma_start3A_573 = tpu.memref_slice %arg2[%dma_start3A_571, %dma_start3A_572] : memref<10000x32xf32, #tpu.memory_space<hbm>> -> memref<10000x32xf32, #tpu.memory_space<hbm>>
      tpu.enqueue_indirect_dma source(%dma_start3A_573 : memref<10000x32xf32, #tpu.memory_space<hbm>>) target(%dma_start3A_567 : memref<80x32xf32, #tpu.memory_space<vmem>>) offsets(%dma_start3A_570 : memref<80xi32, #tpu.memory_space<vmem>>) semaphore(%arg12 : memref<!tpu.dma_semaphore, #tpu.memory_space<semaphore_mem>>)
      %mul3A_574 = arith.constant 5 : i32
      %mul3A_575 = arith.muli %add3A_543, %mul3A_574 : i32
      %add3A_576 = arith.constant 2 : i32
      %add3A_577 = arith.addi %mul3A_575, %add3A_576 : i32
      %dma_start3A_578 = arith.constant 2 : i32
      %dma_start3A_579 = arith.constant 0 : i32
      %dma_start3A_580 = arith.constant 0 : i32
      %dma_start3A_581 = tpu.memref_slice %arg8[%dma_start3A_578, %dma_start3A_579, %dma_start3A_580] : memref<5x80x32xf32, #tpu.memory_space<vmem>> -> memref<1x80x32xf32, #tpu.memory_space<vmem>>
      %dma_start3A_582 = tpu.memref_squeeze %dma_start3A_581 : memref<1x80x32xf32, #tpu.memory_space<vmem>> -> memref<80x32xf32, #tpu.memory_space<vmem>>
      %dma_start3A_583 = arith.constant 0 : i32
      %dma_start3A_584 = tpu.memref_slice %arg6[%add3A_577, %dma_start3A_583] : memref<125x80xi32, #tpu.memory_space<vmem>> -> memref<1x80xi32, #tpu.memory_space<vmem>>
      %dma_start3A_585 = tpu.memref_squeeze %dma_start3A_584 : memref<1x80xi32, #tpu.memory_space<vmem>> -> memref<80xi32, #tpu.memory_space<vmem>>
      %dma_start3A_586 = arith.constant 0 : i32
      %dma_start3A_587 = arith.constant 0 : i32
      %dma_start3A_588 = tpu.memref_slice %arg2[%dma_start3A_586, %dma_start3A_587] : memref<10000x32xf32, #tpu.memory_space<hbm>> -> memref<10000x32xf32, #tpu.memory_space<hbm>>
      tpu.enqueue_indirect_dma source(%dma_start3A_588 : memref<10000x32xf32, #tpu.memory_space<hbm>>) target(%dma_start3A_582 : memref<80x32xf32, #tpu.memory_space<vmem>>) offsets(%dma_start3A_585 : memref<80xi32, #tpu.memory_space<vmem>>) semaphore(%arg12 : memref<!tpu.dma_semaphore, #tpu.memory_space<semaphore_mem>>)
      %mul3A_589 = arith.constant 5 : i32
      %mul3A_590 = arith.muli %add3A_543, %mul3A_589 : i32
      %add3A_591 = arith.constant 3 : i32
      %add3A_592 = arith.addi %mul3A_590, %add3A_591 : i32
      %dma_start3A_593 = arith.constant 3 : i32
      %dma_start3A_594 = arith.constant 0 : i32
      %dma_start3A_595 = arith.constant 0 : i32
      %dma_start3A_596 = tpu.memref_slice %arg8[%dma_start3A_593, %dma_start3A_594, %dma_start3A_595] : memref<5x80x32xf32, #tpu.memory_space<vmem>> -> memref<1x80x32xf32, #tpu.memory_space<vmem>>
      %dma_start3A_597 = tpu.memref_squeeze %dma_start3A_596 : memref<1x80x32xf32, #tpu.memory_space<vmem>> -> memref<80x32xf32, #tpu.memory_space<vmem>>
      %dma_start3A_598 = arith.constant 0 : i32
      %dma_start3A_599 = tpu.memref_slice %arg6[%add3A_592, %dma_start3A_598] : memref<125x80xi32, #tpu.memory_space<vmem>> -> memref<1x80xi32, #tpu.memory_space<vmem>>
      %dma_start3A_600 = tpu.memref_squeeze %dma_start3A_599 : memref<1x80xi32, #tpu.memory_space<vmem>> -> memref<80xi32, #tpu.memory_space<vmem>>
      %dma_start3A_601 = arith.constant 0 : i32
      %dma_start3A_602 = arith.constant 0 : i32
      %dma_start3A_603 = tpu.memref_slice %arg2[%dma_start3A_601, %dma_start3A_602] : memref<10000x32xf32, #tpu.memory_space<hbm>> -> memref<10000x32xf32, #tpu.memory_space<hbm>>
      tpu.enqueue_indirect_dma source(%dma_start3A_603 : memref<10000x32xf32, #tpu.memory_space<hbm>>) target(%dma_start3A_597 : memref<80x32xf32, #tpu.memory_space<vmem>>) offsets(%dma_start3A_600 : memref<80xi32, #tpu.memory_space<vmem>>) semaphore(%arg12 : memref<!tpu.dma_semaphore, #tpu.memory_space<semaphore_mem>>)
      %mul3A_604 = arith.constant 5 : i32
      %mul3A_605 = arith.muli %add3A_543, %mul3A_604 : i32
      %add3A_606 = arith.constant 4 : i32
      %add3A_607 = arith.addi %mul3A_605, %add3A_606 : i32
      %dma_start3A_608 = arith.constant 4 : i32
      %dma_start3A_609 = arith.constant 0 : i32
      %dma_start3A_610 = arith.constant 0 : i32
      %dma_start3A_611 = tpu.memref_slice %arg8[%dma_start3A_608, %dma_start3A_609, %dma_start3A_610] : memref<5x80x32xf32, #tpu.memory_space<vmem>> -> memref<1x80x32xf32, #tpu.memory_space<vmem>>
      %dma_start3A_612 = tpu.memref_squeeze %dma_start3A_611 : memref<1x80x32xf32, #tpu.memory_space<vmem>> -> memref<80x32xf32, #tpu.memory_space<vmem>>
      %dma_start3A_613 = arith.constant 0 : i32
      %dma_start3A_614 = tpu.memref_slice %arg6[%add3A_607, %dma_start3A_613] : memref<125x80xi32, #tpu.memory_space<vmem>> -> memref<1x80xi32, #tpu.memory_space<vmem>>
      %dma_start3A_615 = tpu.memref_squeeze %dma_start3A_614 : memref<1x80xi32, #tpu.memory_space<vmem>> -> memref<80xi32, #tpu.memory_space<vmem>>
      %dma_start3A_616 = arith.constant 0 : i32
      %dma_start3A_617 = arith.constant 0 : i32
      %dma_start3A_618 = tpu.memref_slice %arg2[%dma_start3A_616, %dma_start3A_617] : memref<10000x32xf32, #tpu.memory_space<hbm>> -> memref<10000x32xf32, #tpu.memory_space<hbm>>
      tpu.enqueue_indirect_dma source(%dma_start3A_618 : memref<10000x32xf32, #tpu.memory_space<hbm>>) target(%dma_start3A_612 : memref<80x32xf32, #tpu.memory_space<vmem>>) offsets(%dma_start3A_615 : memref<80xi32, #tpu.memory_space<vmem>>) semaphore(%arg12 : memref<!tpu.dma_semaphore, #tpu.memory_space<semaphore_mem>>)
      %add3A_619 = arith.constant 1 : i32
      %add3A_620 = arith.addi %mul3A_259, %add3A_619 : i32
      %mul3A_621 = arith.constant 5 : i32
      %mul3A_622 = arith.muli %add3A_620, %mul3A_621 : i32
      %add3A_623 = arith.constant 0 : i32
      %add3A_624 = arith.addi %mul3A_622, %add3A_623 : i32
      %dma_wait3A_625 = arith.constant 0 : i32
      %dma_wait3A_626 = arith.constant 0 : i32
      %dma_wait3A_627 = arith.constant 0 : i32
      %dma_wait3A_628 = tpu.memref_slice %arg9[%dma_wait3A_625, %dma_wait3A_626, %dma_wait3A_627] : memref<5x80x32xf32, #tpu.memory_space<vmem>> -> memref<1x80x32xf32, #tpu.memory_space<vmem>>
      %dma_wait3A_629 = tpu.memref_squeeze %dma_wait3A_628 : memref<1x80x32xf32, #tpu.memory_space<vmem>> -> memref<80x32xf32, #tpu.memory_space<vmem>>
      %dma_wait3A_630 = arith.constant 0 : i32
      %dma_wait3A_631 = tpu.memref_slice %arg6[%add3A_624, %dma_wait3A_630] : memref<125x80xi32, #tpu.memory_space<vmem>> -> memref<1x80xi32, #tpu.memory_space<vmem>>
      %dma_wait3A_632 = tpu.memref_squeeze %dma_wait3A_631 : memref<1x80xi32, #tpu.memory_space<vmem>> -> memref<80xi32, #tpu.memory_space<vmem>>
      %dma_wait3A_633 = arith.constant 0 : i32
      %dma_wait3A_634 = arith.constant 0 : i32
      %dma_wait3A_635 = tpu.memref_slice %arg2[%dma_wait3A_633, %dma_wait3A_634] : memref<10000x32xf32, #tpu.memory_space<hbm>> -> memref<10000x32xf32, #tpu.memory_space<hbm>>
      tpu.wait_indirect_dma semaphore(%arg13 : memref<!tpu.dma_semaphore, #tpu.memory_space<semaphore_mem>>) src(%dma_wait3A_635 : memref<10000x32xf32, #tpu.memory_space<hbm>>) dst(%dma_wait3A_629 : memref<80x32xf32, #tpu.memory_space<vmem>>)
      %mul3A_636 = arith.constant 5 : i32
      %mul3A_637 = arith.muli %add3A_620, %mul3A_636 : i32
      %add3A_638 = arith.constant 0 : i32
      %add3A_639 = arith.addi %mul3A_637, %add3A_638 : i32
      %dma_start3A_640 = arith.constant 0 : i32
      %dma_start3A_641 = arith.constant 0 : i32
      %dma_start3A_642 = arith.constant 0 : i32
      %dma_start3A_643 = tpu.memref_slice %arg9[%dma_start3A_640, %dma_start3A_641, %dma_start3A_642] : memref<5x80x32xf32, #tpu.memory_space<vmem>> -> memref<1x80x32xf32, #tpu.memory_space<vmem>>
      %dma_start3A_644 = tpu.memref_squeeze %dma_start3A_643 : memref<1x80x32xf32, #tpu.memory_space<vmem>> -> memref<80x32xf32, #tpu.memory_space<vmem>>
      %dma_start3A_645 = arith.constant 0 : i32
      %dma_start3A_646 = tpu.memref_slice %arg7[%add3A_639, %dma_start3A_645] : memref<125x80xi32, #tpu.memory_space<vmem>> -> memref<1x80xi32, #tpu.memory_space<vmem>>
      %dma_start3A_647 = tpu.memref_squeeze %dma_start3A_646 : memref<1x80xi32, #tpu.memory_space<vmem>> -> memref<80xi32, #tpu.memory_space<vmem>>
      %dma_start3A_648 = arith.constant 0 : i32
      %dma_start3A_649 = arith.constant 0 : i32
      %dma_start3A_650 = tpu.memref_slice %arg11[%dma_start3A_648, %dma_start3A_649] : memref<10240x32xf32, #tpu.memory_space<vmem_shared>> -> memref<10240x32xf32, #tpu.memory_space<vmem_shared>>
      tpu.enqueue_indirect_dma source(%dma_start3A_644 : memref<80x32xf32, #tpu.memory_space<vmem>>) target(%dma_start3A_650 : memref<10240x32xf32, #tpu.memory_space<vmem_shared>>) offsets(%dma_start3A_647 : memref<80xi32, #tpu.memory_space<vmem>>) semaphore(%arg15 : memref<!tpu.dma_semaphore, #tpu.memory_space<semaphore_mem>>) {add = true}
      %mul3A_651 = arith.constant 5 : i32
      %mul3A_652 = arith.muli %add3A_620, %mul3A_651 : i32
      %add3A_653 = arith.constant 1 : i32
      %add3A_654 = arith.addi %mul3A_652, %add3A_653 : i32
      %dma_wait3A_655 = arith.constant 1 : i32
      %dma_wait3A_656 = arith.constant 0 : i32
      %dma_wait3A_657 = arith.constant 0 : i32
      %dma_wait3A_658 = tpu.memref_slice %arg9[%dma_wait3A_655, %dma_wait3A_656, %dma_wait3A_657] : memref<5x80x32xf32, #tpu.memory_space<vmem>> -> memref<1x80x32xf32, #tpu.memory_space<vmem>>
      %dma_wait3A_659 = tpu.memref_squeeze %dma_wait3A_658 : memref<1x80x32xf32, #tpu.memory_space<vmem>> -> memref<80x32xf32, #tpu.memory_space<vmem>>
      %dma_wait3A_660 = arith.constant 0 : i32
      %dma_wait3A_661 = tpu.memref_slice %arg6[%add3A_654, %dma_wait3A_660] : memref<125x80xi32, #tpu.memory_space<vmem>> -> memref<1x80xi32, #tpu.memory_space<vmem>>
      %dma_wait3A_662 = tpu.memref_squeeze %dma_wait3A_661 : memref<1x80xi32, #tpu.memory_space<vmem>> -> memref<80xi32, #tpu.memory_space<vmem>>
      %dma_wait3A_663 = arith.constant 0 : i32
      %dma_wait3A_664 = arith.constant 0 : i32
      %dma_wait3A_665 = tpu.memref_slice %arg2[%dma_wait3A_663, %dma_wait3A_664] : memref<10000x32xf32, #tpu.memory_space<hbm>> -> memref<10000x32xf32, #tpu.memory_space<hbm>>
      tpu.wait_indirect_dma semaphore(%arg13 : memref<!tpu.dma_semaphore, #tpu.memory_space<semaphore_mem>>) src(%dma_wait3A_665 : memref<10000x32xf32, #tpu.memory_space<hbm>>) dst(%dma_wait3A_659 : memref<80x32xf32, #tpu.memory_space<vmem>>)
      %mul3A_666 = arith.constant 5 : i32
      %mul3A_667 = arith.muli %add3A_620, %mul3A_666 : i32
      %add3A_668 = arith.constant 1 : i32
      %add3A_669 = arith.addi %mul3A_667, %add3A_668 : i32
      %dma_start3A_670 = arith.constant 1 : i32
      %dma_start3A_671 = arith.constant 0 : i32
      %dma_start3A_672 = arith.constant 0 : i32
      %dma_start3A_673 = tpu.memref_slice %arg9[%dma_start3A_670, %dma_start3A_671, %dma_start3A_672] : memref<5x80x32xf32, #tpu.memory_space<vmem>> -> memref<1x80x32xf32, #tpu.memory_space<vmem>>
      %dma_start3A_674 = tpu.memref_squeeze %dma_start3A_673 : memref<1x80x32xf32, #tpu.memory_space<vmem>> -> memref<80x32xf32, #tpu.memory_space<vmem>>
      %dma_start3A_675 = arith.constant 0 : i32
      %dma_start3A_676 = tpu.memref_slice %arg7[%add3A_669, %dma_start3A_675] : memref<125x80xi32, #tpu.memory_space<vmem>> -> memref<1x80xi32, #tpu.memory_space<vmem>>
      %dma_start3A_677 = tpu.memref_squeeze %dma_start3A_676 : memref<1x80xi32, #tpu.memory_space<vmem>> -> memref<80xi32, #tpu.memory_space<vmem>>
      %dma_start3A_678 = arith.constant 0 : i32
      %dma_start3A_679 = arith.constant 0 : i32
      %dma_start3A_680 = tpu.memref_slice %arg11[%dma_start3A_678, %dma_start3A_679] : memref<10240x32xf32, #tpu.memory_space<vmem_shared>> -> memref<10240x32xf32, #tpu.memory_space<vmem_shared>>
      tpu.enqueue_indirect_dma source(%dma_start3A_674 : memref<80x32xf32, #tpu.memory_space<vmem>>) target(%dma_start3A_680 : memref<10240x32xf32, #tpu.memory_space<vmem_shared>>) offsets(%dma_start3A_677 : memref<80xi32, #tpu.memory_space<vmem>>) semaphore(%arg15 : memref<!tpu.dma_semaphore, #tpu.memory_space<semaphore_mem>>) {add = true}
      %mul3A_681 = arith.constant 5 : i32
      %mul3A_682 = arith.muli %add3A_620, %mul3A_681 : i32
      %add3A_683 = arith.constant 2 : i32
      %add3A_684 = arith.addi %mul3A_682, %add3A_683 : i32
      %dma_wait3A_685 = arith.constant 2 : i32
      %dma_wait3A_686 = arith.constant 0 : i32
      %dma_wait3A_687 = arith.constant 0 : i32
      %dma_wait3A_688 = tpu.memref_slice %arg9[%dma_wait3A_685, %dma_wait3A_686, %dma_wait3A_687] : memref<5x80x32xf32, #tpu.memory_space<vmem>> -> memref<1x80x32xf32, #tpu.memory_space<vmem>>
      %dma_wait3A_689 = tpu.memref_squeeze %dma_wait3A_688 : memref<1x80x32xf32, #tpu.memory_space<vmem>> -> memref<80x32xf32, #tpu.memory_space<vmem>>
      %dma_wait3A_690 = arith.constant 0 : i32
      %dma_wait3A_691 = tpu.memref_slice %arg6[%add3A_684, %dma_wait3A_690] : memref<125x80xi32, #tpu.memory_space<vmem>> -> memref<1x80xi32, #tpu.memory_space<vmem>>
      %dma_wait3A_692 = tpu.memref_squeeze %dma_wait3A_691 : memref<1x80xi32, #tpu.memory_space<vmem>> -> memref<80xi32, #tpu.memory_space<vmem>>
      %dma_wait3A_693 = arith.constant 0 : i32
      %dma_wait3A_694 = arith.constant 0 : i32
      %dma_wait3A_695 = tpu.memref_slice %arg2[%dma_wait3A_693, %dma_wait3A_694] : memref<10000x32xf32, #tpu.memory_space<hbm>> -> memref<10000x32xf32, #tpu.memory_space<hbm>>
      tpu.wait_indirect_dma semaphore(%arg13 : memref<!tpu.dma_semaphore, #tpu.memory_space<semaphore_mem>>) src(%dma_wait3A_695 : memref<10000x32xf32, #tpu.memory_space<hbm>>) dst(%dma_wait3A_689 : memref<80x32xf32, #tpu.memory_space<vmem>>)
      %mul3A_696 = arith.constant 5 : i32
      %mul3A_697 = arith.muli %add3A_620, %mul3A_696 : i32
      %add3A_698 = arith.constant 2 : i32
      %add3A_699 = arith.addi %mul3A_697, %add3A_698 : i32
      %dma_start3A_700 = arith.constant 2 : i32
      %dma_start3A_701 = arith.constant 0 : i32
      %dma_start3A_702 = arith.constant 0 : i32
      %dma_start3A_703 = tpu.memref_slice %arg9[%dma_start3A_700, %dma_start3A_701, %dma_start3A_702] : memref<5x80x32xf32, #tpu.memory_space<vmem>> -> memref<1x80x32xf32, #tpu.memory_space<vmem>>
      %dma_start3A_704 = tpu.memref_squeeze %dma_start3A_703 : memref<1x80x32xf32, #tpu.memory_space<vmem>> -> memref<80x32xf32, #tpu.memory_space<vmem>>
      %dma_start3A_705 = arith.constant 0 : i32
      %dma_start3A_706 = tpu.memref_slice %arg7[%add3A_699, %dma_start3A_705] : memref<125x80xi32, #tpu.memory_space<vmem>> -> memref<1x80xi32, #tpu.memory_space<vmem>>
      %dma_start3A_707 = tpu.memref_squeeze %dma_start3A_706 : memref<1x80xi32, #tpu.memory_space<vmem>> -> memref<80xi32, #tpu.memory_space<vmem>>
      %dma_start3A_708 = arith.constant 0 : i32
      %dma_start3A_709 = arith.constant 0 : i32
      %dma_start3A_710 = tpu.memref_slice %arg11[%dma_start3A_708, %dma_start3A_709] : memref<10240x32xf32, #tpu.memory_space<vmem_shared>> -> memref<10240x32xf32, #tpu.memory_space<vmem_shared>>
      tpu.enqueue_indirect_dma source(%dma_start3A_704 : memref<80x32xf32, #tpu.memory_space<vmem>>) target(%dma_start3A_710 : memref<10240x32xf32, #tpu.memory_space<vmem_shared>>) offsets(%dma_start3A_707 : memref<80xi32, #tpu.memory_space<vmem>>) semaphore(%arg15 : memref<!tpu.dma_semaphore, #tpu.memory_space<semaphore_mem>>) {add = true}
      %mul3A_711 = arith.constant 5 : i32
      %mul3A_712 = arith.muli %add3A_620, %mul3A_711 : i32
      %add3A_713 = arith.constant 3 : i32
      %add3A_714 = arith.addi %mul3A_712, %add3A_713 : i32
      %dma_wait3A_715 = arith.constant 3 : i32
      %dma_wait3A_716 = arith.constant 0 : i32
      %dma_wait3A_717 = arith.constant 0 : i32
      %dma_wait3A_718 = tpu.memref_slice %arg9[%dma_wait3A_715, %dma_wait3A_716, %dma_wait3A_717] : memref<5x80x32xf32, #tpu.memory_space<vmem>> -> memref<1x80x32xf32, #tpu.memory_space<vmem>>
      %dma_wait3A_719 = tpu.memref_squeeze %dma_wait3A_718 : memref<1x80x32xf32, #tpu.memory_space<vmem>> -> memref<80x32xf32, #tpu.memory_space<vmem>>
      %dma_wait3A_720 = arith.constant 0 : i32
      %dma_wait3A_721 = tpu.memref_slice %arg6[%add3A_714, %dma_wait3A_720] : memref<125x80xi32, #tpu.memory_space<vmem>> -> memref<1x80xi32, #tpu.memory_space<vmem>>
      %dma_wait3A_722 = tpu.memref_squeeze %dma_wait3A_721 : memref<1x80xi32, #tpu.memory_space<vmem>> -> memref<80xi32, #tpu.memory_space<vmem>>
      %dma_wait3A_723 = arith.constant 0 : i32
      %dma_wait3A_724 = arith.constant 0 : i32
      %dma_wait3A_725 = tpu.memref_slice %arg2[%dma_wait3A_723, %dma_wait3A_724] : memref<10000x32xf32, #tpu.memory_space<hbm>> -> memref<10000x32xf32, #tpu.memory_space<hbm>>
      tpu.wait_indirect_dma semaphore(%arg13 : memref<!tpu.dma_semaphore, #tpu.memory_space<semaphore_mem>>) src(%dma_wait3A_725 : memref<10000x32xf32, #tpu.memory_space<hbm>>) dst(%dma_wait3A_719 : memref<80x32xf32, #tpu.memory_space<vmem>>)
      %mul3A_726 = arith.constant 5 : i32
      %mul3A_727 = arith.muli %add3A_620, %mul3A_726 : i32
      %add3A_728 = arith.constant 3 : i32
      %add3A_729 = arith.addi %mul3A_727, %add3A_728 : i32
      %dma_start3A_730 = arith.constant 3 : i32
      %dma_start3A_731 = arith.constant 0 : i32
      %dma_start3A_732 = arith.constant 0 : i32
      %dma_start3A_733 = tpu.memref_slice %arg9[%dma_start3A_730, %dma_start3A_731, %dma_start3A_732] : memref<5x80x32xf32, #tpu.memory_space<vmem>> -> memref<1x80x32xf32, #tpu.memory_space<vmem>>
      %dma_start3A_734 = tpu.memref_squeeze %dma_start3A_733 : memref<1x80x32xf32, #tpu.memory_space<vmem>> -> memref<80x32xf32, #tpu.memory_space<vmem>>
      %dma_start3A_735 = arith.constant 0 : i32
      %dma_start3A_736 = tpu.memref_slice %arg7[%add3A_729, %dma_start3A_735] : memref<125x80xi32, #tpu.memory_space<vmem>> -> memref<1x80xi32, #tpu.memory_space<vmem>>
      %dma_start3A_737 = tpu.memref_squeeze %dma_start3A_736 : memref<1x80xi32, #tpu.memory_space<vmem>> -> memref<80xi32, #tpu.memory_space<vmem>>
      %dma_start3A_738 = arith.constant 0 : i32
      %dma_start3A_739 = arith.constant 0 : i32
      %dma_start3A_740 = tpu.memref_slice %arg11[%dma_start3A_738, %dma_start3A_739] : memref<10240x32xf32, #tpu.memory_space<vmem_shared>> -> memref<10240x32xf32, #tpu.memory_space<vmem_shared>>
      tpu.enqueue_indirect_dma source(%dma_start3A_734 : memref<80x32xf32, #tpu.memory_space<vmem>>) target(%dma_start3A_740 : memref<10240x32xf32, #tpu.memory_space<vmem_shared>>) offsets(%dma_start3A_737 : memref<80xi32, #tpu.memory_space<vmem>>) semaphore(%arg15 : memref<!tpu.dma_semaphore, #tpu.memory_space<semaphore_mem>>) {add = true}
      %mul3A_741 = arith.constant 5 : i32
      %mul3A_742 = arith.muli %add3A_620, %mul3A_741 : i32
      %add3A_743 = arith.constant 4 : i32
      %add3A_744 = arith.addi %mul3A_742, %add3A_743 : i32
      %dma_wait3A_745 = arith.constant 4 : i32
      %dma_wait3A_746 = arith.constant 0 : i32
      %dma_wait3A_747 = arith.constant 0 : i32
      %dma_wait3A_748 = tpu.memref_slice %arg9[%dma_wait3A_745, %dma_wait3A_746, %dma_wait3A_747] : memref<5x80x32xf32, #tpu.memory_space<vmem>> -> memref<1x80x32xf32, #tpu.memory_space<vmem>>
      %dma_wait3A_749 = tpu.memref_squeeze %dma_wait3A_748 : memref<1x80x32xf32, #tpu.memory_space<vmem>> -> memref<80x32xf32, #tpu.memory_space<vmem>>
      %dma_wait3A_750 = arith.constant 0 : i32
      %dma_wait3A_751 = tpu.memref_slice %arg6[%add3A_744, %dma_wait3A_750] : memref<125x80xi32, #tpu.memory_space<vmem>> -> memref<1x80xi32, #tpu.memory_space<vmem>>
      %dma_wait3A_752 = tpu.memref_squeeze %dma_wait3A_751 : memref<1x80xi32, #tpu.memory_space<vmem>> -> memref<80xi32, #tpu.memory_space<vmem>>
      %dma_wait3A_753 = arith.constant 0 : i32
      %dma_wait3A_754 = arith.constant 0 : i32
      %dma_wait3A_755 = tpu.memref_slice %arg2[%dma_wait3A_753, %dma_wait3A_754] : memref<10000x32xf32, #tpu.memory_space<hbm>> -> memref<10000x32xf32, #tpu.memory_space<hbm>>
      tpu.wait_indirect_dma semaphore(%arg13 : memref<!tpu.dma_semaphore, #tpu.memory_space<semaphore_mem>>) src(%dma_wait3A_755 : memref<10000x32xf32, #tpu.memory_space<hbm>>) dst(%dma_wait3A_749 : memref<80x32xf32, #tpu.memory_space<vmem>>)
      %mul3A_756 = arith.constant 5 : i32
      %mul3A_757 = arith.muli %add3A_620, %mul3A_756 : i32
      %add3A_758 = arith.constant 4 : i32
      %add3A_759 = arith.addi %mul3A_757, %add3A_758 : i32
      %dma_start3A_760 = arith.constant 4 : i32
      %dma_start3A_761 = arith.constant 0 : i32
      %dma_start3A_762 = arith.constant 0 : i32
      %dma_start3A_763 = tpu.memref_slice %arg9[%dma_start3A_760, %dma_start3A_761, %dma_start3A_762] : memref<5x80x32xf32, #tpu.memory_space<vmem>> -> memref<1x80x32xf32, #tpu.memory_space<vmem>>
      %dma_start3A_764 = tpu.memref_squeeze %dma_start3A_763 : memref<1x80x32xf32, #tpu.memory_space<vmem>> -> memref<80x32xf32, #tpu.memory_space<vmem>>
      %dma_start3A_765 = arith.constant 0 : i32
      %dma_start3A_766 = tpu.memref_slice %arg7[%add3A_759, %dma_start3A_765] : memref<125x80xi32, #tpu.memory_space<vmem>> -> memref<1x80xi32, #tpu.memory_space<vmem>>
      %dma_start3A_767 = tpu.memref_squeeze %dma_start3A_766 : memref<1x80xi32, #tpu.memory_space<vmem>> -> memref<80xi32, #tpu.memory_space<vmem>>
      %dma_start3A_768 = arith.constant 0 : i32
      %dma_start3A_769 = arith.constant 0 : i32
      %dma_start3A_770 = tpu.memref_slice %arg11[%dma_start3A_768, %dma_start3A_769] : memref<10240x32xf32, #tpu.memory_space<vmem_shared>> -> memref<10240x32xf32, #tpu.memory_space<vmem_shared>>
      tpu.enqueue_indirect_dma source(%dma_start3A_764 : memref<80x32xf32, #tpu.memory_space<vmem>>) target(%dma_start3A_770 : memref<10240x32xf32, #tpu.memory_space<vmem_shared>>) offsets(%dma_start3A_767 : memref<80xi32, #tpu.memory_space<vmem>>) semaphore(%arg15 : memref<!tpu.dma_semaphore, #tpu.memory_space<semaphore_mem>>) {add = true}
      %dma_wait3A_771 = arith.constant 0 : i32
      %dma_wait3A_772 = arith.constant 0 : i32
      %dma_wait3A_773 = arith.constant 0 : i32
      %dma_wait3A_774 = tpu.memref_slice %arg9[%dma_wait3A_771, %dma_wait3A_772, %dma_wait3A_773] : memref<5x80x32xf32, #tpu.memory_space<vmem>> -> memref<1x80x32xf32, #tpu.memory_space<vmem>>
      %dma_wait3A_775 = tpu.memref_squeeze %dma_wait3A_774 : memref<1x80x32xf32, #tpu.memory_space<vmem>> -> memref<80x32xf32, #tpu.memory_space<vmem>>
      %dma_wait3A_776 = arith.constant 0 : i32
      %dma_wait3A_777 = tpu.memref_slice %arg7[%add3A_639, %dma_wait3A_776] : memref<125x80xi32, #tpu.memory_space<vmem>> -> memref<1x80xi32, #tpu.memory_space<vmem>>
      %dma_wait3A_778 = tpu.memref_squeeze %dma_wait3A_777 : memref<1x80xi32, #tpu.memory_space<vmem>> -> memref<80xi32, #tpu.memory_space<vmem>>
      %dma_wait3A_779 = arith.constant 0 : i32
      %dma_wait3A_780 = arith.constant 0 : i32
      %dma_wait3A_781 = tpu.memref_slice %arg11[%dma_wait3A_779, %dma_wait3A_780] : memref<10240x32xf32, #tpu.memory_space<vmem_shared>> -> memref<10240x32xf32, #tpu.memory_space<vmem_shared>>
      tpu.wait_indirect_dma semaphore(%arg15 : memref<!tpu.dma_semaphore, #tpu.memory_space<semaphore_mem>>) src(%dma_wait3A_775 : memref<80x32xf32, #tpu.memory_space<vmem>>) dst(%dma_wait3A_781 : memref<10240x32xf32, #tpu.memory_space<vmem_shared>>)
      %dma_wait3A_782 = arith.constant 1 : i32
      %dma_wait3A_783 = arith.constant 0 : i32
      %dma_wait3A_784 = arith.constant 0 : i32
      %dma_wait3A_785 = tpu.memref_slice %arg9[%dma_wait3A_782, %dma_wait3A_783, %dma_wait3A_784] : memref<5x80x32xf32, #tpu.memory_space<vmem>> -> memref<1x80x32xf32, #tpu.memory_space<vmem>>
      %dma_wait3A_786 = tpu.memref_squeeze %dma_wait3A_785 : memref<1x80x32xf32, #tpu.memory_space<vmem>> -> memref<80x32xf32, #tpu.memory_space<vmem>>
      %dma_wait3A_787 = arith.constant 0 : i32
      %dma_wait3A_788 = tpu.memref_slice %arg7[%add3A_669, %dma_wait3A_787] : memref<125x80xi32, #tpu.memory_space<vmem>> -> memref<1x80xi32, #tpu.memory_space<vmem>>
      %dma_wait3A_789 = tpu.memref_squeeze %dma_wait3A_788 : memref<1x80xi32, #tpu.memory_space<vmem>> -> memref<80xi32, #tpu.memory_space<vmem>>
      %dma_wait3A_790 = arith.constant 0 : i32
      %dma_wait3A_791 = arith.constant 0 : i32
      %dma_wait3A_792 = tpu.memref_slice %arg11[%dma_wait3A_790, %dma_wait3A_791] : memref<10240x32xf32, #tpu.memory_space<vmem_shared>> -> memref<10240x32xf32, #tpu.memory_space<vmem_shared>>
      tpu.wait_indirect_dma semaphore(%arg15 : memref<!tpu.dma_semaphore, #tpu.memory_space<semaphore_mem>>) src(%dma_wait3A_786 : memref<80x32xf32, #tpu.memory_space<vmem>>) dst(%dma_wait3A_792 : memref<10240x32xf32, #tpu.memory_space<vmem_shared>>)
      %dma_wait3A_793 = arith.constant 2 : i32
      %dma_wait3A_794 = arith.constant 0 : i32
      %dma_wait3A_795 = arith.constant 0 : i32
      %dma_wait3A_796 = tpu.memref_slice %arg9[%dma_wait3A_793, %dma_wait3A_794, %dma_wait3A_795] : memref<5x80x32xf32, #tpu.memory_space<vmem>> -> memref<1x80x32xf32, #tpu.memory_space<vmem>>
      %dma_wait3A_797 = tpu.memref_squeeze %dma_wait3A_796 : memref<1x80x32xf32, #tpu.memory_space<vmem>> -> memref<80x32xf32, #tpu.memory_space<vmem>>
      %dma_wait3A_798 = arith.constant 0 : i32
      %dma_wait3A_799 = tpu.memref_slice %arg7[%add3A_699, %dma_wait3A_798] : memref<125x80xi32, #tpu.memory_space<vmem>> -> memref<1x80xi32, #tpu.memory_space<vmem>>
      %dma_wait3A_800 = tpu.memref_squeeze %dma_wait3A_799 : memref<1x80xi32, #tpu.memory_space<vmem>> -> memref<80xi32, #tpu.memory_space<vmem>>
      %dma_wait3A_801 = arith.constant 0 : i32
      %dma_wait3A_802 = arith.constant 0 : i32
      %dma_wait3A_803 = tpu.memref_slice %arg11[%dma_wait3A_801, %dma_wait3A_802] : memref<10240x32xf32, #tpu.memory_space<vmem_shared>> -> memref<10240x32xf32, #tpu.memory_space<vmem_shared>>
      tpu.wait_indirect_dma semaphore(%arg15 : memref<!tpu.dma_semaphore, #tpu.memory_space<semaphore_mem>>) src(%dma_wait3A_797 : memref<80x32xf32, #tpu.memory_space<vmem>>) dst(%dma_wait3A_803 : memref<10240x32xf32, #tpu.memory_space<vmem_shared>>)
      %dma_wait3A_804 = arith.constant 3 : i32
      %dma_wait3A_805 = arith.constant 0 : i32
      %dma_wait3A_806 = arith.constant 0 : i32
      %dma_wait3A_807 = tpu.memref_slice %arg9[%dma_wait3A_804, %dma_wait3A_805, %dma_wait3A_806] : memref<5x80x32xf32, #tpu.memory_space<vmem>> -> memref<1x80x32xf32, #tpu.memory_space<vmem>>
      %dma_wait3A_808 = tpu.memref_squeeze %dma_wait3A_807 : memref<1x80x32xf32, #tpu.memory_space<vmem>> -> memref<80x32xf32, #tpu.memory_space<vmem>>
      %dma_wait3A_809 = arith.constant 0 : i32
      %dma_wait3A_810 = tpu.memref_slice %arg7[%add3A_729, %dma_wait3A_809] : memref<125x80xi32, #tpu.memory_space<vmem>> -> memref<1x80xi32, #tpu.memory_space<vmem>>
      %dma_wait3A_811 = tpu.memref_squeeze %dma_wait3A_810 : memref<1x80xi32, #tpu.memory_space<vmem>> -> memref<80xi32, #tpu.memory_space<vmem>>
      %dma_wait3A_812 = arith.constant 0 : i32
      %dma_wait3A_813 = arith.constant 0 : i32
      %dma_wait3A_814 = tpu.memref_slice %arg11[%dma_wait3A_812, %dma_wait3A_813] : memref<10240x32xf32, #tpu.memory_space<vmem_shared>> -> memref<10240x32xf32, #tpu.memory_space<vmem_shared>>
      tpu.wait_indirect_dma semaphore(%arg15 : memref<!tpu.dma_semaphore, #tpu.memory_space<semaphore_mem>>) src(%dma_wait3A_808 : memref<80x32xf32, #tpu.memory_space<vmem>>) dst(%dma_wait3A_814 : memref<10240x32xf32, #tpu.memory_space<vmem_shared>>)
      %dma_wait3A_815 = arith.constant 4 : i32
      %dma_wait3A_816 = arith.constant 0 : i32
      %dma_wait3A_817 = arith.constant 0 : i32
      %dma_wait3A_818 = tpu.memref_slice %arg9[%dma_wait3A_815, %dma_wait3A_816, %dma_wait3A_817] : memref<5x80x32xf32, #tpu.memory_space<vmem>> -> memref<1x80x32xf32, #tpu.memory_space<vmem>>
      %dma_wait3A_819 = tpu.memref_squeeze %dma_wait3A_818 : memref<1x80x32xf32, #tpu.memory_space<vmem>> -> memref<80x32xf32, #tpu.memory_space<vmem>>
      %dma_wait3A_820 = arith.constant 0 : i32
      %dma_wait3A_821 = tpu.memref_slice %arg7[%add3A_759, %dma_wait3A_820] : memref<125x80xi32, #tpu.memory_space<vmem>> -> memref<1x80xi32, #tpu.memory_space<vmem>>
      %dma_wait3A_822 = tpu.memref_squeeze %dma_wait3A_821 : memref<1x80xi32, #tpu.memory_space<vmem>> -> memref<80xi32, #tpu.memory_space<vmem>>
      %dma_wait3A_823 = arith.constant 0 : i32
      %dma_wait3A_824 = arith.constant 0 : i32
      %dma_wait3A_825 = tpu.memref_slice %arg11[%dma_wait3A_823, %dma_wait3A_824] : memref<10240x32xf32, #tpu.memory_space<vmem_shared>> -> memref<10240x32xf32, #tpu.memory_space<vmem_shared>>
      tpu.wait_indirect_dma semaphore(%arg15 : memref<!tpu.dma_semaphore, #tpu.memory_space<semaphore_mem>>) src(%dma_wait3A_819 : memref<80x32xf32, #tpu.memory_space<vmem>>) dst(%dma_wait3A_825 : memref<10240x32xf32, #tpu.memory_space<vmem_shared>>)
    }
    %scan3A_72 = arith.constant 12 : i32
    %dma_wait3A = arith.constant 120 : i32
    %dma_wait3A_73 = arith.constant 0 : i32
    %dma_wait3A_74 = arith.constant 0 : i32
    %dma_wait3A_75 = arith.constant 0 : i32
    %dma_wait3A_76 = tpu.memref_slice %arg8[%dma_wait3A_73, %dma_wait3A_74, %dma_wait3A_75] : memref<5x80x32xf32, #tpu.memory_space<vmem>> -> memref<1x80x32xf32, #tpu.memory_space<vmem>>
    %dma_wait3A_77 = tpu.memref_squeeze %dma_wait3A_76 : memref<1x80x32xf32, #tpu.memory_space<vmem>> -> memref<80x32xf32, #tpu.memory_space<vmem>>
    %dma_wait3A_78 = arith.constant 0 : i32
    %dma_wait3A_79 = tpu.memref_slice %arg6[%dma_wait3A, %dma_wait3A_78] : memref<125x80xi32, #tpu.memory_space<vmem>> -> memref<1x80xi32, #tpu.memory_space<vmem>>
    %dma_wait3A_80 = tpu.memref_squeeze %dma_wait3A_79 : memref<1x80xi32, #tpu.memory_space<vmem>> -> memref<80xi32, #tpu.memory_space<vmem>>
    %dma_wait3A_81 = arith.constant 0 : i32
    %dma_wait3A_82 = arith.constant 0 : i32
    %dma_wait3A_83 = tpu.memref_slice %arg2[%dma_wait3A_81, %dma_wait3A_82] : memref<10000x32xf32, #tpu.memory_space<hbm>> -> memref<10000x32xf32, #tpu.memory_space<hbm>>
    tpu.wait_indirect_dma semaphore(%arg12 : memref<!tpu.dma_semaphore, #tpu.memory_space<semaphore_mem>>) src(%dma_wait3A_83 : memref<10000x32xf32, #tpu.memory_space<hbm>>) dst(%dma_wait3A_77 : memref<80x32xf32, #tpu.memory_space<vmem>>)
    %dma_start3A_84 = arith.constant 0 : i32
    %dma_start3A_85 = arith.constant 120 : i32
    %dma_start3A_86 = arith.constant 0 : i32
    %dma_start3A_87 = arith.constant 0 : i32
    %dma_start3A_88 = tpu.memref_slice %arg8[%dma_start3A_84, %dma_start3A_86, %dma_start3A_87] : memref<5x80x32xf32, #tpu.memory_space<vmem>> -> memref<1x80x32xf32, #tpu.memory_space<vmem>>
    %dma_start3A_89 = tpu.memref_squeeze %dma_start3A_88 : memref<1x80x32xf32, #tpu.memory_space<vmem>> -> memref<80x32xf32, #tpu.memory_space<vmem>>
    %dma_start3A_90 = arith.constant 0 : i32
    %dma_start3A_91 = tpu.memref_slice %arg7[%dma_start3A_85, %dma_start3A_90] : memref<125x80xi32, #tpu.memory_space<vmem>> -> memref<1x80xi32, #tpu.memory_space<vmem>>
    %dma_start3A_92 = tpu.memref_squeeze %dma_start3A_91 : memref<1x80xi32, #tpu.memory_space<vmem>> -> memref<80xi32, #tpu.memory_space<vmem>>
    %dma_start3A_93 = arith.constant 0 : i32
    %dma_start3A_94 = arith.constant 0 : i32
    %dma_start3A_95 = tpu.memref_slice %arg11[%dma_start3A_93, %dma_start3A_94] : memref<10240x32xf32, #tpu.memory_space<vmem_shared>> -> memref<10240x32xf32, #tpu.memory_space<vmem_shared>>
    tpu.enqueue_indirect_dma source(%dma_start3A_89 : memref<80x32xf32, #tpu.memory_space<vmem>>) target(%dma_start3A_95 : memref<10240x32xf32, #tpu.memory_space<vmem_shared>>) offsets(%dma_start3A_92 : memref<80xi32, #tpu.memory_space<vmem>>) semaphore(%arg14 : memref<!tpu.dma_semaphore, #tpu.memory_space<semaphore_mem>>) {add = true}
    %dma_wait3A_96 = arith.constant 121 : i32
    %dma_wait3A_97 = arith.constant 1 : i32
    %dma_wait3A_98 = arith.constant 0 : i32
    %dma_wait3A_99 = arith.constant 0 : i32
    %dma_wait3A_100 = tpu.memref_slice %arg8[%dma_wait3A_97, %dma_wait3A_98, %dma_wait3A_99] : memref<5x80x32xf32, #tpu.memory_space<vmem>> -> memref<1x80x32xf32, #tpu.memory_space<vmem>>
    %dma_wait3A_101 = tpu.memref_squeeze %dma_wait3A_100 : memref<1x80x32xf32, #tpu.memory_space<vmem>> -> memref<80x32xf32, #tpu.memory_space<vmem>>
    %dma_wait3A_102 = arith.constant 0 : i32
    %dma_wait3A_103 = tpu.memref_slice %arg6[%dma_wait3A_96, %dma_wait3A_102] : memref<125x80xi32, #tpu.memory_space<vmem>> -> memref<1x80xi32, #tpu.memory_space<vmem>>
    %dma_wait3A_104 = tpu.memref_squeeze %dma_wait3A_103 : memref<1x80xi32, #tpu.memory_space<vmem>> -> memref<80xi32, #tpu.memory_space<vmem>>
    %dma_wait3A_105 = arith.constant 0 : i32
    %dma_wait3A_106 = arith.constant 0 : i32
    %dma_wait3A_107 = tpu.memref_slice %arg2[%dma_wait3A_105, %dma_wait3A_106] : memref<10000x32xf32, #tpu.memory_space<hbm>> -> memref<10000x32xf32, #tpu.memory_space<hbm>>
    tpu.wait_indirect_dma semaphore(%arg12 : memref<!tpu.dma_semaphore, #tpu.memory_space<semaphore_mem>>) src(%dma_wait3A_107 : memref<10000x32xf32, #tpu.memory_space<hbm>>) dst(%dma_wait3A_101 : memref<80x32xf32, #tpu.memory_space<vmem>>)
    %dma_start3A_108 = arith.constant 1 : i32
    %dma_start3A_109 = arith.constant 121 : i32
    %dma_start3A_110 = arith.constant 0 : i32
    %dma_start3A_111 = arith.constant 0 : i32
    %dma_start3A_112 = tpu.memref_slice %arg8[%dma_start3A_108, %dma_start3A_110, %dma_start3A_111] : memref<5x80x32xf32, #tpu.memory_space<vmem>> -> memref<1x80x32xf32, #tpu.memory_space<vmem>>
    %dma_start3A_113 = tpu.memref_squeeze %dma_start3A_112 : memref<1x80x32xf32, #tpu.memory_space<vmem>> -> memref<80x32xf32, #tpu.memory_space<vmem>>
    %dma_start3A_114 = arith.constant 0 : i32
    %dma_start3A_115 = tpu.memref_slice %arg7[%dma_start3A_109, %dma_start3A_114] : memref<125x80xi32, #tpu.memory_space<vmem>> -> memref<1x80xi32, #tpu.memory_space<vmem>>
    %dma_start3A_116 = tpu.memref_squeeze %dma_start3A_115 : memref<1x80xi32, #tpu.memory_space<vmem>> -> memref<80xi32, #tpu.memory_space<vmem>>
    %dma_start3A_117 = arith.constant 0 : i32
    %dma_start3A_118 = arith.constant 0 : i32
    %dma_start3A_119 = tpu.memref_slice %arg11[%dma_start3A_117, %dma_start3A_118] : memref<10240x32xf32, #tpu.memory_space<vmem_shared>> -> memref<10240x32xf32, #tpu.memory_space<vmem_shared>>
    tpu.enqueue_indirect_dma source(%dma_start3A_113 : memref<80x32xf32, #tpu.memory_space<vmem>>) target(%dma_start3A_119 : memref<10240x32xf32, #tpu.memory_space<vmem_shared>>) offsets(%dma_start3A_116 : memref<80xi32, #tpu.memory_space<vmem>>) semaphore(%arg14 : memref<!tpu.dma_semaphore, #tpu.memory_space<semaphore_mem>>) {add = true}
    %dma_wait3A_120 = arith.constant 122 : i32
    %dma_wait3A_121 = arith.constant 2 : i32
    %dma_wait3A_122 = arith.constant 0 : i32
    %dma_wait3A_123 = arith.constant 0 : i32
    %dma_wait3A_124 = tpu.memref_slice %arg8[%dma_wait3A_121, %dma_wait3A_122, %dma_wait3A_123] : memref<5x80x32xf32, #tpu.memory_space<vmem>> -> memref<1x80x32xf32, #tpu.memory_space<vmem>>
    %dma_wait3A_125 = tpu.memref_squeeze %dma_wait3A_124 : memref<1x80x32xf32, #tpu.memory_space<vmem>> -> memref<80x32xf32, #tpu.memory_space<vmem>>
    %dma_wait3A_126 = arith.constant 0 : i32
    %dma_wait3A_127 = tpu.memref_slice %arg6[%dma_wait3A_120, %dma_wait3A_126] : memref<125x80xi32, #tpu.memory_space<vmem>> -> memref<1x80xi32, #tpu.memory_space<vmem>>
    %dma_wait3A_128 = tpu.memref_squeeze %dma_wait3A_127 : memref<1x80xi32, #tpu.memory_space<vmem>> -> memref<80xi32, #tpu.memory_space<vmem>>
    %dma_wait3A_129 = arith.constant 0 : i32
    %dma_wait3A_130 = arith.constant 0 : i32
    %dma_wait3A_131 = tpu.memref_slice %arg2[%dma_wait3A_129, %dma_wait3A_130] : memref<10000x32xf32, #tpu.memory_space<hbm>> -> memref<10000x32xf32, #tpu.memory_space<hbm>>
    tpu.wait_indirect_dma semaphore(%arg12 : memref<!tpu.dma_semaphore, #tpu.memory_space<semaphore_mem>>) src(%dma_wait3A_131 : memref<10000x32xf32, #tpu.memory_space<hbm>>) dst(%dma_wait3A_125 : memref<80x32xf32, #tpu.memory_space<vmem>>)
    %dma_start3A_132 = arith.constant 2 : i32
    %dma_start3A_133 = arith.constant 122 : i32
    %dma_start3A_134 = arith.constant 0 : i32
    %dma_start3A_135 = arith.constant 0 : i32
    %dma_start3A_136 = tpu.memref_slice %arg8[%dma_start3A_132, %dma_start3A_134, %dma_start3A_135] : memref<5x80x32xf32, #tpu.memory_space<vmem>> -> memref<1x80x32xf32, #tpu.memory_space<vmem>>
    %dma_start3A_137 = tpu.memref_squeeze %dma_start3A_136 : memref<1x80x32xf32, #tpu.memory_space<vmem>> -> memref<80x32xf32, #tpu.memory_space<vmem>>
    %dma_start3A_138 = arith.constant 0 : i32
    %dma_start3A_139 = tpu.memref_slice %arg7[%dma_start3A_133, %dma_start3A_138] : memref<125x80xi32, #tpu.memory_space<vmem>> -> memref<1x80xi32, #tpu.memory_space<vmem>>
    %dma_start3A_140 = tpu.memref_squeeze %dma_start3A_139 : memref<1x80xi32, #tpu.memory_space<vmem>> -> memref<80xi32, #tpu.memory_space<vmem>>
    %dma_start3A_141 = arith.constant 0 : i32
    %dma_start3A_142 = arith.constant 0 : i32
    %dma_start3A_143 = tpu.memref_slice %arg11[%dma_start3A_141, %dma_start3A_142] : memref<10240x32xf32, #tpu.memory_space<vmem_shared>> -> memref<10240x32xf32, #tpu.memory_space<vmem_shared>>
    tpu.enqueue_indirect_dma source(%dma_start3A_137 : memref<80x32xf32, #tpu.memory_space<vmem>>) target(%dma_start3A_143 : memref<10240x32xf32, #tpu.memory_space<vmem_shared>>) offsets(%dma_start3A_140 : memref<80xi32, #tpu.memory_space<vmem>>) semaphore(%arg14 : memref<!tpu.dma_semaphore, #tpu.memory_space<semaphore_mem>>) {add = true}
    %dma_wait3A_144 = arith.constant 123 : i32
    %dma_wait3A_145 = arith.constant 3 : i32
    %dma_wait3A_146 = arith.constant 0 : i32
    %dma_wait3A_147 = arith.constant 0 : i32
    %dma_wait3A_148 = tpu.memref_slice %arg8[%dma_wait3A_145, %dma_wait3A_146, %dma_wait3A_147] : memref<5x80x32xf32, #tpu.memory_space<vmem>> -> memref<1x80x32xf32, #tpu.memory_space<vmem>>
    %dma_wait3A_149 = tpu.memref_squeeze %dma_wait3A_148 : memref<1x80x32xf32, #tpu.memory_space<vmem>> -> memref<80x32xf32, #tpu.memory_space<vmem>>
    %dma_wait3A_150 = arith.constant 0 : i32
    %dma_wait3A_151 = tpu.memref_slice %arg6[%dma_wait3A_144, %dma_wait3A_150] : memref<125x80xi32, #tpu.memory_space<vmem>> -> memref<1x80xi32, #tpu.memory_space<vmem>>
    %dma_wait3A_152 = tpu.memref_squeeze %dma_wait3A_151 : memref<1x80xi32, #tpu.memory_space<vmem>> -> memref<80xi32, #tpu.memory_space<vmem>>
    %dma_wait3A_153 = arith.constant 0 : i32
    %dma_wait3A_154 = arith.constant 0 : i32
    %dma_wait3A_155 = tpu.memref_slice %arg2[%dma_wait3A_153, %dma_wait3A_154] : memref<10000x32xf32, #tpu.memory_space<hbm>> -> memref<10000x32xf32, #tpu.memory_space<hbm>>
    tpu.wait_indirect_dma semaphore(%arg12 : memref<!tpu.dma_semaphore, #tpu.memory_space<semaphore_mem>>) src(%dma_wait3A_155 : memref<10000x32xf32, #tpu.memory_space<hbm>>) dst(%dma_wait3A_149 : memref<80x32xf32, #tpu.memory_space<vmem>>)
    %dma_start3A_156 = arith.constant 3 : i32
    %dma_start3A_157 = arith.constant 123 : i32
    %dma_start3A_158 = arith.constant 0 : i32
    %dma_start3A_159 = arith.constant 0 : i32
    %dma_start3A_160 = tpu.memref_slice %arg8[%dma_start3A_156, %dma_start3A_158, %dma_start3A_159] : memref<5x80x32xf32, #tpu.memory_space<vmem>> -> memref<1x80x32xf32, #tpu.memory_space<vmem>>
    %dma_start3A_161 = tpu.memref_squeeze %dma_start3A_160 : memref<1x80x32xf32, #tpu.memory_space<vmem>> -> memref<80x32xf32, #tpu.memory_space<vmem>>
    %dma_start3A_162 = arith.constant 0 : i32
    %dma_start3A_163 = tpu.memref_slice %arg7[%dma_start3A_157, %dma_start3A_162] : memref<125x80xi32, #tpu.memory_space<vmem>> -> memref<1x80xi32, #tpu.memory_space<vmem>>
    %dma_start3A_164 = tpu.memref_squeeze %dma_start3A_163 : memref<1x80xi32, #tpu.memory_space<vmem>> -> memref<80xi32, #tpu.memory_space<vmem>>
    %dma_start3A_165 = arith.constant 0 : i32
    %dma_start3A_166 = arith.constant 0 : i32
    %dma_start3A_167 = tpu.memref_slice %arg11[%dma_start3A_165, %dma_start3A_166] : memref<10240x32xf32, #tpu.memory_space<vmem_shared>> -> memref<10240x32xf32, #tpu.memory_space<vmem_shared>>
    tpu.enqueue_indirect_dma source(%dma_start3A_161 : memref<80x32xf32, #tpu.memory_space<vmem>>) target(%dma_start3A_167 : memref<10240x32xf32, #tpu.memory_space<vmem_shared>>) offsets(%dma_start3A_164 : memref<80xi32, #tpu.memory_space<vmem>>) semaphore(%arg14 : memref<!tpu.dma_semaphore, #tpu.memory_space<semaphore_mem>>) {add = true}
    %dma_wait3A_168 = arith.constant 124 : i32
    %dma_wait3A_169 = arith.constant 4 : i32
    %dma_wait3A_170 = arith.constant 0 : i32
    %dma_wait3A_171 = arith.constant 0 : i32
    %dma_wait3A_172 = tpu.memref_slice %arg8[%dma_wait3A_169, %dma_wait3A_170, %dma_wait3A_171] : memref<5x80x32xf32, #tpu.memory_space<vmem>> -> memref<1x80x32xf32, #tpu.memory_space<vmem>>
    %dma_wait3A_173 = tpu.memref_squeeze %dma_wait3A_172 : memref<1x80x32xf32, #tpu.memory_space<vmem>> -> memref<80x32xf32, #tpu.memory_space<vmem>>
    %dma_wait3A_174 = arith.constant 0 : i32
    %dma_wait3A_175 = tpu.memref_slice %arg6[%dma_wait3A_168, %dma_wait3A_174] : memref<125x80xi32, #tpu.memory_space<vmem>> -> memref<1x80xi32, #tpu.memory_space<vmem>>
    %dma_wait3A_176 = tpu.memref_squeeze %dma_wait3A_175 : memref<1x80xi32, #tpu.memory_space<vmem>> -> memref<80xi32, #tpu.memory_space<vmem>>
    %dma_wait3A_177 = arith.constant 0 : i32
    %dma_wait3A_178 = arith.constant 0 : i32
    %dma_wait3A_179 = tpu.memref_slice %arg2[%dma_wait3A_177, %dma_wait3A_178] : memref<10000x32xf32, #tpu.memory_space<hbm>> -> memref<10000x32xf32, #tpu.memory_space<hbm>>
    tpu.wait_indirect_dma semaphore(%arg12 : memref<!tpu.dma_semaphore, #tpu.memory_space<semaphore_mem>>) src(%dma_wait3A_179 : memref<10000x32xf32, #tpu.memory_space<hbm>>) dst(%dma_wait3A_173 : memref<80x32xf32, #tpu.memory_space<vmem>>)
    %dma_start3A_180 = arith.constant 4 : i32
    %dma_start3A_181 = arith.constant 124 : i32
    %dma_start3A_182 = arith.constant 0 : i32
    %dma_start3A_183 = arith.constant 0 : i32
    %dma_start3A_184 = tpu.memref_slice %arg8[%dma_start3A_180, %dma_start3A_182, %dma_start3A_183] : memref<5x80x32xf32, #tpu.memory_space<vmem>> -> memref<1x80x32xf32, #tpu.memory_space<vmem>>
    %dma_start3A_185 = tpu.memref_squeeze %dma_start3A_184 : memref<1x80x32xf32, #tpu.memory_space<vmem>> -> memref<80x32xf32, #tpu.memory_space<vmem>>
    %dma_start3A_186 = arith.constant 0 : i32
    %dma_start3A_187 = tpu.memref_slice %arg7[%dma_start3A_181, %dma_start3A_186] : memref<125x80xi32, #tpu.memory_space<vmem>> -> memref<1x80xi32, #tpu.memory_space<vmem>>
    %dma_start3A_188 = tpu.memref_squeeze %dma_start3A_187 : memref<1x80xi32, #tpu.memory_space<vmem>> -> memref<80xi32, #tpu.memory_space<vmem>>
    %dma_start3A_189 = arith.constant 0 : i32
    %dma_start3A_190 = arith.constant 0 : i32
    %dma_start3A_191 = tpu.memref_slice %arg11[%dma_start3A_189, %dma_start3A_190] : memref<10240x32xf32, #tpu.memory_space<vmem_shared>> -> memref<10240x32xf32, #tpu.memory_space<vmem_shared>>
    tpu.enqueue_indirect_dma source(%dma_start3A_185 : memref<80x32xf32, #tpu.memory_space<vmem>>) target(%dma_start3A_191 : memref<10240x32xf32, #tpu.memory_space<vmem_shared>>) offsets(%dma_start3A_188 : memref<80xi32, #tpu.memory_space<vmem>>) semaphore(%arg14 : memref<!tpu.dma_semaphore, #tpu.memory_space<semaphore_mem>>) {add = true}
    %dma_wait3A_192 = arith.constant 0 : i32
    %dma_wait3A_193 = arith.constant 120 : i32
    %dma_wait3A_194 = arith.constant 0 : i32
    %dma_wait3A_195 = arith.constant 0 : i32
    %dma_wait3A_196 = tpu.memref_slice %arg8[%dma_wait3A_192, %dma_wait3A_194, %dma_wait3A_195] : memref<5x80x32xf32, #tpu.memory_space<vmem>> -> memref<1x80x32xf32, #tpu.memory_space<vmem>>
    %dma_wait3A_197 = tpu.memref_squeeze %dma_wait3A_196 : memref<1x80x32xf32, #tpu.memory_space<vmem>> -> memref<80x32xf32, #tpu.memory_space<vmem>>
    %dma_wait3A_198 = arith.constant 0 : i32
    %dma_wait3A_199 = tpu.memref_slice %arg7[%dma_wait3A_193, %dma_wait3A_198] : memref<125x80xi32, #tpu.memory_space<vmem>> -> memref<1x80xi32, #tpu.memory_space<vmem>>
    %dma_wait3A_200 = tpu.memref_squeeze %dma_wait3A_199 : memref<1x80xi32, #tpu.memory_space<vmem>> -> memref<80xi32, #tpu.memory_space<vmem>>
    %dma_wait3A_201 = arith.constant 0 : i32
    %dma_wait3A_202 = arith.constant 0 : i32
    %dma_wait3A_203 = tpu.memref_slice %arg11[%dma_wait3A_201, %dma_wait3A_202] : memref<10240x32xf32, #tpu.memory_space<vmem_shared>> -> memref<10240x32xf32, #tpu.memory_space<vmem_shared>>
    tpu.wait_indirect_dma semaphore(%arg14 : memref<!tpu.dma_semaphore, #tpu.memory_space<semaphore_mem>>) src(%dma_wait3A_197 : memref<80x32xf32, #tpu.memory_space<vmem>>) dst(%dma_wait3A_203 : memref<10240x32xf32, #tpu.memory_space<vmem_shared>>)
    %dma_wait3A_204 = arith.constant 1 : i32
    %dma_wait3A_205 = arith.constant 121 : i32
    %dma_wait3A_206 = arith.constant 0 : i32
    %dma_wait3A_207 = arith.constant 0 : i32
    %dma_wait3A_208 = tpu.memref_slice %arg8[%dma_wait3A_204, %dma_wait3A_206, %dma_wait3A_207] : memref<5x80x32xf32, #tpu.memory_space<vmem>> -> memref<1x80x32xf32, #tpu.memory_space<vmem>>
    %dma_wait3A_209 = tpu.memref_squeeze %dma_wait3A_208 : memref<1x80x32xf32, #tpu.memory_space<vmem>> -> memref<80x32xf32, #tpu.memory_space<vmem>>
    %dma_wait3A_210 = arith.constant 0 : i32
    %dma_wait3A_211 = tpu.memref_slice %arg7[%dma_wait3A_205, %dma_wait3A_210] : memref<125x80xi32, #tpu.memory_space<vmem>> -> memref<1x80xi32, #tpu.memory_space<vmem>>
    %dma_wait3A_212 = tpu.memref_squeeze %dma_wait3A_211 : memref<1x80xi32, #tpu.memory_space<vmem>> -> memref<80xi32, #tpu.memory_space<vmem>>
    %dma_wait3A_213 = arith.constant 0 : i32
    %dma_wait3A_214 = arith.constant 0 : i32
    %dma_wait3A_215 = tpu.memref_slice %arg11[%dma_wait3A_213, %dma_wait3A_214] : memref<10240x32xf32, #tpu.memory_space<vmem_shared>> -> memref<10240x32xf32, #tpu.memory_space<vmem_shared>>
    tpu.wait_indirect_dma semaphore(%arg14 : memref<!tpu.dma_semaphore, #tpu.memory_space<semaphore_mem>>) src(%dma_wait3A_209 : memref<80x32xf32, #tpu.memory_space<vmem>>) dst(%dma_wait3A_215 : memref<10240x32xf32, #tpu.memory_space<vmem_shared>>)
    %dma_wait3A_216 = arith.constant 2 : i32
    %dma_wait3A_217 = arith.constant 122 : i32
    %dma_wait3A_218 = arith.constant 0 : i32
    %dma_wait3A_219 = arith.constant 0 : i32
    %dma_wait3A_220 = tpu.memref_slice %arg8[%dma_wait3A_216, %dma_wait3A_218, %dma_wait3A_219] : memref<5x80x32xf32, #tpu.memory_space<vmem>> -> memref<1x80x32xf32, #tpu.memory_space<vmem>>
    %dma_wait3A_221 = tpu.memref_squeeze %dma_wait3A_220 : memref<1x80x32xf32, #tpu.memory_space<vmem>> -> memref<80x32xf32, #tpu.memory_space<vmem>>
    %dma_wait3A_222 = arith.constant 0 : i32
    %dma_wait3A_223 = tpu.memref_slice %arg7[%dma_wait3A_217, %dma_wait3A_222] : memref<125x80xi32, #tpu.memory_space<vmem>> -> memref<1x80xi32, #tpu.memory_space<vmem>>
    %dma_wait3A_224 = tpu.memref_squeeze %dma_wait3A_223 : memref<1x80xi32, #tpu.memory_space<vmem>> -> memref<80xi32, #tpu.memory_space<vmem>>
    %dma_wait3A_225 = arith.constant 0 : i32
    %dma_wait3A_226 = arith.constant 0 : i32
    %dma_wait3A_227 = tpu.memref_slice %arg11[%dma_wait3A_225, %dma_wait3A_226] : memref<10240x32xf32, #tpu.memory_space<vmem_shared>> -> memref<10240x32xf32, #tpu.memory_space<vmem_shared>>
    tpu.wait_indirect_dma semaphore(%arg14 : memref<!tpu.dma_semaphore, #tpu.memory_space<semaphore_mem>>) src(%dma_wait3A_221 : memref<80x32xf32, #tpu.memory_space<vmem>>) dst(%dma_wait3A_227 : memref<10240x32xf32, #tpu.memory_space<vmem_shared>>)
    %dma_wait3A_228 = arith.constant 3 : i32
    %dma_wait3A_229 = arith.constant 123 : i32
    %dma_wait3A_230 = arith.constant 0 : i32
    %dma_wait3A_231 = arith.constant 0 : i32
    %dma_wait3A_232 = tpu.memref_slice %arg8[%dma_wait3A_228, %dma_wait3A_230, %dma_wait3A_231] : memref<5x80x32xf32, #tpu.memory_space<vmem>> -> memref<1x80x32xf32, #tpu.memory_space<vmem>>
    %dma_wait3A_233 = tpu.memref_squeeze %dma_wait3A_232 : memref<1x80x32xf32, #tpu.memory_space<vmem>> -> memref<80x32xf32, #tpu.memory_space<vmem>>
    %dma_wait3A_234 = arith.constant 0 : i32
    %dma_wait3A_235 = tpu.memref_slice %arg7[%dma_wait3A_229, %dma_wait3A_234] : memref<125x80xi32, #tpu.memory_space<vmem>> -> memref<1x80xi32, #tpu.memory_space<vmem>>
    %dma_wait3A_236 = tpu.memref_squeeze %dma_wait3A_235 : memref<1x80xi32, #tpu.memory_space<vmem>> -> memref<80xi32, #tpu.memory_space<vmem>>
    %dma_wait3A_237 = arith.constant 0 : i32
    %dma_wait3A_238 = arith.constant 0 : i32
    %dma_wait3A_239 = tpu.memref_slice %arg11[%dma_wait3A_237, %dma_wait3A_238] : memref<10240x32xf32, #tpu.memory_space<vmem_shared>> -> memref<10240x32xf32, #tpu.memory_space<vmem_shared>>
    tpu.wait_indirect_dma semaphore(%arg14 : memref<!tpu.dma_semaphore, #tpu.memory_space<semaphore_mem>>) src(%dma_wait3A_233 : memref<80x32xf32, #tpu.memory_space<vmem>>) dst(%dma_wait3A_239 : memref<10240x32xf32, #tpu.memory_space<vmem_shared>>)
    %dma_wait3A_240 = arith.constant 4 : i32
    %dma_wait3A_241 = arith.constant 124 : i32
    %dma_wait3A_242 = arith.constant 0 : i32
    %dma_wait3A_243 = arith.constant 0 : i32
    %dma_wait3A_244 = tpu.memref_slice %arg8[%dma_wait3A_240, %dma_wait3A_242, %dma_wait3A_243] : memref<5x80x32xf32, #tpu.memory_space<vmem>> -> memref<1x80x32xf32, #tpu.memory_space<vmem>>
    %dma_wait3A_245 = tpu.memref_squeeze %dma_wait3A_244 : memref<1x80x32xf32, #tpu.memory_space<vmem>> -> memref<80x32xf32, #tpu.memory_space<vmem>>
    %dma_wait3A_246 = arith.constant 0 : i32
    %dma_wait3A_247 = tpu.memref_slice %arg7[%dma_wait3A_241, %dma_wait3A_246] : memref<125x80xi32, #tpu.memory_space<vmem>> -> memref<1x80xi32, #tpu.memory_space<vmem>>
    %dma_wait3A_248 = tpu.memref_squeeze %dma_wait3A_247 : memref<1x80xi32, #tpu.memory_space<vmem>> -> memref<80xi32, #tpu.memory_space<vmem>>
    %dma_wait3A_249 = arith.constant 0 : i32
    %dma_wait3A_250 = arith.constant 0 : i32
    %dma_wait3A_251 = tpu.memref_slice %arg11[%dma_wait3A_249, %dma_wait3A_250] : memref<10240x32xf32, #tpu.memory_space<vmem_shared>> -> memref<10240x32xf32, #tpu.memory_space<vmem_shared>>
    tpu.wait_indirect_dma semaphore(%arg14 : memref<!tpu.dma_semaphore, #tpu.memory_space<semaphore_mem>>) src(%dma_wait3A_245 : memref<80x32xf32, #tpu.memory_space<vmem>>) dst(%dma_wait3A_251 : memref<10240x32xf32, #tpu.memory_space<vmem_shared>>)
    %barrier3A_252 = arith.constant 0 : index
    tpu.barrier barrier_id(%barrier3A_252)
    %mul3A_253 = arith.constant 640 : i32
    %mul3A_254 = arith.muli %arg1, %mul3A_253 : i32
    "tpu.region"() ({
      %run_scoped3A = tpu.sem_alloc : memref<!tpu.dma_semaphore, #tpu.memory_space<semaphore_mem>>
      %dma_start3A_257 = arith.constant 0 : i32
      %dma_start3A_258 = tpu.memref_slice %arg11[%mul3A_254, %dma_start3A_257] : memref<10240x32xf32, #tpu.memory_space<vmem_shared>> -> memref<640x32xf32, #tpu.memory_space<vmem_shared>>
      %dma_start3A_259 = arith.constant 0 : i32
      %dma_start3A_260 = tpu.memref_slice %arg11[%mul3A_254, %dma_start3A_259] : memref<10240x32xf32, #tpu.memory_space<vmem_shared>> -> memref<640x32xf32, #tpu.memory_space<vmem_shared>>
      tpu.enqueue_dma source(%dma_start3A_260 : memref<640x32xf32, #tpu.memory_space<vmem_shared>>) target(%arg10 : memref<640x32xf32, #tpu.memory_space<vmem>>) target_semaphore(%run_scoped3A : memref<!tpu.dma_semaphore, #tpu.memory_space<semaphore_mem>>)
      %dma_wait3A_261 = arith.constant 0 : i32
      %dma_wait3A_262 = tpu.memref_slice %arg11[%mul3A_254, %dma_wait3A_261] : memref<10240x32xf32, #tpu.memory_space<vmem_shared>> -> memref<640x32xf32, #tpu.memory_space<vmem_shared>>
      %dma_wait3A_263 = arith.constant 0 : i32
      %dma_wait3A_264 = tpu.memref_slice %arg11[%mul3A_254, %dma_wait3A_263] : memref<10240x32xf32, #tpu.memory_space<vmem_shared>> -> memref<640x32xf32, #tpu.memory_space<vmem_shared>>
      tpu.wait_dma2 semaphore(%run_scoped3A : memref<!tpu.dma_semaphore, #tpu.memory_space<semaphore_mem>>) src(%dma_wait3A_264 : memref<640x32xf32, #tpu.memory_space<vmem_shared>>) dst(%arg10 : memref<640x32xf32, #tpu.memory_space<vmem>>)
      tpu.yield
    }) : () -> ()
    %mul3A_255 = arith.constant 640 : i32
    %mul3A_256 = arith.muli %arg1, %mul3A_255 : i32
    "tpu.region"() ({
      %run_scoped3A = tpu.sem_alloc : memref<!tpu.dma_semaphore, #tpu.memory_space<semaphore_mem>>
      %dma_start3A_257 = arith.constant 0 : i32
      %dma_start3A_258 = tpu.memref_slice %arg5[%arg0, %mul3A_256, %dma_start3A_257] : memref<2x10240x32xf32, #tpu.memory_space<hbm>> -> memref<1x640x32xf32, #tpu.memory_space<hbm>>
      %dma_start3A_259 = tpu.memref_squeeze %dma_start3A_258 : memref<1x640x32xf32, #tpu.memory_space<hbm>> -> memref<640x32xf32, #tpu.memory_space<hbm>>
      %dma_start3A_260 = arith.constant 0 : i32
      %dma_start3A_261 = tpu.memref_slice %arg5[%arg0, %mul3A_256, %dma_start3A_260] : memref<2x10240x32xf32, #tpu.memory_space<hbm>> -> memref<1x640x32xf32, #tpu.memory_space<hbm>>
      %dma_start3A_262 = tpu.memref_squeeze %dma_start3A_261 : memref<1x640x32xf32, #tpu.memory_space<hbm>> -> memref<640x32xf32, #tpu.memory_space<hbm>>
      tpu.enqueue_dma source(%arg10 : memref<640x32xf32, #tpu.memory_space<vmem>>) target(%dma_start3A_262 : memref<640x32xf32, #tpu.memory_space<hbm>>) target_semaphore(%run_scoped3A : memref<!tpu.dma_semaphore, #tpu.memory_space<semaphore_mem>>)
      %dma_wait3A_263 = arith.constant 0 : i32
      %dma_wait3A_264 = tpu.memref_slice %arg5[%arg0, %mul3A_256, %dma_wait3A_263] : memref<2x10240x32xf32, #tpu.memory_space<hbm>> -> memref<1x640x32xf32, #tpu.memory_space<hbm>>
      %dma_wait3A_265 = tpu.memref_squeeze %dma_wait3A_264 : memref<1x640x32xf32, #tpu.memory_space<hbm>> -> memref<640x32xf32, #tpu.memory_space<hbm>>
      %dma_wait3A_266 = arith.constant 0 : i32
      %dma_wait3A_267 = tpu.memref_slice %arg5[%arg0, %mul3A_256, %dma_wait3A_266] : memref<2x10240x32xf32, #tpu.memory_space<hbm>> -> memref<1x640x32xf32, #tpu.memory_space<hbm>>
      %dma_wait3A_268 = tpu.memref_squeeze %dma_wait3A_267 : memref<1x640x32xf32, #tpu.memory_space<hbm>> -> memref<640x32xf32, #tpu.memory_space<hbm>>
      tpu.wait_dma2 semaphore(%run_scoped3A : memref<!tpu.dma_semaphore, #tpu.memory_space<semaphore_mem>>) src(%arg10 : memref<640x32xf32, #tpu.memory_space<vmem>>) dst(%dma_wait3A_268 : memref<640x32xf32, #tpu.memory_space<hbm>>)
      tpu.yield
    }) : () -> ()
    return
  }
}

#map = affine_map<(d0, d1) -> (0, 0)>
#map1 = affine_map<(d0, d1) -> (0, 0, 0)>
module attributes {stable_mosaic.version = 14 : i64} {
  func.func @_sc_segsum_body(%arg0: i32, %arg1: i32, %arg2: memref<10000x32xf32, #tpu.memory_space<hbm>>, %arg3: memref<32x125x80xi32, #tpu.memory_space<hbm>>, %arg4: memref<32x125x80xi32, #tpu.memory_space<hbm>>, %arg5: memref<2x10240x32xf32, #tpu.memory_space<hbm>>, %arg6: memref<125x80xi32, #tpu.memory_space<vmem>>, %arg7: memref<125x80xi32, #tpu.memory_space<vmem>>, %arg8: memref<5x80x32xf32, #tpu.memory_space<vmem>>, %arg9: memref<5x80x32xf32, #tpu.memory_space<vmem>>, %arg10: memref<640x32xf32, #tpu.memory_space<vmem>>, %arg11: memref<10240x32xf32, #tpu.memory_space<vmem_shared>>, %arg12: memref<!tpu.dma_semaphore, #tpu.memory_space<semaphore_mem>>, %arg13: memref<!tpu.dma_semaphore, #tpu.memory_space<semaphore_mem>>, %arg14: memref<!tpu.dma_semaphore, #tpu.memory_space<semaphore_mem>>, %arg15: memref<!tpu.dma_semaphore, #tpu.memory_space<semaphore_mem>>) attributes {dimension_semantics = [#tpu.dimension_semantics<core_parallel>, #tpu.dimension_semantics<subcore_parallel>], iteration_bounds = array<i64: 2, 16>, scalar_prefetch = 0 : i64, scratch_operands = 10 : i64, tpu.core_type = #tpu.core_type<sc_vector_subcore>, window_params = [{transform_indices = #map}, {transform_indices = #map1}, {transform_indices = #map1}, {transform_indices = #map1}]} {
    %mul3A = arith.constant 16 : i32
    %mul3A_0 = arith.muli %arg0, %mul3A : i32
    %add3A = arith.addi %mul3A_0, %arg1 : i32
    "tpu.region"() ({
      %run_scoped3A = tpu.sem_alloc : memref<!tpu.dma_semaphore, #tpu.memory_space<semaphore_mem>>
      %dma_start3A_257 = arith.constant 0 : i32
      %dma_start3A_258 = arith.constant 0 : i32
      %dma_start3A_259 = tpu.memref_slice %arg3[%add3A, %dma_start3A_257, %dma_start3A_258] : memref<32x125x80xi32, #tpu.memory_space<hbm>> -> memref<1x125x80xi32, #tpu.memory_space<hbm>>
      %dma_start3A_260 = tpu.memref_squeeze %dma_start3A_259 : memref<1x125x80xi32, #tpu.memory_space<hbm>> -> memref<125x80xi32, #tpu.memory_space<hbm>>
      %dma_start3A_261 = arith.constant 0 : i32
      %dma_start3A_262 = arith.constant 0 : i32
      %dma_start3A_263 = tpu.memref_slice %arg3[%add3A, %dma_start3A_261, %dma_start3A_262] : memref<32x125x80xi32, #tpu.memory_space<hbm>> -> memref<1x125x80xi32, #tpu.memory_space<hbm>>
      %dma_start3A_264 = tpu.memref_squeeze %dma_start3A_263 : memref<1x125x80xi32, #tpu.memory_space<hbm>> -> memref<125x80xi32, #tpu.memory_space<hbm>>
      tpu.enqueue_dma source(%dma_start3A_264 : memref<125x80xi32, #tpu.memory_space<hbm>>) target(%arg6 : memref<125x80xi32, #tpu.memory_space<vmem>>) target_semaphore(%run_scoped3A : memref<!tpu.dma_semaphore, #tpu.memory_space<semaphore_mem>>)
      %dma_wait3A_265 = arith.constant 0 : i32
      %dma_wait3A_266 = arith.constant 0 : i32
      %dma_wait3A_267 = tpu.memref_slice %arg3[%add3A, %dma_wait3A_265, %dma_wait3A_266] : memref<32x125x80xi32, #tpu.memory_space<hbm>> -> memref<1x125x80xi32, #tpu.memory_space<hbm>>
      %dma_wait3A_268 = tpu.memref_squeeze %dma_wait3A_267 : memref<1x125x80xi32, #tpu.memory_space<hbm>> -> memref<125x80xi32, #tpu.memory_space<hbm>>
      %dma_wait3A_269 = arith.constant 0 : i32
      %dma_wait3A_270 = arith.constant 0 : i32
      %dma_wait3A_271 = tpu.memref_slice %arg3[%add3A, %dma_wait3A_269, %dma_wait3A_270] : memref<32x125x80xi32, #tpu.memory_space<hbm>> -> memref<1x125x80xi32, #tpu.memory_space<hbm>>
      %dma_wait3A_272 = tpu.memref_squeeze %dma_wait3A_271 : memref<1x125x80xi32, #tpu.memory_space<hbm>> -> memref<125x80xi32, #tpu.memory_space<hbm>>
      tpu.wait_dma2 semaphore(%run_scoped3A : memref<!tpu.dma_semaphore, #tpu.memory_space<semaphore_mem>>) src(%dma_wait3A_272 : memref<125x80xi32, #tpu.memory_space<hbm>>) dst(%arg6 : memref<125x80xi32, #tpu.memory_space<vmem>>)
      tpu.yield
    }) : () -> ()
    "tpu.region"() ({
      %run_scoped3A = tpu.sem_alloc : memref<!tpu.dma_semaphore, #tpu.memory_space<semaphore_mem>>
      %dma_start3A_257 = arith.constant 0 : i32
      %dma_start3A_258 = arith.constant 0 : i32
      %dma_start3A_259 = tpu.memref_slice %arg4[%add3A, %dma_start3A_257, %dma_start3A_258] : memref<32x125x80xi32, #tpu.memory_space<hbm>> -> memref<1x125x80xi32, #tpu.memory_space<hbm>>
      %dma_start3A_260 = tpu.memref_squeeze %dma_start3A_259 : memref<1x125x80xi32, #tpu.memory_space<hbm>> -> memref<125x80xi32, #tpu.memory_space<hbm>>
      %dma_start3A_261 = arith.constant 0 : i32
      %dma_start3A_262 = arith.constant 0 : i32
      %dma_start3A_263 = tpu.memref_slice %arg4[%add3A, %dma_start3A_261, %dma_start3A_262] : memref<32x125x80xi32, #tpu.memory_space<hbm>> -> memref<1x125x80xi32, #tpu.memory_space<hbm>>
      %dma_start3A_264 = tpu.memref_squeeze %dma_start3A_263 : memref<1x125x80xi32, #tpu.memory_space<hbm>> -> memref<125x80xi32, #tpu.memory_space<hbm>>
      tpu.enqueue_dma source(%dma_start3A_264 : memref<125x80xi32, #tpu.memory_space<hbm>>) target(%arg7 : memref<125x80xi32, #tpu.memory_space<vmem>>) target_semaphore(%run_scoped3A : memref<!tpu.dma_semaphore, #tpu.memory_space<semaphore_mem>>)
      %dma_wait3A_265 = arith.constant 0 : i32
      %dma_wait3A_266 = arith.constant 0 : i32
      %dma_wait3A_267 = tpu.memref_slice %arg4[%add3A, %dma_wait3A_265, %dma_wait3A_266] : memref<32x125x80xi32, #tpu.memory_space<hbm>> -> memref<1x125x80xi32, #tpu.memory_space<hbm>>
      %dma_wait3A_268 = tpu.memref_squeeze %dma_wait3A_267 : memref<1x125x80xi32, #tpu.memory_space<hbm>> -> memref<125x80xi32, #tpu.memory_space<hbm>>
      %dma_wait3A_269 = arith.constant 0 : i32
      %dma_wait3A_270 = arith.constant 0 : i32
      %dma_wait3A_271 = tpu.memref_slice %arg4[%add3A, %dma_wait3A_269, %dma_wait3A_270] : memref<32x125x80xi32, #tpu.memory_space<hbm>> -> memref<1x125x80xi32, #tpu.memory_space<hbm>>
      %dma_wait3A_272 = tpu.memref_squeeze %dma_wait3A_271 : memref<1x125x80xi32, #tpu.memory_space<hbm>> -> memref<125x80xi32, #tpu.memory_space<hbm>>
      tpu.wait_dma2 semaphore(%run_scoped3A : memref<!tpu.dma_semaphore, #tpu.memory_space<semaphore_mem>>) src(%dma_wait3A_272 : memref<125x80xi32, #tpu.memory_space<hbm>>) dst(%arg7 : memref<125x80xi32, #tpu.memory_space<vmem>>)
      tpu.yield
    }) : () -> ()
    %dma_start3A = arith.constant 0 : i32
    %dma_start3A_1 = arith.constant 0 : i32
    %dma_start3A_2 = arith.constant 0 : i32
    %dma_start3A_3 = arith.constant 0 : i32
    %dma_start3A_4 = tpu.memref_slice %arg8[%dma_start3A_1, %dma_start3A_2, %dma_start3A_3] : memref<5x80x32xf32, #tpu.memory_space<vmem>> -> memref<1x80x32xf32, #tpu.memory_space<vmem>>
    %dma_start3A_5 = tpu.memref_squeeze %dma_start3A_4 : memref<1x80x32xf32, #tpu.memory_space<vmem>> -> memref<80x32xf32, #tpu.memory_space<vmem>>
    %dma_start3A_6 = arith.constant 0 : i32
    %dma_start3A_7 = tpu.memref_slice %arg6[%dma_start3A, %dma_start3A_6] : memref<125x80xi32, #tpu.memory_space<vmem>> -> memref<1x80xi32, #tpu.memory_space<vmem>>
    %dma_start3A_8 = tpu.memref_squeeze %dma_start3A_7 : memref<1x80xi32, #tpu.memory_space<vmem>> -> memref<80xi32, #tpu.memory_space<vmem>>
    %dma_start3A_9 = arith.constant 0 : i32
    %dma_start3A_10 = arith.constant 0 : i32
    %dma_start3A_11 = tpu.memref_slice %arg2[%dma_start3A_9, %dma_start3A_10] : memref<10000x32xf32, #tpu.memory_space<hbm>> -> memref<10000x32xf32, #tpu.memory_space<hbm>>
    tpu.enqueue_indirect_dma source(%dma_start3A_11 : memref<10000x32xf32, #tpu.memory_space<hbm>>) target(%dma_start3A_5 : memref<80x32xf32, #tpu.memory_space<vmem>>) offsets(%dma_start3A_8 : memref<80xi32, #tpu.memory_space<vmem>>) semaphore(%arg12 : memref<!tpu.dma_semaphore, #tpu.memory_space<semaphore_mem>>)
    %dma_start3A_12 = arith.constant 1 : i32
    %dma_start3A_13 = arith.constant 1 : i32
    %dma_start3A_14 = arith.constant 0 : i32
    %dma_start3A_15 = arith.constant 0 : i32
    %dma_start3A_16 = tpu.memref_slice %arg8[%dma_start3A_13, %dma_start3A_14, %dma_start3A_15] : memref<5x80x32xf32, #tpu.memory_space<vmem>> -> memref<1x80x32xf32, #tpu.memory_space<vmem>>
    %dma_start3A_17 = tpu.memref_squeeze %dma_start3A_16 : memref<1x80x32xf32, #tpu.memory_space<vmem>> -> memref<80x32xf32, #tpu.memory_space<vmem>>
    %dma_start3A_18 = arith.constant 0 : i32
    %dma_start3A_19 = tpu.memref_slice %arg6[%dma_start3A_12, %dma_start3A_18] : memref<125x80xi32, #tpu.memory_space<vmem>> -> memref<1x80xi32, #tpu.memory_space<vmem>>
    %dma_start3A_20 = tpu.memref_squeeze %dma_start3A_19 : memref<1x80xi32, #tpu.memory_space<vmem>> -> memref<80xi32, #tpu.memory_space<vmem>>
    %dma_start3A_21 = arith.constant 0 : i32
    %dma_start3A_22 = arith.constant 0 : i32
    %dma_start3A_23 = tpu.memref_slice %arg2[%dma_start3A_21, %dma_start3A_22] : memref<10000x32xf32, #tpu.memory_space<hbm>> -> memref<10000x32xf32, #tpu.memory_space<hbm>>
    tpu.enqueue_indirect_dma source(%dma_start3A_23 : memref<10000x32xf32, #tpu.memory_space<hbm>>) target(%dma_start3A_17 : memref<80x32xf32, #tpu.memory_space<vmem>>) offsets(%dma_start3A_20 : memref<80xi32, #tpu.memory_space<vmem>>) semaphore(%arg12 : memref<!tpu.dma_semaphore, #tpu.memory_space<semaphore_mem>>)
    %dma_start3A_24 = arith.constant 2 : i32
    %dma_start3A_25 = arith.constant 2 : i32
    %dma_start3A_26 = arith.constant 0 : i32
    %dma_start3A_27 = arith.constant 0 : i32
    %dma_start3A_28 = tpu.memref_slice %arg8[%dma_start3A_25, %dma_start3A_26, %dma_start3A_27] : memref<5x80x32xf32, #tpu.memory_space<vmem>> -> memref<1x80x32xf32, #tpu.memory_space<vmem>>
    %dma_start3A_29 = tpu.memref_squeeze %dma_start3A_28 : memref<1x80x32xf32, #tpu.memory_space<vmem>> -> memref<80x32xf32, #tpu.memory_space<vmem>>
    %dma_start3A_30 = arith.constant 0 : i32
    %dma_start3A_31 = tpu.memref_slice %arg6[%dma_start3A_24, %dma_start3A_30] : memref<125x80xi32, #tpu.memory_space<vmem>> -> memref<1x80xi32, #tpu.memory_space<vmem>>
    %dma_start3A_32 = tpu.memref_squeeze %dma_start3A_31 : memref<1x80xi32, #tpu.memory_space<vmem>> -> memref<80xi32, #tpu.memory_space<vmem>>
    %dma_start3A_33 = arith.constant 0 : i32
    %dma_start3A_34 = arith.constant 0 : i32
    %dma_start3A_35 = tpu.memref_slice %arg2[%dma_start3A_33, %dma_start3A_34] : memref<10000x32xf32, #tpu.memory_space<hbm>> -> memref<10000x32xf32, #tpu.memory_space<hbm>>
    tpu.enqueue_indirect_dma source(%dma_start3A_35 : memref<10000x32xf32, #tpu.memory_space<hbm>>) target(%dma_start3A_29 : memref<80x32xf32, #tpu.memory_space<vmem>>) offsets(%dma_start3A_32 : memref<80xi32, #tpu.memory_space<vmem>>) semaphore(%arg12 : memref<!tpu.dma_semaphore, #tpu.memory_space<semaphore_mem>>)
    %dma_start3A_36 = arith.constant 3 : i32
    %dma_start3A_37 = arith.constant 3 : i32
    %dma_start3A_38 = arith.constant 0 : i32
    %dma_start3A_39 = arith.constant 0 : i32
    %dma_start3A_40 = tpu.memref_slice %arg8[%dma_start3A_37, %dma_start3A_38, %dma_start3A_39] : memref<5x80x32xf32, #tpu.memory_space<vmem>> -> memref<1x80x32xf32, #tpu.memory_space<vmem>>
    %dma_start3A_41 = tpu.memref_squeeze %dma_start3A_40 : memref<1x80x32xf32, #tpu.memory_space<vmem>> -> memref<80x32xf32, #tpu.memory_space<vmem>>
    %dma_start3A_42 = arith.constant 0 : i32
    %dma_start3A_43 = tpu.memref_slice %arg6[%dma_start3A_36, %dma_start3A_42] : memref<125x80xi32, #tpu.memory_space<vmem>> -> memref<1x80xi32, #tpu.memory_space<vmem>>
    %dma_start3A_44 = tpu.memref_squeeze %dma_start3A_43 : memref<1x80xi32, #tpu.memory_space<vmem>> -> memref<80xi32, #tpu.memory_space<vmem>>
    %dma_start3A_45 = arith.constant 0 : i32
    %dma_start3A_46 = arith.constant 0 : i32
    %dma_start3A_47 = tpu.memref_slice %arg2[%dma_start3A_45, %dma_start3A_46] : memref<10000x32xf32, #tpu.memory_space<hbm>> -> memref<10000x32xf32, #tpu.memory_space<hbm>>
    tpu.enqueue_indirect_dma source(%dma_start3A_47 : memref<10000x32xf32, #tpu.memory_space<hbm>>) target(%dma_start3A_41 : memref<80x32xf32, #tpu.memory_space<vmem>>) offsets(%dma_start3A_44 : memref<80xi32, #tpu.memory_space<vmem>>) semaphore(%arg12 : memref<!tpu.dma_semaphore, #tpu.memory_space<semaphore_mem>>)
    %dma_start3A_48 = arith.constant 4 : i32
    %dma_start3A_49 = arith.constant 4 : i32
    %dma_start3A_50 = arith.constant 0 : i32
    %dma_start3A_51 = arith.constant 0 : i32
    %dma_start3A_52 = tpu.memref_slice %arg8[%dma_start3A_49, %dma_start3A_50, %dma_start3A_51] : memref<5x80x32xf32, #tpu.memory_space<vmem>> -> memref<1x80x32xf32, #tpu.memory_space<vmem>>
    %dma_start3A_53 = tpu.memref_squeeze %dma_start3A_52 : memref<1x80x32xf32, #tpu.memory_space<vmem>> -> memref<80x32xf32, #tpu.memory_space<vmem>>
    %dma_start3A_54 = arith.constant 0 : i32
    %dma_start3A_55 = tpu.memref_slice %arg6[%dma_start3A_48, %dma_start3A_54] : memref<125x80xi32, #tpu.memory_space<vmem>> -> memref<1x80xi32, #tpu.memory_space<vmem>>
    %dma_start3A_56 = tpu.memref_squeeze %dma_start3A_55 : memref<1x80xi32, #tpu.memory_space<vmem>> -> memref<80xi32, #tpu.memory_space<vmem>>
    %dma_start3A_57 = arith.constant 0 : i32
    %dma_start3A_58 = arith.constant 0 : i32
    %dma_start3A_59 = tpu.memref_slice %arg2[%dma_start3A_57, %dma_start3A_58] : memref<10000x32xf32, #tpu.memory_space<hbm>> -> memref<10000x32xf32, #tpu.memory_space<hbm>>
    tpu.enqueue_indirect_dma source(%dma_start3A_59 : memref<10000x32xf32, #tpu.memory_space<hbm>>) target(%dma_start3A_53 : memref<80x32xf32, #tpu.memory_space<vmem>>) offsets(%dma_start3A_56 : memref<80xi32, #tpu.memory_space<vmem>>) semaphore(%arg12 : memref<!tpu.dma_semaphore, #tpu.memory_space<semaphore_mem>>)
    %scan3A = arith.constant 0 : i32
    %scan3A_60 = arith.constant 0 : i32
    %scan3A_61 = arith.constant 640 : i32
    %scan3A_62 = arith.addi %scan3A_60, %scan3A_61 : i32
    %scan3A_63 = arith.constant 1 : i32
    scf.for %scan3A_257 = %scan3A_60 to %scan3A_62 step %scan3A_63  : i32 {
      %broadcast_in_dim3A = arith.constant 0.000000e+00 : f32
      %broadcast_in_dim3A_258 = vector.broadcast %broadcast_in_dim3A : f32 to vector<16xf32>
      %swap3A = arith.index_cast %scan3A_257 : i32 to index
      %swap3A_259 = arith.constant 0 : index
      %swap3A_260 = tpu.vector_load %arg10[%swap3A, %swap3A_259] {strides = array<i32>} : memref<640x32xf32, #tpu.memory_space<vmem>>, vector<1x16xf32>,
      %swap3A_261 = vector.shape_cast %swap3A_260 : vector<1x16xf32> to vector<16xf32>
      %swap3A_262 = vector.shape_cast %broadcast_in_dim3A_258 : vector<16xf32> to vector<1x16xf32>
      tpu.vector_store %arg10[%swap3A, %swap3A_259], %swap3A_262 {strides = array<i32>} : memref<640x32xf32, #tpu.memory_space<vmem>>, vector<1x16xf32>,
      %broadcast_in_dim3A_263 = arith.constant 0.000000e+00 : f32
      %broadcast_in_dim3A_264 = vector.broadcast %broadcast_in_dim3A_263 : f32 to vector<16xf32>
      %swap3A_265 = arith.index_cast %scan3A_257 : i32 to index
      %swap3A_266 = arith.constant 16 : index
      %swap3A_267 = tpu.vector_load %arg10[%swap3A_265, %swap3A_266] {strides = array<i32>} : memref<640x32xf32, #tpu.memory_space<vmem>>, vector<1x16xf32>,
      %swap3A_268 = vector.shape_cast %swap3A_267 : vector<1x16xf32> to vector<16xf32>
      %swap3A_269 = vector.shape_cast %broadcast_in_dim3A_264 : vector<16xf32> to vector<1x16xf32>
      tpu.vector_store %arg10[%swap3A_265, %swap3A_266], %swap3A_269 {strides = array<i32>} : memref<640x32xf32, #tpu.memory_space<vmem>>, vector<1x16xf32>,
    }
    %scan3A_64 = arith.constant 640 : i32
    %mul3A_65 = arith.constant 640 : i32
    %mul3A_66 = arith.muli %arg1, %mul3A_65 : i32
    "tpu.region"() ({
      %run_scoped3A = tpu.sem_alloc : memref<!tpu.dma_semaphore, #tpu.memory_space<semaphore_mem>>
      %dma_start3A_257 = arith.constant 0 : i32
      %dma_start3A_258 = tpu.memref_slice %arg11[%mul3A_66, %dma_start3A_257] : memref<10240x32xf32, #tpu.memory_space<vmem_shared>> -> memref<640x32xf32, #tpu.memory_space<vmem_shared>>
      %dma_start3A_259 = arith.constant 0 : i32
      %dma_start3A_260 = tpu.memref_slice %arg11[%mul3A_66, %dma_start3A_259] : memref<10240x32xf32, #tpu.memory_space<vmem_shared>> -> memref<640x32xf32, #tpu.memory_space<vmem_shared>>
      tpu.enqueue_dma source(%arg10 : memref<640x32xf32, #tpu.memory_space<vmem>>) target(%dma_start3A_260 : memref<640x32xf32, #tpu.memory_space<vmem_shared>>) target_semaphore(%run_scoped3A : memref<!tpu.dma_semaphore, #tpu.memory_space<semaphore_mem>>)
      %dma_wait3A_261 = arith.constant 0 : i32
      %dma_wait3A_262 = tpu.memref_slice %arg11[%mul3A_66, %dma_wait3A_261] : memref<10240x32xf32, #tpu.memory_space<vmem_shared>> -> memref<640x32xf32, #tpu.memory_space<vmem_shared>>
      %dma_wait3A_263 = arith.constant 0 : i32
      %dma_wait3A_264 = tpu.memref_slice %arg11[%mul3A_66, %dma_wait3A_263] : memref<10240x32xf32, #tpu.memory_space<vmem_shared>> -> memref<640x32xf32, #tpu.memory_space<vmem_shared>>
      tpu.wait_dma2 semaphore(%run_scoped3A : memref<!tpu.dma_semaphore, #tpu.memory_space<semaphore_mem>>) src(%arg10 : memref<640x32xf32, #tpu.memory_space<vmem>>) dst(%dma_wait3A_264 : memref<640x32xf32, #tpu.memory_space<vmem_shared>>)
      tpu.yield
    }) : () -> ()
    %barrier3A = arith.constant 0 : index
    tpu.barrier barrier_id(%barrier3A)
    %scan3A_67 = arith.constant 0 : i32
    %scan3A_68 = arith.constant 0 : i32
    %scan3A_69 = arith.constant 12 : i32
    %scan3A_70 = arith.addi %scan3A_68, %scan3A_69 : i32
    %scan3A_71 = arith.constant 1 : i32
    scf.for %scan3A_257 = %scan3A_68 to %scan3A_70 step %scan3A_71  : i32 {
      %mul3A_258 = arith.constant 2 : i32
      %mul3A_259 = arith.muli %mul3A_258, %scan3A_257 : i32
      %add3A_260 = arith.constant 1 : i32
      %add3A_261 = arith.addi %mul3A_259, %add3A_260 : i32
      %mul3A_262 = arith.constant 5 : i32
      %mul3A_263 = arith.muli %add3A_261, %mul3A_262 : i32
      %add3A_264 = arith.constant 0 : i32
      %add3A_265 = arith.addi %mul3A_263, %add3A_264 : i32
      %dma_start3A_266 = arith.constant 0 : i32
      %dma_start3A_267 = arith.constant 0 : i32
      %dma_start3A_268 = arith.constant 0 : i32
      %dma_start3A_269 = tpu.memref_slice %arg9[%dma_start3A_266, %dma_start3A_267, %dma_start3A_268] : memref<5x80x32xf32, #tpu.memory_space<vmem>> -> memref<1x80x32xf32, #tpu.memory_space<vmem>>
      %dma_start3A_270 = tpu.memref_squeeze %dma_start3A_269 : memref<1x80x32xf32, #tpu.memory_space<vmem>> -> memref<80x32xf32, #tpu.memory_space<vmem>>
      %dma_start3A_271 = arith.constant 0 : i32
      %dma_start3A_272 = tpu.memref_slice %arg6[%add3A_265, %dma_start3A_271] : memref<125x80xi32, #tpu.memory_space<vmem>> -> memref<1x80xi32, #tpu.memory_space<vmem>>
      %dma_start3A_273 = tpu.memref_squeeze %dma_start3A_272 : memref<1x80xi32, #tpu.memory_space<vmem>> -> memref<80xi32, #tpu.memory_space<vmem>>
      %dma_start3A_274 = arith.constant 0 : i32
      %dma_start3A_275 = arith.constant 0 : i32
      %dma_start3A_276 = tpu.memref_slice %arg2[%dma_start3A_274, %dma_start3A_275] : memref<10000x32xf32, #tpu.memory_space<hbm>> -> memref<10000x32xf32, #tpu.memory_space<hbm>>
      tpu.enqueue_indirect_dma source(%dma_start3A_276 : memref<10000x32xf32, #tpu.memory_space<hbm>>) target(%dma_start3A_270 : memref<80x32xf32, #tpu.memory_space<vmem>>) offsets(%dma_start3A_273 : memref<80xi32, #tpu.memory_space<vmem>>) semaphore(%arg13 : memref<!tpu.dma_semaphore, #tpu.memory_space<semaphore_mem>>)
      %mul3A_277 = arith.constant 5 : i32
      %mul3A_278 = arith.muli %add3A_261, %mul3A_277 : i32
      %add3A_279 = arith.constant 1 : i32
      %add3A_280 = arith.addi %mul3A_278, %add3A_279 : i32
      %dma_start3A_281 = arith.constant 1 : i32
      %dma_start3A_282 = arith.constant 0 : i32
      %dma_start3A_283 = arith.constant 0 : i32
      %dma_start3A_284 = tpu.memref_slice %arg9[%dma_start3A_281, %dma_start3A_282, %dma_start3A_283] : memref<5x80x32xf32, #tpu.memory_space<vmem>> -> memref<1x80x32xf32, #tpu.memory_space<vmem>>
      %dma_start3A_285 = tpu.memref_squeeze %dma_start3A_284 : memref<1x80x32xf32, #tpu.memory_space<vmem>> -> memref<80x32xf32, #tpu.memory_space<vmem>>
      %dma_start3A_286 = arith.constant 0 : i32
      %dma_start3A_287 = tpu.memref_slice %arg6[%add3A_280, %dma_start3A_286] : memref<125x80xi32, #tpu.memory_space<vmem>> -> memref<1x80xi32, #tpu.memory_space<vmem>>
      %dma_start3A_288 = tpu.memref_squeeze %dma_start3A_287 : memref<1x80xi32, #tpu.memory_space<vmem>> -> memref<80xi32, #tpu.memory_space<vmem>>
      %dma_start3A_289 = arith.constant 0 : i32
      %dma_start3A_290 = arith.constant 0 : i32
      %dma_start3A_291 = tpu.memref_slice %arg2[%dma_start3A_289, %dma_start3A_290] : memref<10000x32xf32, #tpu.memory_space<hbm>> -> memref<10000x32xf32, #tpu.memory_space<hbm>>
      tpu.enqueue_indirect_dma source(%dma_start3A_291 : memref<10000x32xf32, #tpu.memory_space<hbm>>) target(%dma_start3A_285 : memref<80x32xf32, #tpu.memory_space<vmem>>) offsets(%dma_start3A_288 : memref<80xi32, #tpu.memory_space<vmem>>) semaphore(%arg13 : memref<!tpu.dma_semaphore, #tpu.memory_space<semaphore_mem>>)
      %mul3A_292 = arith.constant 5 : i32
      %mul3A_293 = arith.muli %add3A_261, %mul3A_292 : i32
      %add3A_294 = arith.constant 2 : i32
      %add3A_295 = arith.addi %mul3A_293, %add3A_294 : i32
      %dma_start3A_296 = arith.constant 2 : i32
      %dma_start3A_297 = arith.constant 0 : i32
      %dma_start3A_298 = arith.constant 0 : i32
      %dma_start3A_299 = tpu.memref_slice %arg9[%dma_start3A_296, %dma_start3A_297, %dma_start3A_298] : memref<5x80x32xf32, #tpu.memory_space<vmem>> -> memref<1x80x32xf32, #tpu.memory_space<vmem>>
      %dma_start3A_300 = tpu.memref_squeeze %dma_start3A_299 : memref<1x80x32xf32, #tpu.memory_space<vmem>> -> memref<80x32xf32, #tpu.memory_space<vmem>>
      %dma_start3A_301 = arith.constant 0 : i32
      %dma_start3A_302 = tpu.memref_slice %arg6[%add3A_295, %dma_start3A_301] : memref<125x80xi32, #tpu.memory_space<vmem>> -> memref<1x80xi32, #tpu.memory_space<vmem>>
      %dma_start3A_303 = tpu.memref_squeeze %dma_start3A_302 : memref<1x80xi32, #tpu.memory_space<vmem>> -> memref<80xi32, #tpu.memory_space<vmem>>
      %dma_start3A_304 = arith.constant 0 : i32
      %dma_start3A_305 = arith.constant 0 : i32
      %dma_start3A_306 = tpu.memref_slice %arg2[%dma_start3A_304, %dma_start3A_305] : memref<10000x32xf32, #tpu.memory_space<hbm>> -> memref<10000x32xf32, #tpu.memory_space<hbm>>
      tpu.enqueue_indirect_dma source(%dma_start3A_306 : memref<10000x32xf32, #tpu.memory_space<hbm>>) target(%dma_start3A_300 : memref<80x32xf32, #tpu.memory_space<vmem>>) offsets(%dma_start3A_303 : memref<80xi32, #tpu.memory_space<vmem>>) semaphore(%arg13 : memref<!tpu.dma_semaphore, #tpu.memory_space<semaphore_mem>>)
      %mul3A_307 = arith.constant 5 : i32
      %mul3A_308 = arith.muli %add3A_261, %mul3A_307 : i32
      %add3A_309 = arith.constant 3 : i32
      %add3A_310 = arith.addi %mul3A_308, %add3A_309 : i32
      %dma_start3A_311 = arith.constant 3 : i32
      %dma_start3A_312 = arith.constant 0 : i32
      %dma_start3A_313 = arith.constant 0 : i32
      %dma_start3A_314 = tpu.memref_slice %arg9[%dma_start3A_311, %dma_start3A_312, %dma_start3A_313] : memref<5x80x32xf32, #tpu.memory_space<vmem>> -> memref<1x80x32xf32, #tpu.memory_space<vmem>>
      %dma_start3A_315 = tpu.memref_squeeze %dma_start3A_314 : memref<1x80x32xf32, #tpu.memory_space<vmem>> -> memref<80x32xf32, #tpu.memory_space<vmem>>
      %dma_start3A_316 = arith.constant 0 : i32
      %dma_start3A_317 = tpu.memref_slice %arg6[%add3A_310, %dma_start3A_316] : memref<125x80xi32, #tpu.memory_space<vmem>> -> memref<1x80xi32, #tpu.memory_space<vmem>>
      %dma_start3A_318 = tpu.memref_squeeze %dma_start3A_317 : memref<1x80xi32, #tpu.memory_space<vmem>> -> memref<80xi32, #tpu.memory_space<vmem>>
      %dma_start3A_319 = arith.constant 0 : i32
      %dma_start3A_320 = arith.constant 0 : i32
      %dma_start3A_321 = tpu.memref_slice %arg2[%dma_start3A_319, %dma_start3A_320] : memref<10000x32xf32, #tpu.memory_space<hbm>> -> memref<10000x32xf32, #tpu.memory_space<hbm>>
      tpu.enqueue_indirect_dma source(%dma_start3A_321 : memref<10000x32xf32, #tpu.memory_space<hbm>>) target(%dma_start3A_315 : memref<80x32xf32, #tpu.memory_space<vmem>>) offsets(%dma_start3A_318 : memref<80xi32, #tpu.memory_space<vmem>>) semaphore(%arg13 : memref<!tpu.dma_semaphore, #tpu.memory_space<semaphore_mem>>)
      %mul3A_322 = arith.constant 5 : i32
      %mul3A_323 = arith.muli %add3A_261, %mul3A_322 : i32
      %add3A_324 = arith.constant 4 : i32
      %add3A_325 = arith.addi %mul3A_323, %add3A_324 : i32
      %dma_start3A_326 = arith.constant 4 : i32
      %dma_start3A_327 = arith.constant 0 : i32
      %dma_start3A_328 = arith.constant 0 : i32
      %dma_start3A_329 = tpu.memref_slice %arg9[%dma_start3A_326, %dma_start3A_327, %dma_start3A_328] : memref<5x80x32xf32, #tpu.memory_space<vmem>> -> memref<1x80x32xf32, #tpu.memory_space<vmem>>
      %dma_start3A_330 = tpu.memref_squeeze %dma_start3A_329 : memref<1x80x32xf32, #tpu.memory_space<vmem>> -> memref<80x32xf32, #tpu.memory_space<vmem>>
      %dma_start3A_331 = arith.constant 0 : i32
      %dma_start3A_332 = tpu.memref_slice %arg6[%add3A_325, %dma_start3A_331] : memref<125x80xi32, #tpu.memory_space<vmem>> -> memref<1x80xi32, #tpu.memory_space<vmem>>
      %dma_start3A_333 = tpu.memref_squeeze %dma_start3A_332 : memref<1x80xi32, #tpu.memory_space<vmem>> -> memref<80xi32, #tpu.memory_space<vmem>>
      %dma_start3A_334 = arith.constant 0 : i32
      %dma_start3A_335 = arith.constant 0 : i32
      %dma_start3A_336 = tpu.memref_slice %arg2[%dma_start3A_334, %dma_start3A_335] : memref<10000x32xf32, #tpu.memory_space<hbm>> -> memref<10000x32xf32, #tpu.memory_space<hbm>>
      tpu.enqueue_indirect_dma source(%dma_start3A_336 : memref<10000x32xf32, #tpu.memory_space<hbm>>) target(%dma_start3A_330 : memref<80x32xf32, #tpu.memory_space<vmem>>) offsets(%dma_start3A_333 : memref<80xi32, #tpu.memory_space<vmem>>) semaphore(%arg13 : memref<!tpu.dma_semaphore, #tpu.memory_space<semaphore_mem>>)
      %mul3A_337 = arith.constant 5 : i32
      %mul3A_338 = arith.muli %mul3A_259, %mul3A_337 : i32
      %add3A_339 = arith.constant 0 : i32
      %add3A_340 = arith.addi %mul3A_338, %add3A_339 : i32
      %dma_wait3A_341 = arith.constant 0 : i32
      %dma_wait3A_342 = arith.constant 0 : i32
      %dma_wait3A_343 = arith.constant 0 : i32
      %dma_wait3A_344 = tpu.memref_slice %arg8[%dma_wait3A_341, %dma_wait3A_342, %dma_wait3A_343] : memref<5x80x32xf32, #tpu.memory_space<vmem>> -> memref<1x80x32xf32, #tpu.memory_space<vmem>>
      %dma_wait3A_345 = tpu.memref_squeeze %dma_wait3A_344 : memref<1x80x32xf32, #tpu.memory_space<vmem>> -> memref<80x32xf32, #tpu.memory_space<vmem>>
      %dma_wait3A_346 = arith.constant 0 : i32
      %dma_wait3A_347 = tpu.memref_slice %arg6[%add3A_340, %dma_wait3A_346] : memref<125x80xi32, #tpu.memory_space<vmem>> -> memref<1x80xi32, #tpu.memory_space<vmem>>
      %dma_wait3A_348 = tpu.memref_squeeze %dma_wait3A_347 : memref<1x80xi32, #tpu.memory_space<vmem>> -> memref<80xi32, #tpu.memory_space<vmem>>
      %dma_wait3A_349 = arith.constant 0 : i32
      %dma_wait3A_350 = arith.constant 0 : i32
      %dma_wait3A_351 = tpu.memref_slice %arg2[%dma_wait3A_349, %dma_wait3A_350] : memref<10000x32xf32, #tpu.memory_space<hbm>> -> memref<10000x32xf32, #tpu.memory_space<hbm>>
      tpu.wait_indirect_dma semaphore(%arg12 : memref<!tpu.dma_semaphore, #tpu.memory_space<semaphore_mem>>) src(%dma_wait3A_351 : memref<10000x32xf32, #tpu.memory_space<hbm>>) dst(%dma_wait3A_345 : memref<80x32xf32, #tpu.memory_space<vmem>>)
      %mul3A_352 = arith.constant 5 : i32
      %mul3A_353 = arith.muli %mul3A_259, %mul3A_352 : i32
      %add3A_354 = arith.constant 0 : i32
      %add3A_355 = arith.addi %mul3A_353, %add3A_354 : i32
      %dma_start3A_356 = arith.constant 0 : i32
      %dma_start3A_357 = arith.constant 0 : i32
      %dma_start3A_358 = arith.constant 0 : i32
      %dma_start3A_359 = tpu.memref_slice %arg8[%dma_start3A_356, %dma_start3A_357, %dma_start3A_358] : memref<5x80x32xf32, #tpu.memory_space<vmem>> -> memref<1x80x32xf32, #tpu.memory_space<vmem>>
      %dma_start3A_360 = tpu.memref_squeeze %dma_start3A_359 : memref<1x80x32xf32, #tpu.memory_space<vmem>> -> memref<80x32xf32, #tpu.memory_space<vmem>>
      %dma_start3A_361 = arith.constant 0 : i32
      %dma_start3A_362 = tpu.memref_slice %arg7[%add3A_355, %dma_start3A_361] : memref<125x80xi32, #tpu.memory_space<vmem>> -> memref<1x80xi32, #tpu.memory_space<vmem>>
      %dma_start3A_363 = tpu.memref_squeeze %dma_start3A_362 : memref<1x80xi32, #tpu.memory_space<vmem>> -> memref<80xi32, #tpu.memory_space<vmem>>
      %dma_start3A_364 = arith.constant 0 : i32
      %dma_start3A_365 = arith.constant 0 : i32
      %dma_start3A_366 = tpu.memref_slice %arg11[%dma_start3A_364, %dma_start3A_365] : memref<10240x32xf32, #tpu.memory_space<vmem_shared>> -> memref<10240x32xf32, #tpu.memory_space<vmem_shared>>
      tpu.enqueue_indirect_dma source(%dma_start3A_360 : memref<80x32xf32, #tpu.memory_space<vmem>>) target(%dma_start3A_366 : memref<10240x32xf32, #tpu.memory_space<vmem_shared>>) offsets(%dma_start3A_363 : memref<80xi32, #tpu.memory_space<vmem>>) semaphore(%arg14 : memref<!tpu.dma_semaphore, #tpu.memory_space<semaphore_mem>>) {add = true}
      %mul3A_367 = arith.constant 5 : i32
      %mul3A_368 = arith.muli %mul3A_259, %mul3A_367 : i32
      %add3A_369 = arith.constant 1 : i32
      %add3A_370 = arith.addi %mul3A_368, %add3A_369 : i32
      %dma_wait3A_371 = arith.constant 1 : i32
      %dma_wait3A_372 = arith.constant 0 : i32
      %dma_wait3A_373 = arith.constant 0 : i32
      %dma_wait3A_374 = tpu.memref_slice %arg8[%dma_wait3A_371, %dma_wait3A_372, %dma_wait3A_373] : memref<5x80x32xf32, #tpu.memory_space<vmem>> -> memref<1x80x32xf32, #tpu.memory_space<vmem>>
      %dma_wait3A_375 = tpu.memref_squeeze %dma_wait3A_374 : memref<1x80x32xf32, #tpu.memory_space<vmem>> -> memref<80x32xf32, #tpu.memory_space<vmem>>
      %dma_wait3A_376 = arith.constant 0 : i32
      %dma_wait3A_377 = tpu.memref_slice %arg6[%add3A_370, %dma_wait3A_376] : memref<125x80xi32, #tpu.memory_space<vmem>> -> memref<1x80xi32, #tpu.memory_space<vmem>>
      %dma_wait3A_378 = tpu.memref_squeeze %dma_wait3A_377 : memref<1x80xi32, #tpu.memory_space<vmem>> -> memref<80xi32, #tpu.memory_space<vmem>>
      %dma_wait3A_379 = arith.constant 0 : i32
      %dma_wait3A_380 = arith.constant 0 : i32
      %dma_wait3A_381 = tpu.memref_slice %arg2[%dma_wait3A_379, %dma_wait3A_380] : memref<10000x32xf32, #tpu.memory_space<hbm>> -> memref<10000x32xf32, #tpu.memory_space<hbm>>
      tpu.wait_indirect_dma semaphore(%arg12 : memref<!tpu.dma_semaphore, #tpu.memory_space<semaphore_mem>>) src(%dma_wait3A_381 : memref<10000x32xf32, #tpu.memory_space<hbm>>) dst(%dma_wait3A_375 : memref<80x32xf32, #tpu.memory_space<vmem>>)
      %mul3A_382 = arith.constant 5 : i32
      %mul3A_383 = arith.muli %mul3A_259, %mul3A_382 : i32
      %add3A_384 = arith.constant 1 : i32
      %add3A_385 = arith.addi %mul3A_383, %add3A_384 : i32
      %dma_start3A_386 = arith.constant 1 : i32
      %dma_start3A_387 = arith.constant 0 : i32
      %dma_start3A_388 = arith.constant 0 : i32
      %dma_start3A_389 = tpu.memref_slice %arg8[%dma_start3A_386, %dma_start3A_387, %dma_start3A_388] : memref<5x80x32xf32, #tpu.memory_space<vmem>> -> memref<1x80x32xf32, #tpu.memory_space<vmem>>
      %dma_start3A_390 = tpu.memref_squeeze %dma_start3A_389 : memref<1x80x32xf32, #tpu.memory_space<vmem>> -> memref<80x32xf32, #tpu.memory_space<vmem>>
      %dma_start3A_391 = arith.constant 0 : i32
      %dma_start3A_392 = tpu.memref_slice %arg7[%add3A_385, %dma_start3A_391] : memref<125x80xi32, #tpu.memory_space<vmem>> -> memref<1x80xi32, #tpu.memory_space<vmem>>
      %dma_start3A_393 = tpu.memref_squeeze %dma_start3A_392 : memref<1x80xi32, #tpu.memory_space<vmem>> -> memref<80xi32, #tpu.memory_space<vmem>>
      %dma_start3A_394 = arith.constant 0 : i32
      %dma_start3A_395 = arith.constant 0 : i32
      %dma_start3A_396 = tpu.memref_slice %arg11[%dma_start3A_394, %dma_start3A_395] : memref<10240x32xf32, #tpu.memory_space<vmem_shared>> -> memref<10240x32xf32, #tpu.memory_space<vmem_shared>>
      tpu.enqueue_indirect_dma source(%dma_start3A_390 : memref<80x32xf32, #tpu.memory_space<vmem>>) target(%dma_start3A_396 : memref<10240x32xf32, #tpu.memory_space<vmem_shared>>) offsets(%dma_start3A_393 : memref<80xi32, #tpu.memory_space<vmem>>) semaphore(%arg14 : memref<!tpu.dma_semaphore, #tpu.memory_space<semaphore_mem>>) {add = true}
      %mul3A_397 = arith.constant 5 : i32
      %mul3A_398 = arith.muli %mul3A_259, %mul3A_397 : i32
      %add3A_399 = arith.constant 2 : i32
      %add3A_400 = arith.addi %mul3A_398, %add3A_399 : i32
      %dma_wait3A_401 = arith.constant 2 : i32
      %dma_wait3A_402 = arith.constant 0 : i32
      %dma_wait3A_403 = arith.constant 0 : i32
      %dma_wait3A_404 = tpu.memref_slice %arg8[%dma_wait3A_401, %dma_wait3A_402, %dma_wait3A_403] : memref<5x80x32xf32, #tpu.memory_space<vmem>> -> memref<1x80x32xf32, #tpu.memory_space<vmem>>
      %dma_wait3A_405 = tpu.memref_squeeze %dma_wait3A_404 : memref<1x80x32xf32, #tpu.memory_space<vmem>> -> memref<80x32xf32, #tpu.memory_space<vmem>>
      %dma_wait3A_406 = arith.constant 0 : i32
      %dma_wait3A_407 = tpu.memref_slice %arg6[%add3A_400, %dma_wait3A_406] : memref<125x80xi32, #tpu.memory_space<vmem>> -> memref<1x80xi32, #tpu.memory_space<vmem>>
      %dma_wait3A_408 = tpu.memref_squeeze %dma_wait3A_407 : memref<1x80xi32, #tpu.memory_space<vmem>> -> memref<80xi32, #tpu.memory_space<vmem>>
      %dma_wait3A_409 = arith.constant 0 : i32
      %dma_wait3A_410 = arith.constant 0 : i32
      %dma_wait3A_411 = tpu.memref_slice %arg2[%dma_wait3A_409, %dma_wait3A_410] : memref<10000x32xf32, #tpu.memory_space<hbm>> -> memref<10000x32xf32, #tpu.memory_space<hbm>>
      tpu.wait_indirect_dma semaphore(%arg12 : memref<!tpu.dma_semaphore, #tpu.memory_space<semaphore_mem>>) src(%dma_wait3A_411 : memref<10000x32xf32, #tpu.memory_space<hbm>>) dst(%dma_wait3A_405 : memref<80x32xf32, #tpu.memory_space<vmem>>)
      %mul3A_412 = arith.constant 5 : i32
      %mul3A_413 = arith.muli %mul3A_259, %mul3A_412 : i32
      %add3A_414 = arith.constant 2 : i32
      %add3A_415 = arith.addi %mul3A_413, %add3A_414 : i32
      %dma_start3A_416 = arith.constant 2 : i32
      %dma_start3A_417 = arith.constant 0 : i32
      %dma_start3A_418 = arith.constant 0 : i32
      %dma_start3A_419 = tpu.memref_slice %arg8[%dma_start3A_416, %dma_start3A_417, %dma_start3A_418] : memref<5x80x32xf32, #tpu.memory_space<vmem>> -> memref<1x80x32xf32, #tpu.memory_space<vmem>>
      %dma_start3A_420 = tpu.memref_squeeze %dma_start3A_419 : memref<1x80x32xf32, #tpu.memory_space<vmem>> -> memref<80x32xf32, #tpu.memory_space<vmem>>
      %dma_start3A_421 = arith.constant 0 : i32
      %dma_start3A_422 = tpu.memref_slice %arg7[%add3A_415, %dma_start3A_421] : memref<125x80xi32, #tpu.memory_space<vmem>> -> memref<1x80xi32, #tpu.memory_space<vmem>>
      %dma_start3A_423 = tpu.memref_squeeze %dma_start3A_422 : memref<1x80xi32, #tpu.memory_space<vmem>> -> memref<80xi32, #tpu.memory_space<vmem>>
      %dma_start3A_424 = arith.constant 0 : i32
      %dma_start3A_425 = arith.constant 0 : i32
      %dma_start3A_426 = tpu.memref_slice %arg11[%dma_start3A_424, %dma_start3A_425] : memref<10240x32xf32, #tpu.memory_space<vmem_shared>> -> memref<10240x32xf32, #tpu.memory_space<vmem_shared>>
      tpu.enqueue_indirect_dma source(%dma_start3A_420 : memref<80x32xf32, #tpu.memory_space<vmem>>) target(%dma_start3A_426 : memref<10240x32xf32, #tpu.memory_space<vmem_shared>>) offsets(%dma_start3A_423 : memref<80xi32, #tpu.memory_space<vmem>>) semaphore(%arg14 : memref<!tpu.dma_semaphore, #tpu.memory_space<semaphore_mem>>) {add = true}
      %mul3A_427 = arith.constant 5 : i32
      %mul3A_428 = arith.muli %mul3A_259, %mul3A_427 : i32
      %add3A_429 = arith.constant 3 : i32
      %add3A_430 = arith.addi %mul3A_428, %add3A_429 : i32
      %dma_wait3A_431 = arith.constant 3 : i32
      %dma_wait3A_432 = arith.constant 0 : i32
      %dma_wait3A_433 = arith.constant 0 : i32
      %dma_wait3A_434 = tpu.memref_slice %arg8[%dma_wait3A_431, %dma_wait3A_432, %dma_wait3A_433] : memref<5x80x32xf32, #tpu.memory_space<vmem>> -> memref<1x80x32xf32, #tpu.memory_space<vmem>>
      %dma_wait3A_435 = tpu.memref_squeeze %dma_wait3A_434 : memref<1x80x32xf32, #tpu.memory_space<vmem>> -> memref<80x32xf32, #tpu.memory_space<vmem>>
      %dma_wait3A_436 = arith.constant 0 : i32
      %dma_wait3A_437 = tpu.memref_slice %arg6[%add3A_430, %dma_wait3A_436] : memref<125x80xi32, #tpu.memory_space<vmem>> -> memref<1x80xi32, #tpu.memory_space<vmem>>
      %dma_wait3A_438 = tpu.memref_squeeze %dma_wait3A_437 : memref<1x80xi32, #tpu.memory_space<vmem>> -> memref<80xi32, #tpu.memory_space<vmem>>
      %dma_wait3A_439 = arith.constant 0 : i32
      %dma_wait3A_440 = arith.constant 0 : i32
      %dma_wait3A_441 = tpu.memref_slice %arg2[%dma_wait3A_439, %dma_wait3A_440] : memref<10000x32xf32, #tpu.memory_space<hbm>> -> memref<10000x32xf32, #tpu.memory_space<hbm>>
      tpu.wait_indirect_dma semaphore(%arg12 : memref<!tpu.dma_semaphore, #tpu.memory_space<semaphore_mem>>) src(%dma_wait3A_441 : memref<10000x32xf32, #tpu.memory_space<hbm>>) dst(%dma_wait3A_435 : memref<80x32xf32, #tpu.memory_space<vmem>>)
      %mul3A_442 = arith.constant 5 : i32
      %mul3A_443 = arith.muli %mul3A_259, %mul3A_442 : i32
      %add3A_444 = arith.constant 3 : i32
      %add3A_445 = arith.addi %mul3A_443, %add3A_444 : i32
      %dma_start3A_446 = arith.constant 3 : i32
      %dma_start3A_447 = arith.constant 0 : i32
      %dma_start3A_448 = arith.constant 0 : i32
      %dma_start3A_449 = tpu.memref_slice %arg8[%dma_start3A_446, %dma_start3A_447, %dma_start3A_448] : memref<5x80x32xf32, #tpu.memory_space<vmem>> -> memref<1x80x32xf32, #tpu.memory_space<vmem>>
      %dma_start3A_450 = tpu.memref_squeeze %dma_start3A_449 : memref<1x80x32xf32, #tpu.memory_space<vmem>> -> memref<80x32xf32, #tpu.memory_space<vmem>>
      %dma_start3A_451 = arith.constant 0 : i32
      %dma_start3A_452 = tpu.memref_slice %arg7[%add3A_445, %dma_start3A_451] : memref<125x80xi32, #tpu.memory_space<vmem>> -> memref<1x80xi32, #tpu.memory_space<vmem>>
      %dma_start3A_453 = tpu.memref_squeeze %dma_start3A_452 : memref<1x80xi32, #tpu.memory_space<vmem>> -> memref<80xi32, #tpu.memory_space<vmem>>
      %dma_start3A_454 = arith.constant 0 : i32
      %dma_start3A_455 = arith.constant 0 : i32
      %dma_start3A_456 = tpu.memref_slice %arg11[%dma_start3A_454, %dma_start3A_455] : memref<10240x32xf32, #tpu.memory_space<vmem_shared>> -> memref<10240x32xf32, #tpu.memory_space<vmem_shared>>
      tpu.enqueue_indirect_dma source(%dma_start3A_450 : memref<80x32xf32, #tpu.memory_space<vmem>>) target(%dma_start3A_456 : memref<10240x32xf32, #tpu.memory_space<vmem_shared>>) offsets(%dma_start3A_453 : memref<80xi32, #tpu.memory_space<vmem>>) semaphore(%arg14 : memref<!tpu.dma_semaphore, #tpu.memory_space<semaphore_mem>>) {add = true}
      %mul3A_457 = arith.constant 5 : i32
      %mul3A_458 = arith.muli %mul3A_259, %mul3A_457 : i32
      %add3A_459 = arith.constant 4 : i32
      %add3A_460 = arith.addi %mul3A_458, %add3A_459 : i32
      %dma_wait3A_461 = arith.constant 4 : i32
      %dma_wait3A_462 = arith.constant 0 : i32
      %dma_wait3A_463 = arith.constant 0 : i32
      %dma_wait3A_464 = tpu.memref_slice %arg8[%dma_wait3A_461, %dma_wait3A_462, %dma_wait3A_463] : memref<5x80x32xf32, #tpu.memory_space<vmem>> -> memref<1x80x32xf32, #tpu.memory_space<vmem>>
      %dma_wait3A_465 = tpu.memref_squeeze %dma_wait3A_464 : memref<1x80x32xf32, #tpu.memory_space<vmem>> -> memref<80x32xf32, #tpu.memory_space<vmem>>
      %dma_wait3A_466 = arith.constant 0 : i32
      %dma_wait3A_467 = tpu.memref_slice %arg6[%add3A_460, %dma_wait3A_466] : memref<125x80xi32, #tpu.memory_space<vmem>> -> memref<1x80xi32, #tpu.memory_space<vmem>>
      %dma_wait3A_468 = tpu.memref_squeeze %dma_wait3A_467 : memref<1x80xi32, #tpu.memory_space<vmem>> -> memref<80xi32, #tpu.memory_space<vmem>>
      %dma_wait3A_469 = arith.constant 0 : i32
      %dma_wait3A_470 = arith.constant 0 : i32
      %dma_wait3A_471 = tpu.memref_slice %arg2[%dma_wait3A_469, %dma_wait3A_470] : memref<10000x32xf32, #tpu.memory_space<hbm>> -> memref<10000x32xf32, #tpu.memory_space<hbm>>
      tpu.wait_indirect_dma semaphore(%arg12 : memref<!tpu.dma_semaphore, #tpu.memory_space<semaphore_mem>>) src(%dma_wait3A_471 : memref<10000x32xf32, #tpu.memory_space<hbm>>) dst(%dma_wait3A_465 : memref<80x32xf32, #tpu.memory_space<vmem>>)
      %mul3A_472 = arith.constant 5 : i32
      %mul3A_473 = arith.muli %mul3A_259, %mul3A_472 : i32
      %add3A_474 = arith.constant 4 : i32
      %add3A_475 = arith.addi %mul3A_473, %add3A_474 : i32
      %dma_start3A_476 = arith.constant 4 : i32
      %dma_start3A_477 = arith.constant 0 : i32
      %dma_start3A_478 = arith.constant 0 : i32
      %dma_start3A_479 = tpu.memref_slice %arg8[%dma_start3A_476, %dma_start3A_477, %dma_start3A_478] : memref<5x80x32xf32, #tpu.memory_space<vmem>> -> memref<1x80x32xf32, #tpu.memory_space<vmem>>
      %dma_start3A_480 = tpu.memref_squeeze %dma_start3A_479 : memref<1x80x32xf32, #tpu.memory_space<vmem>> -> memref<80x32xf32, #tpu.memory_space<vmem>>
      %dma_start3A_481 = arith.constant 0 : i32
      %dma_start3A_482 = tpu.memref_slice %arg7[%add3A_475, %dma_start3A_481] : memref<125x80xi32, #tpu.memory_space<vmem>> -> memref<1x80xi32, #tpu.memory_space<vmem>>
      %dma_start3A_483 = tpu.memref_squeeze %dma_start3A_482 : memref<1x80xi32, #tpu.memory_space<vmem>> -> memref<80xi32, #tpu.memory_space<vmem>>
      %dma_start3A_484 = arith.constant 0 : i32
      %dma_start3A_485 = arith.constant 0 : i32
      %dma_start3A_486 = tpu.memref_slice %arg11[%dma_start3A_484, %dma_start3A_485] : memref<10240x32xf32, #tpu.memory_space<vmem_shared>> -> memref<10240x32xf32, #tpu.memory_space<vmem_shared>>
      tpu.enqueue_indirect_dma source(%dma_start3A_480 : memref<80x32xf32, #tpu.memory_space<vmem>>) target(%dma_start3A_486 : memref<10240x32xf32, #tpu.memory_space<vmem_shared>>) offsets(%dma_start3A_483 : memref<80xi32, #tpu.memory_space<vmem>>) semaphore(%arg14 : memref<!tpu.dma_semaphore, #tpu.memory_space<semaphore_mem>>) {add = true}
      %dma_wait3A_487 = arith.constant 0 : i32
      %dma_wait3A_488 = arith.constant 0 : i32
      %dma_wait3A_489 = arith.constant 0 : i32
      %dma_wait3A_490 = tpu.memref_slice %arg8[%dma_wait3A_487, %dma_wait3A_488, %dma_wait3A_489] : memref<5x80x32xf32, #tpu.memory_space<vmem>> -> memref<1x80x32xf32, #tpu.memory_space<vmem>>
      %dma_wait3A_491 = tpu.memref_squeeze %dma_wait3A_490 : memref<1x80x32xf32, #tpu.memory_space<vmem>> -> memref<80x32xf32, #tpu.memory_space<vmem>>
      %dma_wait3A_492 = arith.constant 0 : i32
      %dma_wait3A_493 = tpu.memref_slice %arg7[%add3A_355, %dma_wait3A_492] : memref<125x80xi32, #tpu.memory_space<vmem>> -> memref<1x80xi32, #tpu.memory_space<vmem>>
      %dma_wait3A_494 = tpu.memref_squeeze %dma_wait3A_493 : memref<1x80xi32, #tpu.memory_space<vmem>> -> memref<80xi32, #tpu.memory_space<vmem>>
      %dma_wait3A_495 = arith.constant 0 : i32
      %dma_wait3A_496 = arith.constant 0 : i32
      %dma_wait3A_497 = tpu.memref_slice %arg11[%dma_wait3A_495, %dma_wait3A_496] : memref<10240x32xf32, #tpu.memory_space<vmem_shared>> -> memref<10240x32xf32, #tpu.memory_space<vmem_shared>>
      tpu.wait_indirect_dma semaphore(%arg14 : memref<!tpu.dma_semaphore, #tpu.memory_space<semaphore_mem>>) src(%dma_wait3A_491 : memref<80x32xf32, #tpu.memory_space<vmem>>) dst(%dma_wait3A_497 : memref<10240x32xf32, #tpu.memory_space<vmem_shared>>)
      %dma_wait3A_498 = arith.constant 1 : i32
      %dma_wait3A_499 = arith.constant 0 : i32
      %dma_wait3A_500 = arith.constant 0 : i32
      %dma_wait3A_501 = tpu.memref_slice %arg8[%dma_wait3A_498, %dma_wait3A_499, %dma_wait3A_500] : memref<5x80x32xf32, #tpu.memory_space<vmem>> -> memref<1x80x32xf32, #tpu.memory_space<vmem>>
      %dma_wait3A_502 = tpu.memref_squeeze %dma_wait3A_501 : memref<1x80x32xf32, #tpu.memory_space<vmem>> -> memref<80x32xf32, #tpu.memory_space<vmem>>
      %dma_wait3A_503 = arith.constant 0 : i32
      %dma_wait3A_504 = tpu.memref_slice %arg7[%add3A_385, %dma_wait3A_503] : memref<125x80xi32, #tpu.memory_space<vmem>> -> memref<1x80xi32, #tpu.memory_space<vmem>>
      %dma_wait3A_505 = tpu.memref_squeeze %dma_wait3A_504 : memref<1x80xi32, #tpu.memory_space<vmem>> -> memref<80xi32, #tpu.memory_space<vmem>>
      %dma_wait3A_506 = arith.constant 0 : i32
      %dma_wait3A_507 = arith.constant 0 : i32
      %dma_wait3A_508 = tpu.memref_slice %arg11[%dma_wait3A_506, %dma_wait3A_507] : memref<10240x32xf32, #tpu.memory_space<vmem_shared>> -> memref<10240x32xf32, #tpu.memory_space<vmem_shared>>
      tpu.wait_indirect_dma semaphore(%arg14 : memref<!tpu.dma_semaphore, #tpu.memory_space<semaphore_mem>>) src(%dma_wait3A_502 : memref<80x32xf32, #tpu.memory_space<vmem>>) dst(%dma_wait3A_508 : memref<10240x32xf32, #tpu.memory_space<vmem_shared>>)
      %dma_wait3A_509 = arith.constant 2 : i32
      %dma_wait3A_510 = arith.constant 0 : i32
      %dma_wait3A_511 = arith.constant 0 : i32
      %dma_wait3A_512 = tpu.memref_slice %arg8[%dma_wait3A_509, %dma_wait3A_510, %dma_wait3A_511] : memref<5x80x32xf32, #tpu.memory_space<vmem>> -> memref<1x80x32xf32, #tpu.memory_space<vmem>>
      %dma_wait3A_513 = tpu.memref_squeeze %dma_wait3A_512 : memref<1x80x32xf32, #tpu.memory_space<vmem>> -> memref<80x32xf32, #tpu.memory_space<vmem>>
      %dma_wait3A_514 = arith.constant 0 : i32
      %dma_wait3A_515 = tpu.memref_slice %arg7[%add3A_415, %dma_wait3A_514] : memref<125x80xi32, #tpu.memory_space<vmem>> -> memref<1x80xi32, #tpu.memory_space<vmem>>
      %dma_wait3A_516 = tpu.memref_squeeze %dma_wait3A_515 : memref<1x80xi32, #tpu.memory_space<vmem>> -> memref<80xi32, #tpu.memory_space<vmem>>
      %dma_wait3A_517 = arith.constant 0 : i32
      %dma_wait3A_518 = arith.constant 0 : i32
      %dma_wait3A_519 = tpu.memref_slice %arg11[%dma_wait3A_517, %dma_wait3A_518] : memref<10240x32xf32, #tpu.memory_space<vmem_shared>> -> memref<10240x32xf32, #tpu.memory_space<vmem_shared>>
      tpu.wait_indirect_dma semaphore(%arg14 : memref<!tpu.dma_semaphore, #tpu.memory_space<semaphore_mem>>) src(%dma_wait3A_513 : memref<80x32xf32, #tpu.memory_space<vmem>>) dst(%dma_wait3A_519 : memref<10240x32xf32, #tpu.memory_space<vmem_shared>>)
      %dma_wait3A_520 = arith.constant 3 : i32
      %dma_wait3A_521 = arith.constant 0 : i32
      %dma_wait3A_522 = arith.constant 0 : i32
      %dma_wait3A_523 = tpu.memref_slice %arg8[%dma_wait3A_520, %dma_wait3A_521, %dma_wait3A_522] : memref<5x80x32xf32, #tpu.memory_space<vmem>> -> memref<1x80x32xf32, #tpu.memory_space<vmem>>
      %dma_wait3A_524 = tpu.memref_squeeze %dma_wait3A_523 : memref<1x80x32xf32, #tpu.memory_space<vmem>> -> memref<80x32xf32, #tpu.memory_space<vmem>>
      %dma_wait3A_525 = arith.constant 0 : i32
      %dma_wait3A_526 = tpu.memref_slice %arg7[%add3A_445, %dma_wait3A_525] : memref<125x80xi32, #tpu.memory_space<vmem>> -> memref<1x80xi32, #tpu.memory_space<vmem>>
      %dma_wait3A_527 = tpu.memref_squeeze %dma_wait3A_526 : memref<1x80xi32, #tpu.memory_space<vmem>> -> memref<80xi32, #tpu.memory_space<vmem>>
      %dma_wait3A_528 = arith.constant 0 : i32
      %dma_wait3A_529 = arith.constant 0 : i32
      %dma_wait3A_530 = tpu.memref_slice %arg11[%dma_wait3A_528, %dma_wait3A_529] : memref<10240x32xf32, #tpu.memory_space<vmem_shared>> -> memref<10240x32xf32, #tpu.memory_space<vmem_shared>>
      tpu.wait_indirect_dma semaphore(%arg14 : memref<!tpu.dma_semaphore, #tpu.memory_space<semaphore_mem>>) src(%dma_wait3A_524 : memref<80x32xf32, #tpu.memory_space<vmem>>) dst(%dma_wait3A_530 : memref<10240x32xf32, #tpu.memory_space<vmem_shared>>)
      %dma_wait3A_531 = arith.constant 4 : i32
      %dma_wait3A_532 = arith.constant 0 : i32
      %dma_wait3A_533 = arith.constant 0 : i32
      %dma_wait3A_534 = tpu.memref_slice %arg8[%dma_wait3A_531, %dma_wait3A_532, %dma_wait3A_533] : memref<5x80x32xf32, #tpu.memory_space<vmem>> -> memref<1x80x32xf32, #tpu.memory_space<vmem>>
      %dma_wait3A_535 = tpu.memref_squeeze %dma_wait3A_534 : memref<1x80x32xf32, #tpu.memory_space<vmem>> -> memref<80x32xf32, #tpu.memory_space<vmem>>
      %dma_wait3A_536 = arith.constant 0 : i32
      %dma_wait3A_537 = tpu.memref_slice %arg7[%add3A_475, %dma_wait3A_536] : memref<125x80xi32, #tpu.memory_space<vmem>> -> memref<1x80xi32, #tpu.memory_space<vmem>>
      %dma_wait3A_538 = tpu.memref_squeeze %dma_wait3A_537 : memref<1x80xi32, #tpu.memory_space<vmem>> -> memref<80xi32, #tpu.memory_space<vmem>>
      %dma_wait3A_539 = arith.constant 0 : i32
      %dma_wait3A_540 = arith.constant 0 : i32
      %dma_wait3A_541 = tpu.memref_slice %arg11[%dma_wait3A_539, %dma_wait3A_540] : memref<10240x32xf32, #tpu.memory_space<vmem_shared>> -> memref<10240x32xf32, #tpu.memory_space<vmem_shared>>
      tpu.wait_indirect_dma semaphore(%arg14 : memref<!tpu.dma_semaphore, #tpu.memory_space<semaphore_mem>>) src(%dma_wait3A_535 : memref<80x32xf32, #tpu.memory_space<vmem>>) dst(%dma_wait3A_541 : memref<10240x32xf32, #tpu.memory_space<vmem_shared>>)
      %add3A_542 = arith.constant 2 : i32
      %add3A_543 = arith.addi %mul3A_259, %add3A_542 : i32
      %mul3A_544 = arith.constant 5 : i32
      %mul3A_545 = arith.muli %add3A_543, %mul3A_544 : i32
      %add3A_546 = arith.constant 0 : i32
      %add3A_547 = arith.addi %mul3A_545, %add3A_546 : i32
      %dma_start3A_548 = arith.constant 0 : i32
      %dma_start3A_549 = arith.constant 0 : i32
      %dma_start3A_550 = arith.constant 0 : i32
      %dma_start3A_551 = tpu.memref_slice %arg8[%dma_start3A_548, %dma_start3A_549, %dma_start3A_550] : memref<5x80x32xf32, #tpu.memory_space<vmem>> -> memref<1x80x32xf32, #tpu.memory_space<vmem>>
      %dma_start3A_552 = tpu.memref_squeeze %dma_start3A_551 : memref<1x80x32xf32, #tpu.memory_space<vmem>> -> memref<80x32xf32, #tpu.memory_space<vmem>>
      %dma_start3A_553 = arith.constant 0 : i32
      %dma_start3A_554 = tpu.memref_slice %arg6[%add3A_547, %dma_start3A_553] : memref<125x80xi32, #tpu.memory_space<vmem>> -> memref<1x80xi32, #tpu.memory_space<vmem>>
      %dma_start3A_555 = tpu.memref_squeeze %dma_start3A_554 : memref<1x80xi32, #tpu.memory_space<vmem>> -> memref<80xi32, #tpu.memory_space<vmem>>
      %dma_start3A_556 = arith.constant 0 : i32
      %dma_start3A_557 = arith.constant 0 : i32
      %dma_start3A_558 = tpu.memref_slice %arg2[%dma_start3A_556, %dma_start3A_557] : memref<10000x32xf32, #tpu.memory_space<hbm>> -> memref<10000x32xf32, #tpu.memory_space<hbm>>
      tpu.enqueue_indirect_dma source(%dma_start3A_558 : memref<10000x32xf32, #tpu.memory_space<hbm>>) target(%dma_start3A_552 : memref<80x32xf32, #tpu.memory_space<vmem>>) offsets(%dma_start3A_555 : memref<80xi32, #tpu.memory_space<vmem>>) semaphore(%arg12 : memref<!tpu.dma_semaphore, #tpu.memory_space<semaphore_mem>>)
      %mul3A_559 = arith.constant 5 : i32
      %mul3A_560 = arith.muli %add3A_543, %mul3A_559 : i32
      %add3A_561 = arith.constant 1 : i32
      %add3A_562 = arith.addi %mul3A_560, %add3A_561 : i32
      %dma_start3A_563 = arith.constant 1 : i32
      %dma_start3A_564 = arith.constant 0 : i32
      %dma_start3A_565 = arith.constant 0 : i32
      %dma_start3A_566 = tpu.memref_slice %arg8[%dma_start3A_563, %dma_start3A_564, %dma_start3A_565] : memref<5x80x32xf32, #tpu.memory_space<vmem>> -> memref<1x80x32xf32, #tpu.memory_space<vmem>>
      %dma_start3A_567 = tpu.memref_squeeze %dma_start3A_566 : memref<1x80x32xf32, #tpu.memory_space<vmem>> -> memref<80x32xf32, #tpu.memory_space<vmem>>
      %dma_start3A_568 = arith.constant 0 : i32
      %dma_start3A_569 = tpu.memref_slice %arg6[%add3A_562, %dma_start3A_568] : memref<125x80xi32, #tpu.memory_space<vmem>> -> memref<1x80xi32, #tpu.memory_space<vmem>>
      %dma_start3A_570 = tpu.memref_squeeze %dma_start3A_569 : memref<1x80xi32, #tpu.memory_space<vmem>> -> memref<80xi32, #tpu.memory_space<vmem>>
      %dma_start3A_571 = arith.constant 0 : i32
      %dma_start3A_572 = arith.constant 0 : i32
      %dma_start3A_573 = tpu.memref_slice %arg2[%dma_start3A_571, %dma_start3A_572] : memref<10000x32xf32, #tpu.memory_space<hbm>> -> memref<10000x32xf32, #tpu.memory_space<hbm>>
      tpu.enqueue_indirect_dma source(%dma_start3A_573 : memref<10000x32xf32, #tpu.memory_space<hbm>>) target(%dma_start3A_567 : memref<80x32xf32, #tpu.memory_space<vmem>>) offsets(%dma_start3A_570 : memref<80xi32, #tpu.memory_space<vmem>>) semaphore(%arg12 : memref<!tpu.dma_semaphore, #tpu.memory_space<semaphore_mem>>)
      %mul3A_574 = arith.constant 5 : i32
      %mul3A_575 = arith.muli %add3A_543, %mul3A_574 : i32
      %add3A_576 = arith.constant 2 : i32
      %add3A_577 = arith.addi %mul3A_575, %add3A_576 : i32
      %dma_start3A_578 = arith.constant 2 : i32
      %dma_start3A_579 = arith.constant 0 : i32
      %dma_start3A_580 = arith.constant 0 : i32
      %dma_start3A_581 = tpu.memref_slice %arg8[%dma_start3A_578, %dma_start3A_579, %dma_start3A_580] : memref<5x80x32xf32, #tpu.memory_space<vmem>> -> memref<1x80x32xf32, #tpu.memory_space<vmem>>
      %dma_start3A_582 = tpu.memref_squeeze %dma_start3A_581 : memref<1x80x32xf32, #tpu.memory_space<vmem>> -> memref<80x32xf32, #tpu.memory_space<vmem>>
      %dma_start3A_583 = arith.constant 0 : i32
      %dma_start3A_584 = tpu.memref_slice %arg6[%add3A_577, %dma_start3A_583] : memref<125x80xi32, #tpu.memory_space<vmem>> -> memref<1x80xi32, #tpu.memory_space<vmem>>
      %dma_start3A_585 = tpu.memref_squeeze %dma_start3A_584 : memref<1x80xi32, #tpu.memory_space<vmem>> -> memref<80xi32, #tpu.memory_space<vmem>>
      %dma_start3A_586 = arith.constant 0 : i32
      %dma_start3A_587 = arith.constant 0 : i32
      %dma_start3A_588 = tpu.memref_slice %arg2[%dma_start3A_586, %dma_start3A_587] : memref<10000x32xf32, #tpu.memory_space<hbm>> -> memref<10000x32xf32, #tpu.memory_space<hbm>>
      tpu.enqueue_indirect_dma source(%dma_start3A_588 : memref<10000x32xf32, #tpu.memory_space<hbm>>) target(%dma_start3A_582 : memref<80x32xf32, #tpu.memory_space<vmem>>) offsets(%dma_start3A_585 : memref<80xi32, #tpu.memory_space<vmem>>) semaphore(%arg12 : memref<!tpu.dma_semaphore, #tpu.memory_space<semaphore_mem>>)
      %mul3A_589 = arith.constant 5 : i32
      %mul3A_590 = arith.muli %add3A_543, %mul3A_589 : i32
      %add3A_591 = arith.constant 3 : i32
      %add3A_592 = arith.addi %mul3A_590, %add3A_591 : i32
      %dma_start3A_593 = arith.constant 3 : i32
      %dma_start3A_594 = arith.constant 0 : i32
      %dma_start3A_595 = arith.constant 0 : i32
      %dma_start3A_596 = tpu.memref_slice %arg8[%dma_start3A_593, %dma_start3A_594, %dma_start3A_595] : memref<5x80x32xf32, #tpu.memory_space<vmem>> -> memref<1x80x32xf32, #tpu.memory_space<vmem>>
      %dma_start3A_597 = tpu.memref_squeeze %dma_start3A_596 : memref<1x80x32xf32, #tpu.memory_space<vmem>> -> memref<80x32xf32, #tpu.memory_space<vmem>>
      %dma_start3A_598 = arith.constant 0 : i32
      %dma_start3A_599 = tpu.memref_slice %arg6[%add3A_592, %dma_start3A_598] : memref<125x80xi32, #tpu.memory_space<vmem>> -> memref<1x80xi32, #tpu.memory_space<vmem>>
      %dma_start3A_600 = tpu.memref_squeeze %dma_start3A_599 : memref<1x80xi32, #tpu.memory_space<vmem>> -> memref<80xi32, #tpu.memory_space<vmem>>
      %dma_start3A_601 = arith.constant 0 : i32
      %dma_start3A_602 = arith.constant 0 : i32
      %dma_start3A_603 = tpu.memref_slice %arg2[%dma_start3A_601, %dma_start3A_602] : memref<10000x32xf32, #tpu.memory_space<hbm>> -> memref<10000x32xf32, #tpu.memory_space<hbm>>
      tpu.enqueue_indirect_dma source(%dma_start3A_603 : memref<10000x32xf32, #tpu.memory_space<hbm>>) target(%dma_start3A_597 : memref<80x32xf32, #tpu.memory_space<vmem>>) offsets(%dma_start3A_600 : memref<80xi32, #tpu.memory_space<vmem>>) semaphore(%arg12 : memref<!tpu.dma_semaphore, #tpu.memory_space<semaphore_mem>>)
      %mul3A_604 = arith.constant 5 : i32
      %mul3A_605 = arith.muli %add3A_543, %mul3A_604 : i32
      %add3A_606 = arith.constant 4 : i32
      %add3A_607 = arith.addi %mul3A_605, %add3A_606 : i32
      %dma_start3A_608 = arith.constant 4 : i32
      %dma_start3A_609 = arith.constant 0 : i32
      %dma_start3A_610 = arith.constant 0 : i32
      %dma_start3A_611 = tpu.memref_slice %arg8[%dma_start3A_608, %dma_start3A_609, %dma_start3A_610] : memref<5x80x32xf32, #tpu.memory_space<vmem>> -> memref<1x80x32xf32, #tpu.memory_space<vmem>>
      %dma_start3A_612 = tpu.memref_squeeze %dma_start3A_611 : memref<1x80x32xf32, #tpu.memory_space<vmem>> -> memref<80x32xf32, #tpu.memory_space<vmem>>
      %dma_start3A_613 = arith.constant 0 : i32
      %dma_start3A_614 = tpu.memref_slice %arg6[%add3A_607, %dma_start3A_613] : memref<125x80xi32, #tpu.memory_space<vmem>> -> memref<1x80xi32, #tpu.memory_space<vmem>>
      %dma_start3A_615 = tpu.memref_squeeze %dma_start3A_614 : memref<1x80xi32, #tpu.memory_space<vmem>> -> memref<80xi32, #tpu.memory_space<vmem>>
      %dma_start3A_616 = arith.constant 0 : i32
      %dma_start3A_617 = arith.constant 0 : i32
      %dma_start3A_618 = tpu.memref_slice %arg2[%dma_start3A_616, %dma_start3A_617] : memref<10000x32xf32, #tpu.memory_space<hbm>> -> memref<10000x32xf32, #tpu.memory_space<hbm>>
      tpu.enqueue_indirect_dma source(%dma_start3A_618 : memref<10000x32xf32, #tpu.memory_space<hbm>>) target(%dma_start3A_612 : memref<80x32xf32, #tpu.memory_space<vmem>>) offsets(%dma_start3A_615 : memref<80xi32, #tpu.memory_space<vmem>>) semaphore(%arg12 : memref<!tpu.dma_semaphore, #tpu.memory_space<semaphore_mem>>)
      %add3A_619 = arith.constant 1 : i32
      %add3A_620 = arith.addi %mul3A_259, %add3A_619 : i32
      %mul3A_621 = arith.constant 5 : i32
      %mul3A_622 = arith.muli %add3A_620, %mul3A_621 : i32
      %add3A_623 = arith.constant 0 : i32
      %add3A_624 = arith.addi %mul3A_622, %add3A_623 : i32
      %dma_wait3A_625 = arith.constant 0 : i32
      %dma_wait3A_626 = arith.constant 0 : i32
      %dma_wait3A_627 = arith.constant 0 : i32
      %dma_wait3A_628 = tpu.memref_slice %arg9[%dma_wait3A_625, %dma_wait3A_626, %dma_wait3A_627] : memref<5x80x32xf32, #tpu.memory_space<vmem>> -> memref<1x80x32xf32, #tpu.memory_space<vmem>>
      %dma_wait3A_629 = tpu.memref_squeeze %dma_wait3A_628 : memref<1x80x32xf32, #tpu.memory_space<vmem>> -> memref<80x32xf32, #tpu.memory_space<vmem>>
      %dma_wait3A_630 = arith.constant 0 : i32
      %dma_wait3A_631 = tpu.memref_slice %arg6[%add3A_624, %dma_wait3A_630] : memref<125x80xi32, #tpu.memory_space<vmem>> -> memref<1x80xi32, #tpu.memory_space<vmem>>
      %dma_wait3A_632 = tpu.memref_squeeze %dma_wait3A_631 : memref<1x80xi32, #tpu.memory_space<vmem>> -> memref<80xi32, #tpu.memory_space<vmem>>
      %dma_wait3A_633 = arith.constant 0 : i32
      %dma_wait3A_634 = arith.constant 0 : i32
      %dma_wait3A_635 = tpu.memref_slice %arg2[%dma_wait3A_633, %dma_wait3A_634] : memref<10000x32xf32, #tpu.memory_space<hbm>> -> memref<10000x32xf32, #tpu.memory_space<hbm>>
      tpu.wait_indirect_dma semaphore(%arg13 : memref<!tpu.dma_semaphore, #tpu.memory_space<semaphore_mem>>) src(%dma_wait3A_635 : memref<10000x32xf32, #tpu.memory_space<hbm>>) dst(%dma_wait3A_629 : memref<80x32xf32, #tpu.memory_space<vmem>>)
      %mul3A_636 = arith.constant 5 : i32
      %mul3A_637 = arith.muli %add3A_620, %mul3A_636 : i32
      %add3A_638 = arith.constant 0 : i32
      %add3A_639 = arith.addi %mul3A_637, %add3A_638 : i32
      %dma_start3A_640 = arith.constant 0 : i32
      %dma_start3A_641 = arith.constant 0 : i32
      %dma_start3A_642 = arith.constant 0 : i32
      %dma_start3A_643 = tpu.memref_slice %arg9[%dma_start3A_640, %dma_start3A_641, %dma_start3A_642] : memref<5x80x32xf32, #tpu.memory_space<vmem>> -> memref<1x80x32xf32, #tpu.memory_space<vmem>>
      %dma_start3A_644 = tpu.memref_squeeze %dma_start3A_643 : memref<1x80x32xf32, #tpu.memory_space<vmem>> -> memref<80x32xf32, #tpu.memory_space<vmem>>
      %dma_start3A_645 = arith.constant 0 : i32
      %dma_start3A_646 = tpu.memref_slice %arg7[%add3A_639, %dma_start3A_645] : memref<125x80xi32, #tpu.memory_space<vmem>> -> memref<1x80xi32, #tpu.memory_space<vmem>>
      %dma_start3A_647 = tpu.memref_squeeze %dma_start3A_646 : memref<1x80xi32, #tpu.memory_space<vmem>> -> memref<80xi32, #tpu.memory_space<vmem>>
      %dma_start3A_648 = arith.constant 0 : i32
      %dma_start3A_649 = arith.constant 0 : i32
      %dma_start3A_650 = tpu.memref_slice %arg11[%dma_start3A_648, %dma_start3A_649] : memref<10240x32xf32, #tpu.memory_space<vmem_shared>> -> memref<10240x32xf32, #tpu.memory_space<vmem_shared>>
      tpu.enqueue_indirect_dma source(%dma_start3A_644 : memref<80x32xf32, #tpu.memory_space<vmem>>) target(%dma_start3A_650 : memref<10240x32xf32, #tpu.memory_space<vmem_shared>>) offsets(%dma_start3A_647 : memref<80xi32, #tpu.memory_space<vmem>>) semaphore(%arg15 : memref<!tpu.dma_semaphore, #tpu.memory_space<semaphore_mem>>) {add = true}
      %mul3A_651 = arith.constant 5 : i32
      %mul3A_652 = arith.muli %add3A_620, %mul3A_651 : i32
      %add3A_653 = arith.constant 1 : i32
      %add3A_654 = arith.addi %mul3A_652, %add3A_653 : i32
      %dma_wait3A_655 = arith.constant 1 : i32
      %dma_wait3A_656 = arith.constant 0 : i32
      %dma_wait3A_657 = arith.constant 0 : i32
      %dma_wait3A_658 = tpu.memref_slice %arg9[%dma_wait3A_655, %dma_wait3A_656, %dma_wait3A_657] : memref<5x80x32xf32, #tpu.memory_space<vmem>> -> memref<1x80x32xf32, #tpu.memory_space<vmem>>
      %dma_wait3A_659 = tpu.memref_squeeze %dma_wait3A_658 : memref<1x80x32xf32, #tpu.memory_space<vmem>> -> memref<80x32xf32, #tpu.memory_space<vmem>>
      %dma_wait3A_660 = arith.constant 0 : i32
      %dma_wait3A_661 = tpu.memref_slice %arg6[%add3A_654, %dma_wait3A_660] : memref<125x80xi32, #tpu.memory_space<vmem>> -> memref<1x80xi32, #tpu.memory_space<vmem>>
      %dma_wait3A_662 = tpu.memref_squeeze %dma_wait3A_661 : memref<1x80xi32, #tpu.memory_space<vmem>> -> memref<80xi32, #tpu.memory_space<vmem>>
      %dma_wait3A_663 = arith.constant 0 : i32
      %dma_wait3A_664 = arith.constant 0 : i32
      %dma_wait3A_665 = tpu.memref_slice %arg2[%dma_wait3A_663, %dma_wait3A_664] : memref<10000x32xf32, #tpu.memory_space<hbm>> -> memref<10000x32xf32, #tpu.memory_space<hbm>>
      tpu.wait_indirect_dma semaphore(%arg13 : memref<!tpu.dma_semaphore, #tpu.memory_space<semaphore_mem>>) src(%dma_wait3A_665 : memref<10000x32xf32, #tpu.memory_space<hbm>>) dst(%dma_wait3A_659 : memref<80x32xf32, #tpu.memory_space<vmem>>)
      %mul3A_666 = arith.constant 5 : i32
      %mul3A_667 = arith.muli %add3A_620, %mul3A_666 : i32
      %add3A_668 = arith.constant 1 : i32
      %add3A_669 = arith.addi %mul3A_667, %add3A_668 : i32
      %dma_start3A_670 = arith.constant 1 : i32
      %dma_start3A_671 = arith.constant 0 : i32
      %dma_start3A_672 = arith.constant 0 : i32
      %dma_start3A_673 = tpu.memref_slice %arg9[%dma_start3A_670, %dma_start3A_671, %dma_start3A_672] : memref<5x80x32xf32, #tpu.memory_space<vmem>> -> memref<1x80x32xf32, #tpu.memory_space<vmem>>
      %dma_start3A_674 = tpu.memref_squeeze %dma_start3A_673 : memref<1x80x32xf32, #tpu.memory_space<vmem>> -> memref<80x32xf32, #tpu.memory_space<vmem>>
      %dma_start3A_675 = arith.constant 0 : i32
      %dma_start3A_676 = tpu.memref_slice %arg7[%add3A_669, %dma_start3A_675] : memref<125x80xi32, #tpu.memory_space<vmem>> -> memref<1x80xi32, #tpu.memory_space<vmem>>
      %dma_start3A_677 = tpu.memref_squeeze %dma_start3A_676 : memref<1x80xi32, #tpu.memory_space<vmem>> -> memref<80xi32, #tpu.memory_space<vmem>>
      %dma_start3A_678 = arith.constant 0 : i32
      %dma_start3A_679 = arith.constant 0 : i32
      %dma_start3A_680 = tpu.memref_slice %arg11[%dma_start3A_678, %dma_start3A_679] : memref<10240x32xf32, #tpu.memory_space<vmem_shared>> -> memref<10240x32xf32, #tpu.memory_space<vmem_shared>>
      tpu.enqueue_indirect_dma source(%dma_start3A_674 : memref<80x32xf32, #tpu.memory_space<vmem>>) target(%dma_start3A_680 : memref<10240x32xf32, #tpu.memory_space<vmem_shared>>) offsets(%dma_start3A_677 : memref<80xi32, #tpu.memory_space<vmem>>) semaphore(%arg15 : memref<!tpu.dma_semaphore, #tpu.memory_space<semaphore_mem>>) {add = true}
      %mul3A_681 = arith.constant 5 : i32
      %mul3A_682 = arith.muli %add3A_620, %mul3A_681 : i32
      %add3A_683 = arith.constant 2 : i32
      %add3A_684 = arith.addi %mul3A_682, %add3A_683 : i32
      %dma_wait3A_685 = arith.constant 2 : i32
      %dma_wait3A_686 = arith.constant 0 : i32
      %dma_wait3A_687 = arith.constant 0 : i32
      %dma_wait3A_688 = tpu.memref_slice %arg9[%dma_wait3A_685, %dma_wait3A_686, %dma_wait3A_687] : memref<5x80x32xf32, #tpu.memory_space<vmem>> -> memref<1x80x32xf32, #tpu.memory_space<vmem>>
      %dma_wait3A_689 = tpu.memref_squeeze %dma_wait3A_688 : memref<1x80x32xf32, #tpu.memory_space<vmem>> -> memref<80x32xf32, #tpu.memory_space<vmem>>
      %dma_wait3A_690 = arith.constant 0 : i32
      %dma_wait3A_691 = tpu.memref_slice %arg6[%add3A_684, %dma_wait3A_690] : memref<125x80xi32, #tpu.memory_space<vmem>> -> memref<1x80xi32, #tpu.memory_space<vmem>>
      %dma_wait3A_692 = tpu.memref_squeeze %dma_wait3A_691 : memref<1x80xi32, #tpu.memory_space<vmem>> -> memref<80xi32, #tpu.memory_space<vmem>>
      %dma_wait3A_693 = arith.constant 0 : i32
      %dma_wait3A_694 = arith.constant 0 : i32
      %dma_wait3A_695 = tpu.memref_slice %arg2[%dma_wait3A_693, %dma_wait3A_694] : memref<10000x32xf32, #tpu.memory_space<hbm>> -> memref<10000x32xf32, #tpu.memory_space<hbm>>
      tpu.wait_indirect_dma semaphore(%arg13 : memref<!tpu.dma_semaphore, #tpu.memory_space<semaphore_mem>>) src(%dma_wait3A_695 : memref<10000x32xf32, #tpu.memory_space<hbm>>) dst(%dma_wait3A_689 : memref<80x32xf32, #tpu.memory_space<vmem>>)
      %mul3A_696 = arith.constant 5 : i32
      %mul3A_697 = arith.muli %add3A_620, %mul3A_696 : i32
      %add3A_698 = arith.constant 2 : i32
      %add3A_699 = arith.addi %mul3A_697, %add3A_698 : i32
      %dma_start3A_700 = arith.constant 2 : i32
      %dma_start3A_701 = arith.constant 0 : i32
      %dma_start3A_702 = arith.constant 0 : i32
      %dma_start3A_703 = tpu.memref_slice %arg9[%dma_start3A_700, %dma_start3A_701, %dma_start3A_702] : memref<5x80x32xf32, #tpu.memory_space<vmem>> -> memref<1x80x32xf32, #tpu.memory_space<vmem>>
      %dma_start3A_704 = tpu.memref_squeeze %dma_start3A_703 : memref<1x80x32xf32, #tpu.memory_space<vmem>> -> memref<80x32xf32, #tpu.memory_space<vmem>>
      %dma_start3A_705 = arith.constant 0 : i32
      %dma_start3A_706 = tpu.memref_slice %arg7[%add3A_699, %dma_start3A_705] : memref<125x80xi32, #tpu.memory_space<vmem>> -> memref<1x80xi32, #tpu.memory_space<vmem>>
      %dma_start3A_707 = tpu.memref_squeeze %dma_start3A_706 : memref<1x80xi32, #tpu.memory_space<vmem>> -> memref<80xi32, #tpu.memory_space<vmem>>
      %dma_start3A_708 = arith.constant 0 : i32
      %dma_start3A_709 = arith.constant 0 : i32
      %dma_start3A_710 = tpu.memref_slice %arg11[%dma_start3A_708, %dma_start3A_709] : memref<10240x32xf32, #tpu.memory_space<vmem_shared>> -> memref<10240x32xf32, #tpu.memory_space<vmem_shared>>
      tpu.enqueue_indirect_dma source(%dma_start3A_704 : memref<80x32xf32, #tpu.memory_space<vmem>>) target(%dma_start3A_710 : memref<10240x32xf32, #tpu.memory_space<vmem_shared>>) offsets(%dma_start3A_707 : memref<80xi32, #tpu.memory_space<vmem>>) semaphore(%arg15 : memref<!tpu.dma_semaphore, #tpu.memory_space<semaphore_mem>>) {add = true}
      %mul3A_711 = arith.constant 5 : i32
      %mul3A_712 = arith.muli %add3A_620, %mul3A_711 : i32
      %add3A_713 = arith.constant 3 : i32
      %add3A_714 = arith.addi %mul3A_712, %add3A_713 : i32
      %dma_wait3A_715 = arith.constant 3 : i32
      %dma_wait3A_716 = arith.constant 0 : i32
      %dma_wait3A_717 = arith.constant 0 : i32
      %dma_wait3A_718 = tpu.memref_slice %arg9[%dma_wait3A_715, %dma_wait3A_716, %dma_wait3A_717] : memref<5x80x32xf32, #tpu.memory_space<vmem>> -> memref<1x80x32xf32, #tpu.memory_space<vmem>>
      %dma_wait3A_719 = tpu.memref_squeeze %dma_wait3A_718 : memref<1x80x32xf32, #tpu.memory_space<vmem>> -> memref<80x32xf32, #tpu.memory_space<vmem>>
      %dma_wait3A_720 = arith.constant 0 : i32
      %dma_wait3A_721 = tpu.memref_slice %arg6[%add3A_714, %dma_wait3A_720] : memref<125x80xi32, #tpu.memory_space<vmem>> -> memref<1x80xi32, #tpu.memory_space<vmem>>
      %dma_wait3A_722 = tpu.memref_squeeze %dma_wait3A_721 : memref<1x80xi32, #tpu.memory_space<vmem>> -> memref<80xi32, #tpu.memory_space<vmem>>
      %dma_wait3A_723 = arith.constant 0 : i32
      %dma_wait3A_724 = arith.constant 0 : i32
      %dma_wait3A_725 = tpu.memref_slice %arg2[%dma_wait3A_723, %dma_wait3A_724] : memref<10000x32xf32, #tpu.memory_space<hbm>> -> memref<10000x32xf32, #tpu.memory_space<hbm>>
      tpu.wait_indirect_dma semaphore(%arg13 : memref<!tpu.dma_semaphore, #tpu.memory_space<semaphore_mem>>) src(%dma_wait3A_725 : memref<10000x32xf32, #tpu.memory_space<hbm>>) dst(%dma_wait3A_719 : memref<80x32xf32, #tpu.memory_space<vmem>>)
      %mul3A_726 = arith.constant 5 : i32
      %mul3A_727 = arith.muli %add3A_620, %mul3A_726 : i32
      %add3A_728 = arith.constant 3 : i32
      %add3A_729 = arith.addi %mul3A_727, %add3A_728 : i32
      %dma_start3A_730 = arith.constant 3 : i32
      %dma_start3A_731 = arith.constant 0 : i32
      %dma_start3A_732 = arith.constant 0 : i32
      %dma_start3A_733 = tpu.memref_slice %arg9[%dma_start3A_730, %dma_start3A_731, %dma_start3A_732] : memref<5x80x32xf32, #tpu.memory_space<vmem>> -> memref<1x80x32xf32, #tpu.memory_space<vmem>>
      %dma_start3A_734 = tpu.memref_squeeze %dma_start3A_733 : memref<1x80x32xf32, #tpu.memory_space<vmem>> -> memref<80x32xf32, #tpu.memory_space<vmem>>
      %dma_start3A_735 = arith.constant 0 : i32
      %dma_start3A_736 = tpu.memref_slice %arg7[%add3A_729, %dma_start3A_735] : memref<125x80xi32, #tpu.memory_space<vmem>> -> memref<1x80xi32, #tpu.memory_space<vmem>>
      %dma_start3A_737 = tpu.memref_squeeze %dma_start3A_736 : memref<1x80xi32, #tpu.memory_space<vmem>> -> memref<80xi32, #tpu.memory_space<vmem>>
      %dma_start3A_738 = arith.constant 0 : i32
      %dma_start3A_739 = arith.constant 0 : i32
      %dma_start3A_740 = tpu.memref_slice %arg11[%dma_start3A_738, %dma_start3A_739] : memref<10240x32xf32, #tpu.memory_space<vmem_shared>> -> memref<10240x32xf32, #tpu.memory_space<vmem_shared>>
      tpu.enqueue_indirect_dma source(%dma_start3A_734 : memref<80x32xf32, #tpu.memory_space<vmem>>) target(%dma_start3A_740 : memref<10240x32xf32, #tpu.memory_space<vmem_shared>>) offsets(%dma_start3A_737 : memref<80xi32, #tpu.memory_space<vmem>>) semaphore(%arg15 : memref<!tpu.dma_semaphore, #tpu.memory_space<semaphore_mem>>) {add = true}
      %mul3A_741 = arith.constant 5 : i32
      %mul3A_742 = arith.muli %add3A_620, %mul3A_741 : i32
      %add3A_743 = arith.constant 4 : i32
      %add3A_744 = arith.addi %mul3A_742, %add3A_743 : i32
      %dma_wait3A_745 = arith.constant 4 : i32
      %dma_wait3A_746 = arith.constant 0 : i32
      %dma_wait3A_747 = arith.constant 0 : i32
      %dma_wait3A_748 = tpu.memref_slice %arg9[%dma_wait3A_745, %dma_wait3A_746, %dma_wait3A_747] : memref<5x80x32xf32, #tpu.memory_space<vmem>> -> memref<1x80x32xf32, #tpu.memory_space<vmem>>
      %dma_wait3A_749 = tpu.memref_squeeze %dma_wait3A_748 : memref<1x80x32xf32, #tpu.memory_space<vmem>> -> memref<80x32xf32, #tpu.memory_space<vmem>>
      %dma_wait3A_750 = arith.constant 0 : i32
      %dma_wait3A_751 = tpu.memref_slice %arg6[%add3A_744, %dma_wait3A_750] : memref<125x80xi32, #tpu.memory_space<vmem>> -> memref<1x80xi32, #tpu.memory_space<vmem>>
      %dma_wait3A_752 = tpu.memref_squeeze %dma_wait3A_751 : memref<1x80xi32, #tpu.memory_space<vmem>> -> memref<80xi32, #tpu.memory_space<vmem>>
      %dma_wait3A_753 = arith.constant 0 : i32
      %dma_wait3A_754 = arith.constant 0 : i32
      %dma_wait3A_755 = tpu.memref_slice %arg2[%dma_wait3A_753, %dma_wait3A_754] : memref<10000x32xf32, #tpu.memory_space<hbm>> -> memref<10000x32xf32, #tpu.memory_space<hbm>>
      tpu.wait_indirect_dma semaphore(%arg13 : memref<!tpu.dma_semaphore, #tpu.memory_space<semaphore_mem>>) src(%dma_wait3A_755 : memref<10000x32xf32, #tpu.memory_space<hbm>>) dst(%dma_wait3A_749 : memref<80x32xf32, #tpu.memory_space<vmem>>)
      %mul3A_756 = arith.constant 5 : i32
      %mul3A_757 = arith.muli %add3A_620, %mul3A_756 : i32
      %add3A_758 = arith.constant 4 : i32
      %add3A_759 = arith.addi %mul3A_757, %add3A_758 : i32
      %dma_start3A_760 = arith.constant 4 : i32
      %dma_start3A_761 = arith.constant 0 : i32
      %dma_start3A_762 = arith.constant 0 : i32
      %dma_start3A_763 = tpu.memref_slice %arg9[%dma_start3A_760, %dma_start3A_761, %dma_start3A_762] : memref<5x80x32xf32, #tpu.memory_space<vmem>> -> memref<1x80x32xf32, #tpu.memory_space<vmem>>
      %dma_start3A_764 = tpu.memref_squeeze %dma_start3A_763 : memref<1x80x32xf32, #tpu.memory_space<vmem>> -> memref<80x32xf32, #tpu.memory_space<vmem>>
      %dma_start3A_765 = arith.constant 0 : i32
      %dma_start3A_766 = tpu.memref_slice %arg7[%add3A_759, %dma_start3A_765] : memref<125x80xi32, #tpu.memory_space<vmem>> -> memref<1x80xi32, #tpu.memory_space<vmem>>
      %dma_start3A_767 = tpu.memref_squeeze %dma_start3A_766 : memref<1x80xi32, #tpu.memory_space<vmem>> -> memref<80xi32, #tpu.memory_space<vmem>>
      %dma_start3A_768 = arith.constant 0 : i32
      %dma_start3A_769 = arith.constant 0 : i32
      %dma_start3A_770 = tpu.memref_slice %arg11[%dma_start3A_768, %dma_start3A_769] : memref<10240x32xf32, #tpu.memory_space<vmem_shared>> -> memref<10240x32xf32, #tpu.memory_space<vmem_shared>>
      tpu.enqueue_indirect_dma source(%dma_start3A_764 : memref<80x32xf32, #tpu.memory_space<vmem>>) target(%dma_start3A_770 : memref<10240x32xf32, #tpu.memory_space<vmem_shared>>) offsets(%dma_start3A_767 : memref<80xi32, #tpu.memory_space<vmem>>) semaphore(%arg15 : memref<!tpu.dma_semaphore, #tpu.memory_space<semaphore_mem>>) {add = true}
      %dma_wait3A_771 = arith.constant 0 : i32
      %dma_wait3A_772 = arith.constant 0 : i32
      %dma_wait3A_773 = arith.constant 0 : i32
      %dma_wait3A_774 = tpu.memref_slice %arg9[%dma_wait3A_771, %dma_wait3A_772, %dma_wait3A_773] : memref<5x80x32xf32, #tpu.memory_space<vmem>> -> memref<1x80x32xf32, #tpu.memory_space<vmem>>
      %dma_wait3A_775 = tpu.memref_squeeze %dma_wait3A_774 : memref<1x80x32xf32, #tpu.memory_space<vmem>> -> memref<80x32xf32, #tpu.memory_space<vmem>>
      %dma_wait3A_776 = arith.constant 0 : i32
      %dma_wait3A_777 = tpu.memref_slice %arg7[%add3A_639, %dma_wait3A_776] : memref<125x80xi32, #tpu.memory_space<vmem>> -> memref<1x80xi32, #tpu.memory_space<vmem>>
      %dma_wait3A_778 = tpu.memref_squeeze %dma_wait3A_777 : memref<1x80xi32, #tpu.memory_space<vmem>> -> memref<80xi32, #tpu.memory_space<vmem>>
      %dma_wait3A_779 = arith.constant 0 : i32
      %dma_wait3A_780 = arith.constant 0 : i32
      %dma_wait3A_781 = tpu.memref_slice %arg11[%dma_wait3A_779, %dma_wait3A_780] : memref<10240x32xf32, #tpu.memory_space<vmem_shared>> -> memref<10240x32xf32, #tpu.memory_space<vmem_shared>>
      tpu.wait_indirect_dma semaphore(%arg15 : memref<!tpu.dma_semaphore, #tpu.memory_space<semaphore_mem>>) src(%dma_wait3A_775 : memref<80x32xf32, #tpu.memory_space<vmem>>) dst(%dma_wait3A_781 : memref<10240x32xf32, #tpu.memory_space<vmem_shared>>)
      %dma_wait3A_782 = arith.constant 1 : i32
      %dma_wait3A_783 = arith.constant 0 : i32
      %dma_wait3A_784 = arith.constant 0 : i32
      %dma_wait3A_785 = tpu.memref_slice %arg9[%dma_wait3A_782, %dma_wait3A_783, %dma_wait3A_784] : memref<5x80x32xf32, #tpu.memory_space<vmem>> -> memref<1x80x32xf32, #tpu.memory_space<vmem>>
      %dma_wait3A_786 = tpu.memref_squeeze %dma_wait3A_785 : memref<1x80x32xf32, #tpu.memory_space<vmem>> -> memref<80x32xf32, #tpu.memory_space<vmem>>
      %dma_wait3A_787 = arith.constant 0 : i32
      %dma_wait3A_788 = tpu.memref_slice %arg7[%add3A_669, %dma_wait3A_787] : memref<125x80xi32, #tpu.memory_space<vmem>> -> memref<1x80xi32, #tpu.memory_space<vmem>>
      %dma_wait3A_789 = tpu.memref_squeeze %dma_wait3A_788 : memref<1x80xi32, #tpu.memory_space<vmem>> -> memref<80xi32, #tpu.memory_space<vmem>>
      %dma_wait3A_790 = arith.constant 0 : i32
      %dma_wait3A_791 = arith.constant 0 : i32
      %dma_wait3A_792 = tpu.memref_slice %arg11[%dma_wait3A_790, %dma_wait3A_791] : memref<10240x32xf32, #tpu.memory_space<vmem_shared>> -> memref<10240x32xf32, #tpu.memory_space<vmem_shared>>
      tpu.wait_indirect_dma semaphore(%arg15 : memref<!tpu.dma_semaphore, #tpu.memory_space<semaphore_mem>>) src(%dma_wait3A_786 : memref<80x32xf32, #tpu.memory_space<vmem>>) dst(%dma_wait3A_792 : memref<10240x32xf32, #tpu.memory_space<vmem_shared>>)
      %dma_wait3A_793 = arith.constant 2 : i32
      %dma_wait3A_794 = arith.constant 0 : i32
      %dma_wait3A_795 = arith.constant 0 : i32
      %dma_wait3A_796 = tpu.memref_slice %arg9[%dma_wait3A_793, %dma_wait3A_794, %dma_wait3A_795] : memref<5x80x32xf32, #tpu.memory_space<vmem>> -> memref<1x80x32xf32, #tpu.memory_space<vmem>>
      %dma_wait3A_797 = tpu.memref_squeeze %dma_wait3A_796 : memref<1x80x32xf32, #tpu.memory_space<vmem>> -> memref<80x32xf32, #tpu.memory_space<vmem>>
      %dma_wait3A_798 = arith.constant 0 : i32
      %dma_wait3A_799 = tpu.memref_slice %arg7[%add3A_699, %dma_wait3A_798] : memref<125x80xi32, #tpu.memory_space<vmem>> -> memref<1x80xi32, #tpu.memory_space<vmem>>
      %dma_wait3A_800 = tpu.memref_squeeze %dma_wait3A_799 : memref<1x80xi32, #tpu.memory_space<vmem>> -> memref<80xi32, #tpu.memory_space<vmem>>
      %dma_wait3A_801 = arith.constant 0 : i32
      %dma_wait3A_802 = arith.constant 0 : i32
      %dma_wait3A_803 = tpu.memref_slice %arg11[%dma_wait3A_801, %dma_wait3A_802] : memref<10240x32xf32, #tpu.memory_space<vmem_shared>> -> memref<10240x32xf32, #tpu.memory_space<vmem_shared>>
      tpu.wait_indirect_dma semaphore(%arg15 : memref<!tpu.dma_semaphore, #tpu.memory_space<semaphore_mem>>) src(%dma_wait3A_797 : memref<80x32xf32, #tpu.memory_space<vmem>>) dst(%dma_wait3A_803 : memref<10240x32xf32, #tpu.memory_space<vmem_shared>>)
      %dma_wait3A_804 = arith.constant 3 : i32
      %dma_wait3A_805 = arith.constant 0 : i32
      %dma_wait3A_806 = arith.constant 0 : i32
      %dma_wait3A_807 = tpu.memref_slice %arg9[%dma_wait3A_804, %dma_wait3A_805, %dma_wait3A_806] : memref<5x80x32xf32, #tpu.memory_space<vmem>> -> memref<1x80x32xf32, #tpu.memory_space<vmem>>
      %dma_wait3A_808 = tpu.memref_squeeze %dma_wait3A_807 : memref<1x80x32xf32, #tpu.memory_space<vmem>> -> memref<80x32xf32, #tpu.memory_space<vmem>>
      %dma_wait3A_809 = arith.constant 0 : i32
      %dma_wait3A_810 = tpu.memref_slice %arg7[%add3A_729, %dma_wait3A_809] : memref<125x80xi32, #tpu.memory_space<vmem>> -> memref<1x80xi32, #tpu.memory_space<vmem>>
      %dma_wait3A_811 = tpu.memref_squeeze %dma_wait3A_810 : memref<1x80xi32, #tpu.memory_space<vmem>> -> memref<80xi32, #tpu.memory_space<vmem>>
      %dma_wait3A_812 = arith.constant 0 : i32
      %dma_wait3A_813 = arith.constant 0 : i32
      %dma_wait3A_814 = tpu.memref_slice %arg11[%dma_wait3A_812, %dma_wait3A_813] : memref<10240x32xf32, #tpu.memory_space<vmem_shared>> -> memref<10240x32xf32, #tpu.memory_space<vmem_shared>>
      tpu.wait_indirect_dma semaphore(%arg15 : memref<!tpu.dma_semaphore, #tpu.memory_space<semaphore_mem>>) src(%dma_wait3A_808 : memref<80x32xf32, #tpu.memory_space<vmem>>) dst(%dma_wait3A_814 : memref<10240x32xf32, #tpu.memory_space<vmem_shared>>)
      %dma_wait3A_815 = arith.constant 4 : i32
      %dma_wait3A_816 = arith.constant 0 : i32
      %dma_wait3A_817 = arith.constant 0 : i32
      %dma_wait3A_818 = tpu.memref_slice %arg9[%dma_wait3A_815, %dma_wait3A_816, %dma_wait3A_817] : memref<5x80x32xf32, #tpu.memory_space<vmem>> -> memref<1x80x32xf32, #tpu.memory_space<vmem>>
      %dma_wait3A_819 = tpu.memref_squeeze %dma_wait3A_818 : memref<1x80x32xf32, #tpu.memory_space<vmem>> -> memref<80x32xf32, #tpu.memory_space<vmem>>
      %dma_wait3A_820 = arith.constant 0 : i32
      %dma_wait3A_821 = tpu.memref_slice %arg7[%add3A_759, %dma_wait3A_820] : memref<125x80xi32, #tpu.memory_space<vmem>> -> memref<1x80xi32, #tpu.memory_space<vmem>>
      %dma_wait3A_822 = tpu.memref_squeeze %dma_wait3A_821 : memref<1x80xi32, #tpu.memory_space<vmem>> -> memref<80xi32, #tpu.memory_space<vmem>>
      %dma_wait3A_823 = arith.constant 0 : i32
      %dma_wait3A_824 = arith.constant 0 : i32
      %dma_wait3A_825 = tpu.memref_slice %arg11[%dma_wait3A_823, %dma_wait3A_824] : memref<10240x32xf32, #tpu.memory_space<vmem_shared>> -> memref<10240x32xf32, #tpu.memory_space<vmem_shared>>
      tpu.wait_indirect_dma semaphore(%arg15 : memref<!tpu.dma_semaphore, #tpu.memory_space<semaphore_mem>>) src(%dma_wait3A_819 : memref<80x32xf32, #tpu.memory_space<vmem>>) dst(%dma_wait3A_825 : memref<10240x32xf32, #tpu.memory_space<vmem_shared>>)
    }
    %scan3A_72 = arith.constant 12 : i32
    %dma_wait3A = arith.constant 120 : i32
    %dma_wait3A_73 = arith.constant 0 : i32
    %dma_wait3A_74 = arith.constant 0 : i32
    %dma_wait3A_75 = arith.constant 0 : i32
    %dma_wait3A_76 = tpu.memref_slice %arg8[%dma_wait3A_73, %dma_wait3A_74, %dma_wait3A_75] : memref<5x80x32xf32, #tpu.memory_space<vmem>> -> memref<1x80x32xf32, #tpu.memory_space<vmem>>
    %dma_wait3A_77 = tpu.memref_squeeze %dma_wait3A_76 : memref<1x80x32xf32, #tpu.memory_space<vmem>> -> memref<80x32xf32, #tpu.memory_space<vmem>>
    %dma_wait3A_78 = arith.constant 0 : i32
    %dma_wait3A_79 = tpu.memref_slice %arg6[%dma_wait3A, %dma_wait3A_78] : memref<125x80xi32, #tpu.memory_space<vmem>> -> memref<1x80xi32, #tpu.memory_space<vmem>>
    %dma_wait3A_80 = tpu.memref_squeeze %dma_wait3A_79 : memref<1x80xi32, #tpu.memory_space<vmem>> -> memref<80xi32, #tpu.memory_space<vmem>>
    %dma_wait3A_81 = arith.constant 0 : i32
    %dma_wait3A_82 = arith.constant 0 : i32
    %dma_wait3A_83 = tpu.memref_slice %arg2[%dma_wait3A_81, %dma_wait3A_82] : memref<10000x32xf32, #tpu.memory_space<hbm>> -> memref<10000x32xf32, #tpu.memory_space<hbm>>
    tpu.wait_indirect_dma semaphore(%arg12 : memref<!tpu.dma_semaphore, #tpu.memory_space<semaphore_mem>>) src(%dma_wait3A_83 : memref<10000x32xf32, #tpu.memory_space<hbm>>) dst(%dma_wait3A_77 : memref<80x32xf32, #tpu.memory_space<vmem>>)
    %dma_start3A_84 = arith.constant 0 : i32
    %dma_start3A_85 = arith.constant 120 : i32
    %dma_start3A_86 = arith.constant 0 : i32
    %dma_start3A_87 = arith.constant 0 : i32
    %dma_start3A_88 = tpu.memref_slice %arg8[%dma_start3A_84, %dma_start3A_86, %dma_start3A_87] : memref<5x80x32xf32, #tpu.memory_space<vmem>> -> memref<1x80x32xf32, #tpu.memory_space<vmem>>
    %dma_start3A_89 = tpu.memref_squeeze %dma_start3A_88 : memref<1x80x32xf32, #tpu.memory_space<vmem>> -> memref<80x32xf32, #tpu.memory_space<vmem>>
    %dma_start3A_90 = arith.constant 0 : i32
    %dma_start3A_91 = tpu.memref_slice %arg7[%dma_start3A_85, %dma_start3A_90] : memref<125x80xi32, #tpu.memory_space<vmem>> -> memref<1x80xi32, #tpu.memory_space<vmem>>
    %dma_start3A_92 = tpu.memref_squeeze %dma_start3A_91 : memref<1x80xi32, #tpu.memory_space<vmem>> -> memref<80xi32, #tpu.memory_space<vmem>>
    %dma_start3A_93 = arith.constant 0 : i32
    %dma_start3A_94 = arith.constant 0 : i32
    %dma_start3A_95 = tpu.memref_slice %arg11[%dma_start3A_93, %dma_start3A_94] : memref<10240x32xf32, #tpu.memory_space<vmem_shared>> -> memref<10240x32xf32, #tpu.memory_space<vmem_shared>>
    tpu.enqueue_indirect_dma source(%dma_start3A_89 : memref<80x32xf32, #tpu.memory_space<vmem>>) target(%dma_start3A_95 : memref<10240x32xf32, #tpu.memory_space<vmem_shared>>) offsets(%dma_start3A_92 : memref<80xi32, #tpu.memory_space<vmem>>) semaphore(%arg14 : memref<!tpu.dma_semaphore, #tpu.memory_space<semaphore_mem>>) {add = true}
    %dma_wait3A_96 = arith.constant 121 : i32
    %dma_wait3A_97 = arith.constant 1 : i32
    %dma_wait3A_98 = arith.constant 0 : i32
    %dma_wait3A_99 = arith.constant 0 : i32
    %dma_wait3A_100 = tpu.memref_slice %arg8[%dma_wait3A_97, %dma_wait3A_98, %dma_wait3A_99] : memref<5x80x32xf32, #tpu.memory_space<vmem>> -> memref<1x80x32xf32, #tpu.memory_space<vmem>>
    %dma_wait3A_101 = tpu.memref_squeeze %dma_wait3A_100 : memref<1x80x32xf32, #tpu.memory_space<vmem>> -> memref<80x32xf32, #tpu.memory_space<vmem>>
    %dma_wait3A_102 = arith.constant 0 : i32
    %dma_wait3A_103 = tpu.memref_slice %arg6[%dma_wait3A_96, %dma_wait3A_102] : memref<125x80xi32, #tpu.memory_space<vmem>> -> memref<1x80xi32, #tpu.memory_space<vmem>>
    %dma_wait3A_104 = tpu.memref_squeeze %dma_wait3A_103 : memref<1x80xi32, #tpu.memory_space<vmem>> -> memref<80xi32, #tpu.memory_space<vmem>>
    %dma_wait3A_105 = arith.constant 0 : i32
    %dma_wait3A_106 = arith.constant 0 : i32
    %dma_wait3A_107 = tpu.memref_slice %arg2[%dma_wait3A_105, %dma_wait3A_106] : memref<10000x32xf32, #tpu.memory_space<hbm>> -> memref<10000x32xf32, #tpu.memory_space<hbm>>
    tpu.wait_indirect_dma semaphore(%arg12 : memref<!tpu.dma_semaphore, #tpu.memory_space<semaphore_mem>>) src(%dma_wait3A_107 : memref<10000x32xf32, #tpu.memory_space<hbm>>) dst(%dma_wait3A_101 : memref<80x32xf32, #tpu.memory_space<vmem>>)
    %dma_start3A_108 = arith.constant 1 : i32
    %dma_start3A_109 = arith.constant 121 : i32
    %dma_start3A_110 = arith.constant 0 : i32
    %dma_start3A_111 = arith.constant 0 : i32
    %dma_start3A_112 = tpu.memref_slice %arg8[%dma_start3A_108, %dma_start3A_110, %dma_start3A_111] : memref<5x80x32xf32, #tpu.memory_space<vmem>> -> memref<1x80x32xf32, #tpu.memory_space<vmem>>
    %dma_start3A_113 = tpu.memref_squeeze %dma_start3A_112 : memref<1x80x32xf32, #tpu.memory_space<vmem>> -> memref<80x32xf32, #tpu.memory_space<vmem>>
    %dma_start3A_114 = arith.constant 0 : i32
    %dma_start3A_115 = tpu.memref_slice %arg7[%dma_start3A_109, %dma_start3A_114] : memref<125x80xi32, #tpu.memory_space<vmem>> -> memref<1x80xi32, #tpu.memory_space<vmem>>
    %dma_start3A_116 = tpu.memref_squeeze %dma_start3A_115 : memref<1x80xi32, #tpu.memory_space<vmem>> -> memref<80xi32, #tpu.memory_space<vmem>>
    %dma_start3A_117 = arith.constant 0 : i32
    %dma_start3A_118 = arith.constant 0 : i32
    %dma_start3A_119 = tpu.memref_slice %arg11[%dma_start3A_117, %dma_start3A_118] : memref<10240x32xf32, #tpu.memory_space<vmem_shared>> -> memref<10240x32xf32, #tpu.memory_space<vmem_shared>>
    tpu.enqueue_indirect_dma source(%dma_start3A_113 : memref<80x32xf32, #tpu.memory_space<vmem>>) target(%dma_start3A_119 : memref<10240x32xf32, #tpu.memory_space<vmem_shared>>) offsets(%dma_start3A_116 : memref<80xi32, #tpu.memory_space<vmem>>) semaphore(%arg14 : memref<!tpu.dma_semaphore, #tpu.memory_space<semaphore_mem>>) {add = true}
    %dma_wait3A_120 = arith.constant 122 : i32
    %dma_wait3A_121 = arith.constant 2 : i32
    %dma_wait3A_122 = arith.constant 0 : i32
    %dma_wait3A_123 = arith.constant 0 : i32
    %dma_wait3A_124 = tpu.memref_slice %arg8[%dma_wait3A_121, %dma_wait3A_122, %dma_wait3A_123] : memref<5x80x32xf32, #tpu.memory_space<vmem>> -> memref<1x80x32xf32, #tpu.memory_space<vmem>>
    %dma_wait3A_125 = tpu.memref_squeeze %dma_wait3A_124 : memref<1x80x32xf32, #tpu.memory_space<vmem>> -> memref<80x32xf32, #tpu.memory_space<vmem>>
    %dma_wait3A_126 = arith.constant 0 : i32
    %dma_wait3A_127 = tpu.memref_slice %arg6[%dma_wait3A_120, %dma_wait3A_126] : memref<125x80xi32, #tpu.memory_space<vmem>> -> memref<1x80xi32, #tpu.memory_space<vmem>>
    %dma_wait3A_128 = tpu.memref_squeeze %dma_wait3A_127 : memref<1x80xi32, #tpu.memory_space<vmem>> -> memref<80xi32, #tpu.memory_space<vmem>>
    %dma_wait3A_129 = arith.constant 0 : i32
    %dma_wait3A_130 = arith.constant 0 : i32
    %dma_wait3A_131 = tpu.memref_slice %arg2[%dma_wait3A_129, %dma_wait3A_130] : memref<10000x32xf32, #tpu.memory_space<hbm>> -> memref<10000x32xf32, #tpu.memory_space<hbm>>
    tpu.wait_indirect_dma semaphore(%arg12 : memref<!tpu.dma_semaphore, #tpu.memory_space<semaphore_mem>>) src(%dma_wait3A_131 : memref<10000x32xf32, #tpu.memory_space<hbm>>) dst(%dma_wait3A_125 : memref<80x32xf32, #tpu.memory_space<vmem>>)
    %dma_start3A_132 = arith.constant 2 : i32
    %dma_start3A_133 = arith.constant 122 : i32
    %dma_start3A_134 = arith.constant 0 : i32
    %dma_start3A_135 = arith.constant 0 : i32
    %dma_start3A_136 = tpu.memref_slice %arg8[%dma_start3A_132, %dma_start3A_134, %dma_start3A_135] : memref<5x80x32xf32, #tpu.memory_space<vmem>> -> memref<1x80x32xf32, #tpu.memory_space<vmem>>
    %dma_start3A_137 = tpu.memref_squeeze %dma_start3A_136 : memref<1x80x32xf32, #tpu.memory_space<vmem>> -> memref<80x32xf32, #tpu.memory_space<vmem>>
    %dma_start3A_138 = arith.constant 0 : i32
    %dma_start3A_139 = tpu.memref_slice %arg7[%dma_start3A_133, %dma_start3A_138] : memref<125x80xi32, #tpu.memory_space<vmem>> -> memref<1x80xi32, #tpu.memory_space<vmem>>
    %dma_start3A_140 = tpu.memref_squeeze %dma_start3A_139 : memref<1x80xi32, #tpu.memory_space<vmem>> -> memref<80xi32, #tpu.memory_space<vmem>>
    %dma_start3A_141 = arith.constant 0 : i32
    %dma_start3A_142 = arith.constant 0 : i32
    %dma_start3A_143 = tpu.memref_slice %arg11[%dma_start3A_141, %dma_start3A_142] : memref<10240x32xf32, #tpu.memory_space<vmem_shared>> -> memref<10240x32xf32, #tpu.memory_space<vmem_shared>>
    tpu.enqueue_indirect_dma source(%dma_start3A_137 : memref<80x32xf32, #tpu.memory_space<vmem>>) target(%dma_start3A_143 : memref<10240x32xf32, #tpu.memory_space<vmem_shared>>) offsets(%dma_start3A_140 : memref<80xi32, #tpu.memory_space<vmem>>) semaphore(%arg14 : memref<!tpu.dma_semaphore, #tpu.memory_space<semaphore_mem>>) {add = true}
    %dma_wait3A_144 = arith.constant 123 : i32
    %dma_wait3A_145 = arith.constant 3 : i32
    %dma_wait3A_146 = arith.constant 0 : i32
    %dma_wait3A_147 = arith.constant 0 : i32
    %dma_wait3A_148 = tpu.memref_slice %arg8[%dma_wait3A_145, %dma_wait3A_146, %dma_wait3A_147] : memref<5x80x32xf32, #tpu.memory_space<vmem>> -> memref<1x80x32xf32, #tpu.memory_space<vmem>>
    %dma_wait3A_149 = tpu.memref_squeeze %dma_wait3A_148 : memref<1x80x32xf32, #tpu.memory_space<vmem>> -> memref<80x32xf32, #tpu.memory_space<vmem>>
    %dma_wait3A_150 = arith.constant 0 : i32
    %dma_wait3A_151 = tpu.memref_slice %arg6[%dma_wait3A_144, %dma_wait3A_150] : memref<125x80xi32, #tpu.memory_space<vmem>> -> memref<1x80xi32, #tpu.memory_space<vmem>>
    %dma_wait3A_152 = tpu.memref_squeeze %dma_wait3A_151 : memref<1x80xi32, #tpu.memory_space<vmem>> -> memref<80xi32, #tpu.memory_space<vmem>>
    %dma_wait3A_153 = arith.constant 0 : i32
    %dma_wait3A_154 = arith.constant 0 : i32
    %dma_wait3A_155 = tpu.memref_slice %arg2[%dma_wait3A_153, %dma_wait3A_154] : memref<10000x32xf32, #tpu.memory_space<hbm>> -> memref<10000x32xf32, #tpu.memory_space<hbm>>
    tpu.wait_indirect_dma semaphore(%arg12 : memref<!tpu.dma_semaphore, #tpu.memory_space<semaphore_mem>>) src(%dma_wait3A_155 : memref<10000x32xf32, #tpu.memory_space<hbm>>) dst(%dma_wait3A_149 : memref<80x32xf32, #tpu.memory_space<vmem>>)
    %dma_start3A_156 = arith.constant 3 : i32
    %dma_start3A_157 = arith.constant 123 : i32
    %dma_start3A_158 = arith.constant 0 : i32
    %dma_start3A_159 = arith.constant 0 : i32
    %dma_start3A_160 = tpu.memref_slice %arg8[%dma_start3A_156, %dma_start3A_158, %dma_start3A_159] : memref<5x80x32xf32, #tpu.memory_space<vmem>> -> memref<1x80x32xf32, #tpu.memory_space<vmem>>
    %dma_start3A_161 = tpu.memref_squeeze %dma_start3A_160 : memref<1x80x32xf32, #tpu.memory_space<vmem>> -> memref<80x32xf32, #tpu.memory_space<vmem>>
    %dma_start3A_162 = arith.constant 0 : i32
    %dma_start3A_163 = tpu.memref_slice %arg7[%dma_start3A_157, %dma_start3A_162] : memref<125x80xi32, #tpu.memory_space<vmem>> -> memref<1x80xi32, #tpu.memory_space<vmem>>
    %dma_start3A_164 = tpu.memref_squeeze %dma_start3A_163 : memref<1x80xi32, #tpu.memory_space<vmem>> -> memref<80xi32, #tpu.memory_space<vmem>>
    %dma_start3A_165 = arith.constant 0 : i32
    %dma_start3A_166 = arith.constant 0 : i32
    %dma_start3A_167 = tpu.memref_slice %arg11[%dma_start3A_165, %dma_start3A_166] : memref<10240x32xf32, #tpu.memory_space<vmem_shared>> -> memref<10240x32xf32, #tpu.memory_space<vmem_shared>>
    tpu.enqueue_indirect_dma source(%dma_start3A_161 : memref<80x32xf32, #tpu.memory_space<vmem>>) target(%dma_start3A_167 : memref<10240x32xf32, #tpu.memory_space<vmem_shared>>) offsets(%dma_start3A_164 : memref<80xi32, #tpu.memory_space<vmem>>) semaphore(%arg14 : memref<!tpu.dma_semaphore, #tpu.memory_space<semaphore_mem>>) {add = true}
    %dma_wait3A_168 = arith.constant 124 : i32
    %dma_wait3A_169 = arith.constant 4 : i32
    %dma_wait3A_170 = arith.constant 0 : i32
    %dma_wait3A_171 = arith.constant 0 : i32
    %dma_wait3A_172 = tpu.memref_slice %arg8[%dma_wait3A_169, %dma_wait3A_170, %dma_wait3A_171] : memref<5x80x32xf32, #tpu.memory_space<vmem>> -> memref<1x80x32xf32, #tpu.memory_space<vmem>>
    %dma_wait3A_173 = tpu.memref_squeeze %dma_wait3A_172 : memref<1x80x32xf32, #tpu.memory_space<vmem>> -> memref<80x32xf32, #tpu.memory_space<vmem>>
    %dma_wait3A_174 = arith.constant 0 : i32
    %dma_wait3A_175 = tpu.memref_slice %arg6[%dma_wait3A_168, %dma_wait3A_174] : memref<125x80xi32, #tpu.memory_space<vmem>> -> memref<1x80xi32, #tpu.memory_space<vmem>>
    %dma_wait3A_176 = tpu.memref_squeeze %dma_wait3A_175 : memref<1x80xi32, #tpu.memory_space<vmem>> -> memref<80xi32, #tpu.memory_space<vmem>>
    %dma_wait3A_177 = arith.constant 0 : i32
    %dma_wait3A_178 = arith.constant 0 : i32
    %dma_wait3A_179 = tpu.memref_slice %arg2[%dma_wait3A_177, %dma_wait3A_178] : memref<10000x32xf32, #tpu.memory_space<hbm>> -> memref<10000x32xf32, #tpu.memory_space<hbm>>
    tpu.wait_indirect_dma semaphore(%arg12 : memref<!tpu.dma_semaphore, #tpu.memory_space<semaphore_mem>>) src(%dma_wait3A_179 : memref<10000x32xf32, #tpu.memory_space<hbm>>) dst(%dma_wait3A_173 : memref<80x32xf32, #tpu.memory_space<vmem>>)
    %dma_start3A_180 = arith.constant 4 : i32
    %dma_start3A_181 = arith.constant 124 : i32
    %dma_start3A_182 = arith.constant 0 : i32
    %dma_start3A_183 = arith.constant 0 : i32
    %dma_start3A_184 = tpu.memref_slice %arg8[%dma_start3A_180, %dma_start3A_182, %dma_start3A_183] : memref<5x80x32xf32, #tpu.memory_space<vmem>> -> memref<1x80x32xf32, #tpu.memory_space<vmem>>
    %dma_start3A_185 = tpu.memref_squeeze %dma_start3A_184 : memref<1x80x32xf32, #tpu.memory_space<vmem>> -> memref<80x32xf32, #tpu.memory_space<vmem>>
    %dma_start3A_186 = arith.constant 0 : i32
    %dma_start3A_187 = tpu.memref_slice %arg7[%dma_start3A_181, %dma_start3A_186] : memref<125x80xi32, #tpu.memory_space<vmem>> -> memref<1x80xi32, #tpu.memory_space<vmem>>
    %dma_start3A_188 = tpu.memref_squeeze %dma_start3A_187 : memref<1x80xi32, #tpu.memory_space<vmem>> -> memref<80xi32, #tpu.memory_space<vmem>>
    %dma_start3A_189 = arith.constant 0 : i32
    %dma_start3A_190 = arith.constant 0 : i32
    %dma_start3A_191 = tpu.memref_slice %arg11[%dma_start3A_189, %dma_start3A_190] : memref<10240x32xf32, #tpu.memory_space<vmem_shared>> -> memref<10240x32xf32, #tpu.memory_space<vmem_shared>>
    tpu.enqueue_indirect_dma source(%dma_start3A_185 : memref<80x32xf32, #tpu.memory_space<vmem>>) target(%dma_start3A_191 : memref<10240x32xf32, #tpu.memory_space<vmem_shared>>) offsets(%dma_start3A_188 : memref<80xi32, #tpu.memory_space<vmem>>) semaphore(%arg14 : memref<!tpu.dma_semaphore, #tpu.memory_space<semaphore_mem>>) {add = true}
    %dma_wait3A_192 = arith.constant 0 : i32
    %dma_wait3A_193 = arith.constant 120 : i32
    %dma_wait3A_194 = arith.constant 0 : i32
    %dma_wait3A_195 = arith.constant 0 : i32
    %dma_wait3A_196 = tpu.memref_slice %arg8[%dma_wait3A_192, %dma_wait3A_194, %dma_wait3A_195] : memref<5x80x32xf32, #tpu.memory_space<vmem>> -> memref<1x80x32xf32, #tpu.memory_space<vmem>>
    %dma_wait3A_197 = tpu.memref_squeeze %dma_wait3A_196 : memref<1x80x32xf32, #tpu.memory_space<vmem>> -> memref<80x32xf32, #tpu.memory_space<vmem>>
    %dma_wait3A_198 = arith.constant 0 : i32
    %dma_wait3A_199 = tpu.memref_slice %arg7[%dma_wait3A_193, %dma_wait3A_198] : memref<125x80xi32, #tpu.memory_space<vmem>> -> memref<1x80xi32, #tpu.memory_space<vmem>>
    %dma_wait3A_200 = tpu.memref_squeeze %dma_wait3A_199 : memref<1x80xi32, #tpu.memory_space<vmem>> -> memref<80xi32, #tpu.memory_space<vmem>>
    %dma_wait3A_201 = arith.constant 0 : i32
    %dma_wait3A_202 = arith.constant 0 : i32
    %dma_wait3A_203 = tpu.memref_slice %arg11[%dma_wait3A_201, %dma_wait3A_202] : memref<10240x32xf32, #tpu.memory_space<vmem_shared>> -> memref<10240x32xf32, #tpu.memory_space<vmem_shared>>
    tpu.wait_indirect_dma semaphore(%arg14 : memref<!tpu.dma_semaphore, #tpu.memory_space<semaphore_mem>>) src(%dma_wait3A_197 : memref<80x32xf32, #tpu.memory_space<vmem>>) dst(%dma_wait3A_203 : memref<10240x32xf32, #tpu.memory_space<vmem_shared>>)
    %dma_wait3A_204 = arith.constant 1 : i32
    %dma_wait3A_205 = arith.constant 121 : i32
    %dma_wait3A_206 = arith.constant 0 : i32
    %dma_wait3A_207 = arith.constant 0 : i32
    %dma_wait3A_208 = tpu.memref_slice %arg8[%dma_wait3A_204, %dma_wait3A_206, %dma_wait3A_207] : memref<5x80x32xf32, #tpu.memory_space<vmem>> -> memref<1x80x32xf32, #tpu.memory_space<vmem>>
    %dma_wait3A_209 = tpu.memref_squeeze %dma_wait3A_208 : memref<1x80x32xf32, #tpu.memory_space<vmem>> -> memref<80x32xf32, #tpu.memory_space<vmem>>
    %dma_wait3A_210 = arith.constant 0 : i32
    %dma_wait3A_211 = tpu.memref_slice %arg7[%dma_wait3A_205, %dma_wait3A_210] : memref<125x80xi32, #tpu.memory_space<vmem>> -> memref<1x80xi32, #tpu.memory_space<vmem>>
    %dma_wait3A_212 = tpu.memref_squeeze %dma_wait3A_211 : memref<1x80xi32, #tpu.memory_space<vmem>> -> memref<80xi32, #tpu.memory_space<vmem>>
    %dma_wait3A_213 = arith.constant 0 : i32
    %dma_wait3A_214 = arith.constant 0 : i32
    %dma_wait3A_215 = tpu.memref_slice %arg11[%dma_wait3A_213, %dma_wait3A_214] : memref<10240x32xf32, #tpu.memory_space<vmem_shared>> -> memref<10240x32xf32, #tpu.memory_space<vmem_shared>>
    tpu.wait_indirect_dma semaphore(%arg14 : memref<!tpu.dma_semaphore, #tpu.memory_space<semaphore_mem>>) src(%dma_wait3A_209 : memref<80x32xf32, #tpu.memory_space<vmem>>) dst(%dma_wait3A_215 : memref<10240x32xf32, #tpu.memory_space<vmem_shared>>)
    %dma_wait3A_216 = arith.constant 2 : i32
    %dma_wait3A_217 = arith.constant 122 : i32
    %dma_wait3A_218 = arith.constant 0 : i32
    %dma_wait3A_219 = arith.constant 0 : i32
    %dma_wait3A_220 = tpu.memref_slice %arg8[%dma_wait3A_216, %dma_wait3A_218, %dma_wait3A_219] : memref<5x80x32xf32, #tpu.memory_space<vmem>> -> memref<1x80x32xf32, #tpu.memory_space<vmem>>
    %dma_wait3A_221 = tpu.memref_squeeze %dma_wait3A_220 : memref<1x80x32xf32, #tpu.memory_space<vmem>> -> memref<80x32xf32, #tpu.memory_space<vmem>>
    %dma_wait3A_222 = arith.constant 0 : i32
    %dma_wait3A_223 = tpu.memref_slice %arg7[%dma_wait3A_217, %dma_wait3A_222] : memref<125x80xi32, #tpu.memory_space<vmem>> -> memref<1x80xi32, #tpu.memory_space<vmem>>
    %dma_wait3A_224 = tpu.memref_squeeze %dma_wait3A_223 : memref<1x80xi32, #tpu.memory_space<vmem>> -> memref<80xi32, #tpu.memory_space<vmem>>
    %dma_wait3A_225 = arith.constant 0 : i32
    %dma_wait3A_226 = arith.constant 0 : i32
    %dma_wait3A_227 = tpu.memref_slice %arg11[%dma_wait3A_225, %dma_wait3A_226] : memref<10240x32xf32, #tpu.memory_space<vmem_shared>> -> memref<10240x32xf32, #tpu.memory_space<vmem_shared>>
    tpu.wait_indirect_dma semaphore(%arg14 : memref<!tpu.dma_semaphore, #tpu.memory_space<semaphore_mem>>) src(%dma_wait3A_221 : memref<80x32xf32, #tpu.memory_space<vmem>>) dst(%dma_wait3A_227 : memref<10240x32xf32, #tpu.memory_space<vmem_shared>>)
    %dma_wait3A_228 = arith.constant 3 : i32
    %dma_wait3A_229 = arith.constant 123 : i32
    %dma_wait3A_230 = arith.constant 0 : i32
    %dma_wait3A_231 = arith.constant 0 : i32
    %dma_wait3A_232 = tpu.memref_slice %arg8[%dma_wait3A_228, %dma_wait3A_230, %dma_wait3A_231] : memref<5x80x32xf32, #tpu.memory_space<vmem>> -> memref<1x80x32xf32, #tpu.memory_space<vmem>>
    %dma_wait3A_233 = tpu.memref_squeeze %dma_wait3A_232 : memref<1x80x32xf32, #tpu.memory_space<vmem>> -> memref<80x32xf32, #tpu.memory_space<vmem>>
    %dma_wait3A_234 = arith.constant 0 : i32
    %dma_wait3A_235 = tpu.memref_slice %arg7[%dma_wait3A_229, %dma_wait3A_234] : memref<125x80xi32, #tpu.memory_space<vmem>> -> memref<1x80xi32, #tpu.memory_space<vmem>>
    %dma_wait3A_236 = tpu.memref_squeeze %dma_wait3A_235 : memref<1x80xi32, #tpu.memory_space<vmem>> -> memref<80xi32, #tpu.memory_space<vmem>>
    %dma_wait3A_237 = arith.constant 0 : i32
    %dma_wait3A_238 = arith.constant 0 : i32
    %dma_wait3A_239 = tpu.memref_slice %arg11[%dma_wait3A_237, %dma_wait3A_238] : memref<10240x32xf32, #tpu.memory_space<vmem_shared>> -> memref<10240x32xf32, #tpu.memory_space<vmem_shared>>
    tpu.wait_indirect_dma semaphore(%arg14 : memref<!tpu.dma_semaphore, #tpu.memory_space<semaphore_mem>>) src(%dma_wait3A_233 : memref<80x32xf32, #tpu.memory_space<vmem>>) dst(%dma_wait3A_239 : memref<10240x32xf32, #tpu.memory_space<vmem_shared>>)
    %dma_wait3A_240 = arith.constant 4 : i32
    %dma_wait3A_241 = arith.constant 124 : i32
    %dma_wait3A_242 = arith.constant 0 : i32
    %dma_wait3A_243 = arith.constant 0 : i32
    %dma_wait3A_244 = tpu.memref_slice %arg8[%dma_wait3A_240, %dma_wait3A_242, %dma_wait3A_243] : memref<5x80x32xf32, #tpu.memory_space<vmem>> -> memref<1x80x32xf32, #tpu.memory_space<vmem>>
    %dma_wait3A_245 = tpu.memref_squeeze %dma_wait3A_244 : memref<1x80x32xf32, #tpu.memory_space<vmem>> -> memref<80x32xf32, #tpu.memory_space<vmem>>
    %dma_wait3A_246 = arith.constant 0 : i32
    %dma_wait3A_247 = tpu.memref_slice %arg7[%dma_wait3A_241, %dma_wait3A_246] : memref<125x80xi32, #tpu.memory_space<vmem>> -> memref<1x80xi32, #tpu.memory_space<vmem>>
    %dma_wait3A_248 = tpu.memref_squeeze %dma_wait3A_247 : memref<1x80xi32, #tpu.memory_space<vmem>> -> memref<80xi32, #tpu.memory_space<vmem>>
    %dma_wait3A_249 = arith.constant 0 : i32
    %dma_wait3A_250 = arith.constant 0 : i32
    %dma_wait3A_251 = tpu.memref_slice %arg11[%dma_wait3A_249, %dma_wait3A_250] : memref<10240x32xf32, #tpu.memory_space<vmem_shared>> -> memref<10240x32xf32, #tpu.memory_space<vmem_shared>>
    tpu.wait_indirect_dma semaphore(%arg14 : memref<!tpu.dma_semaphore, #tpu.memory_space<semaphore_mem>>) src(%dma_wait3A_245 : memref<80x32xf32, #tpu.memory_space<vmem>>) dst(%dma_wait3A_251 : memref<10240x32xf32, #tpu.memory_space<vmem_shared>>)
    %barrier3A_252 = arith.constant 0 : index
    tpu.barrier barrier_id(%barrier3A_252)
    %mul3A_253 = arith.constant 640 : i32
    %mul3A_254 = arith.muli %arg1, %mul3A_253 : i32
    "tpu.region"() ({
      %run_scoped3A = tpu.sem_alloc : memref<!tpu.dma_semaphore, #tpu.memory_space<semaphore_mem>>
      %dma_start3A_257 = arith.constant 0 : i32
      %dma_start3A_258 = tpu.memref_slice %arg11[%mul3A_254, %dma_start3A_257] : memref<10240x32xf32, #tpu.memory_space<vmem_shared>> -> memref<640x32xf32, #tpu.memory_space<vmem_shared>>
      %dma_start3A_259 = arith.constant 0 : i32
      %dma_start3A_260 = tpu.memref_slice %arg11[%mul3A_254, %dma_start3A_259] : memref<10240x32xf32, #tpu.memory_space<vmem_shared>> -> memref<640x32xf32, #tpu.memory_space<vmem_shared>>
      tpu.enqueue_dma source(%dma_start3A_260 : memref<640x32xf32, #tpu.memory_space<vmem_shared>>) target(%arg10 : memref<640x32xf32, #tpu.memory_space<vmem>>) target_semaphore(%run_scoped3A : memref<!tpu.dma_semaphore, #tpu.memory_space<semaphore_mem>>)
      %dma_wait3A_261 = arith.constant 0 : i32
      %dma_wait3A_262 = tpu.memref_slice %arg11[%mul3A_254, %dma_wait3A_261] : memref<10240x32xf32, #tpu.memory_space<vmem_shared>> -> memref<640x32xf32, #tpu.memory_space<vmem_shared>>
      %dma_wait3A_263 = arith.constant 0 : i32
      %dma_wait3A_264 = tpu.memref_slice %arg11[%mul3A_254, %dma_wait3A_263] : memref<10240x32xf32, #tpu.memory_space<vmem_shared>> -> memref<640x32xf32, #tpu.memory_space<vmem_shared>>
      tpu.wait_dma2 semaphore(%run_scoped3A : memref<!tpu.dma_semaphore, #tpu.memory_space<semaphore_mem>>) src(%dma_wait3A_264 : memref<640x32xf32, #tpu.memory_space<vmem_shared>>) dst(%arg10 : memref<640x32xf32, #tpu.memory_space<vmem>>)
      tpu.yield
    }) : () -> ()
    %mul3A_255 = arith.constant 640 : i32
    %mul3A_256 = arith.muli %arg1, %mul3A_255 : i32
    "tpu.region"() ({
      %run_scoped3A = tpu.sem_alloc : memref<!tpu.dma_semaphore, #tpu.memory_space<semaphore_mem>>
      %dma_start3A_257 = arith.constant 0 : i32
      %dma_start3A_258 = tpu.memref_slice %arg5[%arg0, %mul3A_256, %dma_start3A_257] : memref<2x10240x32xf32, #tpu.memory_space<hbm>> -> memref<1x640x32xf32, #tpu.memory_space<hbm>>
      %dma_start3A_259 = tpu.memref_squeeze %dma_start3A_258 : memref<1x640x32xf32, #tpu.memory_space<hbm>> -> memref<640x32xf32, #tpu.memory_space<hbm>>
      %dma_start3A_260 = arith.constant 0 : i32
      %dma_start3A_261 = tpu.memref_slice %arg5[%arg0, %mul3A_256, %dma_start3A_260] : memref<2x10240x32xf32, #tpu.memory_space<hbm>> -> memref<1x640x32xf32, #tpu.memory_space<hbm>>
      %dma_start3A_262 = tpu.memref_squeeze %dma_start3A_261 : memref<1x640x32xf32, #tpu.memory_space<hbm>> -> memref<640x32xf32, #tpu.memory_space<hbm>>
      tpu.enqueue_dma source(%arg10 : memref<640x32xf32, #tpu.memory_space<vmem>>) target(%dma_start3A_262 : memref<640x32xf32, #tpu.memory_space<hbm>>) target_semaphore(%run_scoped3A : memref<!tpu.dma_semaphore, #tpu.memory_space<semaphore_mem>>)
      %dma_wait3A_263 = arith.constant 0 : i32
      %dma_wait3A_264 = tpu.memref_slice %arg5[%arg0, %mul3A_256, %dma_wait3A_263] : memref<2x10240x32xf32, #tpu.memory_space<hbm>> -> memref<1x640x32xf32, #tpu.memory_space<hbm>>
      %dma_wait3A_265 = tpu.memref_squeeze %dma_wait3A_264 : memref<1x640x32xf32, #tpu.memory_space<hbm>> -> memref<640x32xf32, #tpu.memory_space<hbm>>
      %dma_wait3A_266 = arith.constant 0 : i32
      %dma_wait3A_267 = tpu.memref_slice %arg5[%arg0, %mul3A_256, %dma_wait3A_266] : memref<2x10240x32xf32, #tpu.memory_space<hbm>> -> memref<1x640x32xf32, #tpu.memory_space<hbm>>
      %dma_wait3A_268 = tpu.memref_squeeze %dma_wait3A_267 : memref<1x640x32xf32, #tpu.memory_space<hbm>> -> memref<640x32xf32, #tpu.memory_space<hbm>>
      tpu.wait_dma2 semaphore(%run_scoped3A : memref<!tpu.dma_semaphore, #tpu.memory_space<semaphore_mem>>) src(%arg10 : memref<640x32xf32, #tpu.memory_space<vmem>>) dst(%dma_wait3A_268 : memref<640x32xf32, #tpu.memory_space<hbm>>)
      tpu.yield
    }) : () -> ()
    return
  }
}

module attributes {stable_mosaic.version = 14 : i64} {
  func.func @_tc1_body(%arg0: memref<2500x512xf32, #tpu.memory_space<vmem>>, %arg1: memref<512x128xf32, #tpu.memory_space<vmem>>, %arg2: memref<2500x128xf32, #tpu.memory_space<vmem>>) attributes {dimension_semantics = [], scalar_prefetch = 0 : i64, scratch_operands = 0 : i64, tpu.core_type = #tpu.core_type<tc>} {
    %get3A = arith.constant 0 : index
    %get3A_0 = arith.constant 0 : index
    %get3A_1 = vector.load %arg0[%get3A, %get3A_0] : memref<2500x512xf32, #tpu.memory_space<vmem>>, vector<2500x512xf32>
    %get3A_2 = arith.constant 0 : index
    %get3A_3 = arith.constant 0 : index
    %get3A_4 = vector.load %arg1[%get3A_2, %get3A_3] : memref<512x128xf32, #tpu.memory_space<vmem>>, vector<512x128xf32>
    %dot_general3A = arith.constant dense<0.000000e+00> : vector<2500x128xf32>
    %dot_general3A_5 = tpu.matmul %get3A_1, %get3A_4, %dot_general3A {dimension_numbers = #tpu.dot_dimension_numbers<[1], [0], [0], [1], [0, 0, 1, 1], [], []>, transpose_lhs_hint = false} : vector<2500x512xf32>, vector<512x128xf32>, vector<2500x128xf32> -> vector<2500x128xf32>
    %swap3A = arith.constant 0 : index
    %swap3A_6 = arith.constant 0 : index
    %swap3A_7 = vector.load %arg2[%swap3A, %swap3A_6] : memref<2500x128xf32, #tpu.memory_space<vmem>>, vector<2500x128xf32>
    tpu.vector_store %arg2[%swap3A, %swap3A_6], %dot_general3A_5 {strides = array<i32>} : memref<2500x128xf32, #tpu.memory_space<vmem>>, vector<2500x128xf32>,
    return
  }
}

module attributes {stable_mosaic.version = 14 : i64} {
  func.func @_tc2_body(%arg0: memref<2500x128xf32, #tpu.memory_space<vmem>>, %arg1: memref<5120x128xf32, #tpu.memory_space<vmem>>, %arg2: memref<1x128xf32, #tpu.memory_space<vmem>>, %arg3: memref<128x128xf32, #tpu.memory_space<vmem>>, %arg4: memref<1x128xf32, #tpu.memory_space<vmem>>, %arg5: memref<1x128xf32, #tpu.memory_space<vmem>>, %arg6: memref<1x128xf32, #tpu.memory_space<vmem>>, %arg7: memref<128x128xf32, #tpu.memory_space<vmem>>, %arg8: memref<2500x128xf32, #tpu.memory_space<vmem>>) attributes {dimension_semantics = [], scalar_prefetch = 0 : i64, scratch_operands = 0 : i64, tpu.core_type = #tpu.core_type<tc>} {
    %get3A = arith.constant 0 : index
    %get3A_0 = arith.constant 0 : index
    %get3A_1 = vector.load %arg1[%get3A, %get3A_0] : memref<5120x128xf32, #tpu.memory_space<vmem>>, vector<5120x128xf32>
    %get3A_2 = arith.constant 0 : index
    %get3A_3 = arith.constant 0 : index
    %get3A_4 = vector.load %arg0[%get3A_2, %get3A_3] : memref<2500x128xf32, #tpu.memory_space<vmem>>, vector<2500x128xf32>
    %slice3A = vector.extract_strided_slice %get3A_1 {offsets = [0, 0], sizes = [2500, 128], strides = [1, 1]} : vector<5120x128xf32> to vector<2500x128xf32>
    %add3A = arith.addf %get3A_4, %slice3A : vector<2500x128xf32>
    %slice3A_5 = vector.extract_strided_slice %get3A_1 {offsets = [2560, 0], sizes = [2500, 128], strides = [1, 1]} : vector<5120x128xf32> to vector<2500x128xf32>
    %add3A_6 = arith.addf %add3A, %slice3A_5 : vector<2500x128xf32>
    %get3A_7 = arith.constant 0 : index
    %get3A_8 = arith.constant 0 : index
    %get3A_9 = vector.load %arg2[%get3A_7, %get3A_8] : memref<1x128xf32, #tpu.memory_space<vmem>>, vector<1x128xf32>
    %add3A_10 = vector.broadcast %get3A_9 : vector<1x128xf32> to vector<2500x128xf32>
    %add3A_11 = arith.addf %add3A_6, %add3A_10 : vector<2500x128xf32>
    %max3A = arith.constant 0.000000e+00 : f32
    %max3A_12 = vector.broadcast %max3A : f32 to vector<2500x128xf32>
    %max3A_13 = arith.maximumf %add3A_11, %max3A_12 : vector<2500x128xf32>
    %get3A_14 = arith.constant 0 : index
    %get3A_15 = arith.constant 0 : index
    %get3A_16 = vector.load %arg3[%get3A_14, %get3A_15] : memref<128x128xf32, #tpu.memory_space<vmem>>, vector<128x128xf32>
    %dot_general3A = arith.constant dense<0.000000e+00> : vector<2500x128xf32>
    %dot_general3A_17 = tpu.matmul %max3A_13, %get3A_16, %dot_general3A {dimension_numbers = #tpu.dot_dimension_numbers<[1], [0], [0], [1], [0, 0, 1, 1], [], []>, transpose_lhs_hint = false} : vector<2500x128xf32>, vector<128x128xf32>, vector<2500x128xf32> -> vector<2500x128xf32>
    %get3A_18 = arith.constant 0 : index
    %get3A_19 = arith.constant 0 : index
    %get3A_20 = vector.load %arg4[%get3A_18, %get3A_19] : memref<1x128xf32, #tpu.memory_space<vmem>>, vector<1x128xf32>
    %add3A_21 = vector.broadcast %get3A_20 : vector<1x128xf32> to vector<2500x128xf32>
    %add3A_22 = arith.addf %dot_general3A_17, %add3A_21 : vector<2500x128xf32>
    %max3A_23 = arith.constant 0.000000e+00 : f32
    %max3A_24 = vector.broadcast %max3A_23 : f32 to vector<2500x128xf32>
    %max3A_25 = arith.maximumf %add3A_22, %max3A_24 : vector<2500x128xf32>
    %get3A_26 = arith.constant 0 : index
    %get3A_27 = arith.constant 0 : index
    %get3A_28 = vector.load %arg5[%get3A_26, %get3A_27] : memref<1x128xf32, #tpu.memory_space<vmem>>, vector<1x128xf32>
    %get3A_29 = arith.constant 0 : index
    %get3A_30 = arith.constant 0 : index
    %get3A_31 = vector.load %arg6[%get3A_29, %get3A_30] : memref<1x128xf32, #tpu.memory_space<vmem>>, vector<1x128xf32>
    %reduce_sum3A = arith.constant dense<0.000000e+00> : vector<128xf32>
    %reduce_sum3A_32 = vector.multi_reduction <add>, %max3A_25, %reduce_sum3A [0] : vector<2500x128xf32> to vector<128xf32>
    %broadcast_in_dim3A = vector.shape_cast %reduce_sum3A_32 : vector<128xf32> to vector<1x128xf32>
    %div3A = arith.constant 2.500000e+03 : f32
    %div3A_33 = vector.broadcast %div3A : f32 to vector<1x128xf32>
    %div3A_34 = arith.divf %broadcast_in_dim3A, %div3A_33 : vector<1x128xf32>
    %slice3A_35 = vector.extract_strided_slice %div3A_34 {offsets = [0, 0], sizes = [1, 32], strides = [1, 1]} : vector<1x128xf32> to vector<1x32xf32>
    %slice3A_36 = vector.extract_strided_slice %div3A_34 {offsets = [0, 32], sizes = [1, 32], strides = [1, 1]} : vector<1x128xf32> to vector<1x32xf32>
    %add3A_37 = arith.addf %slice3A_35, %slice3A_36 : vector<1x32xf32>
    %slice3A_38 = vector.extract_strided_slice %div3A_34 {offsets = [0, 64], sizes = [1, 32], strides = [1, 1]} : vector<1x128xf32> to vector<1x32xf32>
    %add3A_39 = arith.addf %add3A_37, %slice3A_38 : vector<1x32xf32>
    %slice3A_40 = vector.extract_strided_slice %div3A_34 {offsets = [0, 96], sizes = [1, 32], strides = [1, 1]} : vector<1x128xf32> to vector<1x32xf32>
    %add3A_41 = arith.addf %add3A_39, %slice3A_40 : vector<1x32xf32>
    %mul3A = arith.constant 2.500000e-01 : f32
    %mul3A_42 = vector.broadcast %mul3A : f32 to vector<1x32xf32>
    %mul3A_43 = arith.mulf %add3A_41, %mul3A_42 : vector<1x32xf32>
    %concatenate3A = tpu.concatenate %mul3A_43, %mul3A_43, %mul3A_43, %mul3A_43 in 1 : vector<1x32xf32>, vector<1x32xf32>, vector<1x32xf32>, vector<1x32xf32> -> vector<1x128xf32>
    %sub3A = vector.broadcast %concatenate3A : vector<1x128xf32> to vector<2500x128xf32>
    %sub3A_44 = arith.subf %max3A_25, %sub3A : vector<2500x128xf32>
    %mul3A_45 = arith.mulf %sub3A_44, %sub3A_44 : vector<2500x128xf32>
    %reduce_sum3A_46 = arith.constant dense<0.000000e+00> : vector<128xf32>
    %reduce_sum3A_47 = vector.multi_reduction <add>, %mul3A_45, %reduce_sum3A_46 [0] : vector<2500x128xf32> to vector<128xf32>
    %broadcast_in_dim3A_48 = vector.shape_cast %reduce_sum3A_47 : vector<128xf32> to vector<1x128xf32>
    %div3A_49 = arith.constant 2.500000e+03 : f32
    %div3A_50 = vector.broadcast %div3A_49 : f32 to vector<1x128xf32>
    %div3A_51 = arith.divf %broadcast_in_dim3A_48, %div3A_50 : vector<1x128xf32>
    %slice3A_52 = vector.extract_strided_slice %div3A_51 {offsets = [0, 0], sizes = [1, 32], strides = [1, 1]} : vector<1x128xf32> to vector<1x32xf32>
    %slice3A_53 = vector.extract_strided_slice %div3A_51 {offsets = [0, 32], sizes = [1, 32], strides = [1, 1]} : vector<1x128xf32> to vector<1x32xf32>
    %add3A_54 = arith.addf %slice3A_52, %slice3A_53 : vector<1x32xf32>
    %slice3A_55 = vector.extract_strided_slice %div3A_51 {offsets = [0, 64], sizes = [1, 32], strides = [1, 1]} : vector<1x128xf32> to vector<1x32xf32>
    %add3A_56 = arith.addf %add3A_54, %slice3A_55 : vector<1x32xf32>
    %slice3A_57 = vector.extract_strided_slice %div3A_51 {offsets = [0, 96], sizes = [1, 32], strides = [1, 1]} : vector<1x128xf32> to vector<1x32xf32>
    %add3A_58 = arith.addf %add3A_56, %slice3A_57 : vector<1x32xf32>
    %mul3A_59 = arith.constant 2.500000e-01 : f32
    %mul3A_60 = vector.broadcast %mul3A_59 : f32 to vector<1x32xf32>
    %mul3A_61 = arith.mulf %add3A_58, %mul3A_60 : vector<1x32xf32>
    %concatenate3A_62 = tpu.concatenate %mul3A_61, %mul3A_61, %mul3A_61, %mul3A_61 in 1 : vector<1x32xf32>, vector<1x32xf32>, vector<1x32xf32>, vector<1x32xf32> -> vector<1x128xf32>
    %add3A_63 = arith.constant 9.99999974E-6 : f32
    %add3A_64 = vector.broadcast %add3A_63 : f32 to vector<1x128xf32>
    %add3A_65 = arith.addf %concatenate3A_62, %add3A_64 : vector<1x128xf32>
    %rsqrt3A = math.rsqrt %add3A_65 : vector<1x128xf32>
    %mul3A_66 = vector.broadcast %rsqrt3A : vector<1x128xf32> to vector<2500x128xf32>
    %mul3A_67 = arith.mulf %sub3A_44, %mul3A_66 : vector<2500x128xf32>
    %mul3A_68 = vector.broadcast %get3A_28 : vector<1x128xf32> to vector<2500x128xf32>
    %mul3A_69 = arith.mulf %mul3A_67, %mul3A_68 : vector<2500x128xf32>
    %add3A_70 = vector.broadcast %get3A_31 : vector<1x128xf32> to vector<2500x128xf32>
    %add3A_71 = arith.addf %mul3A_69, %add3A_70 : vector<2500x128xf32>
    %get3A_72 = arith.constant 0 : index
    %get3A_73 = arith.constant 0 : index
    %get3A_74 = vector.load %arg7[%get3A_72, %get3A_73] : memref<128x128xf32, #tpu.memory_space<vmem>>, vector<128x128xf32>
    %dot_general3A_75 = arith.constant dense<0.000000e+00> : vector<2500x128xf32>
    %dot_general3A_76 = tpu.matmul %add3A_71, %get3A_74, %dot_general3A_75 {dimension_numbers = #tpu.dot_dimension_numbers<[1], [0], [0], [1], [0, 0, 1, 1], [], []>, transpose_lhs_hint = false} : vector<2500x128xf32>, vector<128x128xf32>, vector<2500x128xf32> -> vector<2500x128xf32>
    %swap3A = arith.constant 0 : index
    %swap3A_77 = arith.constant 0 : index
    %swap3A_78 = vector.load %arg8[%swap3A, %swap3A_77] : memref<2500x128xf32, #tpu.memory_space<vmem>>, vector<2500x128xf32>
    tpu.vector_store %arg8[%swap3A, %swap3A_77], %dot_general3A_76 {strides = array<i32>} : memref<2500x128xf32, #tpu.memory_space<vmem>>, vector<2500x128xf32>,
    return
  }
}

module attributes {stable_mosaic.version = 14 : i64} {
  func.func @_tc3_body(%arg0: memref<2500x128xf32, #tpu.memory_space<vmem>>, %arg1: memref<5120x128xf32, #tpu.memory_space<vmem>>, %arg2: memref<1x128xf32, #tpu.memory_space<vmem>>, %arg3: memref<128x128xf32, #tpu.memory_space<vmem>>, %arg4: memref<1x128xf32, #tpu.memory_space<vmem>>, %arg5: memref<1x128xf32, #tpu.memory_space<vmem>>, %arg6: memref<1x128xf32, #tpu.memory_space<vmem>>, %arg7: memref<128x128xf32, #tpu.memory_space<vmem>>, %arg8: memref<1x128xf32, #tpu.memory_space<vmem>>, %arg9: memref<128x128xf32, #tpu.memory_space<vmem>>, %arg10: memref<1x128xf32, #tpu.memory_space<vmem>>, %arg11: memref<4x2500xi32, #tpu.memory_space<vmem>>, %arg12: memref<32x10xf32, #tpu.memory_space<vmem>>, %arg13: memref<1x10xf32, #tpu.memory_space<vmem>>, %arg14: memref<64x10xf32, #tpu.memory_space<vmem>>) attributes {dimension_semantics = [], scalar_prefetch = 0 : i64, scratch_operands = 0 : i64, tpu.core_type = #tpu.core_type<tc>} {
    %get3A = arith.constant 0 : index
    %get3A_0 = arith.constant 0 : index
    %get3A_1 = vector.load %arg1[%get3A, %get3A_0] : memref<5120x128xf32, #tpu.memory_space<vmem>>, vector<5120x128xf32>
    %get3A_2 = arith.constant 0 : index
    %get3A_3 = arith.constant 0 : index
    %get3A_4 = vector.load %arg0[%get3A_2, %get3A_3] : memref<2500x128xf32, #tpu.memory_space<vmem>>, vector<2500x128xf32>
    %slice3A = vector.extract_strided_slice %get3A_1 {offsets = [0, 0], sizes = [2500, 128], strides = [1, 1]} : vector<5120x128xf32> to vector<2500x128xf32>
    %add3A = arith.addf %get3A_4, %slice3A : vector<2500x128xf32>
    %slice3A_5 = vector.extract_strided_slice %get3A_1 {offsets = [2560, 0], sizes = [2500, 128], strides = [1, 1]} : vector<5120x128xf32> to vector<2500x128xf32>
    %add3A_6 = arith.addf %add3A, %slice3A_5 : vector<2500x128xf32>
    %get3A_7 = arith.constant 0 : index
    %get3A_8 = arith.constant 0 : index
    %get3A_9 = vector.load %arg2[%get3A_7, %get3A_8] : memref<1x128xf32, #tpu.memory_space<vmem>>, vector<1x128xf32>
    %add3A_10 = vector.broadcast %get3A_9 : vector<1x128xf32> to vector<2500x128xf32>
    %add3A_11 = arith.addf %add3A_6, %add3A_10 : vector<2500x128xf32>
    %max3A = arith.constant 0.000000e+00 : f32
    %max3A_12 = vector.broadcast %max3A : f32 to vector<2500x128xf32>
    %max3A_13 = arith.maximumf %add3A_11, %max3A_12 : vector<2500x128xf32>
    %get3A_14 = arith.constant 0 : index
    %get3A_15 = arith.constant 0 : index
    %get3A_16 = vector.load %arg3[%get3A_14, %get3A_15] : memref<128x128xf32, #tpu.memory_space<vmem>>, vector<128x128xf32>
    %dot_general3A = arith.constant dense<0.000000e+00> : vector<2500x128xf32>
    %dot_general3A_17 = tpu.matmul %max3A_13, %get3A_16, %dot_general3A {dimension_numbers = #tpu.dot_dimension_numbers<[1], [0], [0], [1], [0, 0, 1, 1], [], []>, transpose_lhs_hint = false} : vector<2500x128xf32>, vector<128x128xf32>, vector<2500x128xf32> -> vector<2500x128xf32>
    %get3A_18 = arith.constant 0 : index
    %get3A_19 = arith.constant 0 : index
    %get3A_20 = vector.load %arg4[%get3A_18, %get3A_19] : memref<1x128xf32, #tpu.memory_space<vmem>>, vector<1x128xf32>
    %add3A_21 = vector.broadcast %get3A_20 : vector<1x128xf32> to vector<2500x128xf32>
    %add3A_22 = arith.addf %dot_general3A_17, %add3A_21 : vector<2500x128xf32>
    %max3A_23 = arith.constant 0.000000e+00 : f32
    %max3A_24 = vector.broadcast %max3A_23 : f32 to vector<2500x128xf32>
    %max3A_25 = arith.maximumf %add3A_22, %max3A_24 : vector<2500x128xf32>
    %get3A_26 = arith.constant 0 : index
    %get3A_27 = arith.constant 0 : index
    %get3A_28 = vector.load %arg5[%get3A_26, %get3A_27] : memref<1x128xf32, #tpu.memory_space<vmem>>, vector<1x128xf32>
    %get3A_29 = arith.constant 0 : index
    %get3A_30 = arith.constant 0 : index
    %get3A_31 = vector.load %arg6[%get3A_29, %get3A_30] : memref<1x128xf32, #tpu.memory_space<vmem>>, vector<1x128xf32>
    %reduce_sum3A = arith.constant dense<0.000000e+00> : vector<128xf32>
    %reduce_sum3A_32 = vector.multi_reduction <add>, %max3A_25, %reduce_sum3A [0] : vector<2500x128xf32> to vector<128xf32>
    %broadcast_in_dim3A = vector.shape_cast %reduce_sum3A_32 : vector<128xf32> to vector<1x128xf32>
    %div3A = arith.constant 2.500000e+03 : f32
    %div3A_33 = vector.broadcast %div3A : f32 to vector<1x128xf32>
    %div3A_34 = arith.divf %broadcast_in_dim3A, %div3A_33 : vector<1x128xf32>
    %slice3A_35 = vector.extract_strided_slice %div3A_34 {offsets = [0, 0], sizes = [1, 32], strides = [1, 1]} : vector<1x128xf32> to vector<1x32xf32>
    %slice3A_36 = vector.extract_strided_slice %div3A_34 {offsets = [0, 32], sizes = [1, 32], strides = [1, 1]} : vector<1x128xf32> to vector<1x32xf32>
    %add3A_37 = arith.addf %slice3A_35, %slice3A_36 : vector<1x32xf32>
    %slice3A_38 = vector.extract_strided_slice %div3A_34 {offsets = [0, 64], sizes = [1, 32], strides = [1, 1]} : vector<1x128xf32> to vector<1x32xf32>
    %add3A_39 = arith.addf %add3A_37, %slice3A_38 : vector<1x32xf32>
    %slice3A_40 = vector.extract_strided_slice %div3A_34 {offsets = [0, 96], sizes = [1, 32], strides = [1, 1]} : vector<1x128xf32> to vector<1x32xf32>
    %add3A_41 = arith.addf %add3A_39, %slice3A_40 : vector<1x32xf32>
    %mul3A = arith.constant 2.500000e-01 : f32
    %mul3A_42 = vector.broadcast %mul3A : f32 to vector<1x32xf32>
    %mul3A_43 = arith.mulf %add3A_41, %mul3A_42 : vector<1x32xf32>
    %concatenate3A = tpu.concatenate %mul3A_43, %mul3A_43, %mul3A_43, %mul3A_43 in 1 : vector<1x32xf32>, vector<1x32xf32>, vector<1x32xf32>, vector<1x32xf32> -> vector<1x128xf32>
    %sub3A = vector.broadcast %concatenate3A : vector<1x128xf32> to vector<2500x128xf32>
    %sub3A_44 = arith.subf %max3A_25, %sub3A : vector<2500x128xf32>
    %mul3A_45 = arith.mulf %sub3A_44, %sub3A_44 : vector<2500x128xf32>
    %reduce_sum3A_46 = arith.constant dense<0.000000e+00> : vector<128xf32>
    %reduce_sum3A_47 = vector.multi_reduction <add>, %mul3A_45, %reduce_sum3A_46 [0] : vector<2500x128xf32> to vector<128xf32>
    %broadcast_in_dim3A_48 = vector.shape_cast %reduce_sum3A_47 : vector<128xf32> to vector<1x128xf32>
    %div3A_49 = arith.constant 2.500000e+03 : f32
    %div3A_50 = vector.broadcast %div3A_49 : f32 to vector<1x128xf32>
    %div3A_51 = arith.divf %broadcast_in_dim3A_48, %div3A_50 : vector<1x128xf32>
    %slice3A_52 = vector.extract_strided_slice %div3A_51 {offsets = [0, 0], sizes = [1, 32], strides = [1, 1]} : vector<1x128xf32> to vector<1x32xf32>
    %slice3A_53 = vector.extract_strided_slice %div3A_51 {offsets = [0, 32], sizes = [1, 32], strides = [1, 1]} : vector<1x128xf32> to vector<1x32xf32>
    %add3A_54 = arith.addf %slice3A_52, %slice3A_53 : vector<1x32xf32>
    %slice3A_55 = vector.extract_strided_slice %div3A_51 {offsets = [0, 64], sizes = [1, 32], strides = [1, 1]} : vector<1x128xf32> to vector<1x32xf32>
    %add3A_56 = arith.addf %add3A_54, %slice3A_55 : vector<1x32xf32>
    %slice3A_57 = vector.extract_strided_slice %div3A_51 {offsets = [0, 96], sizes = [1, 32], strides = [1, 1]} : vector<1x128xf32> to vector<1x32xf32>
    %add3A_58 = arith.addf %add3A_56, %slice3A_57 : vector<1x32xf32>
    %mul3A_59 = arith.constant 2.500000e-01 : f32
    %mul3A_60 = vector.broadcast %mul3A_59 : f32 to vector<1x32xf32>
    %mul3A_61 = arith.mulf %add3A_58, %mul3A_60 : vector<1x32xf32>
    %concatenate3A_62 = tpu.concatenate %mul3A_61, %mul3A_61, %mul3A_61, %mul3A_61 in 1 : vector<1x32xf32>, vector<1x32xf32>, vector<1x32xf32>, vector<1x32xf32> -> vector<1x128xf32>
    %add3A_63 = arith.constant 9.99999974E-6 : f32
    %add3A_64 = vector.broadcast %add3A_63 : f32 to vector<1x128xf32>
    %add3A_65 = arith.addf %concatenate3A_62, %add3A_64 : vector<1x128xf32>
    %rsqrt3A = math.rsqrt %add3A_65 : vector<1x128xf32>
    %mul3A_66 = vector.broadcast %rsqrt3A : vector<1x128xf32> to vector<2500x128xf32>
    %mul3A_67 = arith.mulf %sub3A_44, %mul3A_66 : vector<2500x128xf32>
    %mul3A_68 = vector.broadcast %get3A_28 : vector<1x128xf32> to vector<2500x128xf32>
    %mul3A_69 = arith.mulf %mul3A_67, %mul3A_68 : vector<2500x128xf32>
    %add3A_70 = vector.broadcast %get3A_31 : vector<1x128xf32> to vector<2500x128xf32>
    %add3A_71 = arith.addf %mul3A_69, %add3A_70 : vector<2500x128xf32>
    %get3A_72 = arith.constant 0 : index
    %get3A_73 = arith.constant 0 : index
    %get3A_74 = vector.load %arg7[%get3A_72, %get3A_73] : memref<128x128xf32, #tpu.memory_space<vmem>>, vector<128x128xf32>
    %dot_general3A_75 = arith.constant dense<0.000000e+00> : vector<2500x128xf32>
    %dot_general3A_76 = tpu.matmul %add3A_71, %get3A_74, %dot_general3A_75 {dimension_numbers = #tpu.dot_dimension_numbers<[1], [0], [0], [1], [0, 0, 1, 1], [], []>, transpose_lhs_hint = false} : vector<2500x128xf32>, vector<128x128xf32>, vector<2500x128xf32> -> vector<2500x128xf32>
    %get3A_77 = arith.constant 0 : index
    %get3A_78 = arith.constant 0 : index
    %get3A_79 = vector.load %arg8[%get3A_77, %get3A_78] : memref<1x128xf32, #tpu.memory_space<vmem>>, vector<1x128xf32>
    %add3A_80 = vector.broadcast %get3A_79 : vector<1x128xf32> to vector<2500x128xf32>
    %add3A_81 = arith.addf %dot_general3A_76, %add3A_80 : vector<2500x128xf32>
    %max3A_82 = arith.constant 0.000000e+00 : f32
    %max3A_83 = vector.broadcast %max3A_82 : f32 to vector<2500x128xf32>
    %max3A_84 = arith.maximumf %add3A_81, %max3A_83 : vector<2500x128xf32>
    %get3A_85 = arith.constant 0 : index
    %get3A_86 = arith.constant 0 : index
    %get3A_87 = vector.load %arg9[%get3A_85, %get3A_86] : memref<128x128xf32, #tpu.memory_space<vmem>>, vector<128x128xf32>
    %dot_general3A_88 = arith.constant dense<0.000000e+00> : vector<2500x128xf32>
    %dot_general3A_89 = tpu.matmul %max3A_84, %get3A_87, %dot_general3A_88 {dimension_numbers = #tpu.dot_dimension_numbers<[1], [0], [0], [1], [0, 0, 1, 1], [], []>, transpose_lhs_hint = false} : vector<2500x128xf32>, vector<128x128xf32>, vector<2500x128xf32> -> vector<2500x128xf32>
    %get3A_90 = arith.constant 0 : index
    %get3A_91 = arith.constant 0 : index
    %get3A_92 = vector.load %arg10[%get3A_90, %get3A_91] : memref<1x128xf32, #tpu.memory_space<vmem>>, vector<1x128xf32>
    %add3A_93 = vector.broadcast %get3A_92 : vector<1x128xf32> to vector<2500x128xf32>
    %add3A_94 = arith.addf %dot_general3A_89, %add3A_93 : vector<2500x128xf32>
    %get3A_95 = arith.constant 0 : index
    %get3A_96 = arith.constant 0 : index
    %get3A_97 = vector.load %arg11[%get3A_95, %get3A_96] : memref<4x2500xi32, #tpu.memory_space<vmem>>, vector<4x2500xi32>
    %broadcast_in_dim3A_98 = arith.constant 0.000000e+00 : f32
    %broadcast_in_dim3A_99 = vector.broadcast %broadcast_in_dim3A_98 : f32 to vector<64x32xf32>
    %broadcast_in_dim3A_100 = arith.constant 0.000000e+00 : f32
    %broadcast_in_dim3A_101 = vector.broadcast %broadcast_in_dim3A_100 : f32 to vector<64x1xf32>
    %slice3A_102 = vector.extract_strided_slice %get3A_97 {offsets = [0, 0], sizes = [1, 2500], strides = [1, 1]} : vector<4x2500xi32> to vector<1x2500xi32>
    %iota3A = tpu.iota {dimensions = array<i32: 0>} : vector<64x2500xi32>
    %eq3A = vector.broadcast %slice3A_102 : vector<1x2500xi32> to vector<64x2500xi32>
    %eq3A_103 = arith.cmpi eq, %eq3A, %iota3A : vector<64x2500xi32>
    %convert_element_type3A = arith.extui %eq3A_103 : vector<64x2500xi1> to vector<64x2500xi32>
    %convert_element_type3A_104 = arith.sitofp %convert_element_type3A : vector<64x2500xi32> to vector<64x2500xf32>
    %slice3A_105 = vector.extract_strided_slice %add3A_94 {offsets = [0, 0], sizes = [2500, 32], strides = [1, 1]} : vector<2500x128xf32> to vector<2500x32xf32>
    %dot_general3A_106 = arith.constant dense<0.000000e+00> : vector<64x32xf32>
    %dot_general3A_107 = tpu.matmul %convert_element_type3A_104, %slice3A_105, %dot_general3A_106 {dimension_numbers = #tpu.dot_dimension_numbers<[1], [0], [0], [1], [0, 0, 1, 1], [], []>, transpose_lhs_hint = false} : vector<64x2500xf32>, vector<2500x32xf32>, vector<64x32xf32> -> vector<64x32xf32>
    %add3A_108 = arith.addf %broadcast_in_dim3A_99, %dot_general3A_107 : vector<64x32xf32>
    %reduce_sum3A_109 = arith.constant dense<0.000000e+00> : vector<64xf32>
    %reduce_sum3A_110 = vector.multi_reduction <add>, %convert_element_type3A_104, %reduce_sum3A_109 [1] : vector<64x2500xf32> to vector<64xf32>
    %broadcast_in_dim3A_111 = vector.shape_cast %reduce_sum3A_110 : vector<64xf32> to vector<64x1xf32>
    %add3A_112 = arith.addf %broadcast_in_dim3A_101, %broadcast_in_dim3A_111 : vector<64x1xf32>
    %slice3A_113 = vector.extract_strided_slice %get3A_97 {offsets = [1, 0], sizes = [1, 2500], strides = [1, 1]} : vector<4x2500xi32> to vector<1x2500xi32>
    %iota3A_114 = tpu.iota {dimensions = array<i32: 0>} : vector<64x2500xi32>
    %eq3A_115 = vector.broadcast %slice3A_113 : vector<1x2500xi32> to vector<64x2500xi32>
    %eq3A_116 = arith.cmpi eq, %eq3A_115, %iota3A_114 : vector<64x2500xi32>
    %convert_element_type3A_117 = arith.extui %eq3A_116 : vector<64x2500xi1> to vector<64x2500xi32>
    %convert_element_type3A_118 = arith.sitofp %convert_element_type3A_117 : vector<64x2500xi32> to vector<64x2500xf32>
    %slice3A_119 = vector.extract_strided_slice %add3A_94 {offsets = [0, 32], sizes = [2500, 32], strides = [1, 1]} : vector<2500x128xf32> to vector<2500x32xf32>
    %dot_general3A_120 = arith.constant dense<0.000000e+00> : vector<64x32xf32>
    %dot_general3A_121 = tpu.matmul %convert_element_type3A_118, %slice3A_119, %dot_general3A_120 {dimension_numbers = #tpu.dot_dimension_numbers<[1], [0], [0], [1], [0, 0, 1, 1], [], []>, transpose_lhs_hint = false} : vector<64x2500xf32>, vector<2500x32xf32>, vector<64x32xf32> -> vector<64x32xf32>
    %add3A_122 = arith.addf %add3A_108, %dot_general3A_121 : vector<64x32xf32>
    %reduce_sum3A_123 = arith.constant dense<0.000000e+00> : vector<64xf32>
    %reduce_sum3A_124 = vector.multi_reduction <add>, %convert_element_type3A_118, %reduce_sum3A_123 [1] : vector<64x2500xf32> to vector<64xf32>
    %broadcast_in_dim3A_125 = vector.shape_cast %reduce_sum3A_124 : vector<64xf32> to vector<64x1xf32>
    %add3A_126 = arith.addf %add3A_112, %broadcast_in_dim3A_125 : vector<64x1xf32>
    %slice3A_127 = vector.extract_strided_slice %get3A_97 {offsets = [2, 0], sizes = [1, 2500], strides = [1, 1]} : vector<4x2500xi32> to vector<1x2500xi32>
    %iota3A_128 = tpu.iota {dimensions = array<i32: 0>} : vector<64x2500xi32>
    %eq3A_129 = vector.broadcast %slice3A_127 : vector<1x2500xi32> to vector<64x2500xi32>
    %eq3A_130 = arith.cmpi eq, %eq3A_129, %iota3A_128 : vector<64x2500xi32>
    %convert_element_type3A_131 = arith.extui %eq3A_130 : vector<64x2500xi1> to vector<64x2500xi32>
    %convert_element_type3A_132 = arith.sitofp %convert_element_type3A_131 : vector<64x2500xi32> to vector<64x2500xf32>
    %slice3A_133 = vector.extract_strided_slice %add3A_94 {offsets = [0, 64], sizes = [2500, 32], strides = [1, 1]} : vector<2500x128xf32> to vector<2500x32xf32>
    %dot_general3A_134 = arith.constant dense<0.000000e+00> : vector<64x32xf32>
    %dot_general3A_135 = tpu.matmul %convert_element_type3A_132, %slice3A_133, %dot_general3A_134 {dimension_numbers = #tpu.dot_dimension_numbers<[1], [0], [0], [1], [0, 0, 1, 1], [], []>, transpose_lhs_hint = false} : vector<64x2500xf32>, vector<2500x32xf32>, vector<64x32xf32> -> vector<64x32xf32>
    %add3A_136 = arith.addf %add3A_122, %dot_general3A_135 : vector<64x32xf32>
    %reduce_sum3A_137 = arith.constant dense<0.000000e+00> : vector<64xf32>
    %reduce_sum3A_138 = vector.multi_reduction <add>, %convert_element_type3A_132, %reduce_sum3A_137 [1] : vector<64x2500xf32> to vector<64xf32>
    %broadcast_in_dim3A_139 = vector.shape_cast %reduce_sum3A_138 : vector<64xf32> to vector<64x1xf32>
    %add3A_140 = arith.addf %add3A_126, %broadcast_in_dim3A_139 : vector<64x1xf32>
    %slice3A_141 = vector.extract_strided_slice %get3A_97 {offsets = [3, 0], sizes = [1, 2500], strides = [1, 1]} : vector<4x2500xi32> to vector<1x2500xi32>
    %iota3A_142 = tpu.iota {dimensions = array<i32: 0>} : vector<64x2500xi32>
    %eq3A_143 = vector.broadcast %slice3A_141 : vector<1x2500xi32> to vector<64x2500xi32>
    %eq3A_144 = arith.cmpi eq, %eq3A_143, %iota3A_142 : vector<64x2500xi32>
    %convert_element_type3A_145 = arith.extui %eq3A_144 : vector<64x2500xi1> to vector<64x2500xi32>
    %convert_element_type3A_146 = arith.sitofp %convert_element_type3A_145 : vector<64x2500xi32> to vector<64x2500xf32>
    %slice3A_147 = vector.extract_strided_slice %add3A_94 {offsets = [0, 96], sizes = [2500, 32], strides = [1, 1]} : vector<2500x128xf32> to vector<2500x32xf32>
    %dot_general3A_148 = arith.constant dense<0.000000e+00> : vector<64x32xf32>
    %dot_general3A_149 = tpu.matmul %convert_element_type3A_146, %slice3A_147, %dot_general3A_148 {dimension_numbers = #tpu.dot_dimension_numbers<[1], [0], [0], [1], [0, 0, 1, 1], [], []>, transpose_lhs_hint = false} : vector<64x2500xf32>, vector<2500x32xf32>, vector<64x32xf32> -> vector<64x32xf32>
    %add3A_150 = arith.addf %add3A_136, %dot_general3A_149 : vector<64x32xf32>
    %reduce_sum3A_151 = arith.constant dense<0.000000e+00> : vector<64xf32>
    %reduce_sum3A_152 = vector.multi_reduction <add>, %convert_element_type3A_146, %reduce_sum3A_151 [1] : vector<64x2500xf32> to vector<64xf32>
    %broadcast_in_dim3A_153 = vector.shape_cast %reduce_sum3A_152 : vector<64xf32> to vector<64x1xf32>
    %add3A_154 = arith.addf %add3A_140, %broadcast_in_dim3A_153 : vector<64x1xf32>
    %max3A_155 = arith.constant 1.000000e+00 : f32
    %max3A_156 = vector.broadcast %max3A_155 : f32 to vector<64x1xf32>
    %max3A_157 = arith.maximumf %add3A_154, %max3A_156 : vector<64x1xf32>
    %div3A_158 = vector.broadcast %max3A_157 : vector<64x1xf32> to vector<64x32xf32>
    %div3A_159 = arith.divf %add3A_150, %div3A_158 : vector<64x32xf32>
    %get3A_160 = arith.constant 0 : index
    %get3A_161 = arith.constant 0 : index
    %get3A_162 = vector.load %arg12[%get3A_160, %get3A_161] : memref<32x10xf32, #tpu.memory_space<vmem>>, vector<32x10xf32>
    %dot_general3A_163 = arith.constant dense<0.000000e+00> : vector<64x10xf32>
    %dot_general3A_164 = tpu.matmul %div3A_159, %get3A_162, %dot_general3A_163 {dimension_numbers = #tpu.dot_dimension_numbers<[1], [0], [0], [1], [0, 0, 1, 1], [], []>, transpose_lhs_hint = false} : vector<64x32xf32>, vector<32x10xf32>, vector<64x10xf32> -> vector<64x10xf32>
    %get3A_165 = arith.constant 0 : index
    %get3A_166 = arith.constant 0 : index
    %get3A_167 = vector.load %arg13[%get3A_165, %get3A_166] : memref<1x10xf32, #tpu.memory_space<vmem>>, vector<1x10xf32>
    %add3A_168 = vector.broadcast %get3A_167 : vector<1x10xf32> to vector<64x10xf32>
    %add3A_169 = arith.addf %dot_general3A_164, %add3A_168 : vector<64x10xf32>
    %swap3A = arith.constant 0 : index
    %swap3A_170 = arith.constant 0 : index
    %swap3A_171 = vector.load %arg14[%swap3A, %swap3A_170] : memref<64x10xf32, #tpu.memory_space<vmem>>, vector<64x10xf32>
    tpu.vector_store %arg14[%swap3A, %swap3A_170], %add3A_169 {strides = array<i32>} : memref<64x10xf32, #tpu.memory_space<vmem>>, vector<64x10xf32>,
    return
  }
}

</mosaic_0001>

<sc_bundles>
// kernel: kernel.10.cloned.1.call-start
scs
__scs_entry_jumppad:
0x0: {  	(pc) =	sbr.rel $0x88, $3  }
0x1: {  	(tag) =	ssettag $0x0;
	lr =	simm.s32 $0x1  }
0x2: {  	[smem:$0x3F8C] =	sst lr;
	_ =	strace $0xD0000000  }
0x3: {  	_ = 	snop  }
0x4: {  	_ = 	snop  }
0x5: {  	_ = 	snop  }
0x6: {  	_ = 	snop  }
0x7: {  	_ = 	snop  }
__scs_overlays_trampoline_lowered:
0x8: {  	[smem:$0x3F9B] =	sst s0  }
0x9: {  	[smem:$0x3F9C] =	sst s1  }
0xa: {  	[smem:$0x3F9D] =	sst s2  }
0xb: {  	[smem:$0x3F9E] =	sst s3  }
0xc: {  	[smem:$0x3F9F] =	sst s4  }
0xd: {  	[smem:$0x3FA0] =	sst s5  }
0xe: {  	[smem:$0x3FA1] =	sst s6  }
0xf: {  	[smem:$0x3FA2] =	sst s7  }
0x10: {  	[smem:$0x3FA3] =	sst s8  }
0x11: {  	[smem:$0x3FA4] =	sst s9;
	s0 =	simm.s32 @!p0 $0x0  }
0x12: {  	s1 =	sld [smem:$0x3F8A];
	s0 =	simm.s32 @p0 $0x1  }
0x13: {  	[smem:$0x3FA5] =	sst s0;
	s0 =	simm.s32 @!p1 $0x0  }
0x14: {  	s2 =	sld [smem:$0x3F89];
	s0 =	simm.s32 @p1 $0x1  }
0x15: {  	[smem:$0x3FA6] =	sst s0;
	s0 =	simm.s32 @!p2 $0x0  }
0x16: {  	s3 =	sld [smem:$0x3FDB];
	s0 =	simm.s32 @p2 $0x1  }
0x17: {  	s4 =	simm.s32 $0x1BF5;
	[smem:$0x3FA8] =	sst s0  }
0x18: {  	s0 =	sld [smem:$0x3F8B];
	_ =	swait.ge [sflag:s4], $0x0  }
0x19: {  	s7 =	sld [smem:$0x3F8C]  }
0x1a: {  	s8 =	sadd.s32 $0xFFFFE003, lr  }
0x1b: {  	s9 =	sadd.s32 $0xFFFFFEF7, lr;
	s5 =	simm.s32 $0xFFFFFFFF;
	p2 =	slt.u32 s8, $0xFFFFF086  }
0x1c: {  	p1 =	slt.u32 s9, $0xF7A;
	s5 =	simm.s32 @!p2 $0x0  }
0x1d: {  	s5 =	simm.s32 @p1 $0x1;
	p0 =	seq.s32 s7, s2  }
0x1e: {  	s7 =	smul.u32 @!p0 $0xF7A, s2;
	p2 =	seq.s32 @!p0 s5, $0x0  }
0x1f: {  	s9 =	smul.u32 $0xF7A, s1;
	s8 =	simm.s32 @!p0 $0x1BF5;
	p2 =	por !p2, p0  }
0x20: {  	[sflag:s8] =	ssyncset.s32 @!p0 $0xFFFFF086;
	s6 =	sadd.s32 @!p0 s3, s7;
	s7 =	simm.s32 @!p0 $0x108  }
0x21: {  	s3 =	sadd.s32 s3, s9;
	s6 =	sadd.s32 @!p0 $0x88, s6;
	s7 =	simm.s32 @p2 $0x1082  }
0x22: {  	[simem:s7], [sflag:s8] =	dma.local @!p0 [hbm:s6], $0xF7A  }
0x23: {  	s9 =	sor.u32 $0xD0000000, s2;
	s6 =	simm.s32 $0x108;
	_ =	swait.ge @!p0 [sflag:s8], $0x0  }
0x24: {  	s3 =	sadd.s32 $0x88, s3;
	s6 =	simm.s32 @!p1 $0x1082;
	[sflag:s4] =	ssyncset.s32 $0xFFFFF086  }
0x25: {  	[simem:s6], [sflag:s4] =	dma.local [hbm:s3], $0xF7A  }
0x26: {  	[smem:$0x3F8C] =	sst s1;
	(tag) =	ssettag s2;
	_ =	strace s9  }
0x27: {  	s1 =	sld [smem:$0x3F9C]  }
0x28: {  	s2 =	sld [smem:$0x3F9D]  }
0x29: {  	s4 =	sld [smem:$0x3F9F]  }
0x2a: {  	p0 =	seq.s32 s5, $0x0;
	s5 =	sld [smem:$0x3FA0]  }
0x2b: {  	s6 =	sld [smem:$0x3FA1]  }
0x2c: {  	s7 =	sld [smem:$0x3FA2]  }
0x2d: {  	s3 =	simm.s32 $0x108;
	s8 =	sld [smem:$0x3FA3]  }
0x2e: {  	s3 =	simm.s32 @!p0 $0x1082;
	s9 =	sld [smem:$0x3FA4]  }
0x2f: {  	lr =	sadd.s32 s0, s3;
	s0 =	sld [smem:$0x3F9B]  }
0x30: {  	s3 =	sld [smem:$0x3F9E]  }
0x31: {  	[smem:$0x3FA7] =	sst s10  }
0x32: {  	s10 =	sld [smem:$0x3FA5];
	_ =	sdelay $0x3  }
0x33: {  	p0 =	seq.s32 s10, $0x1;
	s10 =	sld [smem:$0x3FA7];
	_ =	sdelay $0x3  }
0x34: {  	[smem:$0x3FA7] =	sst s10  }
0x35: {  	s10 =	sld [smem:$0x3FA6];
	_ =	sdelay $0x3  }
0x36: {  	p1 =	seq.s32 s10, $0x1;
	s10 =	sld [smem:$0x3FA7];
	_ =	sdelay $0x3  }
0x37: {  	[smem:$0x3FA7] =	sst s10  }
0x38: {  	s10 =	sld [smem:$0x3FA8]  }
0x39: {  	_ = 	snop;
	(pc) =	sbr.ind lr, $3  }
0x3a: {  	_ = 	snop  }
0x3b: {  	_ = 	snop  }
0x3c: {  	p2 =	seq.s32 s10, $0x1;
	s10 =	sld [smem:$0x3FA7]  }
0x3d: {  	_ =	shalt  }
0x3e: {  	_ =	shalt  }
0x3f: {  	_ =	shalt  }
0x40: {  	_ =	shalt  }
0x41: {  	_ =	shalt  }
0x42: {  	_ =	shalt  }
0x43: {  	_ =	shalt  }
0x44: {  	_ =	shalt  }
0x45: {  	_ =	shalt  }
0x46: {  	_ =	shalt  }
0x47: {  	_ =	shalt  }
0x48: {  	_ =	shalt  }
0x49: {  	_ =	shalt  }
0x4a: {  	_ =	shalt  }
0x4b: {  	_ =	shalt  }
0x4c: {  	_ =	shalt  }
0x4d: {  	_ =	shalt  }
0x4e: {  	_ =	shalt  }
0x4f: {  	_ =	shalt  }
0x50: {  	_ =	shalt  }
0x51: {  	_ =	shalt  }
0x52: {  	_ =	shalt  }
0x53: {  	_ =	shalt  }
0x54: {  	_ =	shalt  }
0x55: {  	_ =	shalt  }
0x56: {  	_ =	shalt  }
0x57: {  	_ =	shalt  }
0x58: {  	_ =	shalt  }
0x59: {  	_ =	shalt  }
0x5a: {  	_ =	shalt  }
0x5b: {  	_ =	shalt  }
0x5c: {  	_ =	shalt  }
0x5d: {  	_ =	shalt  }
0x5e: {  	_ =	shalt  }
0x5f: {  	_ =	shalt  }
0x60: {  	_ =	shalt  }
0x61: {  	_ =	shalt  }
0x62: {  	_ =	shalt  }
0x63: {  	_ =	shalt  }
0x64: {  	_ =	shalt  }
0x65: {  	_ =	shalt  }
0x66: {  	_ =	shalt  }
0x67: {  	_ =	shalt  }
0x68: {  	_ =	shalt  }
0x69: {  	_ =	shalt  }
0x6a: {  	_ =	shalt  }
0x6b: {  	_ =	shalt  }
0x6c: {  	_ =	shalt  }
0x6d: {  	_ =	shalt  }
0x6e: {  	_ =	shalt  }
0x6f: {  	_ =	shalt  }
0x70: {  	_ =	shalt  }
0x71: {  	_ =	shalt  }
0x72: {  	_ =	shalt  }
0x73: {  	_ =	shalt  }
0x74: {  	_ =	shalt  }
0x75: {  	_ =	shalt  }
0x76: {  	_ =	shalt  }
0x77: {  	_ =	shalt  }
0x78: {  	_ =	shalt  }
0x79: {  	_ =	shalt  }
0x7a: {  	_ =	shalt  }
0x7b: {  	_ =	shalt  }
0x7c: {  	_ =	shalt  }
0x7d: {  	_ =	shalt  }
0x7e: {  	_ =	shalt  }
0x7f: {  	_ =	shalt  }
0x80: {  	_ =	shalt  }
0x81: {  	_ =	shalt  }
0x82: {  	_ =	shalt  }
0x83: {  	_ =	shalt  }
0x84: {  	_ =	shalt  }
0x85: {  	_ =	shalt  }
0x86: {  	_ =	shalt  }
0x87: {  	_ =	shalt  }
.Lfunc_end0:
.L_simem_size_0:
called_computation.1_lowered:
.L_overlay_start_0:
0x88: {  	s2 =	sld [smem:$0x3FD9]  }
0x89: {  	s3 =	sld [smem:$0x3FFE];
	_ =	sdelay $0x1  }
0x8a: {  	s1 =	srdreg.scid  }
0x8b: {  	s0 =	sand.u32 $0x1, s1  }
0x8c: {  	s16 =	sshll.u32 s0, $0xA;
	s2 =	sadd.s32 s3, s2  }
0x8d: {  	s2 =	sadd.s32 s2, s16  }
0x8e: {  	[smem:$0x3FB3] =	sst s2  }
0x8f: {  	_ = 	snop  }
0x90: {  	(tm) =	ssettm $0x1  }
0x91: {  	s17 =	sld [smem:$0x3FFB];
	_ =	sdelay $0x3  }
0x92: {  	_ =	strace s17  }
0x93: {  	s2 =	sld [smem:$0x3FFC];
	_ =	sdelay $0x3  }
0x94: {  	_ =	strace s2  }
0x95: {  	s2 =	sld [smem:$0x3FFD];
	_ =	sdelay $0x3  }
0x96: {  	_ =	strace s2  }
0x97: {  	_ =	strace $0x8FFFFFFF  }
0x98: {  	s18 =	sld [smem:$0x3FDB];
	_ =	sdelay $0x1  }
0x99: {  	s19 =	simm.s32 $_scs_section_size  }
0x9a: {  	s4 =	simm.s32 $_size__tile_overlayer_lowered;
	s5 =	simm.s32 $_tile_overlayer_lowered  }
0x9b: {  	s22 =	simm.s32 $0x1BFF;
	s21 =	sshll.u32 s5, $0x1;
	s2 =	sadd.s32 s19, s18  }
0x9c: {  	s6 =	simm.s32 $0x0;
	s20 =	sshll.u32 s4, $0x1;
	s4 =	sadd.s32 s21, s2  }
0x9d: {  	[timem:s6], [sflag:s22] =	dma.local [hbm:s4], s20  }
0x9e: {  	_ =	swait.ge [sflag:s22], s20  }
0x9f: {  	s3 =	ssub.s32 $0x0, s20;
	[sflag:s22] =	ssyncset.done $0x0  }
0xa0: {  	[sflag:s22] =	ssyncadd.s32 s3;
	_ =	sdelay $0x1  }
0xa1: {  	s23 =	simm.s32 $0x1B8B  }
0xa2: {  	_ =	swait.ge [sflag:s23], $0x1  }
0xa3: {  	[sflag:s23] =	ssyncset.done $0x0  }
0xa4: {  	s25 =	simm.s32 $0x1B8E;
	s24 =	sld [smem:$0x3FFE];
	[sflag:s23] =	ssyncadd.s32 $0xFFFFFFFF  }
0xa5: {  	s26 =	simm.s32 $execute0_lowered;
	[smem:$0x3FD2] =	sst s25  }
0xa6: {  	s4 =	sshll.u32 s26, $0x1;
	_ =	strace $0x80000049;
	[dreg:$0x1] =	wrdreg $0xFFFFFFFF  }
0xa7: {  	s28 =	simm.s32 $_size_execute0_lowered;
	s2 =	sadd.s32 s2, s4;
	[dreg:$0x0] =	wrdreg $0x0  }
0xa8: {  	s4 =	sshll.u32 s28, $0x1;
	[dreg:$0x2] =	wrdreg s2  }
0xa9: {  	[dreg:$0x3] =	wrdreg s4  }
0xaa: {  	[dreg:$0x4] =	wrdreg $0xC0  }
0xab: {  	_ =	task [dreg:s6], $0x5FFFF  }
0xac: {  	[dreg:$0x1] =	wrdreg $0xFFFFFFFF  }
0xad: {  	[dreg:$0x0] =	wrdreg $0x60  }
0xae: {  	[dreg:$0x2] =	wrdreg s24  }
0xaf: {  	[dreg:$0x3] =	wrdreg $0x102200  }
0xb0: {  	[dreg:$0x4] =	wrdreg $0x9  }
0xb1: {  	_ =	task.clear_ibuf [dreg:s6], $0x5FFFF;
	_ =	strace $0x90000049  }
0xb2: {  	s29 =	simm.s32 $0x9;
	_ =	strace $0x8000004B  }
0xb3: {  	_ =	swait.ge [sflag:s29], $0x1  }
0xb4: {  	[sflag:s29] =	ssyncadd.s32 $0xFFFFFFFF  }
0xb5: {  	_ =	strace $0x9000004B  }
0xb6: {  	_ =	sfence  }
0xb7: {  	s30 =	sld [smem:$0x0];
	_ =	sdelay $0x2  }
0xb8: {  	s31 =	sshll.u32 s1, $0xD;
	s1 =	sshrl.u32 s1, $0x2  }
0xb9: {  	s3 =	sand.u32 $0x4000, s31;
	s1 =	sadd.s32 s1, s30  }
0xba: {  	s0 =	sor.u32 s3, s0;
	s1 =	sshll.u32 s1, $0x11  }
0xbb: {  	s0 =	sor.u32 s1, s0  }
0xbc: {  	s0 =	sadd.s32 $0x8F2B, s0  }
0xbd: {  	[sflag:s0] =	ssyncadd.remote.s32 $0x1  }
0xbe: {  	_ =	sfence.sel $0xFFFF  }
0xbf: {  	[dreg:$0x0] =	wrdreg $0xFFFFFFFF;
	(pc) =	sbr.abs _section_cstart, $3  }
0xc0: {  	[dreg:$0x1] =	wrdreg $0xFFFFFFFF  }
0xc1: {  	_ =	task.clear_ibuf [dreg:s6], $0x2FFFF;
	_ =	strace $0x9FFFFFFF  }
0xc2: {  	(tm) =	ssettm $0x7FFFFFFF  }
0xc3: {  	_ =	shalt  }
tec
execute0_lowered:
.L_overlay_start_1:
0x0: {  	(tag) =	ssettag $0x1  }
0x1: {  	s0 =	rddreg [dreg:$0x0]  }
0x2: {  	s2 =	rddreg [dreg:$0x1]  }
0x3: {  	s1 =	srdreg.scid;
	s6 =	stileid.u32;
	s3 =	simm.s32 $0x0  }
0x4: {  	s10 =	simm.s32 $0x5;
	s12 =	simm.s32 $0x50;
	s13 =	simm.s32 $0x4E20  }
0x5: {  	s14 =	simm.s32 $0x5820;
	s16 =	simm.s32 $0x6220;
	s18 =	simm.s32 $0x6C20  }
0x6: {  	s20 =	simm.s32 $0x7620;
	s21 =	simm.s32 $0xB220;
	s22 =	simm.s32 $0x8020  }
0x7: {  	s23 =	simm.s32 $0x8A20;
	s24 =	simm.s32 $0x9420;
	s25 =	simm.s32 $0x9E20  }
0x8: {  	s28 =	simm.s32 $0x1;
	s29 =	simm.s32 $0x3;
	s30 =	simm.s32 $0x2  }
0x9: {  	s31 =	simm.s32 $0x4;
	s19 =	simm.s32 $0x0;
	s1 =	sand.u32 $0x1, s1  }
0xa: {  	s7 =	smul.u32 $0x5000, s6;
	[smem:$0x7FF] =	sst s3;
	s4 =	sshll.u32 s1, $0x4  }
0xb: {  	s5 =	smul.u32 $0x50000, s1;
	s1 =	ssub.s32 $0x2, s1;
	s4 =	sor.u32 s6, s4  }
0xc: {  	_ =	strace $0x8000004A;
	s26 =	sshrl.u32 s1, $0x1;
	s6 =	smul.u32 $0x4E2, s4  }
0xd: {  	s5 =	sadd.s32 s7, s5;
	s4 =	sadd.s32 $0x17000, s0;
	s1 =	ssub.s32 s1, s26  }
0xe: {  	s7 =	sadd.s32 s7, s2;
	s26 =	simm.s32 $0xA820;
	s5 =	sshrl.u32 s5, $0x3  }
0xf: {  	s9 =	smax.u32 s1, $0x1;
	s6 =	sadd.s32 s6, s0;
	s0 =	sadd.s32 s5, s0  }
0x10: {  	v0 =	vimm.f32 $0.0e+00;
	s5 =	sadd.s32 $0xD200, s6;
	s6 =	sadd.s32 $0x3400, s6;
	s8 =	sadd.s32 $0x20E00, s0  }
.LBB2_1:
0x11: {  	[tilespmem:s3], [sflag:$0x5] =	stream.linear.gather [hbm4b:s5+s3], $0x2710, $0x38;
	[tilespmem:$0x15220] =	vst v63  }
0x12: {  	_ =	swait.ge [sflag:s10], $0x2710  }
0x13: {  	[sflag:s10] =	ssyncset.done $0x0  }
0x14: {  	s0 =	simm.s32 $0x2710;
	[sflag:s10] =	ssyncadd.s32 $0xFFFFD8F0  }
0x15: {  	[tilespmem:s0], [sflag:$0x5] =	stream.linear.gather [hbm4b:s6+s3], $0x2710, $0x38;
	[tilespmem:$0x15220] =	vst v63  }
0x16: {  	_ =	swait.ge [sflag:s10], $0x2710  }
0x17: {  	[sflag:s10] =	ssyncset.done $0x0  }
0x18: {  	[sflag:s10] =	ssyncadd.s32 $0xFFFFD8F0  }
0x19: {  	[tilespmem:s13], [sflag:$0x1] =	stream.indirect.gather [hbm4b:s4+s12], $0x20, s3, s12, $0xb8;
	[tilespmem:$0x15220] =	vst v63  }
0x1a: {  	_ = 	snop  }
0x1b: {  	[tilespmem:s14], [sflag:$0x1] =	stream.indirect.gather [hbm4b:s4+s12], $0x20, s12, s12, $0xb8;
	[tilespmem:$0x15220] =	vst v63  }
0x1c: {  	s11 =	simm.s32 $0xA0  }
0x1d: {  	[tilespmem:s16], [sflag:$0x1] =	stream.indirect.gather [hbm4b:s4+s12], $0x20, s11, s12, $0xb8;
	[tilespmem:$0x15220] =	vst v63  }
0x1e: {  	s15 =	simm.s32 $0xF0  }
0x1f: {  	[tilespmem:s18], [sflag:$0x1] =	stream.indirect.gather [hbm4b:s4+s12], $0x20, s15, s12, $0xb8;
	[tilespmem:$0x15220] =	vst v63  }
0x20: {  	s17 =	simm.s32 $0x140;
	s1 =	simm.s32 $0x0;
	s0 =	simm.s32 $0x80  }
0x21: {  	[tilespmem:s20], [sflag:$0x1] =	stream.indirect.gather [hbm4b:s4+s12], $0x20, s17, s12, $0xb8;
	[tilespmem:$0x15220] =	vst v63  }
.LBB2_2:
0x22: {  	p0 =	sne.s32 s0, $0x13F80;
	[tilespmem:s1+$0xB220] =	vst v0;
	s11 =	smov.u32 s0;
	s0 =	sadd.s32 $0x80, s0  }
.Ltmp0:
0x23: {  	[tilespmem:s1+$0xB230] =	vst v0;
	(pc) =	sbr.rel @p0 .LBB2_2-.Ltmp0, $2  }
0x24: {  	_ =	sdelay $0x2  }
0x25: {  	s1 =	sshra.s32 s11, $0x2  }
0x26: {  	[tilespmem:s1+$0xB220] =	vst v0  }
0x27: {  	[tilespmem:s1+$0xB230] =	vst v0  }
0x28: {  	[spmem:s7] =	stream.linear.scatter [tilespmem:s21], [sflag:$0x5], $0x5000, $0x38;
	[tilespmem:$0x15220] =	vst v63  }
0x29: {  	_ =	swait.ge [sflag:s10], $0x5000  }
0x2a: {  	[sflag:s10] =	ssyncset.done $0x0  }
0x2b: {  	[sflag:s10] =	ssyncadd.s32 $0xFFFFB000  }
0x2c: {  	s0 =	simm.s32 $0x190;
	[bflag:$0x0] =	sbarrier.arrive $0xFFFF  }
0x2d: {  	[tilespmem:s22], [sflag:$0x2] =	stream.indirect.gather [hbm4b:s4+s12], $0x20, s0, s12, $0xb8;
	[tilespmem:$0x15220] =	vst v63  }
0x2e: {  	s11 =	simm.s32 $0x1E0  }
0x2f: {  	[tilespmem:s23], [sflag:$0x2] =	stream.indirect.gather [hbm4b:s4+s12], $0x20, s11, s12, $0xb8;
	[tilespmem:$0x15220] =	vst v63  }
0x30: {  	s15 =	simm.s32 $0x230  }
0x31: {  	[tilespmem:s24], [sflag:$0x2] =	stream.indirect.gather [hbm4b:s4+s12], $0x20, s15, s12, $0xb8;
	[tilespmem:$0x15220] =	vst v63  }
0x32: {  	s17 =	simm.s32 $0x280  }
0x33: {  	[tilespmem:s25], [sflag:$0x2] =	stream.indirect.gather [hbm4b:s4+s12], $0x20, s17, s12, $0xb8;
	[tilespmem:$0x15220] =	vst v63  }
0x34: {  	s1 =	simm.s32 $0x2D0  }
0x35: {  	[tilespmem:s26], [sflag:$0x2] =	stream.indirect.gather [hbm4b:s4+s12], $0x20, s1, s12, $0xb8;
	[tilespmem:$0x15220] =	vst v63  }
0x36: {  	_ =	swait.ge [sflag:s28], $0xA00  }
0x37: {  	[sflag:s28] =	ssyncset.done $0x0  }
0x38: {  	s11 =	simm.s32 $0x2710;
	[sflag:s28] =	ssyncadd.s32 $0xFFFFF600  }
0x39: {  	[spmem:s2] =	stream.indirect.scatter.add.f32 [tilespmem:s13], [sflag:$0x3], $0x20, s11, s12, $0xb8;
	[tilespmem:$0x15220] =	vst v63  }
0x3a: {  	_ =	swait.ge [sflag:s28], $0xA00  }
0x3b: {  	[sflag:s28] =	ssyncset.done $0x0  }
0x3c: {  	s15 =	simm.s32 $0x2760;
	[sflag:s28] =	ssyncadd.s32 $0xFFFFF600  }
0x3d: {  	[spmem:s2] =	stream.indirect.scatter.add.f32 [tilespmem:s14], [sflag:$0x3], $0x20, s15, s12, $0xb8;
	[tilespmem:$0x15220] =	vst v63  }
0x3e: {  	_ =	swait.ge [sflag:s28], $0xA00  }
0x3f: {  	[sflag:s28] =	ssyncset.done $0x0  }
0x40: {  	s17 =	simm.s32 $0x27B0;
	[sflag:s28] =	ssyncadd.s32 $0xFFFFF600  }
0x41: {  	[spmem:s2] =	stream.indirect.scatter.add.f32 [tilespmem:s16], [sflag:$0x3], $0x20, s17, s12, $0xb8;
	[tilespmem:$0x15220] =	vst v63  }
0x42: {  	_ =	swait.ge [sflag:s28], $0xA00  }
0x43: {  	[sflag:s28] =	ssyncset.done $0x0  }
0x44: {  	s1 =	simm.s32 $0x2800;
	[sflag:s28] =	ssyncadd.s32 $0xFFFFF600  }
0x45: {  	[spmem:s2] =	stream.indirect.scatter.add.f32 [tilespmem:s18], [sflag:$0x3], $0x20, s1, s12, $0xb8;
	[tilespmem:$0x15220] =	vst v63  }
0x46: {  	_ =	swait.ge [sflag:s28], $0xA00  }
0x47: {  	[sflag:s28] =	ssyncset.done $0x0  }
0x48: {  	s11 =	simm.s32 $0x2850;
	[sflag:s28] =	ssyncadd.s32 $0xFFFFF600  }
0x49: {  	[spmem:s2] =	stream.indirect.scatter.add.f32 [tilespmem:s20], [sflag:$0x3], $0x20, s11, s12, $0xb8;
	[tilespmem:$0x15220] =	vst v63  }
0x4a: {  	_ =	swait.ge [sflag:s29], $0xA00  }
0x4b: {  	[sflag:s29] =	ssyncset.done $0x0  }
0x4c: {  	[sflag:s29] =	ssyncadd.s32 $0xFFFFF600  }
0x4d: {  	_ =	swait.ge [sflag:s29], $0xA00  }
0x4e: {  	[sflag:s29] =	ssyncset.done $0x0  }
0x4f: {  	[sflag:s29] =	ssyncadd.s32 $0xFFFFF600  }
0x50: {  	_ =	swait.ge [sflag:s29], $0xA00  }
0x51: {  	[sflag:s29] =	ssyncset.done $0x0  }
0x52: {  	[sflag:s29] =	ssyncadd.s32 $0xFFFFF600  }
0x53: {  	_ =	swait.ge [sflag:s29], $0xA00  }
0x54: {  	[sflag:s29] =	ssyncset.done $0x0  }
0x55: {  	[sflag:s29] =	ssyncadd.s32 $0xFFFFF600  }
0x56: {  	_ =	swait.ge [sflag:s29], $0xA00  }
0x57: {  	[sflag:s29] =	ssyncset.done $0x0  }
0x58: {  	s15 =	simm.s32 $0x320;
	[sflag:s29] =	ssyncadd.s32 $0xFFFFF600  }
0x59: {  	[tilespmem:s13], [sflag:$0x1] =	stream.indirect.gather [hbm4b:s4+s12], $0x20, s15, s12, $0xb8;
	[tilespmem:$0x15220] =	vst v63  }
0x5a: {  	s17 =	simm.s32 $0x370  }
0x5b: {  	[tilespmem:s14], [sflag:$0x1] =	stream.indirect.gather [hbm4b:s4+s12], $0x20, s17, s12, $0xb8;
	[tilespmem:$0x15220] =	vst v63  }
0x5c: {  	s1 =	simm.s32 $0x3C0  }
0x5d: {  	[tilespmem:s16], [sflag:$0x1] =	stream.indirect.gather [hbm4b:s4+s12], $0x20, s1, s12, $0xb8;
	[tilespmem:$0x15220] =	vst v63  }
0x5e: {  	s11 =	simm.s32 $0x410  }
0x5f: {  	[tilespmem:s18], [sflag:$0x1] =	stream.indirect.gather [hbm4b:s4+s12], $0x20, s11, s12, $0xb8;
	[tilespmem:$0x15220] =	vst v63  }
0x60: {  	s15 =	simm.s32 $0x460  }
0x61: {  	[tilespmem:s20], [sflag:$0x1] =	stream.indirect.gather [hbm4b:s4+s12], $0x20, s15, s12, $0xb8;
	[tilespmem:$0x15220] =	vst v63  }
0x62: {  	_ =	swait.ge [sflag:s30], $0xA00  }
0x63: {  	[sflag:s30] =	ssyncset.done $0x0  }
0x64: {  	s17 =	simm.s32 $0x28A0;
	[sflag:s30] =	ssyncadd.s32 $0xFFFFF600  }
0x65: {  	[spmem:s2] =	stream.indirect.scatter.add.f32 [tilespmem:s22], [sflag:$0x4], $0x20, s17, s12, $0xb8;
	[tilespmem:$0x15220] =	vst v63  }
0x66: {  	_ =	swait.ge [sflag:s30], $0xA00  }
0x67: {  	[sflag:s30] =	ssyncset.done $0x0  }
0x68: {  	s1 =	simm.s32 $0x28F0;
	[sflag:s30] =	ssyncadd.s32 $0xFFFFF600  }
0x69: {  	[spmem:s2] =	stream.indirect.scatter.add.f32 [tilespmem:s23], [sflag:$0x4], $0x20, s1, s12, $0xb8;
	[tilespmem:$0x15220] =	vst v63  }
0x6a: {  	_ =	swait.ge [sflag:s30], $0xA00  }
0x6b: {  	[sflag:s30] =	ssyncset.done $0x0  }
0x6c: {  	s11 =	simm.s32 $0x2940;
	[sflag:s30] =	ssyncadd.s32 $0xFFFFF600  }
0x6d: {  	[spmem:s2] =	stream.indirect.scatter.add.f32 [tilespmem:s24], [sflag:$0x4], $0x20, s11, s12, $0xb8;
	[tilespmem:$0x15220] =	vst v63  }
0x6e: {  	_ =	swait.ge [sflag:s30], $0xA00  }
0x6f: {  	[sflag:s30] =	ssyncset.done $0x0  }
0x70: {  	s15 =	simm.s32 $0x2990;
	[sflag:s30] =	ssyncadd.s32 $0xFFFFF600  }
0x71: {  	[spmem:s2] =	stream.indirect.scatter.add.f32 [tilespmem:s25], [sflag:$0x4], $0x20, s15, s12, $0xb8;
	[tilespmem:$0x15220] =	vst v63  }
0x72: {  	_ =	swait.ge [sflag:s30], $0xA00  }
0x73: {  	[sflag:s30] =	ssyncset.done $0x0  }
0x74: {  	s17 =	simm.s32 $0x29E0;
	[sflag:s30] =	ssyncadd.s32 $0xFFFFF600  }
0x75: {  	[spmem:s2] =	stream.indirect.scatter.add.f32 [tilespmem:s26], [sflag:$0x4], $0x20, s17, s12, $0xb8;
	[tilespmem:$0x15220] =	vst v63  }
0x76: {  	_ =	swait.ge [sflag:s31], $0xA00  }
0x77: {  	[sflag:s31] =	ssyncset.done $0x0  }
0x78: {  	[sflag:s31] =	ssyncadd.s32 $0xFFFFF600  }
0x79: {  	_ =	swait.ge [sflag:s31], $0xA00  }
0x7a: {  	[sflag:s31] =	ssyncset.done $0x0  }
0x7b: {  	[sflag:s31] =	ssyncadd.s32 $0xFFFFF600  }
0x7c: {  	_ =	swait.ge [sflag:s31], $0xA00  }
0x7d: {  	[sflag:s31] =	ssyncset.done $0x0  }
0x7e: {  	[sflag:s31] =	ssyncadd.s32 $0xFFFFF600  }
0x7f: {  	_ =	swait.ge [sflag:s31], $0xA00  }
0x80: {  	[sflag:s31] =	ssyncset.done $0x0  }
0x81: {  	[sflag:s31] =	ssyncadd.s32 $0xFFFFF600  }
0x82: {  	_ =	swait.ge [sflag:s31], $0xA00  }
0x83: {  	s0 =	simm.s32 $0x320;
	s1 =	simm.s32 $0x1900;
	[sflag:s31] =	ssyncset.done $0x0  }
.LBB2_4:
0x84: {  	s17 =	sadd.s32 $0x190, s0  }
0x85: {  	[sflag:s31] =	ssyncadd.s32 $0xFFFFF600;
	s11 =	smov.u32 s1;
	s15 =	sadd.s32 $0xC80, s1  }
0x86: {  	[tilespmem:s22], [sflag:$0x2] =	stream.indirect.gather [hbm4b:s4+s12], $0x20, s17, s12, $0xb8;
	[tilespmem:$0x15220] =	vst v63  }
0x87: {  	p0 =	sne.s32 s1, $0x8980;
	s1 =	sadd.s32 $0x1E0, s0  }
0x88: {  	[tilespmem:s23], [sflag:$0x2] =	stream.indirect.gather [hbm4b:s4+s12], $0x20, s1, s12, $0xb8;
	[tilespmem:$0x15220] =	vst v63  }
0x89: {  	s1 =	sadd.s32 $0x230, s0  }
0x8a: {  	[tilespmem:s24], [sflag:$0x2] =	stream.indirect.gather [hbm4b:s4+s12], $0x20, s1, s12, $0xb8;
	[tilespmem:$0x15220] =	vst v63  }
0x8b: {  	s1 =	sadd.s32 $0x280, s0  }
0x8c: {  	[tilespmem:s25], [sflag:$0x2] =	stream.indirect.gather [hbm4b:s4+s12], $0x20, s1, s12, $0xb8;
	[tilespmem:$0x15220] =	vst v63  }
0x8d: {  	s1 =	sadd.s32 $0x2D0, s0  }
0x8e: {  	[tilespmem:s26], [sflag:$0x2] =	stream.indirect.gather [hbm4b:s4+s12], $0x20, s1, s12, $0xb8;
	[tilespmem:$0x15220] =	vst v63  }
0x8f: {  	_ =	swait.ge [sflag:s28], $0xA00  }
0x90: {  	[sflag:s28] =	ssyncset.done $0x0  }
0x91: {  	s1 =	sadd.s32 $0x2710, s0;
	[sflag:s28] =	ssyncadd.s32 $0xFFFFF600  }
0x92: {  	[spmem:s2] =	stream.indirect.scatter.add.f32 [tilespmem:s13], [sflag:$0x3], $0x20, s1, s12, $0xb8;
	[tilespmem:$0x15220] =	vst v63  }
0x93: {  	_ =	swait.ge [sflag:s28], $0xA00  }
0x94: {  	[sflag:s28] =	ssyncset.done $0x0  }
0x95: {  	s1 =	sadd.s32 $0x2760, s0;
	[sflag:s28] =	ssyncadd.s32 $0xFFFFF600  }
0x96: {  	[spmem:s2] =	stream.indirect.scatter.add.f32 [tilespmem:s14], [sflag:$0x3], $0x20, s1, s12, $0xb8;
	[tilespmem:$0x15220] =	vst v63  }
0x97: {  	_ =	swait.ge [sflag:s28], $0xA00  }
0x98: {  	[sflag:s28] =	ssyncset.done $0x0  }
0x99: {  	s1 =	sadd.s32 $0x27B0, s0;
	[sflag:s28] =	ssyncadd.s32 $0xFFFFF600  }
0x9a: {  	[spmem:s2] =	stream.indirect.scatter.add.f32 [tilespmem:s16], [sflag:$0x3], $0x20, s1, s12, $0xb8;
	[tilespmem:$0x15220] =	vst v63  }
0x9b: {  	_ =	swait.ge [sflag:s28], $0xA00  }
0x9c: {  	[sflag:s28] =	ssyncset.done $0x0  }
0x9d: {  	s1 =	sadd.s32 $0x2800, s0;
	[sflag:s28] =	ssyncadd.s32 $0xFFFFF600  }
0x9e: {  	[spmem:s2] =	stream.indirect.scatter.add.f32 [tilespmem:s18], [sflag:$0x3], $0x20, s1, s12, $0xb8;
	[tilespmem:$0x15220] =	vst v63  }
0x9f: {  	_ =	swait.ge [sflag:s28], $0xA00  }
0xa0: {  	[sflag:s28] =	ssyncset.done $0x0  }
0xa1: {  	s1 =	sadd.s32 $0x2850, s0;
	[sflag:s28] =	ssyncadd.s32 $0xFFFFF600  }
0xa2: {  	[spmem:s2] =	stream.indirect.scatter.add.f32 [tilespmem:s20], [sflag:$0x3], $0x20, s1, s12, $0xb8;
	[tilespmem:$0x15220] =	vst v63  }
0xa3: {  	_ =	swait.ge [sflag:s29], $0xA00  }
0xa4: {  	[sflag:s29] =	ssyncset.done $0x0  }
0xa5: {  	[sflag:s29] =	ssyncadd.s32 $0xFFFFF600  }
0xa6: {  	_ =	swait.ge [sflag:s29], $0xA00  }
0xa7: {  	[sflag:s29] =	ssyncset.done $0x0  }
0xa8: {  	[sflag:s29] =	ssyncadd.s32 $0xFFFFF600  }
0xa9: {  	_ =	swait.ge [sflag:s29], $0xA00  }
0xaa: {  	[sflag:s29] =	ssyncset.done $0x0  }
0xab: {  	[sflag:s29] =	ssyncadd.s32 $0xFFFFF600  }
0xac: {  	_ =	swait.ge [sflag:s29], $0xA00  }
0xad: {  	[sflag:s29] =	ssyncset.done $0x0  }
0xae: {  	[sflag:s29] =	ssyncadd.s32 $0xFFFFF600  }
0xaf: {  	_ =	swait.ge [sflag:s29], $0xA00  }
0xb0: {  	[sflag:s29] =	ssyncset.done $0x0  }
0xb1: {  	s1 =	sadd.s32 $0x320, s0;
	[sflag:s29] =	ssyncadd.s32 $0xFFFFF600  }
0xb2: {  	[tilespmem:s13], [sflag:$0x1] =	stream.indirect.gather [hbm4b:s4+s12], $0x20, s1, s12, $0xb8;
	[tilespmem:$0x15220] =	vst v63  }
0xb3: {  	s1 =	sadd.s32 $0x370, s0  }
0xb4: {  	[tilespmem:s14], [sflag:$0x1] =	stream.indirect.gather [hbm4b:s4+s12], $0x20, s1, s12, $0xb8;
	[tilespmem:$0x15220] =	vst v63  }
0xb5: {  	s1 =	sadd.s32 $0x3C0, s0  }
0xb6: {  	[tilespmem:s16], [sflag:$0x1] =	stream.indirect.gather [hbm4b:s4+s12], $0x20, s1, s12, $0xb8;
	[tilespmem:$0x15220] =	vst v63  }
0xb7: {  	s1 =	sadd.s32 $0x410, s0  }
0xb8: {  	[tilespmem:s18], [sflag:$0x1] =	stream.indirect.gather [hbm4b:s4+s12], $0x20, s1, s12, $0xb8;
	[tilespmem:$0x15220] =	vst v63  }
0xb9: {  	s1 =	sadd.s32 $0x460, s0  }
0xba: {  	[tilespmem:s20], [sflag:$0x1] =	stream.indirect.gather [hbm4b:s4+s12], $0x20, s1, s12, $0xb8;
	[tilespmem:$0x15220] =	vst v63  }
0xbb: {  	_ =	swait.ge [sflag:s30], $0xA00  }
0xbc: {  	[sflag:s30] =	ssyncset.done $0x0  }
0xbd: {  	s1 =	sadd.s32 $0x28A0, s0;
	[sflag:s30] =	ssyncadd.s32 $0xFFFFF600  }
0xbe: {  	[spmem:s2] =	stream.indirect.scatter.add.f32 [tilespmem:s22], [sflag:$0x4], $0x20, s1, s12, $0xb8;
	[tilespmem:$0x15220] =	vst v63  }
0xbf: {  	_ =	swait.ge [sflag:s30], $0xA00  }
0xc0: {  	[sflag:s30] =	ssyncset.done $0x0  }
0xc1: {  	s1 =	sadd.s32 $0x28F0, s0;
	[sflag:s30] =	ssyncadd.s32 $0xFFFFF600  }
0xc2: {  	[spmem:s2] =	stream.indirect.scatter.add.f32 [tilespmem:s23], [sflag:$0x4], $0x20, s1, s12, $0xb8;
	[tilespmem:$0x15220] =	vst v63  }
0xc3: {  	_ =	swait.ge [sflag:s30], $0xA00  }
0xc4: {  	[sflag:s30] =	ssyncset.done $0x0  }
0xc5: {  	s1 =	sadd.s32 $0x2940, s0;
	[sflag:s30] =	ssyncadd.s32 $0xFFFFF600  }
0xc6: {  	[spmem:s2] =	stream.indirect.scatter.add.f32 [tilespmem:s24], [sflag:$0x4], $0x20, s1, s12, $0xb8;
	[tilespmem:$0x15220] =	vst v63  }
0xc7: {  	_ =	swait.ge [sflag:s30], $0xA00  }
0xc8: {  	[sflag:s30] =	ssyncset.done $0x0  }
0xc9: {  	s1 =	sadd.s32 $0x2990, s0;
	[sflag:s30] =	ssyncadd.s32 $0xFFFFF600  }
0xca: {  	[spmem:s2] =	stream.indirect.scatter.add.f32 [tilespmem:s25], [sflag:$0x4], $0x20, s1, s12, $0xb8;
	[tilespmem:$0x15220] =	vst v63  }
0xcb: {  	_ =	swait.ge [sflag:s30], $0xA00  }
0xcc: {  	[sflag:s30] =	ssyncset.done $0x0  }
0xcd: {  	s0 =	sadd.s32 $0x29E0, s0;
	[sflag:s30] =	ssyncadd.s32 $0xFFFFF600  }
0xce: {  	[spmem:s2] =	stream.indirect.scatter.add.f32 [tilespmem:s26], [sflag:$0x4], $0x20, s0, s12, $0xb8;
	[tilespmem:$0x15220] =	vst v63  }
0xcf: {  	_ =	swait.ge [sflag:s31], $0xA00  }
0xd0: {  	[sflag:s31] =	ssyncset.done $0x0  }
0xd1: {  	[sflag:s31] =	ssyncadd.s32 $0xFFFFF600  }
0xd2: {  	_ =	swait.ge [sflag:s31], $0xA00  }
0xd3: {  	[sflag:s31] =	ssyncset.done $0x0  }
0xd4: {  	[sflag:s31] =	ssyncadd.s32 $0xFFFFF600  }
0xd5: {  	_ =	swait.ge [sflag:s31], $0xA00  }
0xd6: {  	[sflag:s31] =	ssyncset.done $0x0  }
0xd7: {  	[sflag:s31] =	ssyncadd.s32 $0xFFFFF600  }
.Ltmp1:
0xd8: {  	_ =	swait.ge [sflag:s31], $0xA00;
	(pc) =	sbr.rel @p0 .LBB2_4-.Ltmp1, $4  }
0xd9: {  	[sflag:s31] =	ssyncset.done $0x0  }
0xda: {  	[sflag:s31] =	ssyncadd.s32 $0xFFFFF600  }
0xdb: {  	_ =	swait.ge [sflag:s31], $0xA00  }
0xdc: {  	s1 =	smov.u32 s15;
	s0 =	sshra.s32 s11, $0x2;
	[sflag:s31] =	ssyncset.done $0x0  }
0xdd: {  	s1 =	sadd.s32 $0x190, s0;
	[sflag:s31] =	ssyncadd.s32 $0xFFFFF600  }
0xde: {  	[tilespmem:s22], [sflag:$0x2] =	stream.indirect.gather [hbm4b:s4+s12], $0x20, s1, s12, $0xb8;
	[tilespmem:$0x15220] =	vst v63  }
0xdf: {  	s15 =	sadd.s32 $0x1E0, s0  }
0xe0: {  	[tilespmem:s23], [sflag:$0x2] =	stream.indirect.gather [hbm4b:s4+s12], $0x20, s15, s12, $0xb8;
	[tilespmem:$0x15220] =	vst v63  }
0xe1: {  	s17 =	sadd.s32 $0x230, s0  }
0xe2: {  	[tilespmem:s24], [sflag:$0x2] =	stream.indirect.gather [hbm4b:s4+s12], $0x20, s17, s12, $0xb8;
	[tilespmem:$0x15220] =	vst v63  }
0xe3: {  	s11 =	sadd.s32 $0x280, s0  }
0xe4: {  	[tilespmem:s25], [sflag:$0x2] =	stream.indirect.gather [hbm4b:s4+s12], $0x20, s11, s12, $0xb8;
	[tilespmem:$0x15220] =	vst v63  }
0xe5: {  	s15 =	sadd.s32 $0x2D0, s0  }
0xe6: {  	[tilespmem:s26], [sflag:$0x2] =	stream.indirect.gather [hbm4b:s4+s12], $0x20, s15, s12, $0xb8;
	[tilespmem:$0x15220] =	vst v63  }
0xe7: {  	_ =	swait.ge [sflag:s28], $0xA00  }
0xe8: {  	[sflag:s28] =	ssyncset.done $0x0  }
0xe9: {  	s17 =	sadd.s32 $0x2710, s0;
	[sflag:s28] =	ssyncadd.s32 $0xFFFFF600  }
0xea: {  	[spmem:s2] =	stream.indirect.scatter.add.f32 [tilespmem:s13], [sflag:$0x3], $0x20, s17, s12, $0xb8;
	[tilespmem:$0x15220] =	vst v63  }
0xeb: {  	_ =	swait.ge [sflag:s28], $0xA00  }
0xec: {  	[sflag:s28] =	ssyncset.done $0x0  }
0xed: {  	s11 =	sadd.s32 $0x2760, s0;
	[sflag:s28] =	ssyncadd.s32 $0xFFFFF600  }
0xee: {  	[spmem:s2] =	stream.indirect.scatter.add.f32 [tilespmem:s14], [sflag:$0x3], $0x20, s11, s12, $0xb8;
	[tilespmem:$0x15220] =	vst v63  }
0xef: {  	_ =	swait.ge [sflag:s28], $0xA00  }
0xf0: {  	[sflag:s28] =	ssyncset.done $0x0  }
0xf1: {  	s15 =	sadd.s32 $0x27B0, s0;
	[sflag:s28] =	ssyncadd.s32 $0xFFFFF600  }
0xf2: {  	[spmem:s2] =	stream.indirect.scatter.add.f32 [tilespmem:s16], [sflag:$0x3], $0x20, s15, s12, $0xb8;
	[tilespmem:$0x15220] =	vst v63  }
0xf3: {  	_ =	swait.ge [sflag:s28], $0xA00  }
0xf4: {  	[sflag:s28] =	ssyncset.done $0x0  }
0xf5: {  	s17 =	sadd.s32 $0x2800, s0;
	[sflag:s28] =	ssyncadd.s32 $0xFFFFF600  }
0xf6: {  	[spmem:s2] =	stream.indirect.scatter.add.f32 [tilespmem:s18], [sflag:$0x3], $0x20, s17, s12, $0xb8;
	[tilespmem:$0x15220] =	vst v63  }
0xf7: {  	_ =	swait.ge [sflag:s28], $0xA00  }
0xf8: {  	[sflag:s28] =	ssyncset.done $0x0  }
0xf9: {  	s11 =	sadd.s32 $0x2850, s0;
	[sflag:s28] =	ssyncadd.s32 $0xFFFFF600  }
0xfa: {  	[spmem:s2] =	stream.indirect.scatter.add.f32 [tilespmem:s20], [sflag:$0x3], $0x20, s11, s12, $0xb8;
	[tilespmem:$0x15220] =	vst v63  }
0xfb: {  	_ =	swait.ge [sflag:s29], $0xA00  }
0xfc: {  	[sflag:s29] =	ssyncset.done $0x0  }
0xfd: {  	[sflag:s29] =	ssyncadd.s32 $0xFFFFF600  }
0xfe: {  	_ =	swait.ge [sflag:s29], $0xA00  }
0xff: {  	[sflag:s29] =	ssyncset.done $0x0  }
0x100: {  	[sflag:s29] =	ssyncadd.s32 $0xFFFFF600  }
0x101: {  	_ =	swait.ge [sflag:s29], $0xA00  }
0x102: {  	[sflag:s29] =	ssyncset.done $0x0  }
0x103: {  	[sflag:s29] =	ssyncadd.s32 $0xFFFFF600  }
0x104: {  	_ =	swait.ge [sflag:s29], $0xA00  }
0x105: {  	[sflag:s29] =	ssyncset.done $0x0  }
0x106: {  	[sflag:s29] =	ssyncadd.s32 $0xFFFFF600  }
0x107: {  	_ =	swait.ge [sflag:s29], $0xA00  }
0x108: {  	[sflag:s29] =	ssyncset.done $0x0  }
0x109: {  	s15 =	sadd.s32 $0x320, s0;
	[sflag:s29] =	ssyncadd.s32 $0xFFFFF600  }
0x10a: {  	[tilespmem:s13], [sflag:$0x1] =	stream.indirect.gather [hbm4b:s4+s12], $0x20, s15, s12, $0xb8;
	[tilespmem:$0x15220] =	vst v63  }
0x10b: {  	s17 =	sadd.s32 $0x370, s0  }
0x10c: {  	[tilespmem:s14], [sflag:$0x1] =	stream.indirect.gather [hbm4b:s4+s12], $0x20, s17, s12, $0xb8;
	[tilespmem:$0x15220] =	vst v63  }
0x10d: {  	s11 =	sadd.s32 $0x3C0, s0  }
0x10e: {  	[tilespmem:s16], [sflag:$0x1] =	stream.indirect.gather [hbm4b:s4+s12], $0x20, s11, s12, $0xb8;
	[tilespmem:$0x15220] =	vst v63  }
0x10f: {  	s15 =	sadd.s32 $0x410, s0  }
0x110: {  	[tilespmem:s18], [sflag:$0x1] =	stream.indirect.gather [hbm4b:s4+s12], $0x20, s15, s12, $0xb8;
	[tilespmem:$0x15220] =	vst v63  }
0x111: {  	s17 =	sadd.s32 $0x460, s0  }
0x112: {  	[tilespmem:s20], [sflag:$0x1] =	stream.indirect.gather [hbm4b:s4+s12], $0x20, s17, s12, $0xb8;
	[tilespmem:$0x15220] =	vst v63  }
0x113: {  	_ =	swait.ge [sflag:s30], $0xA00  }
0x114: {  	[sflag:s30] =	ssyncset.done $0x0  }
0x115: {  	s11 =	sadd.s32 $0x28A0, s0;
	[sflag:s30] =	ssyncadd.s32 $0xFFFFF600  }
0x116: {  	[spmem:s2] =	stream.indirect.scatter.add.f32 [tilespmem:s22], [sflag:$0x4], $0x20, s11, s12, $0xb8;
	[tilespmem:$0x15220] =	vst v63  }
0x117: {  	_ =	swait.ge [sflag:s30], $0xA00  }
0x118: {  	[sflag:s30] =	ssyncset.done $0x0  }
0x119: {  	s15 =	sadd.s32 $0x28F0, s0;
	[sflag:s30] =	ssyncadd.s32 $0xFFFFF600  }
0x11a: {  	[spmem:s2] =	stream.indirect.scatter.add.f32 [tilespmem:s23], [sflag:$0x4], $0x20, s15, s12, $0xb8;
	[tilespmem:$0x15220] =	vst v63  }
0x11b: {  	_ =	swait.ge [sflag:s30], $0xA00  }
0x11c: {  	[sflag:s30] =	ssyncset.done $0x0  }
0x11d: {  	s17 =	sadd.s32 $0x2940, s0;
	[sflag:s30] =	ssyncadd.s32 $0xFFFFF600  }
0x11e: {  	[spmem:s2] =	stream.indirect.scatter.add.f32 [tilespmem:s24], [sflag:$0x4], $0x20, s17, s12, $0xb8;
	[tilespmem:$0x15220] =	vst v63  }
0x11f: {  	_ =	swait.ge [sflag:s30], $0xA00  }
0x120: {  	[sflag:s30] =	ssyncset.done $0x0  }
0x121: {  	s11 =	sadd.s32 $0x2990, s0;
	[sflag:s30] =	ssyncadd.s32 $0xFFFFF600  }
0x122: {  	[spmem:s2] =	stream.indirect.scatter.add.f32 [tilespmem:s25], [sflag:$0x4], $0x20, s11, s12, $0xb8;
	[tilespmem:$0x15220] =	vst v63  }
0x123: {  	_ =	swait.ge [sflag:s30], $0xA00  }
0x124: {  	[sflag:s30] =	ssyncset.done $0x0  }
0x125: {  	s15 =	sadd.s32 $0x29E0, s0;
	[sflag:s30] =	ssyncadd.s32 $0xFFFFF600  }
0x126: {  	[spmem:s2] =	stream.indirect.scatter.add.f32 [tilespmem:s26], [sflag:$0x4], $0x20, s15, s12, $0xb8;
	[tilespmem:$0x15220] =	vst v63  }
0x127: {  	_ =	swait.ge [sflag:s31], $0xA00  }
0x128: {  	[sflag:s31] =	ssyncset.done $0x0  }
0x129: {  	[sflag:s31] =	ssyncadd.s32 $0xFFFFF600  }
0x12a: {  	_ =	swait.ge [sflag:s31], $0xA00  }
0x12b: {  	[sflag:s31] =	ssyncset.done $0x0  }
0x12c: {  	[sflag:s31] =	ssyncadd.s32 $0xFFFFF600  }
0x12d: {  	_ =	swait.ge [sflag:s31], $0xA00  }
0x12e: {  	[sflag:s31] =	ssyncset.done $0x0  }
0x12f: {  	[sflag:s31] =	ssyncadd.s32 $0xFFFFF600  }
0x130: {  	_ =	swait.ge [sflag:s31], $0xA00  }
0x131: {  	[sflag:s31] =	ssyncset.done $0x0  }
0x132: {  	[sflag:s31] =	ssyncadd.s32 $0xFFFFF600  }
0x133: {  	_ =	swait.ge [sflag:s31], $0xA00  }
0x134: {  	[sflag:s31] =	ssyncset.done $0x0  }
0x135: {  	[sflag:s31] =	ssyncadd.s32 $0xFFFFF600  }
0x136: {  	_ =	swait.ge [sflag:s28], $0xA00  }
0x137: {  	[sflag:s28] =	ssyncset.done $0x0  }
0x138: {  	s17 =	simm.s32 $0x4C90;
	[sflag:s28] =	ssyncadd.s32 $0xFFFFF600  }
0x139: {  	[spmem:s2] =	stream.indirect.scatter.add.f32 [tilespmem:s13], [sflag:$0x3], $0x20, s17, s12, $0xb8;
	[tilespmem:$0x15220] =	vst v63  }
0x13a: {  	_ =	swait.ge [sflag:s28], $0xA00  }
0x13b: {  	[sflag:s28] =	ssyncset.done $0x0  }
0x13c: {  	s1 =	simm.s32 $0x4CE0;
	[sflag:s28] =	ssyncadd.s32 $0xFFFFF600  }
0x13d: {  	[spmem:s2] =	stream.indirect.scatter.add.f32 [tilespmem:s14], [sflag:$0x3], $0x20, s1, s12, $0xb8;
	[tilespmem:$0x15220] =	vst v63  }
0x13e: {  	_ =	swait.ge [sflag:s28], $0xA00  }
0x13f: {  	[sflag:s28] =	ssyncset.done $0x0  }
0x140: {  	s11 =	simm.s32 $0x4D30;
	[sflag:s28] =	ssyncadd.s32 $0xFFFFF600  }
0x141: {  	[spmem:s2] =	stream.indirect.scatter.add.f32 [tilespmem:s16], [sflag:$0x3], $0x20, s11, s12, $0xb8;
	[tilespmem:$0x15220] =	vst v63  }
0x142: {  	_ =	swait.ge [sflag:s28], $0xA00  }
0x143: {  	[sflag:s28] =	ssyncset.done $0x0  }
0x144: {  	s15 =	simm.s32 $0x4D80;
	[sflag:s28] =	ssyncadd.s32 $0xFFFFF600  }
0x145: {  	[spmem:s2] =	stream.indirect.scatter.add.f32 [tilespmem:s18], [sflag:$0x3], $0x20, s15, s12, $0xb8;
	[tilespmem:$0x15220] =	vst v63  }
0x146: {  	_ =	swait.ge [sflag:s28], $0xA00  }
0x147: {  	[sflag:s28] =	ssyncset.done $0x0  }
0x148: {  	s17 =	simm.s32 $0x4DD0;
	[sflag:s28] =	ssyncadd.s32 $0xFFFFF600  }
0x149: {  	[spmem:s2] =	stream.indirect.scatter.add.f32 [tilespmem:s20], [sflag:$0x3], $0x20, s17, s12, $0xb8;
	[tilespmem:$0x15220] =	vst v63  }
0x14a: {  	_ =	swait.ge [sflag:s29], $0xA00  }
0x14b: {  	[sflag:s29] =	ssyncset.done $0x0  }
0x14c: {  	[sflag:s29] =	ssyncadd.s32 $0xFFFFF600  }
0x14d: {  	_ =	swait.ge [sflag:s29], $0xA00  }
0x14e: {  	[sflag:s29] =	ssyncset.done $0x0  }
0x14f: {  	[sflag:s29] =	ssyncadd.s32 $0xFFFFF600  }
0x150: {  	_ =	swait.ge [sflag:s29], $0xA00  }
0x151: {  	[sflag:s29] =	ssyncset.done $0x0  }
0x152: {  	[sflag:s29] =	ssyncadd.s32 $0xFFFFF600  }
0x153: {  	_ =	swait.ge [sflag:s29], $0xA00  }
0x154: {  	[sflag:s29] =	ssyncset.done $0x0  }
0x155: {  	[sflag:s29] =	ssyncadd.s32 $0xFFFFF600  }
0x156: {  	_ =	swait.ge [sflag:s29], $0xA00  }
0x157: {  	[sflag:s29] =	ssyncset.done $0x0  }
0x158: {  	[sflag:s29] =	ssyncadd.s32 $0xFFFFF600  }
0x159: {  	[bflag:$0x0] =	sbarrier.arrive $0xFFFF  }
0x15a: {  	[tilespmem:s21], [sflag:$0x5] =	stream.linear.gather [spmem:s7], $0x5000, $0x38;
	[tilespmem:$0x15220] =	vst v63  }
0x15b: {  	s19 =	sadd.s32 $0x1, s19;
	_ =	swait.ge [sflag:s10], $0x5000  }
0x15c: {  	p0 =	sne.s32 s19, s9;
	[sflag:s10] =	ssyncset.done $0x0  }
.Ltmp2:
0x15d: {  	[sflag:s10] =	ssyncadd.s32 $0xFFFFB000;
	(pc) =	sbr.rel @p0 .LBB2_1-.Ltmp2, $4  }
0x15e: {  	[hbm4b:s8+s3] =	stream.linear.scatter [tilespmem:s21], [sflag:$0x5], $0x5000, $0x38;
	[tilespmem:$0x15220] =	vst v63  }
0x15f: {  	_ =	swait.ge [sflag:s10], $0x5000  }
0x160: {  	[sflag:s10] =	ssyncset.done $0x0  }
0x161: {  	[sflag:s10] =	ssyncadd.s32 $0xFFFFB000  }
0x162: {  	_ =	sfence.sel $0x180000  }
0x163: {  	[bflag:$0x0] =	sbarrier.arrive $0xFFFF  }
0x164: {  	_ =	strace $0x9000004A  }
0x165: {  	s0 =	stileid.u32;
	[bflag:$0x2] =	sbarrier.arrive $0xFFFF  }
0x166: {  	p0 =	sne.s32 s0, $0x0;
	s0 =	rddreg [dreg:$0x2]  }
0x167: {  	s0 =	sadd.s32 @!p0 $0x100000, s0  }
0x168: {  	[sflag:s0] =	ssyncadd.tile.s32 @!p0 $0x1;
	_ =	shalt  }
.Lfunc_end2:
_tile_overlayer_lowered:
.L_overlay_start_2:
0x169: {  	(tag) =	ssettag $0x2  }
0x16a: {  	s0 =	rddreg [dreg:$0x0];
	s2 =	stileid.u32  }
0x16b: {  	s1 =	rddreg [dreg:$0x1];
	p0 =	sne.s32 s2, $0x0  }
0x16c: {  	s3 =	rddreg [dreg:$0x2];
	[bflag:$0x3] =	sbarrier.arrive $0xFFFF;
	s2 =	simm.s32 @!p0 $0x1C05  }
0x16d: {  	[timem:s3], [sflag:s2] =	dma.local @!p0 [hbm:s0], s1  }
0x16e: {  	s0 =	simm.s32 @!p0 $0x5  }
0x16f: {  	_ =	swait.ge @!p0 [sflag:s0], s1  }
0x170: {  	s1 =	ssub.s32 @!p0 $0x0, s1;
	[sflag:s0] =	ssyncset.done @!p0 $0x0  }
0x171: {  	[sflag:s0] =	ssyncadd.s32 @!p0 s1  }
0x172: {  	[bflag:$0x3] =	sbarrier.arrive $0xFFFF  }
0x173: {  	_ =	shalt  }

// kernel: kernel.7.cloned.1.call-start
scs
__scs_entry_jumppad:
0x0: {  	(pc) =	sbr.rel $0x88, $3  }
0x1: {  	(tag) =	ssettag $0x0;
	lr =	simm.s32 $0x1  }
0x2: {  	[smem:$0x3F8C] =	sst lr;
	_ =	strace $0xD0000000  }
0x3: {  	_ = 	snop  }
0x4: {  	_ = 	snop  }
0x5: {  	_ = 	snop  }
0x6: {  	_ = 	snop  }
0x7: {  	_ = 	snop  }
__scs_overlays_trampoline_lowered:
0x8: {  	[smem:$0x3F9B] =	sst s0  }
0x9: {  	[smem:$0x3F9C] =	sst s1  }
0xa: {  	[smem:$0x3F9D] =	sst s2  }
0xb: {  	[smem:$0x3F9E] =	sst s3  }
0xc: {  	[smem:$0x3F9F] =	sst s4  }
0xd: {  	[smem:$0x3FA0] =	sst s5  }
0xe: {  	[smem:$0x3FA1] =	sst s6  }
0xf: {  	[smem:$0x3FA2] =	sst s7  }
0x10: {  	[smem:$0x3FA3] =	sst s8  }
0x11: {  	[smem:$0x3FA4] =	sst s9;
	s0 =	simm.s32 @!p0 $0x0  }
0x12: {  	s1 =	sld [smem:$0x3F8A];
	s0 =	simm.s32 @p0 $0x1  }
0x13: {  	[smem:$0x3FA5] =	sst s0;
	s0 =	simm.s32 @!p1 $0x0  }
0x14: {  	s2 =	sld [smem:$0x3F89];
	s0 =	simm.s32 @p1 $0x1  }
0x15: {  	[smem:$0x3FA6] =	sst s0;
	s0 =	simm.s32 @!p2 $0x0  }
0x16: {  	s3 =	sld [smem:$0x3FDB];
	s0 =	simm.s32 @p2 $0x1  }
0x17: {  	s4 =	simm.s32 $0x1BF5;
	[smem:$0x3FA8] =	sst s0  }
0x18: {  	s0 =	sld [smem:$0x3F8B];
	_ =	swait.ge [sflag:s4], $0x0  }
0x19: {  	s7 =	sld [smem:$0x3F8C]  }
0x1a: {  	s8 =	sadd.s32 $0xFFFFE003, lr  }
0x1b: {  	s9 =	sadd.s32 $0xFFFFFEF7, lr;
	s5 =	simm.s32 $0xFFFFFFFF;
	p2 =	slt.u32 s8, $0xFFFFF086  }
0x1c: {  	p1 =	slt.u32 s9, $0xF7A;
	s5 =	simm.s32 @!p2 $0x0  }
0x1d: {  	s5 =	simm.s32 @p1 $0x1;
	p0 =	seq.s32 s7, s2  }
0x1e: {  	s7 =	smul.u32 @!p0 $0xF7A, s2;
	p2 =	seq.s32 @!p0 s5, $0x0  }
0x1f: {  	s9 =	smul.u32 $0xF7A, s1;
	s8 =	simm.s32 @!p0 $0x1BF5;
	p2 =	por !p2, p0  }
0x20: {  	[sflag:s8] =	ssyncset.s32 @!p0 $0xFFFFF086;
	s6 =	sadd.s32 @!p0 s3, s7;
	s7 =	simm.s32 @!p0 $0x108  }
0x21: {  	s3 =	sadd.s32 s3, s9;
	s6 =	sadd.s32 @!p0 $0x88, s6;
	s7 =	simm.s32 @p2 $0x1082  }
0x22: {  	[simem:s7], [sflag:s8] =	dma.local @!p0 [hbm:s6], $0xF7A  }
0x23: {  	s9 =	sor.u32 $0xD0000000, s2;
	s6 =	simm.s32 $0x108;
	_ =	swait.ge @!p0 [sflag:s8], $0x0  }
0x24: {  	s3 =	sadd.s32 $0x88, s3;
	s6 =	simm.s32 @!p1 $0x1082;
	[sflag:s4] =	ssyncset.s32 $0xFFFFF086  }
0x25: {  	[simem:s6], [sflag:s4] =	dma.local [hbm:s3], $0xF7A  }
0x26: {  	[smem:$0x3F8C] =	sst s1;
	(tag) =	ssettag s2;
	_ =	strace s9  }
0x27: {  	s1 =	sld [smem:$0x3F9C]  }
0x28: {  	s2 =	sld [smem:$0x3F9D]  }
0x29: {  	s4 =	sld [smem:$0x3F9F]  }
0x2a: {  	p0 =	seq.s32 s5, $0x0;
	s5 =	sld [smem:$0x3FA0]  }
0x2b: {  	s6 =	sld [smem:$0x3FA1]  }
0x2c: {  	s7 =	sld [smem:$0x3FA2]  }
0x2d: {  	s3 =	simm.s32 $0x108;
	s8 =	sld [smem:$0x3FA3]  }
0x2e: {  	s3 =	simm.s32 @!p0 $0x1082;
	s9 =	sld [smem:$0x3FA4]  }
0x2f: {  	lr =	sadd.s32 s0, s3;
	s0 =	sld [smem:$0x3F9B]  }
0x30: {  	s3 =	sld [smem:$0x3F9E]  }
0x31: {  	[smem:$0x3FA7] =	sst s10  }
0x32: {  	s10 =	sld [smem:$0x3FA5];
	_ =	sdelay $0x3  }
0x33: {  	p0 =	seq.s32 s10, $0x1;
	s10 =	sld [smem:$0x3FA7];
	_ =	sdelay $0x3  }
0x34: {  	[smem:$0x3FA7] =	sst s10  }
0x35: {  	s10 =	sld [smem:$0x3FA6];
	_ =	sdelay $0x3  }
0x36: {  	p1 =	seq.s32 s10, $0x1;
	s10 =	sld [smem:$0x3FA7];
	_ =	sdelay $0x3  }
0x37: {  	[smem:$0x3FA7] =	sst s10  }
0x38: {  	s10 =	sld [smem:$0x3FA8]  }
0x39: {  	_ = 	snop;
	(pc) =	sbr.ind lr, $3  }
0x3a: {  	_ = 	snop  }
0x3b: {  	_ = 	snop  }
0x3c: {  	p2 =	seq.s32 s10, $0x1;
	s10 =	sld [smem:$0x3FA7]  }
0x3d: {  	_ =	shalt  }
0x3e: {  	_ =	shalt  }
0x3f: {  	_ =	shalt  }
0x40: {  	_ =	shalt  }
0x41: {  	_ =	shalt  }
0x42: {  	_ =	shalt  }
0x43: {  	_ =	shalt  }
0x44: {  	_ =	shalt  }
0x45: {  	_ =	shalt  }
0x46: {  	_ =	shalt  }
0x47: {  	_ =	shalt  }
0x48: {  	_ =	shalt  }
0x49: {  	_ =	shalt  }
0x4a: {  	_ =	shalt  }
0x4b: {  	_ =	shalt  }
0x4c: {  	_ =	shalt  }
0x4d: {  	_ =	shalt  }
0x4e: {  	_ =	shalt  }
0x4f: {  	_ =	shalt  }
0x50: {  	_ =	shalt  }
0x51: {  	_ =	shalt  }
0x52: {  	_ =	shalt  }
0x53: {  	_ =	shalt  }
0x54: {  	_ =	shalt  }
0x55: {  	_ =	shalt  }
0x56: {  	_ =	shalt  }
0x57: {  	_ =	shalt  }
0x58: {  	_ =	shalt  }
0x59: {  	_ =	shalt  }
0x5a: {  	_ =	shalt  }
0x5b: {  	_ =	shalt  }
0x5c: {  	_ =	shalt  }
0x5d: {  	_ =	shalt  }
0x5e: {  	_ =	shalt  }
0x5f: {  	_ =	shalt  }
0x60: {  	_ =	shalt  }
0x61: {  	_ =	shalt  }
0x62: {  	_ =	shalt  }
0x63: {  	_ =	shalt  }
0x64: {  	_ =	shalt  }
0x65: {  	_ =	shalt  }
0x66: {  	_ =	shalt  }
0x67: {  	_ =	shalt  }
0x68: {  	_ =	shalt  }
0x69: {  	_ =	shalt  }
0x6a: {  	_ =	shalt  }
0x6b: {  	_ =	shalt  }
0x6c: {  	_ =	shalt  }
0x6d: {  	_ =	shalt  }
0x6e: {  	_ =	shalt  }
0x6f: {  	_ =	shalt  }
0x70: {  	_ =	shalt  }
0x71: {  	_ =	shalt  }
0x72: {  	_ =	shalt  }
0x73: {  	_ =	shalt  }
0x74: {  	_ =	shalt  }
0x75: {  	_ =	shalt  }
0x76: {  	_ =	shalt  }
0x77: {  	_ =	shalt  }
0x78: {  	_ =	shalt  }
0x79: {  	_ =	shalt  }
0x7a: {  	_ =	shalt  }
0x7b: {  	_ =	shalt  }
0x7c: {  	_ =	shalt  }
0x7d: {  	_ =	shalt  }
0x7e: {  	_ =	shalt  }
0x7f: {  	_ =	shalt  }
0x80: {  	_ =	shalt  }
0x81: {  	_ =	shalt  }
0x82: {  	_ =	shalt  }
0x83: {  	_ =	shalt  }
0x84: {  	_ =	shalt  }
0x85: {  	_ =	shalt  }
0x86: {  	_ =	shalt  }
0x87: {  	_ =	shalt  }
.Lfunc_end0:
.L_simem_size_0:
called_computation_lowered:
.L_overlay_start_0:
0x88: {  	s2 =	sld [smem:$0x3FD9]  }
0x89: {  	s3 =	sld [smem:$0x3FFE];
	_ =	sdelay $0x1  }
0x8a: {  	s1 =	srdreg.scid  }
0x8b: {  	s0 =	sand.u32 $0x1, s1  }
0x8c: {  	s16 =	sshll.u32 s0, $0xA;
	s2 =	sadd.s32 s3, s2  }
0x8d: {  	s2 =	sadd.s32 s2, s16  }
0x8e: {  	[smem:$0x3FB3] =	sst s2  }
0x8f: {  	_ = 	snop  }
0x90: {  	(tm) =	ssettm $0x1  }
0x91: {  	s17 =	sld [smem:$0x3FFB];
	_ =	sdelay $0x3  }
0x92: {  	_ =	strace s17  }
0x93: {  	s2 =	sld [smem:$0x3FFC];
	_ =	sdelay $0x3  }
0x94: {  	_ =	strace s2  }
0x95: {  	s2 =	sld [smem:$0x3FFD];
	_ =	sdelay $0x3  }
0x96: {  	_ =	strace s2  }
0x97: {  	_ =	strace $0x8FFFFFFF  }
0x98: {  	s18 =	sld [smem:$0x3FDB];
	_ =	sdelay $0x1  }
0x99: {  	s19 =	simm.s32 $_scs_section_size  }
0x9a: {  	s4 =	simm.s32 $_size__tile_overlayer_lowered;
	s5 =	simm.s32 $_tile_overlayer_lowered  }
0x9b: {  	s22 =	simm.s32 $0x1BFF;
	s21 =	sshll.u32 s5, $0x1;
	s2 =	sadd.s32 s19, s18  }
0x9c: {  	s6 =	simm.s32 $0x0;
	s20 =	sshll.u32 s4, $0x1;
	s4 =	sadd.s32 s21, s2  }
0x9d: {  	[timem:s6], [sflag:s22] =	dma.local [hbm:s4], s20  }
0x9e: {  	_ =	swait.ge [sflag:s22], s20  }
0x9f: {  	s3 =	ssub.s32 $0x0, s20;
	[sflag:s22] =	ssyncset.done $0x0  }
0xa0: {  	[sflag:s22] =	ssyncadd.s32 s3;
	_ =	sdelay $0x1  }
0xa1: {  	s23 =	simm.s32 $0x1B8B  }
0xa2: {  	_ =	swait.ge [sflag:s23], $0x1  }
0xa3: {  	[sflag:s23] =	ssyncset.done $0x0  }
0xa4: {  	s25 =	simm.s32 $0x1B8E;
	s24 =	sld [smem:$0x3FFE];
	[sflag:s23] =	ssyncadd.s32 $0xFFFFFFFF  }
0xa5: {  	s26 =	simm.s32 $execute0_lowered;
	[smem:$0x3FD2] =	sst s25  }
0xa6: {  	s4 =	sshll.u32 s26, $0x1;
	_ =	strace $0x80000046;
	[dreg:$0x1] =	wrdreg $0xFFFFFFFF  }
0xa7: {  	s28 =	simm.s32 $_size_execute0_lowered;
	s2 =	sadd.s32 s2, s4;
	[dreg:$0x0] =	wrdreg $0x0  }
0xa8: {  	s4 =	sshll.u32 s28, $0x1;
	[dreg:$0x2] =	wrdreg s2  }
0xa9: {  	[dreg:$0x3] =	wrdreg s4  }
0xaa: {  	[dreg:$0x4] =	wrdreg $0xC0  }
0xab: {  	_ =	task [dreg:s6], $0x5FFFF  }
0xac: {  	[dreg:$0x1] =	wrdreg $0xFFFFFFFF  }
0xad: {  	[dreg:$0x0] =	wrdreg $0x60  }
0xae: {  	[dreg:$0x2] =	wrdreg s24  }
0xaf: {  	[dreg:$0x3] =	wrdreg $0x102200  }
0xb0: {  	[dreg:$0x4] =	wrdreg $0x9  }
0xb1: {  	_ =	task.clear_ibuf [dreg:s6], $0x5FFFF;
	_ =	strace $0x90000046  }
0xb2: {  	s29 =	simm.s32 $0x9;
	_ =	strace $0x80000048  }
0xb3: {  	_ =	swait.ge [sflag:s29], $0x1  }
0xb4: {  	[sflag:s29] =	ssyncadd.s32 $0xFFFFFFFF  }
0xb5: {  	_ =	strace $0x90000048  }
0xb6: {  	_ =	sfence  }
0xb7: {  	s30 =	sld [smem:$0x0];
	_ =	sdelay $0x2  }
0xb8: {  	s31 =	sshll.u32 s1, $0xD;
	s1 =	sshrl.u32 s1, $0x2  }
0xb9: {  	s3 =	sand.u32 $0x4000, s31;
	s1 =	sadd.s32 s1, s30  }
0xba: {  	s0 =	sor.u32 s3, s0;
	s1 =	sshll.u32 s1, $0x11  }
0xbb: {  	s0 =	sor.u32 s1, s0  }
0xbc: {  	s0 =	sadd.s32 $0x8F2B, s0  }
0xbd: {  	[sflag:s0] =	ssyncadd.remote.s32 $0x1  }
0xbe: {  	_ =	sfence.sel $0xFFFF  }
0xbf: {  	[dreg:$0x0] =	wrdreg $0xFFFFFFFF;
	(pc) =	sbr.abs _section_cstart, $3  }
0xc0: {  	[dreg:$0x1] =	wrdreg $0xFFFFFFFF  }
0xc1: {  	_ =	task.clear_ibuf [dreg:s6], $0x2FFFF;
	_ =	strace $0x9FFFFFFF  }
0xc2: {  	(tm) =	ssettm $0x7FFFFFFF  }
0xc3: {  	_ =	shalt  }
tec
execute0_lowered:
.L_overlay_start_1:
0x0: {  	(tag) =	ssettag $0x1  }
0x1: {  	s0 =	rddreg [dreg:$0x0]  }
0x2: {  	s2 =	rddreg [dreg:$0x1]  }
0x3: {  	s1 =	srdreg.scid;
	s6 =	stileid.u32;
	s3 =	simm.s32 $0x0  }
0x4: {  	s10 =	simm.s32 $0x5;
	s12 =	simm.s32 $0x50;
	s13 =	simm.s32 $0x4E20  }
0x5: {  	s14 =	simm.s32 $0x5820;
	s16 =	simm.s32 $0x6220;
	s18 =	simm.s32 $0x6C20  }
0x6: {  	s20 =	simm.s32 $0x7620;
	s21 =	simm.s32 $0xB220;
	s22 =	simm.s32 $0x8020  }
0x7: {  	s23 =	simm.s32 $0x8A20;
	s24 =	simm.s32 $0x9420;
	s25 =	simm.s32 $0x9E20  }
0x8: {  	s28 =	simm.s32 $0x1;
	s29 =	simm.s32 $0x3;
	s30 =	simm.s32 $0x2  }
0x9: {  	s31 =	simm.s32 $0x4;
	s19 =	simm.s32 $0x0;
	s1 =	sand.u32 $0x1, s1  }
0xa: {  	s7 =	smul.u32 $0x5000, s6;
	[smem:$0x7FF] =	sst s3;
	s4 =	sshll.u32 s1, $0x4  }
0xb: {  	s5 =	smul.u32 $0x50000, s1;
	s1 =	ssub.s32 $0x2, s1;
	s4 =	sor.u32 s6, s4  }
0xc: {  	_ =	strace $0x80000047;
	s26 =	sshrl.u32 s1, $0x1;
	s6 =	smul.u32 $0x4E2, s4  }
0xd: {  	s5 =	sadd.s32 s7, s5;
	s4 =	sadd.s32 $0x17000, s0;
	s1 =	ssub.s32 s1, s26  }
0xe: {  	s7 =	sadd.s32 s7, s2;
	s26 =	simm.s32 $0xA820;
	s5 =	sshrl.u32 s5, $0x3  }
0xf: {  	s9 =	smax.u32 s1, $0x1;
	s6 =	sadd.s32 s6, s0;
	s0 =	sadd.s32 s5, s0  }
0x10: {  	v0 =	vimm.f32 $0.0e+00;
	s5 =	sadd.s32 $0xD200, s6;
	s6 =	sadd.s32 $0x3400, s6;
	s8 =	sadd.s32 $0x20E00, s0  }
.LBB2_1:
0x11: {  	[tilespmem:s3], [sflag:$0x5] =	stream.linear.gather [hbm4b:s5+s3], $0x2710, $0x38;
	[tilespmem:$0x15220] =	vst v63  }
0x12: {  	_ =	swait.ge [sflag:s10], $0x2710  }
0x13: {  	[sflag:s10] =	ssyncset.done $0x0  }
0x14: {  	s0 =	simm.s32 $0x2710;
	[sflag:s10] =	ssyncadd.s32 $0xFFFFD8F0  }
0x15: {  	[tilespmem:s0], [sflag:$0x5] =	stream.linear.gather [hbm4b:s6+s3], $0x2710, $0x38;
	[tilespmem:$0x15220] =	vst v63  }
0x16: {  	_ =	swait.ge [sflag:s10], $0x2710  }
0x17: {  	[sflag:s10] =	ssyncset.done $0x0  }
0x18: {  	[sflag:s10] =	ssyncadd.s32 $0xFFFFD8F0  }
0x19: {  	[tilespmem:s13], [sflag:$0x1] =	stream.indirect.gather [hbm4b:s4+s12], $0x20, s3, s12, $0xb8;
	[tilespmem:$0x15220] =	vst v63  }
0x1a: {  	_ = 	snop  }
0x1b: {  	[tilespmem:s14], [sflag:$0x1] =	stream.indirect.gather [hbm4b:s4+s12], $0x20, s12, s12, $0xb8;
	[tilespmem:$0x15220] =	vst v63  }
0x1c: {  	s11 =	simm.s32 $0xA0  }
0x1d: {  	[tilespmem:s16], [sflag:$0x1] =	stream.indirect.gather [hbm4b:s4+s12], $0x20, s11, s12, $0xb8;
	[tilespmem:$0x15220] =	vst v63  }
0x1e: {  	s15 =	simm.s32 $0xF0  }
0x1f: {  	[tilespmem:s18], [sflag:$0x1] =	stream.indirect.gather [hbm4b:s4+s12], $0x20, s15, s12, $0xb8;
	[tilespmem:$0x15220] =	vst v63  }
0x20: {  	s17 =	simm.s32 $0x140;
	s1 =	simm.s32 $0x0;
	s0 =	simm.s32 $0x80  }
0x21: {  	[tilespmem:s20], [sflag:$0x1] =	stream.indirect.gather [hbm4b:s4+s12], $0x20, s17, s12, $0xb8;
	[tilespmem:$0x15220] =	vst v63  }
.LBB2_2:
0x22: {  	p0 =	sne.s32 s0, $0x13F80;
	[tilespmem:s1+$0xB220] =	vst v0;
	s11 =	smov.u32 s0;
	s0 =	sadd.s32 $0x80, s0  }
.Ltmp0:
0x23: {  	[tilespmem:s1+$0xB230] =	vst v0;
	(pc) =	sbr.rel @p0 .LBB2_2-.Ltmp0, $2  }
0x24: {  	_ =	sdelay $0x2  }
0x25: {  	s1 =	sshra.s32 s11, $0x2  }
0x26: {  	[tilespmem:s1+$0xB220] =	vst v0  }
0x27: {  	[tilespmem:s1+$0xB230] =	vst v0  }
0x28: {  	[spmem:s7] =	stream.linear.scatter [tilespmem:s21], [sflag:$0x5], $0x5000, $0x38;
	[tilespmem:$0x15220] =	vst v63  }
0x29: {  	_ =	swait.ge [sflag:s10], $0x5000  }
0x2a: {  	[sflag:s10] =	ssyncset.done $0x0  }
0x2b: {  	[sflag:s10] =	ssyncadd.s32 $0xFFFFB000  }
0x2c: {  	s0 =	simm.s32 $0x190;
	[bflag:$0x0] =	sbarrier.arrive $0xFFFF  }
0x2d: {  	[tilespmem:s22], [sflag:$0x2] =	stream.indirect.gather [hbm4b:s4+s12], $0x20, s0, s12, $0xb8;
	[tilespmem:$0x15220] =	vst v63  }
0x2e: {  	s11 =	simm.s32 $0x1E0  }
0x2f: {  	[tilespmem:s23], [sflag:$0x2] =	stream.indirect.gather [hbm4b:s4+s12], $0x20, s11, s12, $0xb8;
	[tilespmem:$0x15220] =	vst v63  }
0x30: {  	s15 =	simm.s32 $0x230  }
0x31: {  	[tilespmem:s24], [sflag:$0x2] =	stream.indirect.gather [hbm4b:s4+s12], $0x20, s15, s12, $0xb8;
	[tilespmem:$0x15220] =	vst v63  }
0x32: {  	s17 =	simm.s32 $0x280  }
0x33: {  	[tilespmem:s25], [sflag:$0x2] =	stream.indirect.gather [hbm4b:s4+s12], $0x20, s17, s12, $0xb8;
	[tilespmem:$0x15220] =	vst v63  }
0x34: {  	s1 =	simm.s32 $0x2D0  }
0x35: {  	[tilespmem:s26], [sflag:$0x2] =	stream.indirect.gather [hbm4b:s4+s12], $0x20, s1, s12, $0xb8;
	[tilespmem:$0x15220] =	vst v63  }
0x36: {  	_ =	swait.ge [sflag:s28], $0xA00  }
0x37: {  	[sflag:s28] =	ssyncset.done $0x0  }
0x38: {  	s11 =	simm.s32 $0x2710;
	[sflag:s28] =	ssyncadd.s32 $0xFFFFF600  }
0x39: {  	[spmem:s2] =	stream.indirect.scatter.add.f32 [tilespmem:s13], [sflag:$0x3], $0x20, s11, s12, $0xb8;
	[tilespmem:$0x15220] =	vst v63  }
0x3a: {  	_ =	swait.ge [sflag:s28], $0xA00  }
0x3b: {  	[sflag:s28] =	ssyncset.done $0x0  }
0x3c: {  	s15 =	simm.s32 $0x2760;
	[sflag:s28] =	ssyncadd.s32 $0xFFFFF600  }
0x3d: {  	[spmem:s2] =	stream.indirect.scatter.add.f32 [tilespmem:s14], [sflag:$0x3], $0x20, s15, s12, $0xb8;
	[tilespmem:$0x15220] =	vst v63  }
0x3e: {  	_ =	swait.ge [sflag:s28], $0xA00  }
0x3f: {  	[sflag:s28] =	ssyncset.done $0x0  }
0x40: {  	s17 =	simm.s32 $0x27B0;
	[sflag:s28] =	ssyncadd.s32 $0xFFFFF600  }
0x41: {  	[spmem:s2] =	stream.indirect.scatter.add.f32 [tilespmem:s16], [sflag:$0x3], $0x20, s17, s12, $0xb8;
	[tilespmem:$0x15220] =	vst v63  }
0x42: {  	_ =	swait.ge [sflag:s28], $0xA00  }
0x43: {  	[sflag:s28] =	ssyncset.done $0x0  }
0x44: {  	s1 =	simm.s32 $0x2800;
	[sflag:s28] =	ssyncadd.s32 $0xFFFFF600  }
0x45: {  	[spmem:s2] =	stream.indirect.scatter.add.f32 [tilespmem:s18], [sflag:$0x3], $0x20, s1, s12, $0xb8;
	[tilespmem:$0x15220] =	vst v63  }
0x46: {  	_ =	swait.ge [sflag:s28], $0xA00  }
0x47: {  	[sflag:s28] =	ssyncset.done $0x0  }
0x48: {  	s11 =	simm.s32 $0x2850;
	[sflag:s28] =	ssyncadd.s32 $0xFFFFF600  }
0x49: {  	[spmem:s2] =	stream.indirect.scatter.add.f32 [tilespmem:s20], [sflag:$0x3], $0x20, s11, s12, $0xb8;
	[tilespmem:$0x15220] =	vst v63  }
0x4a: {  	_ =	swait.ge [sflag:s29], $0xA00  }
0x4b: {  	[sflag:s29] =	ssyncset.done $0x0  }
0x4c: {  	[sflag:s29] =	ssyncadd.s32 $0xFFFFF600  }
0x4d: {  	_ =	swait.ge [sflag:s29], $0xA00  }
0x4e: {  	[sflag:s29] =	ssyncset.done $0x0  }
0x4f: {  	[sflag:s29] =	ssyncadd.s32 $0xFFFFF600  }
0x50: {  	_ =	swait.ge [sflag:s29], $0xA00  }
0x51: {  	[sflag:s29] =	ssyncset.done $0x0  }
0x52: {  	[sflag:s29] =	ssyncadd.s32 $0xFFFFF600  }
0x53: {  	_ =	swait.ge [sflag:s29], $0xA00  }
0x54: {  	[sflag:s29] =	ssyncset.done $0x0  }
0x55: {  	[sflag:s29] =	ssyncadd.s32 $0xFFFFF600  }
0x56: {  	_ =	swait.ge [sflag:s29], $0xA00  }
0x57: {  	[sflag:s29] =	ssyncset.done $0x0  }
0x58: {  	s15 =	simm.s32 $0x320;
	[sflag:s29] =	ssyncadd.s32 $0xFFFFF600  }
0x59: {  	[tilespmem:s13], [sflag:$0x1] =	stream.indirect.gather [hbm4b:s4+s12], $0x20, s15, s12, $0xb8;
	[tilespmem:$0x15220] =	vst v63  }
0x5a: {  	s17 =	simm.s32 $0x370  }
0x5b: {  	[tilespmem:s14], [sflag:$0x1] =	stream.indirect.gather [hbm4b:s4+s12], $0x20, s17, s12, $0xb8;
	[tilespmem:$0x15220] =	vst v63  }
0x5c: {  	s1 =	simm.s32 $0x3C0  }
0x5d: {  	[tilespmem:s16], [sflag:$0x1] =	stream.indirect.gather [hbm4b:s4+s12], $0x20, s1, s12, $0xb8;
	[tilespmem:$0x15220] =	vst v63  }
0x5e: {  	s11 =	simm.s32 $0x410  }
0x5f: {  	[tilespmem:s18], [sflag:$0x1] =	stream.indirect.gather [hbm4b:s4+s12], $0x20, s11, s12, $0xb8;
	[tilespmem:$0x15220] =	vst v63  }
0x60: {  	s15 =	simm.s32 $0x460  }
0x61: {  	[tilespmem:s20], [sflag:$0x1] =	stream.indirect.gather [hbm4b:s4+s12], $0x20, s15, s12, $0xb8;
	[tilespmem:$0x15220] =	vst v63  }
0x62: {  	_ =	swait.ge [sflag:s30], $0xA00  }
0x63: {  	[sflag:s30] =	ssyncset.done $0x0  }
0x64: {  	s17 =	simm.s32 $0x28A0;
	[sflag:s30] =	ssyncadd.s32 $0xFFFFF600  }
0x65: {  	[spmem:s2] =	stream.indirect.scatter.add.f32 [tilespmem:s22], [sflag:$0x4], $0x20, s17, s12, $0xb8;
	[tilespmem:$0x15220] =	vst v63  }
0x66: {  	_ =	swait.ge [sflag:s30], $0xA00  }
0x67: {  	[sflag:s30] =	ssyncset.done $0x0  }
0x68: {  	s1 =	simm.s32 $0x28F0;
	[sflag:s30] =	ssyncadd.s32 $0xFFFFF600  }
0x69: {  	[spmem:s2] =	stream.indirect.scatter.add.f32 [tilespmem:s23], [sflag:$0x4], $0x20, s1, s12, $0xb8;
	[tilespmem:$0x15220] =	vst v63  }
0x6a: {  	_ =	swait.ge [sflag:s30], $0xA00  }
0x6b: {  	[sflag:s30] =	ssyncset.done $0x0  }
0x6c: {  	s11 =	simm.s32 $0x2940;
	[sflag:s30] =	ssyncadd.s32 $0xFFFFF600  }
0x6d: {  	[spmem:s2] =	stream.indirect.scatter.add.f32 [tilespmem:s24], [sflag:$0x4], $0x20, s11, s12, $0xb8;
	[tilespmem:$0x15220] =	vst v63  }
0x6e: {  	_ =	swait.ge [sflag:s30], $0xA00  }
0x6f: {  	[sflag:s30] =	ssyncset.done $0x0  }
0x70: {  	s15 =	simm.s32 $0x2990;
	[sflag:s30] =	ssyncadd.s32 $0xFFFFF600  }
0x71: {  	[spmem:s2] =	stream.indirect.scatter.add.f32 [tilespmem:s25], [sflag:$0x4], $0x20, s15, s12, $0xb8;
	[tilespmem:$0x15220] =	vst v63  }
0x72: {  	_ =	swait.ge [sflag:s30], $0xA00  }
0x73: {  	[sflag:s30] =	ssyncset.done $0x0  }
0x74: {  	s17 =	simm.s32 $0x29E0;
	[sflag:s30] =	ssyncadd.s32 $0xFFFFF600  }
0x75: {  	[spmem:s2] =	stream.indirect.scatter.add.f32 [tilespmem:s26], [sflag:$0x4], $0x20, s17, s12, $0xb8;
	[tilespmem:$0x15220] =	vst v63  }
0x76: {  	_ =	swait.ge [sflag:s31], $0xA00  }
0x77: {  	[sflag:s31] =	ssyncset.done $0x0  }
0x78: {  	[sflag:s31] =	ssyncadd.s32 $0xFFFFF600  }
0x79: {  	_ =	swait.ge [sflag:s31], $0xA00  }
0x7a: {  	[sflag:s31] =	ssyncset.done $0x0  }
0x7b: {  	[sflag:s31] =	ssyncadd.s32 $0xFFFFF600  }
0x7c: {  	_ =	swait.ge [sflag:s31], $0xA00  }
0x7d: {  	[sflag:s31] =	ssyncset.done $0x0  }
0x7e: {  	[sflag:s31] =	ssyncadd.s32 $0xFFFFF600  }
0x7f: {  	_ =	swait.ge [sflag:s31], $0xA00  }
0x80: {  	[sflag:s31] =	ssyncset.done $0x0  }
0x81: {  	[sflag:s31] =	ssyncadd.s32 $0xFFFFF600  }
0x82: {  	_ =	swait.ge [sflag:s31], $0xA00  }
0x83: {  	s0 =	simm.s32 $0x320;
	s1 =	simm.s32 $0x1900;
	[sflag:s31] =	ssyncset.done $0x0  }
.LBB2_4:
0x84: {  	s17 =	sadd.s32 $0x190, s0  }
0x85: {  	[sflag:s31] =	ssyncadd.s32 $0xFFFFF600;
	s11 =	smov.u32 s1;
	s15 =	sadd.s32 $0xC80, s1  }
0x86: {  	[tilespmem:s22], [sflag:$0x2] =	stream.indirect.gather [hbm4b:s4+s12], $0x20, s17, s12, $0xb8;
	[tilespmem:$0x15220] =	vst v63  }
0x87: {  	p0 =	sne.s32 s1, $0x8980;
	s1 =	sadd.s32 $0x1E0, s0  }
0x88: {  	[tilespmem:s23], [sflag:$0x2] =	stream.indirect.gather [hbm4b:s4+s12], $0x20, s1, s12, $0xb8;
	[tilespmem:$0x15220] =	vst v63  }
0x89: {  	s1 =	sadd.s32 $0x230, s0  }
0x8a: {  	[tilespmem:s24], [sflag:$0x2] =	stream.indirect.gather [hbm4b:s4+s12], $0x20, s1, s12, $0xb8;
	[tilespmem:$0x15220] =	vst v63  }
0x8b: {  	s1 =	sadd.s32 $0x280, s0  }
0x8c: {  	[tilespmem:s25], [sflag:$0x2] =	stream.indirect.gather [hbm4b:s4+s12], $0x20, s1, s12, $0xb8;
	[tilespmem:$0x15220] =	vst v63  }
0x8d: {  	s1 =	sadd.s32 $0x2D0, s0  }
0x8e: {  	[tilespmem:s26], [sflag:$0x2] =	stream.indirect.gather [hbm4b:s4+s12], $0x20, s1, s12, $0xb8;
	[tilespmem:$0x15220] =	vst v63  }
0x8f: {  	_ =	swait.ge [sflag:s28], $0xA00  }
0x90: {  	[sflag:s28] =	ssyncset.done $0x0  }
0x91: {  	s1 =	sadd.s32 $0x2710, s0;
	[sflag:s28] =	ssyncadd.s32 $0xFFFFF600  }
0x92: {  	[spmem:s2] =	stream.indirect.scatter.add.f32 [tilespmem:s13], [sflag:$0x3], $0x20, s1, s12, $0xb8;
	[tilespmem:$0x15220] =	vst v63  }
0x93: {  	_ =	swait.ge [sflag:s28], $0xA00  }
0x94: {  	[sflag:s28] =	ssyncset.done $0x0  }
0x95: {  	s1 =	sadd.s32 $0x2760, s0;
	[sflag:s28] =	ssyncadd.s32 $0xFFFFF600  }
0x96: {  	[spmem:s2] =	stream.indirect.scatter.add.f32 [tilespmem:s14], [sflag:$0x3], $0x20, s1, s12, $0xb8;
	[tilespmem:$0x15220] =	vst v63  }
0x97: {  	_ =	swait.ge [sflag:s28], $0xA00  }
0x98: {  	[sflag:s28] =	ssyncset.done $0x0  }
0x99: {  	s1 =	sadd.s32 $0x27B0, s0;
	[sflag:s28] =	ssyncadd.s32 $0xFFFFF600  }
0x9a: {  	[spmem:s2] =	stream.indirect.scatter.add.f32 [tilespmem:s16], [sflag:$0x3], $0x20, s1, s12, $0xb8;
	[tilespmem:$0x15220] =	vst v63  }
0x9b: {  	_ =	swait.ge [sflag:s28], $0xA00  }
0x9c: {  	[sflag:s28] =	ssyncset.done $0x0  }
0x9d: {  	s1 =	sadd.s32 $0x2800, s0;
	[sflag:s28] =	ssyncadd.s32 $0xFFFFF600  }
0x9e: {  	[spmem:s2] =	stream.indirect.scatter.add.f32 [tilespmem:s18], [sflag:$0x3], $0x20, s1, s12, $0xb8;
	[tilespmem:$0x15220] =	vst v63  }
0x9f: {  	_ =	swait.ge [sflag:s28], $0xA00  }
0xa0: {  	[sflag:s28] =	ssyncset.done $0x0  }
0xa1: {  	s1 =	sadd.s32 $0x2850, s0;
	[sflag:s28] =	ssyncadd.s32 $0xFFFFF600  }
0xa2: {  	[spmem:s2] =	stream.indirect.scatter.add.f32 [tilespmem:s20], [sflag:$0x3], $0x20, s1, s12, $0xb8;
	[tilespmem:$0x15220] =	vst v63  }
0xa3: {  	_ =	swait.ge [sflag:s29], $0xA00  }
0xa4: {  	[sflag:s29] =	ssyncset.done $0x0  }
0xa5: {  	[sflag:s29] =	ssyncadd.s32 $0xFFFFF600  }
0xa6: {  	_ =	swait.ge [sflag:s29], $0xA00  }
0xa7: {  	[sflag:s29] =	ssyncset.done $0x0  }
0xa8: {  	[sflag:s29] =	ssyncadd.s32 $0xFFFFF600  }
0xa9: {  	_ =	swait.ge [sflag:s29], $0xA00  }
0xaa: {  	[sflag:s29] =	ssyncset.done $0x0  }
0xab: {  	[sflag:s29] =	ssyncadd.s32 $0xFFFFF600  }
0xac: {  	_ =	swait.ge [sflag:s29], $0xA00  }
0xad: {  	[sflag:s29] =	ssyncset.done $0x0  }
0xae: {  	[sflag:s29] =	ssyncadd.s32 $0xFFFFF600  }
0xaf: {  	_ =	swait.ge [sflag:s29], $0xA00  }
0xb0: {  	[sflag:s29] =	ssyncset.done $0x0  }
0xb1: {  	s1 =	sadd.s32 $0x320, s0;
	[sflag:s29] =	ssyncadd.s32 $0xFFFFF600  }
0xb2: {  	[tilespmem:s13], [sflag:$0x1] =	stream.indirect.gather [hbm4b:s4+s12], $0x20, s1, s12, $0xb8;
	[tilespmem:$0x15220] =	vst v63  }
0xb3: {  	s1 =	sadd.s32 $0x370, s0  }
0xb4: {  	[tilespmem:s14], [sflag:$0x1] =	stream.indirect.gather [hbm4b:s4+s12], $0x20, s1, s12, $0xb8;
	[tilespmem:$0x15220] =	vst v63  }
0xb5: {  	s1 =	sadd.s32 $0x3C0, s0  }
0xb6: {  	[tilespmem:s16], [sflag:$0x1] =	stream.indirect.gather [hbm4b:s4+s12], $0x20, s1, s12, $0xb8;
	[tilespmem:$0x15220] =	vst v63  }
0xb7: {  	s1 =	sadd.s32 $0x410, s0  }
0xb8: {  	[tilespmem:s18], [sflag:$0x1] =	stream.indirect.gather [hbm4b:s4+s12], $0x20, s1, s12, $0xb8;
	[tilespmem:$0x15220] =	vst v63  }
0xb9: {  	s1 =	sadd.s32 $0x460, s0  }
0xba: {  	[tilespmem:s20], [sflag:$0x1] =	stream.indirect.gather [hbm4b:s4+s12], $0x20, s1, s12, $0xb8;
	[tilespmem:$0x15220] =	vst v63  }
0xbb: {  	_ =	swait.ge [sflag:s30], $0xA00  }
0xbc: {  	[sflag:s30] =	ssyncset.done $0x0  }
0xbd: {  	s1 =	sadd.s32 $0x28A0, s0;
	[sflag:s30] =	ssyncadd.s32 $0xFFFFF600  }
0xbe: {  	[spmem:s2] =	stream.indirect.scatter.add.f32 [tilespmem:s22], [sflag:$0x4], $0x20, s1, s12, $0xb8;
	[tilespmem:$0x15220] =	vst v63  }
0xbf: {  	_ =	swait.ge [sflag:s30], $0xA00  }
0xc0: {  	[sflag:s30] =	ssyncset.done $0x0  }
0xc1: {  	s1 =	sadd.s32 $0x28F0, s0;
	[sflag:s30] =	ssyncadd.s32 $0xFFFFF600  }
0xc2: {  	[spmem:s2] =	stream.indirect.scatter.add.f32 [tilespmem:s23], [sflag:$0x4], $0x20, s1, s12, $0xb8;
	[tilespmem:$0x15220] =	vst v63  }
0xc3: {  	_ =	swait.ge [sflag:s30], $0xA00  }
0xc4: {  	[sflag:s30] =	ssyncset.done $0x0  }
0xc5: {  	s1 =	sadd.s32 $0x2940, s0;
	[sflag:s30] =	ssyncadd.s32 $0xFFFFF600  }
0xc6: {  	[spmem:s2] =	stream.indirect.scatter.add.f32 [tilespmem:s24], [sflag:$0x4], $0x20, s1, s12, $0xb8;
	[tilespmem:$0x15220] =	vst v63  }
0xc7: {  	_ =	swait.ge [sflag:s30], $0xA00  }
0xc8: {  	[sflag:s30] =	ssyncset.done $0x0  }
0xc9: {  	s1 =	sadd.s32 $0x2990, s0;
	[sflag:s30] =	ssyncadd.s32 $0xFFFFF600  }
0xca: {  	[spmem:s2] =	stream.indirect.scatter.add.f32 [tilespmem:s25], [sflag:$0x4], $0x20, s1, s12, $0xb8;
	[tilespmem:$0x15220] =	vst v63  }
0xcb: {  	_ =	swait.ge [sflag:s30], $0xA00  }
0xcc: {  	[sflag:s30] =	ssyncset.done $0x0  }
0xcd: {  	s0 =	sadd.s32 $0x29E0, s0;
	[sflag:s30] =	ssyncadd.s32 $0xFFFFF600  }
0xce: {  	[spmem:s2] =	stream.indirect.scatter.add.f32 [tilespmem:s26], [sflag:$0x4], $0x20, s0, s12, $0xb8;
	[tilespmem:$0x15220] =	vst v63  }
0xcf: {  	_ =	swait.ge [sflag:s31], $0xA00  }
0xd0: {  	[sflag:s31] =	ssyncset.done $0x0  }
0xd1: {  	[sflag:s31] =	ssyncadd.s32 $0xFFFFF600  }
0xd2: {  	_ =	swait.ge [sflag:s31], $0xA00  }
0xd3: {  	[sflag:s31] =	ssyncset.done $0x0  }
0xd4: {  	[sflag:s31] =	ssyncadd.s32 $0xFFFFF600  }
0xd5: {  	_ =	swait.ge [sflag:s31], $0xA00  }
0xd6: {  	[sflag:s31] =	ssyncset.done $0x0  }
0xd7: {  	[sflag:s31] =	ssyncadd.s32 $0xFFFFF600  }
.Ltmp1:
0xd8: {  	_ =	swait.ge [sflag:s31], $0xA00;
	(pc) =	sbr.rel @p0 .LBB2_4-.Ltmp1, $4  }
0xd9: {  	[sflag:s31] =	ssyncset.done $0x0  }
0xda: {  	[sflag:s31] =	ssyncadd.s32 $0xFFFFF600  }
0xdb: {  	_ =	swait.ge [sflag:s31], $0xA00  }
0xdc: {  	s1 =	smov.u32 s15;
	s0 =	sshra.s32 s11, $0x2;
	[sflag:s31] =	ssyncset.done $0x0  }
0xdd: {  	s1 =	sadd.s32 $0x190, s0;
	[sflag:s31] =	ssyncadd.s32 $0xFFFFF600  }
0xde: {  	[tilespmem:s22], [sflag:$0x2] =	stream.indirect.gather [hbm4b:s4+s12], $0x20, s1, s12, $0xb8;
	[tilespmem:$0x15220] =	vst v63  }
0xdf: {  	s15 =	sadd.s32 $0x1E0, s0  }
0xe0: {  	[tilespmem:s23], [sflag:$0x2] =	stream.indirect.gather [hbm4b:s4+s12], $0x20, s15, s12, $0xb8;
	[tilespmem:$0x15220] =	vst v63  }
0xe1: {  	s17 =	sadd.s32 $0x230, s0  }
0xe2: {  	[tilespmem:s24], [sflag:$0x2] =	stream.indirect.gather [hbm4b:s4+s12], $0x20, s17, s12, $0xb8;
	[tilespmem:$0x15220] =	vst v63  }
0xe3: {  	s11 =	sadd.s32 $0x280, s0  }
0xe4: {  	[tilespmem:s25], [sflag:$0x2] =	stream.indirect.gather [hbm4b:s4+s12], $0x20, s11, s12, $0xb8;
	[tilespmem:$0x15220] =	vst v63  }
0xe5: {  	s15 =	sadd.s32 $0x2D0, s0  }
0xe6: {  	[tilespmem:s26], [sflag:$0x2] =	stream.indirect.gather [hbm4b:s4+s12], $0x20, s15, s12, $0xb8;
	[tilespmem:$0x15220] =	vst v63  }
0xe7: {  	_ =	swait.ge [sflag:s28], $0xA00  }
0xe8: {  	[sflag:s28] =	ssyncset.done $0x0  }
0xe9: {  	s17 =	sadd.s32 $0x2710, s0;
	[sflag:s28] =	ssyncadd.s32 $0xFFFFF600  }
0xea: {  	[spmem:s2] =	stream.indirect.scatter.add.f32 [tilespmem:s13], [sflag:$0x3], $0x20, s17, s12, $0xb8;
	[tilespmem:$0x15220] =	vst v63  }
0xeb: {  	_ =	swait.ge [sflag:s28], $0xA00  }
0xec: {  	[sflag:s28] =	ssyncset.done $0x0  }
0xed: {  	s11 =	sadd.s32 $0x2760, s0;
	[sflag:s28] =	ssyncadd.s32 $0xFFFFF600  }
0xee: {  	[spmem:s2] =	stream.indirect.scatter.add.f32 [tilespmem:s14], [sflag:$0x3], $0x20, s11, s12, $0xb8;
	[tilespmem:$0x15220] =	vst v63  }
0xef: {  	_ =	swait.ge [sflag:s28], $0xA00  }
0xf0: {  	[sflag:s28] =	ssyncset.done $0x0  }
0xf1: {  	s15 =	sadd.s32 $0x27B0, s0;
	[sflag:s28] =	ssyncadd.s32 $0xFFFFF600  }
0xf2: {  	[spmem:s2] =	stream.indirect.scatter.add.f32 [tilespmem:s16], [sflag:$0x3], $0x20, s15, s12, $0xb8;
	[tilespmem:$0x15220] =	vst v63  }
0xf3: {  	_ =	swait.ge [sflag:s28], $0xA00  }
0xf4: {  	[sflag:s28] =	ssyncset.done $0x0  }
0xf5: {  	s17 =	sadd.s32 $0x2800, s0;
	[sflag:s28] =	ssyncadd.s32 $0xFFFFF600  }
0xf6: {  	[spmem:s2] =	stream.indirect.scatter.add.f32 [tilespmem:s18], [sflag:$0x3], $0x20, s17, s12, $0xb8;
	[tilespmem:$0x15220] =	vst v63  }
0xf7: {  	_ =	swait.ge [sflag:s28], $0xA00  }
0xf8: {  	[sflag:s28] =	ssyncset.done $0x0  }
0xf9: {  	s11 =	sadd.s32 $0x2850, s0;
	[sflag:s28] =	ssyncadd.s32 $0xFFFFF600  }
0xfa: {  	[spmem:s2] =	stream.indirect.scatter.add.f32 [tilespmem:s20], [sflag:$0x3], $0x20, s11, s12, $0xb8;
	[tilespmem:$0x15220] =	vst v63  }
0xfb: {  	_ =	swait.ge [sflag:s29], $0xA00  }
0xfc: {  	[sflag:s29] =	ssyncset.done $0x0  }
0xfd: {  	[sflag:s29] =	ssyncadd.s32 $0xFFFFF600  }
0xfe: {  	_ =	swait.ge [sflag:s29], $0xA00  }
0xff: {  	[sflag:s29] =	ssyncset.done $0x0  }
0x100: {  	[sflag:s29] =	ssyncadd.s32 $0xFFFFF600  }
0x101: {  	_ =	swait.ge [sflag:s29], $0xA00  }
0x102: {  	[sflag:s29] =	ssyncset.done $0x0  }
0x103: {  	[sflag:s29] =	ssyncadd.s32 $0xFFFFF600  }
0x104: {  	_ =	swait.ge [sflag:s29], $0xA00  }
0x105: {  	[sflag:s29] =	ssyncset.done $0x0  }
0x106: {  	[sflag:s29] =	ssyncadd.s32 $0xFFFFF600  }
0x107: {  	_ =	swait.ge [sflag:s29], $0xA00  }
0x108: {  	[sflag:s29] =	ssyncset.done $0x0  }
0x109: {  	s15 =	sadd.s32 $0x320, s0;
	[sflag:s29] =	ssyncadd.s32 $0xFFFFF600  }
0x10a: {  	[tilespmem:s13], [sflag:$0x1] =	stream.indirect.gather [hbm4b:s4+s12], $0x20, s15, s12, $0xb8;
	[tilespmem:$0x15220] =	vst v63  }
0x10b: {  	s17 =	sadd.s32 $0x370, s0  }
0x10c: {  	[tilespmem:s14], [sflag:$0x1] =	stream.indirect.gather [hbm4b:s4+s12], $0x20, s17, s12, $0xb8;
	[tilespmem:$0x15220] =	vst v63  }
0x10d: {  	s11 =	sadd.s32 $0x3C0, s0  }
0x10e: {  	[tilespmem:s16], [sflag:$0x1] =	stream.indirect.gather [hbm4b:s4+s12], $0x20, s11, s12, $0xb8;
	[tilespmem:$0x15220] =	vst v63  }
0x10f: {  	s15 =	sadd.s32 $0x410, s0  }
0x110: {  	[tilespmem:s18], [sflag:$0x1] =	stream.indirect.gather [hbm4b:s4+s12], $0x20, s15, s12, $0xb8;
	[tilespmem:$0x15220] =	vst v63  }
0x111: {  	s17 =	sadd.s32 $0x460, s0  }
0x112: {  	[tilespmem:s20], [sflag:$0x1] =	stream.indirect.gather [hbm4b:s4+s12], $0x20, s17, s12, $0xb8;
	[tilespmem:$0x15220] =	vst v63  }
0x113: {  	_ =	swait.ge [sflag:s30], $0xA00  }
0x114: {  	[sflag:s30] =	ssyncset.done $0x0  }
0x115: {  	s11 =	sadd.s32 $0x28A0, s0;
	[sflag:s30] =	ssyncadd.s32 $0xFFFFF600  }
0x116: {  	[spmem:s2] =	stream.indirect.scatter.add.f32 [tilespmem:s22], [sflag:$0x4], $0x20, s11, s12, $0xb8;
	[tilespmem:$0x15220] =	vst v63  }
0x117: {  	_ =	swait.ge [sflag:s30], $0xA00  }
0x118: {  	[sflag:s30] =	ssyncset.done $0x0  }
0x119: {  	s15 =	sadd.s32 $0x28F0, s0;
	[sflag:s30] =	ssyncadd.s32 $0xFFFFF600  }
0x11a: {  	[spmem:s2] =	stream.indirect.scatter.add.f32 [tilespmem:s23], [sflag:$0x4], $0x20, s15, s12, $0xb8;
	[tilespmem:$0x15220] =	vst v63  }
0x11b: {  	_ =	swait.ge [sflag:s30], $0xA00  }
0x11c: {  	[sflag:s30] =	ssyncset.done $0x0  }
0x11d: {  	s17 =	sadd.s32 $0x2940, s0;
	[sflag:s30] =	ssyncadd.s32 $0xFFFFF600  }
0x11e: {  	[spmem:s2] =	stream.indirect.scatter.add.f32 [tilespmem:s24], [sflag:$0x4], $0x20, s17, s12, $0xb8;
	[tilespmem:$0x15220] =	vst v63  }
0x11f: {  	_ =	swait.ge [sflag:s30], $0xA00  }
0x120: {  	[sflag:s30] =	ssyncset.done $0x0  }
0x121: {  	s11 =	sadd.s32 $0x2990, s0;
	[sflag:s30] =	ssyncadd.s32 $0xFFFFF600  }
0x122: {  	[spmem:s2] =	stream.indirect.scatter.add.f32 [tilespmem:s25], [sflag:$0x4], $0x20, s11, s12, $0xb8;
	[tilespmem:$0x15220] =	vst v63  }
0x123: {  	_ =	swait.ge [sflag:s30], $0xA00  }
0x124: {  	[sflag:s30] =	ssyncset.done $0x0  }
0x125: {  	s15 =	sadd.s32 $0x29E0, s0;
	[sflag:s30] =	ssyncadd.s32 $0xFFFFF600  }
0x126: {  	[spmem:s2] =	stream.indirect.scatter.add.f32 [tilespmem:s26], [sflag:$0x4], $0x20, s15, s12, $0xb8;
	[tilespmem:$0x15220] =	vst v63  }
0x127: {  	_ =	swait.ge [sflag:s31], $0xA00  }
0x128: {  	[sflag:s31] =	ssyncset.done $0x0  }
0x129: {  	[sflag:s31] =	ssyncadd.s32 $0xFFFFF600  }
0x12a: {  	_ =	swait.ge [sflag:s31], $0xA00  }
0x12b: {  	[sflag:s31] =	ssyncset.done $0x0  }
0x12c: {  	[sflag:s31] =	ssyncadd.s32 $0xFFFFF600  }
0x12d: {  	_ =	swait.ge [sflag:s31], $0xA00  }
0x12e: {  	[sflag:s31] =	ssyncset.done $0x0  }
0x12f: {  	[sflag:s31] =	ssyncadd.s32 $0xFFFFF600  }
0x130: {  	_ =	swait.ge [sflag:s31], $0xA00  }
0x131: {  	[sflag:s31] =	ssyncset.done $0x0  }
0x132: {  	[sflag:s31] =	ssyncadd.s32 $0xFFFFF600  }
0x133: {  	_ =	swait.ge [sflag:s31], $0xA00  }
0x134: {  	[sflag:s31] =	ssyncset.done $0x0  }
0x135: {  	[sflag:s31] =	ssyncadd.s32 $0xFFFFF600  }
0x136: {  	_ =	swait.ge [sflag:s28], $0xA00  }
0x137: {  	[sflag:s28] =	ssyncset.done $0x0  }
0x138: {  	s17 =	simm.s32 $0x4C90;
	[sflag:s28] =	ssyncadd.s32 $0xFFFFF600  }
0x139: {  	[spmem:s2] =	stream.indirect.scatter.add.f32 [tilespmem:s13], [sflag:$0x3], $0x20, s17, s12, $0xb8;
	[tilespmem:$0x15220] =	vst v63  }
0x13a: {  	_ =	swait.ge [sflag:s28], $0xA00  }
0x13b: {  	[sflag:s28] =	ssyncset.done $0x0  }
0x13c: {  	s1 =	simm.s32 $0x4CE0;
	[sflag:s28] =	ssyncadd.s32 $0xFFFFF600  }
0x13d: {  	[spmem:s2] =	stream.indirect.scatter.add.f32 [tilespmem:s14], [sflag:$0x3], $0x20, s1, s12, $0xb8;
	[tilespmem:$0x15220] =	vst v63  }
0x13e: {  	_ =	swait.ge [sflag:s28], $0xA00  }
0x13f: {  	[sflag:s28] =	ssyncset.done $0x0  }
0x140: {  	s11 =	simm.s32 $0x4D30;
	[sflag:s28] =	ssyncadd.s32 $0xFFFFF600  }
0x141: {  	[spmem:s2] =	stream.indirect.scatter.add.f32 [tilespmem:s16], [sflag:$0x3], $0x20, s11, s12, $0xb8;
	[tilespmem:$0x15220] =	vst v63  }
0x142: {  	_ =	swait.ge [sflag:s28], $0xA00  }
0x143: {  	[sflag:s28] =	ssyncset.done $0x0  }
0x144: {  	s15 =	simm.s32 $0x4D80;
	[sflag:s28] =	ssyncadd.s32 $0xFFFFF600  }
0x145: {  	[spmem:s2] =	stream.indirect.scatter.add.f32 [tilespmem:s18], [sflag:$0x3], $0x20, s15, s12, $0xb8;
	[tilespmem:$0x15220] =	vst v63  }
0x146: {  	_ =	swait.ge [sflag:s28], $0xA00  }
0x147: {  	[sflag:s28] =	ssyncset.done $0x0  }
0x148: {  	s17 =	simm.s32 $0x4DD0;
	[sflag:s28] =	ssyncadd.s32 $0xFFFFF600  }
0x149: {  	[spmem:s2] =	stream.indirect.scatter.add.f32 [tilespmem:s20], [sflag:$0x3], $0x20, s17, s12, $0xb8;
	[tilespmem:$0x15220] =	vst v63  }
0x14a: {  	_ =	swait.ge [sflag:s29], $0xA00  }
0x14b: {  	[sflag:s29] =	ssyncset.done $0x0  }
0x14c: {  	[sflag:s29] =	ssyncadd.s32 $0xFFFFF600  }
0x14d: {  	_ =	swait.ge [sflag:s29], $0xA00  }
0x14e: {  	[sflag:s29] =	ssyncset.done $0x0  }
0x14f: {  	[sflag:s29] =	ssyncadd.s32 $0xFFFFF600  }
0x150: {  	_ =	swait.ge [sflag:s29], $0xA00  }
0x151: {  	[sflag:s29] =	ssyncset.done $0x0  }
0x152: {  	[sflag:s29] =	ssyncadd.s32 $0xFFFFF600  }
0x153: {  	_ =	swait.ge [sflag:s29], $0xA00  }
0x154: {  	[sflag:s29] =	ssyncset.done $0x0  }
0x155: {  	[sflag:s29] =	ssyncadd.s32 $0xFFFFF600  }
0x156: {  	_ =	swait.ge [sflag:s29], $0xA00  }
0x157: {  	[sflag:s29] =	ssyncset.done $0x0  }
0x158: {  	[sflag:s29] =	ssyncadd.s32 $0xFFFFF600  }
0x159: {  	[bflag:$0x0] =	sbarrier.arrive $0xFFFF  }
0x15a: {  	[tilespmem:s21], [sflag:$0x5] =	stream.linear.gather [spmem:s7], $0x5000, $0x38;
	[tilespmem:$0x15220] =	vst v63  }
0x15b: {  	s19 =	sadd.s32 $0x1, s19;
	_ =	swait.ge [sflag:s10], $0x5000  }
0x15c: {  	p0 =	sne.s32 s19, s9;
	[sflag:s10] =	ssyncset.done $0x0  }
.Ltmp2:
0x15d: {  	[sflag:s10] =	ssyncadd.s32 $0xFFFFB000;
	(pc) =	sbr.rel @p0 .LBB2_1-.Ltmp2, $4  }
0x15e: {  	[hbm4b:s8+s3] =	stream.linear.scatter [tilespmem:s21], [sflag:$0x5], $0x5000, $0x38;
	[tilespmem:$0x15220] =	vst v63  }
0x15f: {  	_ =	swait.ge [sflag:s10], $0x5000  }
0x160: {  	[sflag:s10] =	ssyncset.done $0x0  }
0x161: {  	[sflag:s10] =	ssyncadd.s32 $0xFFFFB000  }
0x162: {  	_ =	sfence.sel $0x180000  }
0x163: {  	[bflag:$0x0] =	sbarrier.arrive $0xFFFF  }
0x164: {  	_ =	strace $0x90000047  }
0x165: {  	s0 =	stileid.u32;
	[bflag:$0x2] =	sbarrier.arrive $0xFFFF  }
0x166: {  	p0 =	sne.s32 s0, $0x0;
	s0 =	rddreg [dreg:$0x2]  }
0x167: {  	s0 =	sadd.s32 @!p0 $0x100000, s0  }
0x168: {  	[sflag:s0] =	ssyncadd.tile.s32 @!p0 $0x1;
	_ =	shalt  }
.Lfunc_end2:
_tile_overlayer_lowered:
.L_overlay_start_2:
0x169: {  	(tag) =	ssettag $0x2  }
0x16a: {  	s0 =	rddreg [dreg:$0x0];
	s2 =	stileid.u32  }
0x16b: {  	s1 =	rddreg [dreg:$0x1];
	p0 =	sne.s32 s2, $0x0  }
0x16c: {  	s3 =	rddreg [dreg:$0x2];
	[bflag:$0x3] =	sbarrier.arrive $0xFFFF;
	s2 =	simm.s32 @!p0 $0x1C05  }
0x16d: {  	[timem:s3], [sflag:s2] =	dma.local @!p0 [hbm:s0], s1  }
0x16e: {  	s0 =	simm.s32 @!p0 $0x5  }
0x16f: {  	_ =	swait.ge @!p0 [sflag:s0], s1  }
0x170: {  	s1 =	ssub.s32 @!p0 $0x0, s1;
	[sflag:s0] =	ssyncset.done @!p0 $0x0  }
0x171: {  	[sflag:s0] =	ssyncadd.s32 @!p0 s1  }
0x172: {  	[bflag:$0x3] =	sbarrier.arrive $0xFFFF  }
0x173: {  	_ =	shalt  }

</sc_bundles>
